<compile_context>
chip_gen: v7x
topology: tpu7x:2x2x1
jax: 0.10.2.dev20260603
libtpu: 0.0.44.dev20260713+nightly
codegen_flags: <defaults>
</compile_context>

<pallas_src>
import functools
import math

import jax
import jax.numpy as jnp
import numpy as np
from jax import lax
from jax.experimental import pallas as pl
from jax.experimental.pallas import tpu as pltpu
from jax.experimental.pallas import tpu_sc as plsc

N_NODES = 10000
D = 128
H = 8
HD = 16
E_TOTAL = 320000

NC = 2
NS = 16
L = 16
NW = NC * NS
EPW = E_TOTAL // NW
B = 80
NCHUNK = EPW // B
GROUPS = B // L
RPT = N_NODES // NS
ZROWS = 125
ACC_W = 144


def _qkv_body(h_ref, w_ref, q_ref, k_ref, v_ref):
    y = jnp.dot(h_ref[...], w_ref[...], preferred_element_type=jnp.float32)
    q_ref[...] = y[:, :D] * 0.25
    k_ref[...] = y[:, D:2 * D]
    v_ref[...] = y[:, 2 * D:]


_qkv_call = pl.pallas_call(
    _qkv_body,
    grid=(5,),
    in_specs=[
        pl.BlockSpec((2000, 128), lambda i: (i, 0)),
        pl.BlockSpec((128, 384), lambda i: (0, 0)),
    ],
    out_specs=[
        pl.BlockSpec((2000, 128), lambda i: (i, 0)),
        pl.BlockSpec((2000, 128), lambda i: (i, 0)),
        pl.BlockSpec((2000, 128), lambda i: (i, 0)),
    ],
    out_shape=[jax.ShapeDtypeStruct((N_NODES, D), jnp.float32)] * 3,
)


def _emlp_body(f_ref, w1_ref, b1_ref, w2_ref, b2_ref, o_ref):
    x = f_ref[...].astype(jnp.bfloat16)
    w1 = w1_ref[...].astype(jnp.bfloat16)
    hid = jnp.maximum(
        jnp.dot(x, w1, preferred_element_type=jnp.float32) + b1_ref[...],
        0.0)
    o_ref[...] = jnp.dot(hid.astype(jnp.bfloat16), w2_ref[...].astype(jnp.bfloat16),
                         preferred_element_type=jnp.float32) + b2_ref[...]


_emlp_call = pl.pallas_call(
    _emlp_body,
    grid=(10,),
    in_specs=[
        pl.BlockSpec((4000, 128), lambda i: (i, 0)),
        pl.BlockSpec((128, 1024), lambda i: (0, 0)),
        pl.BlockSpec((1, 1024), lambda i: (0, 0)),
        pl.BlockSpec((1024, 64), lambda i: (0, 0)),
        pl.BlockSpec((1, 64), lambda i: (0, 0)),
    ],
    out_specs=pl.BlockSpec((4000, 64), lambda i: (i, 0)),
    out_shape=jax.ShapeDtypeStruct((E_TOTAL // 8, H * 8), jnp.float32),
)


def _sc_body(q_hbm, k_hbm, v_hbm, src_hbm, dst_hbm, es_hbm,
             out_acc, out_den,
             bufq, bufk, bufv, exb, esb, srcv, dstv, acc_sh, den_sh,
             sem_qk, sem_v, sem_idx, sem_sc):
    c = lax.axis_index("c")
    s = lax.axis_index("s")
    wid = s * NC + c

    zeros = jnp.zeros((L,), jnp.float32)

    def zrow(i, carry):
        for j in range(D // L):
            bufv[i, pl.ds(j * L, L)] = zeros
        return carry

    lax.fori_loop(0, B, zrow, 0)

    for t in range(B * H // L):
        q16 = lax.iota(jnp.int32, L) + t * L
        plsc.store_scatter(exb, [jnp.full((L,), 0, jnp.int32), q16 // H, q16 % H],
                           zeros)

    for t in range(RPT // B):
        pltpu.sync_copy(bufv, acc_sh.at[pl.ds(s * RPT + t * B, B)])
        pltpu.sync_copy(exb.at[0], den_sh.at[pl.ds(s * RPT + t * B, B)])
    rem = RPT - (RPT // B) * B
    if rem:
        r0 = s * RPT + (RPT // B) * B
        pltpu.sync_copy(bufv.at[pl.ds(0, rem)], acc_sh.at[pl.ds(r0, rem)])
        pltpu.sync_copy(exb.at[0, pl.ds(0, rem)], den_sh.at[pl.ds(r0, rem)])

    base0 = wid * EPW
    pltpu.sync_copy(src_hbm.at[pl.ds(base0, B)], srcv.at[0])
    pltpu.sync_copy(dst_hbm.at[pl.ds(base0, B)], dstv.at[0])
    pltpu.sync_copy(es_hbm.at[pl.ds(base0, B)], esb.at[0])
    pltpu.async_copy(q_hbm.at[dstv.at[0]], bufq, sem_qk)
    pltpu.async_copy(k_hbm.at[srcv.at[0]], bufk, sem_qk)
    plsc.subcore_barrier()

    def chunk(i, carry):
        p = lax.bitwise_and(i, 1)
        pn = lax.bitwise_xor(p, 1)
        pv = jnp.broadcast_to(p, (L,))

        pltpu.make_async_copy(q_hbm.at[dstv.at[p]], bufq, sem_qk).wait()
        pltpu.make_async_copy(k_hbm.at[srcv.at[p]], bufk, sem_qk).wait()

        @pl.when(i > 0)
        def _wait_prev_scatter():
            pltpu.make_async_copy(bufv, acc_sh.at[dstv.at[pn]], sem_sc).wait()
            pltpu.make_async_copy(exb.at[pn], den_sh.at[dstv.at[pn]], sem_sc).wait()

        cv = pltpu.async_copy(v_hbm.at[srcv.at[p]], bufv, sem_v)

        @plsc.parallel_loop(0, B // 2, unroll=2)
        def pair_score(t):
            e0 = t * 2
            q16 = lax.iota(jnp.int32, L) + t * L
            ei = q16 // H
            hi = q16 % H
            ss = []
            for j in range(2):
                for h in range(H):
                    qrow = bufq[e0 + j, pl.ds(h * HD, HD)]
                    krow = bufk[e0 + j, pl.ds(h * HD, HD)]
                    ss.append(jnp.sum(qrow * krow))
            lane = lax.iota(jnp.int32, L)
            sv = jnp.zeros((L,), jnp.float32)
            for n in range(L):
                sv = jnp.where(lane == n, ss[n], sv)
            es16 = plsc.load_gather(esb, [pv, ei, hi])
            plsc.store_scatter(exb, [pv, ei, hi], jnp.exp(sv + es16))

        basen = wid * EPW + jnp.minimum((i + 1) * B, EPW - B)
        ci1 = pltpu.async_copy(src_hbm.at[pl.ds(basen, B)], srcv.at[pn], sem_idx)
        ci2 = pltpu.async_copy(dst_hbm.at[pl.ds(basen, B)], dstv.at[pn], sem_idx)
        ci3 = pltpu.async_copy(es_hbm.at[pl.ds(basen, B)], esb.at[pn], sem_idx)

        cv.wait()
        ci1.wait()
        ci2.wait()
        ci3.wait()
        pltpu.async_copy(q_hbm.at[dstv.at[pn]], bufq, sem_qk)
        pltpu.async_copy(k_hbm.at[srcv.at[pn]], bufk, sem_qk)

        @plsc.parallel_loop(0, B // 2, unroll=2)
        def pair_v(t):
            e0 = t * 2
            q16 = lax.iota(jnp.int32, L) + t * L
            ei = q16 // H
            hi = q16 % H
            ex16 = plsc.load_gather(exb, [pv, ei, hi])
            vs = []
            for j in range(2):
                for h in range(H):
                    vs.append(bufv[e0 + j, pl.ds(h * HD, HD)] * ex16[j * H + h])
            for j in range(2):
                for h in range(H):
                    bufv[e0 + j, pl.ds(h * HD, HD)] = vs[j * H + h]

        pltpu.async_copy(bufv, acc_sh.at[dstv.at[p]], sem_sc, add=True)
        pltpu.async_copy(exb.at[p], den_sh.at[dstv.at[p]], sem_sc, add=True)
        return carry

    lax.fori_loop(0, NCHUNK, chunk, 0)

    pf = (NCHUNK - 1) & 1
    pltpu.make_async_copy(q_hbm.at[dstv.at[0]], bufq, sem_qk).wait()
    pltpu.make_async_copy(k_hbm.at[srcv.at[0]], bufk, sem_qk).wait()
    pltpu.make_async_copy(bufv, acc_sh.at[dstv.at[pf]], sem_sc).wait()
    pltpu.make_async_copy(exb.at[pf], den_sh.at[dstv.at[pf]], sem_sc).wait()
    plsc.subcore_barrier()

    pltpu.sync_copy(acc_sh.at[pl.ds(s * RPT, RPT)],
                    out_acc.at[c, pl.ds(s * RPT, RPT)])
    pltpu.sync_copy(den_sh.at[pl.ds(s * RPT, RPT)],
                    out_den.at[c, pl.ds(s * RPT, RPT)])


@functools.lru_cache(maxsize=1)
def _make_sc_call():
    return functools.partial(
        pl.kernel,
        mesh=plsc.VectorSubcoreMesh(core_axis_name="c", subcore_axis_name="s"),
        compiler_params=pltpu.CompilerParams(use_tc_tiling_on_sc=False,
                                             needs_layout_passes=False),
        out_type=[jax.ShapeDtypeStruct((NC, N_NODES, D), jnp.float32),
                  jax.ShapeDtypeStruct((NC, N_NODES, H), jnp.float32)],
        scratch_types=[
            pltpu.VMEM((B, D), jnp.float32),
            pltpu.VMEM((B, D), jnp.float32),
            pltpu.VMEM((B, D), jnp.float32),
            pltpu.VMEM((2, B, H), jnp.float32),
            pltpu.VMEM((2, B, H), jnp.float32),
            pltpu.VMEM((2, B), jnp.int32),
            pltpu.VMEM((2, B), jnp.int32),
            pltpu.VMEM_SHARED((N_NODES, D), jnp.float32),
            pltpu.VMEM_SHARED((N_NODES, H), jnp.float32),
            pltpu.SemaphoreType.DMA,
            pltpu.SemaphoreType.DMA,
            pltpu.SemaphoreType.DMA,
            pltpu.SemaphoreType.DMA,
        ],
    )(_sc_body)


def _finish_body(a_ref, d_ref, emat_ref, wo_ref, bo_ref, o_ref):
    a = a_ref[0] + a_ref[1]
    den = d_ref[0] + d_ref[1]
    recip = 1.0 / (den + 1e-16)
    scale = jnp.dot(recip, emat_ref[...], preferred_element_type=jnp.float32)
    y = a * scale
    o_ref[...] = jnp.dot(y, wo_ref[...], preferred_element_type=jnp.float32) + bo_ref[...]


_finish_call = pl.pallas_call(
    _finish_body,
    grid=(10,),
    in_specs=[
        pl.BlockSpec((2, 1000, 128), lambda i: (0, i, 0)),
        pl.BlockSpec((2, 1000, 8), lambda i: (0, i, 0)),
        pl.BlockSpec((8, 128), lambda i: (0, 0)),
        pl.BlockSpec((128, 128), lambda i: (0, 0)),
        pl.BlockSpec((1, 128), lambda i: (0, 0)),
    ],
    out_specs=pl.BlockSpec((1000, 128), lambda i: (i, 0)),
    out_shape=jax.ShapeDtypeStruct((N_NODES, D), jnp.float32),
)

_EMAT = np.kron(np.eye(8, dtype=np.float32), np.ones((1, 16), dtype=np.float32))


def kernel(h, edge_index, edge_feat, W_q, W_k, W_v, W_e1, b_e1, W_e2, b_e2, W_o, b_o):
    src = edge_index[0].astype(jnp.int32)
    dst = edge_index[1].astype(jnp.int32)
    q, k, v = _qkv_call(h, jnp.concatenate([W_q, W_k, W_v], axis=1))
    eye8 = jnp.eye(8, dtype=jnp.float32)
    es = _emlp_call(edge_feat.reshape(E_TOTAL // 8, 128),
                    jnp.kron(eye8, W_e1), jnp.tile(b_e1, 8).reshape(1, -1),
                    jnp.kron(eye8, W_e2), jnp.tile(b_e2, 8).reshape(1, -1))
    es = es.reshape(E_TOTAL, H)
    acc, den = _make_sc_call()(q, k, v, src, dst, es)
    return _finish_call(acc, den, _EMAT, W_o, b_o.reshape(1, -1))

# --- scband reference (transcript-rebuilt; emitter-appended) ---
"""Pipeline reference for scband-graph-constrained-attention-layer-58188216926417 (READ-ONLY COPY).

The authoritative reference and input builder live on the scoring server;
editing this copy changes nothing except your own understanding.
"""

import jax, jax.numpy as jnp
import numpy as np
import math

N_NODES = 10000
N_EDGES = 320000
D_NODE = 128
D_EDGE = 16
N_HEADS = 8
HEAD_DIM = D_NODE // N_HEADS


def setup_inputs(seed: int = 0) -> dict:
    key = jax.random.key(seed)
    ks = jax.random.split(key, 12)
    h = jax.random.normal(ks[0], (N_NODES, D_NODE), dtype=jnp.float32)
    edge_index = jax.random.randint(ks[1], (2, N_EDGES), 0, N_NODES, dtype=jnp.int64)
    edge_feat = jax.random.normal(ks[2], (N_EDGES, D_EDGE), dtype=jnp.float32)
    s_node = 1.0 / math.sqrt(D_NODE)
    s_edge = 1.0 / math.sqrt(D_EDGE)
    W_q = jax.random.normal(ks[3], (D_NODE, D_NODE), dtype=jnp.float32) * s_node
    W_k = jax.random.normal(ks[4], (D_NODE, D_NODE), dtype=jnp.float32) * s_node
    W_v = jax.random.normal(ks[5], (D_NODE, D_NODE), dtype=jnp.float32) * s_node
    W_e1 = jax.random.normal(ks[6], (D_EDGE, D_NODE), dtype=jnp.float32) * s_edge
    b_e1 = jnp.zeros((D_NODE,), dtype=jnp.float32)
    W_e2 = jax.random.normal(ks[7], (D_NODE, N_HEADS), dtype=jnp.float32) * s_node
    b_e2 = jnp.zeros((N_HEADS,), dtype=jnp.float32)
    W_o = jax.random.normal(ks[8], (D_NODE, D_NODE), dtype=jnp.float32) * s_node
    b_o = jnp.zeros((D_NODE,), dtype=jnp.float32)
    return {
        "h": h, "edge_index": edge_index, "edge_feat": edge_feat,
        "W_q": W_q, "W_k": W_k, "W_v": W_v,
        "W_e1": W_e1, "b_e1": b_e1, "W_e2": W_e2, "b_e2": b_e2,
        "W_o": W_o, "b_o": b_o,
    }


def reference(h, edge_index, edge_feat, W_q, W_k, W_v, W_e1, b_e1, W_e2, b_e2, W_o, b_o):
    N = h.shape[0]
    Q = (h @ W_q).reshape(N, N_HEADS, HEAD_DIM)
    K = (h @ W_k).reshape(N, N_HEADS, HEAD_DIM)
    V = (h @ W_v).reshape(N, N_HEADS, HEAD_DIM)
    src = edge_index[0]
    dst = edge_index[1]
    # message_func: per-edge score = <Q[dst], K[src]> / sqrt(head_dim) + edge_mlp(feat)
    score = (Q[dst] * K[src]).sum(-1) / math.sqrt(HEAD_DIM)  # [E, H]
    e = jax.nn.relu(edge_feat @ W_e1 + b_e1) @ W_e2 + b_e2    # [E, H]
    score = score + e
    # reduce_func: softmax over incoming edges per destination node, per head
    smax = jax.ops.segment_max(score, dst, num_segments=N)    # [N, H]
    ex = jnp.exp(score - smax[dst])                           # [E, H]
    denom = jax.ops.segment_sum(ex, dst, num_segments=N)      # [N, H]
    alpha = ex / (denom[dst] + 1e-16)                         # [E, H]
    msg = alpha[..., None] * V[src]                           # [E, H, hd]
    out = jax.ops.segment_sum(msg, dst, num_segments=N)       # [N, H, hd]
    out = out.reshape(N, D_NODE)
    return out @ W_o + b_o

if __name__ == "__main__":
    import jax
    _d = setup_inputs()
    print(jax.jit(kernel)(*tuple(_d.values())))

</pallas_src>

<mosaic_0001>
#map = affine_map<(d0, d1) -> (0, 0)>
#map1 = affine_map<(d0, d1) -> (0)>
#map2 = affine_map<(d0, d1) -> (0, 0, 0)>
module attributes {stable_mosaic.version = 14 : i64} {
  func.func @_sc_body(%arg0: i32, %arg1: i32, %arg2: memref<10000x128xf32, #tpu.memory_space<hbm>>, %arg3: memref<10000x128xf32, #tpu.memory_space<hbm>>, %arg4: memref<10000x128xf32, #tpu.memory_space<hbm>>, %arg5: memref<320000xi32, #tpu.memory_space<hbm>>, %arg6: memref<320000xi32, #tpu.memory_space<hbm>>, %arg7: memref<320000x8xf32, #tpu.memory_space<hbm>>, %arg8: memref<2x10000x128xf32, #tpu.memory_space<hbm>>, %arg9: memref<2x10000x8xf32, #tpu.memory_space<hbm>>, %arg10: memref<80x128xf32, #tpu.memory_space<vmem>>, %arg11: memref<80x128xf32, #tpu.memory_space<vmem>>, %arg12: memref<80x128xf32, #tpu.memory_space<vmem>>, %arg13: memref<2x80x8xf32, #tpu.memory_space<vmem>>, %arg14: memref<2x80x8xf32, #tpu.memory_space<vmem>>, %arg15: memref<2x80xi32, #tpu.memory_space<vmem>>, %arg16: memref<2x80xi32, #tpu.memory_space<vmem>>, %arg17: memref<10000x128xf32, #tpu.memory_space<vmem_shared>>, %arg18: memref<10000x8xf32, #tpu.memory_space<vmem_shared>>, %arg19: memref<!tpu.dma_semaphore, #tpu.memory_space<semaphore_mem>>, %arg20: memref<!tpu.dma_semaphore, #tpu.memory_space<semaphore_mem>>, %arg21: memref<!tpu.dma_semaphore, #tpu.memory_space<semaphore_mem>>, %arg22: memref<!tpu.dma_semaphore, #tpu.memory_space<semaphore_mem>>) attributes {dimension_semantics = [#tpu.dimension_semantics<core_parallel>, #tpu.dimension_semantics<subcore_parallel>], iteration_bounds = array<i64: 2, 16>, scalar_prefetch = 0 : i64, scratch_operands = 13 : i64, tpu.core_type = #tpu.core_type<sc_vector_subcore>, window_params = [{transform_indices = #map}, {transform_indices = #map}, {transform_indices = #map}, {transform_indices = #map1}, {transform_indices = #map1}, {transform_indices = #map}, {transform_indices = #map2}, {transform_indices = #map2}]} {
    %mul3A = arith.constant 2 : i32
    %mul3A_0 = arith.muli %arg1, %mul3A : i32
    %add3A = arith.addi %mul3A_0, %arg0 : i32
    %broadcast_in_dim3A = arith.constant 0.000000e+00 : f32
    %broadcast_in_dim3A_1 = vector.broadcast %broadcast_in_dim3A : f32 to vector<16xf32>
    %scan3A = arith.constant 0 : i32
    %scan3A_2 = arith.constant 0 : i32
    %scan3A_3 = arith.constant 80 : i32
    %scan3A_4 = arith.addi %scan3A_2, %scan3A_3 : i32
    %scan3A_5 = arith.constant 1 : i32
    scf.for %scan3A_2488 = %scan3A_2 to %scan3A_4 step %scan3A_5  : i32 {
      %swap3A = arith.index_cast %scan3A_2488 : i32 to index
      %swap3A_2489 = arith.constant 0 : index
      %swap3A_2490 = tpu.vector_load %arg12[%swap3A, %swap3A_2489] {strides = array<i32>} : memref<80x128xf32, #tpu.memory_space<vmem>>, vector<16xf32>,
      tpu.vector_store %arg12[%swap3A, %swap3A_2489], %broadcast_in_dim3A_1 {strides = array<i32>} : memref<80x128xf32, #tpu.memory_space<vmem>>, vector<16xf32>,
      %swap3A_2491 = arith.index_cast %scan3A_2488 : i32 to index
      %swap3A_2492 = arith.constant 16 : index
      %swap3A_2493 = tpu.vector_load %arg12[%swap3A_2491, %swap3A_2492] {strides = array<i32>} : memref<80x128xf32, #tpu.memory_space<vmem>>, vector<16xf32>,
      tpu.vector_store %arg12[%swap3A_2491, %swap3A_2492], %broadcast_in_dim3A_1 {strides = array<i32>} : memref<80x128xf32, #tpu.memory_space<vmem>>, vector<16xf32>,
      %swap3A_2494 = arith.index_cast %scan3A_2488 : i32 to index
      %swap3A_2495 = arith.constant 32 : index
      %swap3A_2496 = tpu.vector_load %arg12[%swap3A_2494, %swap3A_2495] {strides = array<i32>} : memref<80x128xf32, #tpu.memory_space<vmem>>, vector<16xf32>,
      tpu.vector_store %arg12[%swap3A_2494, %swap3A_2495], %broadcast_in_dim3A_1 {strides = array<i32>} : memref<80x128xf32, #tpu.memory_space<vmem>>, vector<16xf32>,
      %swap3A_2497 = arith.index_cast %scan3A_2488 : i32 to index
      %swap3A_2498 = arith.constant 48 : index
      %swap3A_2499 = tpu.vector_load %arg12[%swap3A_2497, %swap3A_2498] {strides = array<i32>} : memref<80x128xf32, #tpu.memory_space<vmem>>, vector<16xf32>,
      tpu.vector_store %arg12[%swap3A_2497, %swap3A_2498], %broadcast_in_dim3A_1 {strides = array<i32>} : memref<80x128xf32, #tpu.memory_space<vmem>>, vector<16xf32>,
      %swap3A_2500 = arith.index_cast %scan3A_2488 : i32 to index
      %swap3A_2501 = arith.constant 64 : index
      %swap3A_2502 = tpu.vector_load %arg12[%swap3A_2500, %swap3A_2501] {strides = array<i32>} : memref<80x128xf32, #tpu.memory_space<vmem>>, vector<16xf32>,
      tpu.vector_store %arg12[%swap3A_2500, %swap3A_2501], %broadcast_in_dim3A_1 {strides = array<i32>} : memref<80x128xf32, #tpu.memory_space<vmem>>, vector<16xf32>,
      %swap3A_2503 = arith.index_cast %scan3A_2488 : i32 to index
      %swap3A_2504 = arith.constant 80 : index
      %swap3A_2505 = tpu.vector_load %arg12[%swap3A_2503, %swap3A_2504] {strides = array<i32>} : memref<80x128xf32, #tpu.memory_space<vmem>>, vector<16xf32>,
      tpu.vector_store %arg12[%swap3A_2503, %swap3A_2504], %broadcast_in_dim3A_1 {strides = array<i32>} : memref<80x128xf32, #tpu.memory_space<vmem>>, vector<16xf32>,
      %swap3A_2506 = arith.index_cast %scan3A_2488 : i32 to index
      %swap3A_2507 = arith.constant 96 : index
      %swap3A_2508 = tpu.vector_load %arg12[%swap3A_2506, %swap3A_2507] {strides = array<i32>} : memref<80x128xf32, #tpu.memory_space<vmem>>, vector<16xf32>,
      tpu.vector_store %arg12[%swap3A_2506, %swap3A_2507], %broadcast_in_dim3A_1 {strides = array<i32>} : memref<80x128xf32, #tpu.memory_space<vmem>>, vector<16xf32>,
      %swap3A_2509 = arith.index_cast %scan3A_2488 : i32 to index
      %swap3A_2510 = arith.constant 112 : index
      %swap3A_2511 = tpu.vector_load %arg12[%swap3A_2509, %swap3A_2510] {strides = array<i32>} : memref<80x128xf32, #tpu.memory_space<vmem>>, vector<16xf32>,
      tpu.vector_store %arg12[%swap3A_2509, %swap3A_2510], %broadcast_in_dim3A_1 {strides = array<i32>} : memref<80x128xf32, #tpu.memory_space<vmem>>, vector<16xf32>,
    }
    %scan3A_6 = arith.constant 80 : i32
    %iota3A = tpu.iota {dimensions = array<i32: 0>} : vector<16xi32>
    %add3A_7 = arith.constant 0 : i32
    %add3A_8 = vector.broadcast %add3A_7 : i32 to vector<16xi32>
    %add3A_9 = arith.addi %iota3A, %add3A_8 : vector<16xi32>
    %broadcast_in_dim3A_10 = arith.constant 0 : i32
    %broadcast_in_dim3A_11 = vector.broadcast %broadcast_in_dim3A_10 : i32 to vector<16xi32>
    %jit3A = arith.constant 8 : i32
    %div3A = vector.broadcast %jit3A : i32 to vector<16xi32>
    %div3A_12 = arith.divsi %add3A_9, %div3A : vector<16xi32>
    %sign3A = arith.constant 0 : i32
    %sign3A_13 = vector.broadcast %sign3A : i32 to vector<16xi32>
    %sign3A_14 = arith.cmpi sgt, %add3A_9, %sign3A_13 : vector<16xi32>
    %sign3A_15 = arith.extui %sign3A_14 : vector<16xi1> to vector<16xi32>
    %sign3A_16 = arith.constant 0 : i32
    %sign3A_17 = vector.broadcast %sign3A_16 : i32 to vector<16xi32>
    %sign3A_18 = arith.cmpi slt, %add3A_9, %sign3A_17 : vector<16xi32>
    %sign3A_19 = arith.extui %sign3A_18 : vector<16xi1> to vector<16xi32>
    %sign3A_20 = arith.subi %sign3A_15, %sign3A_19 : vector<16xi32>
    %sign3A_21 = arith.constant 0 : i32
    %sign3A_22 = arith.cmpi sgt, %jit3A, %sign3A_21 : i32
    %sign3A_23 = arith.extui %sign3A_22 : i1 to i32
    %sign3A_24 = arith.constant 0 : i32
    %sign3A_25 = arith.cmpi slt, %jit3A, %sign3A_24 : i32
    %sign3A_26 = arith.extui %sign3A_25 : i1 to i32
    %sign3A_27 = arith.subi %sign3A_23, %sign3A_26 : i32
    %ne3A = vector.broadcast %sign3A_27 : i32 to vector<16xi32>
    %ne3A_28 = arith.cmpi ne, %sign3A_20, %ne3A : vector<16xi32>
    %rem3A = vector.broadcast %jit3A : i32 to vector<16xi32>
    %rem3A_29 = arith.remsi %add3A_9, %rem3A : vector<16xi32>
    %ne3A_30 = arith.constant 0 : i32
    %ne3A_31 = vector.broadcast %ne3A_30 : i32 to vector<16xi32>
    %ne3A_32 = arith.cmpi ne, %rem3A_29, %ne3A_31 : vector<16xi32>
    %and3A = arith.andi %ne3A_28, %ne3A_32 : vector<16xi1>
    %sub3A = arith.constant 1 : i32
    %sub3A_33 = vector.broadcast %sub3A : i32 to vector<16xi32>
    %sub3A_34 = arith.subi %div3A_12, %sub3A_33 : vector<16xi32>
    %select_n3A = arith.select %and3A, %sub3A_34, %div3A_12 : vector<16xi1>, vector<16xi32>
    %jit3A_35 = arith.constant 8 : i32
    %eq3A = arith.constant 0 : i32
    %eq3A_36 = arith.cmpi eq, %jit3A_35, %eq3A : i32
    %jit3A_37 = arith.constant 1 : i32
    %select_n3A_38 = arith.select %eq3A_36, %jit3A_37, %jit3A_35 : i32
    %rem3A_39 = vector.broadcast %select_n3A_38 : i32 to vector<16xi32>
    %rem3A_40 = arith.remsi %add3A_9, %rem3A_39 : vector<16xi32>
    %ne3A_41 = arith.constant 0 : i32
    %ne3A_42 = vector.broadcast %ne3A_41 : i32 to vector<16xi32>
    %ne3A_43 = arith.cmpi ne, %rem3A_40, %ne3A_42 : vector<16xi32>
    %lt3A = arith.constant 0 : i32
    %lt3A_44 = vector.broadcast %lt3A : i32 to vector<16xi32>
    %lt3A_45 = arith.cmpi slt, %rem3A_40, %lt3A_44 : vector<16xi32>
    %lt3A_46 = arith.constant 0 : i32
    %lt3A_47 = arith.cmpi slt, %select_n3A_38, %lt3A_46 : i32
    %ne3A_48 = vector.broadcast %lt3A_47 : i1 to vector<16xi1>
    %ne3A_49 = vector.broadcast %ne3A_48 : vector<16xi1> to vector<16xi1>
    %ne3A_50 = arith.xori %lt3A_45, %ne3A_49 : vector<16xi1>
    %and3A_51 = arith.andi %ne3A_50, %ne3A_43 : vector<16xi1>
    %add3A_52 = vector.broadcast %select_n3A_38 : i32 to vector<16xi32>
    %add3A_53 = arith.addi %rem3A_40, %add3A_52 : vector<16xi32>
    %select_n3A_54 = arith.select %and3A_51, %add3A_53, %rem3A_40 : vector<16xi1>, vector<16xi32>
    tpu.vector_store_idx %arg13[%broadcast_in_dim3A_11, %select_n3A, %select_n3A_54], %broadcast_in_dim3A_1 : memref<2x80x8xf32, #tpu.memory_space<vmem>>[vector<16xi32>, vector<16xi32>, vector<16xi32>], vector<16xf32>,
    %iota3A_55 = tpu.iota {dimensions = array<i32: 0>} : vector<16xi32>
    %add3A_56 = arith.constant 16 : i32
    %add3A_57 = vector.broadcast %add3A_56 : i32 to vector<16xi32>
    %add3A_58 = arith.addi %iota3A_55, %add3A_57 : vector<16xi32>
    %broadcast_in_dim3A_59 = arith.constant 0 : i32
    %broadcast_in_dim3A_60 = vector.broadcast %broadcast_in_dim3A_59 : i32 to vector<16xi32>
    %jit3A_61 = arith.constant 8 : i32
    %div3A_62 = vector.broadcast %jit3A_61 : i32 to vector<16xi32>
    %div3A_63 = arith.divsi %add3A_58, %div3A_62 : vector<16xi32>
    %sign3A_64 = arith.constant 0 : i32
    %sign3A_65 = vector.broadcast %sign3A_64 : i32 to vector<16xi32>
    %sign3A_66 = arith.cmpi sgt, %add3A_58, %sign3A_65 : vector<16xi32>
    %sign3A_67 = arith.extui %sign3A_66 : vector<16xi1> to vector<16xi32>
    %sign3A_68 = arith.constant 0 : i32
    %sign3A_69 = vector.broadcast %sign3A_68 : i32 to vector<16xi32>
    %sign3A_70 = arith.cmpi slt, %add3A_58, %sign3A_69 : vector<16xi32>
    %sign3A_71 = arith.extui %sign3A_70 : vector<16xi1> to vector<16xi32>
    %sign3A_72 = arith.subi %sign3A_67, %sign3A_71 : vector<16xi32>
    %sign3A_73 = arith.constant 0 : i32
    %sign3A_74 = arith.cmpi sgt, %jit3A_61, %sign3A_73 : i32
    %sign3A_75 = arith.extui %sign3A_74 : i1 to i32
    %sign3A_76 = arith.constant 0 : i32
    %sign3A_77 = arith.cmpi slt, %jit3A_61, %sign3A_76 : i32
    %sign3A_78 = arith.extui %sign3A_77 : i1 to i32
    %sign3A_79 = arith.subi %sign3A_75, %sign3A_78 : i32
    %ne3A_80 = vector.broadcast %sign3A_79 : i32 to vector<16xi32>
    %ne3A_81 = arith.cmpi ne, %sign3A_72, %ne3A_80 : vector<16xi32>
    %rem3A_82 = vector.broadcast %jit3A_61 : i32 to vector<16xi32>
    %rem3A_83 = arith.remsi %add3A_58, %rem3A_82 : vector<16xi32>
    %ne3A_84 = arith.constant 0 : i32
    %ne3A_85 = vector.broadcast %ne3A_84 : i32 to vector<16xi32>
    %ne3A_86 = arith.cmpi ne, %rem3A_83, %ne3A_85 : vector<16xi32>
    %and3A_87 = arith.andi %ne3A_81, %ne3A_86 : vector<16xi1>
    %sub3A_88 = arith.constant 1 : i32
    %sub3A_89 = vector.broadcast %sub3A_88 : i32 to vector<16xi32>
    %sub3A_90 = arith.subi %div3A_63, %sub3A_89 : vector<16xi32>
    %select_n3A_91 = arith.select %and3A_87, %sub3A_90, %div3A_63 : vector<16xi1>, vector<16xi32>
    %jit3A_92 = arith.constant 8 : i32
    %eq3A_93 = arith.constant 0 : i32
    %eq3A_94 = arith.cmpi eq, %jit3A_92, %eq3A_93 : i32
    %jit3A_95 = arith.constant 1 : i32
    %select_n3A_96 = arith.select %eq3A_94, %jit3A_95, %jit3A_92 : i32
    %rem3A_97 = vector.broadcast %select_n3A_96 : i32 to vector<16xi32>
    %rem3A_98 = arith.remsi %add3A_58, %rem3A_97 : vector<16xi32>
    %ne3A_99 = arith.constant 0 : i32
    %ne3A_100 = vector.broadcast %ne3A_99 : i32 to vector<16xi32>
    %ne3A_101 = arith.cmpi ne, %rem3A_98, %ne3A_100 : vector<16xi32>
    %lt3A_102 = arith.constant 0 : i32
    %lt3A_103 = vector.broadcast %lt3A_102 : i32 to vector<16xi32>
    %lt3A_104 = arith.cmpi slt, %rem3A_98, %lt3A_103 : vector<16xi32>
    %lt3A_105 = arith.constant 0 : i32
    %lt3A_106 = arith.cmpi slt, %select_n3A_96, %lt3A_105 : i32
    %ne3A_107 = vector.broadcast %lt3A_106 : i1 to vector<16xi1>
    %ne3A_108 = vector.broadcast %ne3A_107 : vector<16xi1> to vector<16xi1>
    %ne3A_109 = arith.xori %lt3A_104, %ne3A_108 : vector<16xi1>
    %and3A_110 = arith.andi %ne3A_109, %ne3A_101 : vector<16xi1>
    %add3A_111 = vector.broadcast %select_n3A_96 : i32 to vector<16xi32>
    %add3A_112 = arith.addi %rem3A_98, %add3A_111 : vector<16xi32>
    %select_n3A_113 = arith.select %and3A_110, %add3A_112, %rem3A_98 : vector<16xi1>, vector<16xi32>
    tpu.vector_store_idx %arg13[%broadcast_in_dim3A_60, %select_n3A_91, %select_n3A_113], %broadcast_in_dim3A_1 : memref<2x80x8xf32, #tpu.memory_space<vmem>>[vector<16xi32>, vector<16xi32>, vector<16xi32>], vector<16xf32>,
    %iota3A_114 = tpu.iota {dimensions = array<i32: 0>} : vector<16xi32>
    %add3A_115 = arith.constant 32 : i32
    %add3A_116 = vector.broadcast %add3A_115 : i32 to vector<16xi32>
    %add3A_117 = arith.addi %iota3A_114, %add3A_116 : vector<16xi32>
    %broadcast_in_dim3A_118 = arith.constant 0 : i32
    %broadcast_in_dim3A_119 = vector.broadcast %broadcast_in_dim3A_118 : i32 to vector<16xi32>
    %jit3A_120 = arith.constant 8 : i32
    %div3A_121 = vector.broadcast %jit3A_120 : i32 to vector<16xi32>
    %div3A_122 = arith.divsi %add3A_117, %div3A_121 : vector<16xi32>
    %sign3A_123 = arith.constant 0 : i32
    %sign3A_124 = vector.broadcast %sign3A_123 : i32 to vector<16xi32>
    %sign3A_125 = arith.cmpi sgt, %add3A_117, %sign3A_124 : vector<16xi32>
    %sign3A_126 = arith.extui %sign3A_125 : vector<16xi1> to vector<16xi32>
    %sign3A_127 = arith.constant 0 : i32
    %sign3A_128 = vector.broadcast %sign3A_127 : i32 to vector<16xi32>
    %sign3A_129 = arith.cmpi slt, %add3A_117, %sign3A_128 : vector<16xi32>
    %sign3A_130 = arith.extui %sign3A_129 : vector<16xi1> to vector<16xi32>
    %sign3A_131 = arith.subi %sign3A_126, %sign3A_130 : vector<16xi32>
    %sign3A_132 = arith.constant 0 : i32
    %sign3A_133 = arith.cmpi sgt, %jit3A_120, %sign3A_132 : i32
    %sign3A_134 = arith.extui %sign3A_133 : i1 to i32
    %sign3A_135 = arith.constant 0 : i32
    %sign3A_136 = arith.cmpi slt, %jit3A_120, %sign3A_135 : i32
    %sign3A_137 = arith.extui %sign3A_136 : i1 to i32
    %sign3A_138 = arith.subi %sign3A_134, %sign3A_137 : i32
    %ne3A_139 = vector.broadcast %sign3A_138 : i32 to vector<16xi32>
    %ne3A_140 = arith.cmpi ne, %sign3A_131, %ne3A_139 : vector<16xi32>
    %rem3A_141 = vector.broadcast %jit3A_120 : i32 to vector<16xi32>
    %rem3A_142 = arith.remsi %add3A_117, %rem3A_141 : vector<16xi32>
    %ne3A_143 = arith.constant 0 : i32
    %ne3A_144 = vector.broadcast %ne3A_143 : i32 to vector<16xi32>
    %ne3A_145 = arith.cmpi ne, %rem3A_142, %ne3A_144 : vector<16xi32>
    %and3A_146 = arith.andi %ne3A_140, %ne3A_145 : vector<16xi1>
    %sub3A_147 = arith.constant 1 : i32
    %sub3A_148 = vector.broadcast %sub3A_147 : i32 to vector<16xi32>
    %sub3A_149 = arith.subi %div3A_122, %sub3A_148 : vector<16xi32>
    %select_n3A_150 = arith.select %and3A_146, %sub3A_149, %div3A_122 : vector<16xi1>, vector<16xi32>
    %jit3A_151 = arith.constant 8 : i32
    %eq3A_152 = arith.constant 0 : i32
    %eq3A_153 = arith.cmpi eq, %jit3A_151, %eq3A_152 : i32
    %jit3A_154 = arith.constant 1 : i32
    %select_n3A_155 = arith.select %eq3A_153, %jit3A_154, %jit3A_151 : i32
    %rem3A_156 = vector.broadcast %select_n3A_155 : i32 to vector<16xi32>
    %rem3A_157 = arith.remsi %add3A_117, %rem3A_156 : vector<16xi32>
    %ne3A_158 = arith.constant 0 : i32
    %ne3A_159 = vector.broadcast %ne3A_158 : i32 to vector<16xi32>
    %ne3A_160 = arith.cmpi ne, %rem3A_157, %ne3A_159 : vector<16xi32>
    %lt3A_161 = arith.constant 0 : i32
    %lt3A_162 = vector.broadcast %lt3A_161 : i32 to vector<16xi32>
    %lt3A_163 = arith.cmpi slt, %rem3A_157, %lt3A_162 : vector<16xi32>
    %lt3A_164 = arith.constant 0 : i32
    %lt3A_165 = arith.cmpi slt, %select_n3A_155, %lt3A_164 : i32
    %ne3A_166 = vector.broadcast %lt3A_165 : i1 to vector<16xi1>
    %ne3A_167 = vector.broadcast %ne3A_166 : vector<16xi1> to vector<16xi1>
    %ne3A_168 = arith.xori %lt3A_163, %ne3A_167 : vector<16xi1>
    %and3A_169 = arith.andi %ne3A_168, %ne3A_160 : vector<16xi1>
    %add3A_170 = vector.broadcast %select_n3A_155 : i32 to vector<16xi32>
    %add3A_171 = arith.addi %rem3A_157, %add3A_170 : vector<16xi32>
    %select_n3A_172 = arith.select %and3A_169, %add3A_171, %rem3A_157 : vector<16xi1>, vector<16xi32>
    tpu.vector_store_idx %arg13[%broadcast_in_dim3A_119, %select_n3A_150, %select_n3A_172], %broadcast_in_dim3A_1 : memref<2x80x8xf32, #tpu.memory_space<vmem>>[vector<16xi32>, vector<16xi32>, vector<16xi32>], vector<16xf32>,
    %iota3A_173 = tpu.iota {dimensions = array<i32: 0>} : vector<16xi32>
    %add3A_174 = arith.constant 48 : i32
    %add3A_175 = vector.broadcast %add3A_174 : i32 to vector<16xi32>
    %add3A_176 = arith.addi %iota3A_173, %add3A_175 : vector<16xi32>
    %broadcast_in_dim3A_177 = arith.constant 0 : i32
    %broadcast_in_dim3A_178 = vector.broadcast %broadcast_in_dim3A_177 : i32 to vector<16xi32>
    %jit3A_179 = arith.constant 8 : i32
    %div3A_180 = vector.broadcast %jit3A_179 : i32 to vector<16xi32>
    %div3A_181 = arith.divsi %add3A_176, %div3A_180 : vector<16xi32>
    %sign3A_182 = arith.constant 0 : i32
    %sign3A_183 = vector.broadcast %sign3A_182 : i32 to vector<16xi32>
    %sign3A_184 = arith.cmpi sgt, %add3A_176, %sign3A_183 : vector<16xi32>
    %sign3A_185 = arith.extui %sign3A_184 : vector<16xi1> to vector<16xi32>
    %sign3A_186 = arith.constant 0 : i32
    %sign3A_187 = vector.broadcast %sign3A_186 : i32 to vector<16xi32>
    %sign3A_188 = arith.cmpi slt, %add3A_176, %sign3A_187 : vector<16xi32>
    %sign3A_189 = arith.extui %sign3A_188 : vector<16xi1> to vector<16xi32>
    %sign3A_190 = arith.subi %sign3A_185, %sign3A_189 : vector<16xi32>
    %sign3A_191 = arith.constant 0 : i32
    %sign3A_192 = arith.cmpi sgt, %jit3A_179, %sign3A_191 : i32
    %sign3A_193 = arith.extui %sign3A_192 : i1 to i32
    %sign3A_194 = arith.constant 0 : i32
    %sign3A_195 = arith.cmpi slt, %jit3A_179, %sign3A_194 : i32
    %sign3A_196 = arith.extui %sign3A_195 : i1 to i32
    %sign3A_197 = arith.subi %sign3A_193, %sign3A_196 : i32
    %ne3A_198 = vector.broadcast %sign3A_197 : i32 to vector<16xi32>
    %ne3A_199 = arith.cmpi ne, %sign3A_190, %ne3A_198 : vector<16xi32>
    %rem3A_200 = vector.broadcast %jit3A_179 : i32 to vector<16xi32>
    %rem3A_201 = arith.remsi %add3A_176, %rem3A_200 : vector<16xi32>
    %ne3A_202 = arith.constant 0 : i32
    %ne3A_203 = vector.broadcast %ne3A_202 : i32 to vector<16xi32>
    %ne3A_204 = arith.cmpi ne, %rem3A_201, %ne3A_203 : vector<16xi32>
    %and3A_205 = arith.andi %ne3A_199, %ne3A_204 : vector<16xi1>
    %sub3A_206 = arith.constant 1 : i32
    %sub3A_207 = vector.broadcast %sub3A_206 : i32 to vector<16xi32>
    %sub3A_208 = arith.subi %div3A_181, %sub3A_207 : vector<16xi32>
    %select_n3A_209 = arith.select %and3A_205, %sub3A_208, %div3A_181 : vector<16xi1>, vector<16xi32>
    %jit3A_210 = arith.constant 8 : i32
    %eq3A_211 = arith.constant 0 : i32
    %eq3A_212 = arith.cmpi eq, %jit3A_210, %eq3A_211 : i32
    %jit3A_213 = arith.constant 1 : i32
    %select_n3A_214 = arith.select %eq3A_212, %jit3A_213, %jit3A_210 : i32
    %rem3A_215 = vector.broadcast %select_n3A_214 : i32 to vector<16xi32>
    %rem3A_216 = arith.remsi %add3A_176, %rem3A_215 : vector<16xi32>
    %ne3A_217 = arith.constant 0 : i32
    %ne3A_218 = vector.broadcast %ne3A_217 : i32 to vector<16xi32>
    %ne3A_219 = arith.cmpi ne, %rem3A_216, %ne3A_218 : vector<16xi32>
    %lt3A_220 = arith.constant 0 : i32
    %lt3A_221 = vector.broadcast %lt3A_220 : i32 to vector<16xi32>
    %lt3A_222 = arith.cmpi slt, %rem3A_216, %lt3A_221 : vector<16xi32>
    %lt3A_223 = arith.constant 0 : i32
    %lt3A_224 = arith.cmpi slt, %select_n3A_214, %lt3A_223 : i32
    %ne3A_225 = vector.broadcast %lt3A_224 : i1 to vector<16xi1>
    %ne3A_226 = vector.broadcast %ne3A_225 : vector<16xi1> to vector<16xi1>
    %ne3A_227 = arith.xori %lt3A_222, %ne3A_226 : vector<16xi1>
    %and3A_228 = arith.andi %ne3A_227, %ne3A_219 : vector<16xi1>
    %add3A_229 = vector.broadcast %select_n3A_214 : i32 to vector<16xi32>
    %add3A_230 = arith.addi %rem3A_216, %add3A_229 : vector<16xi32>
    %select_n3A_231 = arith.select %and3A_228, %add3A_230, %rem3A_216 : vector<16xi1>, vector<16xi32>
    tpu.vector_store_idx %arg13[%broadcast_in_dim3A_178, %select_n3A_209, %select_n3A_231], %broadcast_in_dim3A_1 : memref<2x80x8xf32, #tpu.memory_space<vmem>>[vector<16xi32>, vector<16xi32>, vector<16xi32>], vector<16xf32>,
    %iota3A_232 = tpu.iota {dimensions = array<i32: 0>} : vector<16xi32>
    %add3A_233 = arith.constant 64 : i32
    %add3A_234 = vector.broadcast %add3A_233 : i32 to vector<16xi32>
    %add3A_235 = arith.addi %iota3A_232, %add3A_234 : vector<16xi32>
    %broadcast_in_dim3A_236 = arith.constant 0 : i32
    %broadcast_in_dim3A_237 = vector.broadcast %broadcast_in_dim3A_236 : i32 to vector<16xi32>
    %jit3A_238 = arith.constant 8 : i32
    %div3A_239 = vector.broadcast %jit3A_238 : i32 to vector<16xi32>
    %div3A_240 = arith.divsi %add3A_235, %div3A_239 : vector<16xi32>
    %sign3A_241 = arith.constant 0 : i32
    %sign3A_242 = vector.broadcast %sign3A_241 : i32 to vector<16xi32>
    %sign3A_243 = arith.cmpi sgt, %add3A_235, %sign3A_242 : vector<16xi32>
    %sign3A_244 = arith.extui %sign3A_243 : vector<16xi1> to vector<16xi32>
    %sign3A_245 = arith.constant 0 : i32
    %sign3A_246 = vector.broadcast %sign3A_245 : i32 to vector<16xi32>
    %sign3A_247 = arith.cmpi slt, %add3A_235, %sign3A_246 : vector<16xi32>
    %sign3A_248 = arith.extui %sign3A_247 : vector<16xi1> to vector<16xi32>
    %sign3A_249 = arith.subi %sign3A_244, %sign3A_248 : vector<16xi32>
    %sign3A_250 = arith.constant 0 : i32
    %sign3A_251 = arith.cmpi sgt, %jit3A_238, %sign3A_250 : i32
    %sign3A_252 = arith.extui %sign3A_251 : i1 to i32
    %sign3A_253 = arith.constant 0 : i32
    %sign3A_254 = arith.cmpi slt, %jit3A_238, %sign3A_253 : i32
    %sign3A_255 = arith.extui %sign3A_254 : i1 to i32
    %sign3A_256 = arith.subi %sign3A_252, %sign3A_255 : i32
    %ne3A_257 = vector.broadcast %sign3A_256 : i32 to vector<16xi32>
    %ne3A_258 = arith.cmpi ne, %sign3A_249, %ne3A_257 : vector<16xi32>
    %rem3A_259 = vector.broadcast %jit3A_238 : i32 to vector<16xi32>
    %rem3A_260 = arith.remsi %add3A_235, %rem3A_259 : vector<16xi32>
    %ne3A_261 = arith.constant 0 : i32
    %ne3A_262 = vector.broadcast %ne3A_261 : i32 to vector<16xi32>
    %ne3A_263 = arith.cmpi ne, %rem3A_260, %ne3A_262 : vector<16xi32>
    %and3A_264 = arith.andi %ne3A_258, %ne3A_263 : vector<16xi1>
    %sub3A_265 = arith.constant 1 : i32
    %sub3A_266 = vector.broadcast %sub3A_265 : i32 to vector<16xi32>
    %sub3A_267 = arith.subi %div3A_240, %sub3A_266 : vector<16xi32>
    %select_n3A_268 = arith.select %and3A_264, %sub3A_267, %div3A_240 : vector<16xi1>, vector<16xi32>
    %jit3A_269 = arith.constant 8 : i32
    %eq3A_270 = arith.constant 0 : i32
    %eq3A_271 = arith.cmpi eq, %jit3A_269, %eq3A_270 : i32
    %jit3A_272 = arith.constant 1 : i32
    %select_n3A_273 = arith.select %eq3A_271, %jit3A_272, %jit3A_269 : i32
    %rem3A_274 = vector.broadcast %select_n3A_273 : i32 to vector<16xi32>
    %rem3A_275 = arith.remsi %add3A_235, %rem3A_274 : vector<16xi32>
    %ne3A_276 = arith.constant 0 : i32
    %ne3A_277 = vector.broadcast %ne3A_276 : i32 to vector<16xi32>
    %ne3A_278 = arith.cmpi ne, %rem3A_275, %ne3A_277 : vector<16xi32>
    %lt3A_279 = arith.constant 0 : i32
    %lt3A_280 = vector.broadcast %lt3A_279 : i32 to vector<16xi32>
    %lt3A_281 = arith.cmpi slt, %rem3A_275, %lt3A_280 : vector<16xi32>
    %lt3A_282 = arith.constant 0 : i32
    %lt3A_283 = arith.cmpi slt, %select_n3A_273, %lt3A_282 : i32
    %ne3A_284 = vector.broadcast %lt3A_283 : i1 to vector<16xi1>
    %ne3A_285 = vector.broadcast %ne3A_284 : vector<16xi1> to vector<16xi1>
    %ne3A_286 = arith.xori %lt3A_281, %ne3A_285 : vector<16xi1>
    %and3A_287 = arith.andi %ne3A_286, %ne3A_278 : vector<16xi1>
    %add3A_288 = vector.broadcast %select_n3A_273 : i32 to vector<16xi32>
    %add3A_289 = arith.addi %rem3A_275, %add3A_288 : vector<16xi32>
    %select_n3A_290 = arith.select %and3A_287, %add3A_289, %rem3A_275 : vector<16xi1>, vector<16xi32>
    tpu.vector_store_idx %arg13[%broadcast_in_dim3A_237, %select_n3A_268, %select_n3A_290], %broadcast_in_dim3A_1 : memref<2x80x8xf32, #tpu.memory_space<vmem>>[vector<16xi32>, vector<16xi32>, vector<16xi32>], vector<16xf32>,
    %iota3A_291 = tpu.iota {dimensions = array<i32: 0>} : vector<16xi32>
    %add3A_292 = arith.constant 80 : i32
    %add3A_293 = vector.broadcast %add3A_292 : i32 to vector<16xi32>
    %add3A_294 = arith.addi %iota3A_291, %add3A_293 : vector<16xi32>
    %broadcast_in_dim3A_295 = arith.constant 0 : i32
    %broadcast_in_dim3A_296 = vector.broadcast %broadcast_in_dim3A_295 : i32 to vector<16xi32>
    %jit3A_297 = arith.constant 8 : i32
    %div3A_298 = vector.broadcast %jit3A_297 : i32 to vector<16xi32>
    %div3A_299 = arith.divsi %add3A_294, %div3A_298 : vector<16xi32>
    %sign3A_300 = arith.constant 0 : i32
    %sign3A_301 = vector.broadcast %sign3A_300 : i32 to vector<16xi32>
    %sign3A_302 = arith.cmpi sgt, %add3A_294, %sign3A_301 : vector<16xi32>
    %sign3A_303 = arith.extui %sign3A_302 : vector<16xi1> to vector<16xi32>
    %sign3A_304 = arith.constant 0 : i32
    %sign3A_305 = vector.broadcast %sign3A_304 : i32 to vector<16xi32>
    %sign3A_306 = arith.cmpi slt, %add3A_294, %sign3A_305 : vector<16xi32>
    %sign3A_307 = arith.extui %sign3A_306 : vector<16xi1> to vector<16xi32>
    %sign3A_308 = arith.subi %sign3A_303, %sign3A_307 : vector<16xi32>
    %sign3A_309 = arith.constant 0 : i32
    %sign3A_310 = arith.cmpi sgt, %jit3A_297, %sign3A_309 : i32
    %sign3A_311 = arith.extui %sign3A_310 : i1 to i32
    %sign3A_312 = arith.constant 0 : i32
    %sign3A_313 = arith.cmpi slt, %jit3A_297, %sign3A_312 : i32
    %sign3A_314 = arith.extui %sign3A_313 : i1 to i32
    %sign3A_315 = arith.subi %sign3A_311, %sign3A_314 : i32
    %ne3A_316 = vector.broadcast %sign3A_315 : i32 to vector<16xi32>
    %ne3A_317 = arith.cmpi ne, %sign3A_308, %ne3A_316 : vector<16xi32>
    %rem3A_318 = vector.broadcast %jit3A_297 : i32 to vector<16xi32>
    %rem3A_319 = arith.remsi %add3A_294, %rem3A_318 : vector<16xi32>
    %ne3A_320 = arith.constant 0 : i32
    %ne3A_321 = vector.broadcast %ne3A_320 : i32 to vector<16xi32>
    %ne3A_322 = arith.cmpi ne, %rem3A_319, %ne3A_321 : vector<16xi32>
    %and3A_323 = arith.andi %ne3A_317, %ne3A_322 : vector<16xi1>
    %sub3A_324 = arith.constant 1 : i32
    %sub3A_325 = vector.broadcast %sub3A_324 : i32 to vector<16xi32>
    %sub3A_326 = arith.subi %div3A_299, %sub3A_325 : vector<16xi32>
    %select_n3A_327 = arith.select %and3A_323, %sub3A_326, %div3A_299 : vector<16xi1>, vector<16xi32>
    %jit3A_328 = arith.constant 8 : i32
    %eq3A_329 = arith.constant 0 : i32
    %eq3A_330 = arith.cmpi eq, %jit3A_328, %eq3A_329 : i32
    %jit3A_331 = arith.constant 1 : i32
    %select_n3A_332 = arith.select %eq3A_330, %jit3A_331, %jit3A_328 : i32
    %rem3A_333 = vector.broadcast %select_n3A_332 : i32 to vector<16xi32>
    %rem3A_334 = arith.remsi %add3A_294, %rem3A_333 : vector<16xi32>
    %ne3A_335 = arith.constant 0 : i32
    %ne3A_336 = vector.broadcast %ne3A_335 : i32 to vector<16xi32>
    %ne3A_337 = arith.cmpi ne, %rem3A_334, %ne3A_336 : vector<16xi32>
    %lt3A_338 = arith.constant 0 : i32
    %lt3A_339 = vector.broadcast %lt3A_338 : i32 to vector<16xi32>
    %lt3A_340 = arith.cmpi slt, %rem3A_334, %lt3A_339 : vector<16xi32>
    %lt3A_341 = arith.constant 0 : i32
    %lt3A_342 = arith.cmpi slt, %select_n3A_332, %lt3A_341 : i32
    %ne3A_343 = vector.broadcast %lt3A_342 : i1 to vector<16xi1>
    %ne3A_344 = vector.broadcast %ne3A_343 : vector<16xi1> to vector<16xi1>
    %ne3A_345 = arith.xori %lt3A_340, %ne3A_344 : vector<16xi1>
    %and3A_346 = arith.andi %ne3A_345, %ne3A_337 : vector<16xi1>
    %add3A_347 = vector.broadcast %select_n3A_332 : i32 to vector<16xi32>
    %add3A_348 = arith.addi %rem3A_334, %add3A_347 : vector<16xi32>
    %select_n3A_349 = arith.select %and3A_346, %add3A_348, %rem3A_334 : vector<16xi1>, vector<16xi32>
    tpu.vector_store_idx %arg13[%broadcast_in_dim3A_296, %select_n3A_327, %select_n3A_349], %broadcast_in_dim3A_1 : memref<2x80x8xf32, #tpu.memory_space<vmem>>[vector<16xi32>, vector<16xi32>, vector<16xi32>], vector<16xf32>,
    %iota3A_350 = tpu.iota {dimensions = array<i32: 0>} : vector<16xi32>
    %add3A_351 = arith.constant 96 : i32
    %add3A_352 = vector.broadcast %add3A_351 : i32 to vector<16xi32>
    %add3A_353 = arith.addi %iota3A_350, %add3A_352 : vector<16xi32>
    %broadcast_in_dim3A_354 = arith.constant 0 : i32
    %broadcast_in_dim3A_355 = vector.broadcast %broadcast_in_dim3A_354 : i32 to vector<16xi32>
    %jit3A_356 = arith.constant 8 : i32
    %div3A_357 = vector.broadcast %jit3A_356 : i32 to vector<16xi32>
    %div3A_358 = arith.divsi %add3A_353, %div3A_357 : vector<16xi32>
    %sign3A_359 = arith.constant 0 : i32
    %sign3A_360 = vector.broadcast %sign3A_359 : i32 to vector<16xi32>
    %sign3A_361 = arith.cmpi sgt, %add3A_353, %sign3A_360 : vector<16xi32>
    %sign3A_362 = arith.extui %sign3A_361 : vector<16xi1> to vector<16xi32>
    %sign3A_363 = arith.constant 0 : i32
    %sign3A_364 = vector.broadcast %sign3A_363 : i32 to vector<16xi32>
    %sign3A_365 = arith.cmpi slt, %add3A_353, %sign3A_364 : vector<16xi32>
    %sign3A_366 = arith.extui %sign3A_365 : vector<16xi1> to vector<16xi32>
    %sign3A_367 = arith.subi %sign3A_362, %sign3A_366 : vector<16xi32>
    %sign3A_368 = arith.constant 0 : i32
    %sign3A_369 = arith.cmpi sgt, %jit3A_356, %sign3A_368 : i32
    %sign3A_370 = arith.extui %sign3A_369 : i1 to i32
    %sign3A_371 = arith.constant 0 : i32
    %sign3A_372 = arith.cmpi slt, %jit3A_356, %sign3A_371 : i32
    %sign3A_373 = arith.extui %sign3A_372 : i1 to i32
    %sign3A_374 = arith.subi %sign3A_370, %sign3A_373 : i32
    %ne3A_375 = vector.broadcast %sign3A_374 : i32 to vector<16xi32>
    %ne3A_376 = arith.cmpi ne, %sign3A_367, %ne3A_375 : vector<16xi32>
    %rem3A_377 = vector.broadcast %jit3A_356 : i32 to vector<16xi32>
    %rem3A_378 = arith.remsi %add3A_353, %rem3A_377 : vector<16xi32>
    %ne3A_379 = arith.constant 0 : i32
    %ne3A_380 = vector.broadcast %ne3A_379 : i32 to vector<16xi32>
    %ne3A_381 = arith.cmpi ne, %rem3A_378, %ne3A_380 : vector<16xi32>
    %and3A_382 = arith.andi %ne3A_376, %ne3A_381 : vector<16xi1>
    %sub3A_383 = arith.constant 1 : i32
    %sub3A_384 = vector.broadcast %sub3A_383 : i32 to vector<16xi32>
    %sub3A_385 = arith.subi %div3A_358, %sub3A_384 : vector<16xi32>
    %select_n3A_386 = arith.select %and3A_382, %sub3A_385, %div3A_358 : vector<16xi1>, vector<16xi32>
    %jit3A_387 = arith.constant 8 : i32
    %eq3A_388 = arith.constant 0 : i32
    %eq3A_389 = arith.cmpi eq, %jit3A_387, %eq3A_388 : i32
    %jit3A_390 = arith.constant 1 : i32
    %select_n3A_391 = arith.select %eq3A_389, %jit3A_390, %jit3A_387 : i32
    %rem3A_392 = vector.broadcast %select_n3A_391 : i32 to vector<16xi32>
    %rem3A_393 = arith.remsi %add3A_353, %rem3A_392 : vector<16xi32>
    %ne3A_394 = arith.constant 0 : i32
    %ne3A_395 = vector.broadcast %ne3A_394 : i32 to vector<16xi32>
    %ne3A_396 = arith.cmpi ne, %rem3A_393, %ne3A_395 : vector<16xi32>
    %lt3A_397 = arith.constant 0 : i32
    %lt3A_398 = vector.broadcast %lt3A_397 : i32 to vector<16xi32>
    %lt3A_399 = arith.cmpi slt, %rem3A_393, %lt3A_398 : vector<16xi32>
    %lt3A_400 = arith.constant 0 : i32
    %lt3A_401 = arith.cmpi slt, %select_n3A_391, %lt3A_400 : i32
    %ne3A_402 = vector.broadcast %lt3A_401 : i1 to vector<16xi1>
    %ne3A_403 = vector.broadcast %ne3A_402 : vector<16xi1> to vector<16xi1>
    %ne3A_404 = arith.xori %lt3A_399, %ne3A_403 : vector<16xi1>
    %and3A_405 = arith.andi %ne3A_404, %ne3A_396 : vector<16xi1>
    %add3A_406 = vector.broadcast %select_n3A_391 : i32 to vector<16xi32>
    %add3A_407 = arith.addi %rem3A_393, %add3A_406 : vector<16xi32>
    %select_n3A_408 = arith.select %and3A_405, %add3A_407, %rem3A_393 : vector<16xi1>, vector<16xi32>
    tpu.vector_store_idx %arg13[%broadcast_in_dim3A_355, %select_n3A_386, %select_n3A_408], %broadcast_in_dim3A_1 : memref<2x80x8xf32, #tpu.memory_space<vmem>>[vector<16xi32>, vector<16xi32>, vector<16xi32>], vector<16xf32>,
    %iota3A_409 = tpu.iota {dimensions = array<i32: 0>} : vector<16xi32>
    %add3A_410 = arith.constant 112 : i32
    %add3A_411 = vector.broadcast %add3A_410 : i32 to vector<16xi32>
    %add3A_412 = arith.addi %iota3A_409, %add3A_411 : vector<16xi32>
    %broadcast_in_dim3A_413 = arith.constant 0 : i32
    %broadcast_in_dim3A_414 = vector.broadcast %broadcast_in_dim3A_413 : i32 to vector<16xi32>
    %jit3A_415 = arith.constant 8 : i32
    %div3A_416 = vector.broadcast %jit3A_415 : i32 to vector<16xi32>
    %div3A_417 = arith.divsi %add3A_412, %div3A_416 : vector<16xi32>
    %sign3A_418 = arith.constant 0 : i32
    %sign3A_419 = vector.broadcast %sign3A_418 : i32 to vector<16xi32>
    %sign3A_420 = arith.cmpi sgt, %add3A_412, %sign3A_419 : vector<16xi32>
    %sign3A_421 = arith.extui %sign3A_420 : vector<16xi1> to vector<16xi32>
    %sign3A_422 = arith.constant 0 : i32
    %sign3A_423 = vector.broadcast %sign3A_422 : i32 to vector<16xi32>
    %sign3A_424 = arith.cmpi slt, %add3A_412, %sign3A_423 : vector<16xi32>
    %sign3A_425 = arith.extui %sign3A_424 : vector<16xi1> to vector<16xi32>
    %sign3A_426 = arith.subi %sign3A_421, %sign3A_425 : vector<16xi32>
    %sign3A_427 = arith.constant 0 : i32
    %sign3A_428 = arith.cmpi sgt, %jit3A_415, %sign3A_427 : i32
    %sign3A_429 = arith.extui %sign3A_428 : i1 to i32
    %sign3A_430 = arith.constant 0 : i32
    %sign3A_431 = arith.cmpi slt, %jit3A_415, %sign3A_430 : i32
    %sign3A_432 = arith.extui %sign3A_431 : i1 to i32
    %sign3A_433 = arith.subi %sign3A_429, %sign3A_432 : i32
    %ne3A_434 = vector.broadcast %sign3A_433 : i32 to vector<16xi32>
    %ne3A_435 = arith.cmpi ne, %sign3A_426, %ne3A_434 : vector<16xi32>
    %rem3A_436 = vector.broadcast %jit3A_415 : i32 to vector<16xi32>
    %rem3A_437 = arith.remsi %add3A_412, %rem3A_436 : vector<16xi32>
    %ne3A_438 = arith.constant 0 : i32
    %ne3A_439 = vector.broadcast %ne3A_438 : i32 to vector<16xi32>
    %ne3A_440 = arith.cmpi ne, %rem3A_437, %ne3A_439 : vector<16xi32>
    %and3A_441 = arith.andi %ne3A_435, %ne3A_440 : vector<16xi1>
    %sub3A_442 = arith.constant 1 : i32
    %sub3A_443 = vector.broadcast %sub3A_442 : i32 to vector<16xi32>
    %sub3A_444 = arith.subi %div3A_417, %sub3A_443 : vector<16xi32>
    %select_n3A_445 = arith.select %and3A_441, %sub3A_444, %div3A_417 : vector<16xi1>, vector<16xi32>
    %jit3A_446 = arith.constant 8 : i32
    %eq3A_447 = arith.constant 0 : i32
    %eq3A_448 = arith.cmpi eq, %jit3A_446, %eq3A_447 : i32
    %jit3A_449 = arith.constant 1 : i32
    %select_n3A_450 = arith.select %eq3A_448, %jit3A_449, %jit3A_446 : i32
    %rem3A_451 = vector.broadcast %select_n3A_450 : i32 to vector<16xi32>
    %rem3A_452 = arith.remsi %add3A_412, %rem3A_451 : vector<16xi32>
    %ne3A_453 = arith.constant 0 : i32
    %ne3A_454 = vector.broadcast %ne3A_453 : i32 to vector<16xi32>
    %ne3A_455 = arith.cmpi ne, %rem3A_452, %ne3A_454 : vector<16xi32>
    %lt3A_456 = arith.constant 0 : i32
    %lt3A_457 = vector.broadcast %lt3A_456 : i32 to vector<16xi32>
    %lt3A_458 = arith.cmpi slt, %rem3A_452, %lt3A_457 : vector<16xi32>
    %lt3A_459 = arith.constant 0 : i32
    %lt3A_460 = arith.cmpi slt, %select_n3A_450, %lt3A_459 : i32
    %ne3A_461 = vector.broadcast %lt3A_460 : i1 to vector<16xi1>
    %ne3A_462 = vector.broadcast %ne3A_461 : vector<16xi1> to vector<16xi1>
    %ne3A_463 = arith.xori %lt3A_458, %ne3A_462 : vector<16xi1>
    %and3A_464 = arith.andi %ne3A_463, %ne3A_455 : vector<16xi1>
    %add3A_465 = vector.broadcast %select_n3A_450 : i32 to vector<16xi32>
    %add3A_466 = arith.addi %rem3A_452, %add3A_465 : vector<16xi32>
    %select_n3A_467 = arith.select %and3A_464, %add3A_466, %rem3A_452 : vector<16xi1>, vector<16xi32>
    tpu.vector_store_idx %arg13[%broadcast_in_dim3A_414, %select_n3A_445, %select_n3A_467], %broadcast_in_dim3A_1 : memref<2x80x8xf32, #tpu.memory_space<vmem>>[vector<16xi32>, vector<16xi32>, vector<16xi32>], vector<16xf32>,
    %iota3A_468 = tpu.iota {dimensions = array<i32: 0>} : vector<16xi32>
    %add3A_469 = arith.constant 128 : i32
    %add3A_470 = vector.broadcast %add3A_469 : i32 to vector<16xi32>
    %add3A_471 = arith.addi %iota3A_468, %add3A_470 : vector<16xi32>
    %broadcast_in_dim3A_472 = arith.constant 0 : i32
    %broadcast_in_dim3A_473 = vector.broadcast %broadcast_in_dim3A_472 : i32 to vector<16xi32>
    %jit3A_474 = arith.constant 8 : i32
    %div3A_475 = vector.broadcast %jit3A_474 : i32 to vector<16xi32>
    %div3A_476 = arith.divsi %add3A_471, %div3A_475 : vector<16xi32>
    %sign3A_477 = arith.constant 0 : i32
    %sign3A_478 = vector.broadcast %sign3A_477 : i32 to vector<16xi32>
    %sign3A_479 = arith.cmpi sgt, %add3A_471, %sign3A_478 : vector<16xi32>
    %sign3A_480 = arith.extui %sign3A_479 : vector<16xi1> to vector<16xi32>
    %sign3A_481 = arith.constant 0 : i32
    %sign3A_482 = vector.broadcast %sign3A_481 : i32 to vector<16xi32>
    %sign3A_483 = arith.cmpi slt, %add3A_471, %sign3A_482 : vector<16xi32>
    %sign3A_484 = arith.extui %sign3A_483 : vector<16xi1> to vector<16xi32>
    %sign3A_485 = arith.subi %sign3A_480, %sign3A_484 : vector<16xi32>
    %sign3A_486 = arith.constant 0 : i32
    %sign3A_487 = arith.cmpi sgt, %jit3A_474, %sign3A_486 : i32
    %sign3A_488 = arith.extui %sign3A_487 : i1 to i32
    %sign3A_489 = arith.constant 0 : i32
    %sign3A_490 = arith.cmpi slt, %jit3A_474, %sign3A_489 : i32
    %sign3A_491 = arith.extui %sign3A_490 : i1 to i32
    %sign3A_492 = arith.subi %sign3A_488, %sign3A_491 : i32
    %ne3A_493 = vector.broadcast %sign3A_492 : i32 to vector<16xi32>
    %ne3A_494 = arith.cmpi ne, %sign3A_485, %ne3A_493 : vector<16xi32>
    %rem3A_495 = vector.broadcast %jit3A_474 : i32 to vector<16xi32>
    %rem3A_496 = arith.remsi %add3A_471, %rem3A_495 : vector<16xi32>
    %ne3A_497 = arith.constant 0 : i32
    %ne3A_498 = vector.broadcast %ne3A_497 : i32 to vector<16xi32>
    %ne3A_499 = arith.cmpi ne, %rem3A_496, %ne3A_498 : vector<16xi32>
    %and3A_500 = arith.andi %ne3A_494, %ne3A_499 : vector<16xi1>
    %sub3A_501 = arith.constant 1 : i32
    %sub3A_502 = vector.broadcast %sub3A_501 : i32 to vector<16xi32>
    %sub3A_503 = arith.subi %div3A_476, %sub3A_502 : vector<16xi32>
    %select_n3A_504 = arith.select %and3A_500, %sub3A_503, %div3A_476 : vector<16xi1>, vector<16xi32>
    %jit3A_505 = arith.constant 8 : i32
    %eq3A_506 = arith.constant 0 : i32
    %eq3A_507 = arith.cmpi eq, %jit3A_505, %eq3A_506 : i32
    %jit3A_508 = arith.constant 1 : i32
    %select_n3A_509 = arith.select %eq3A_507, %jit3A_508, %jit3A_505 : i32
    %rem3A_510 = vector.broadcast %select_n3A_509 : i32 to vector<16xi32>
    %rem3A_511 = arith.remsi %add3A_471, %rem3A_510 : vector<16xi32>
    %ne3A_512 = arith.constant 0 : i32
    %ne3A_513 = vector.broadcast %ne3A_512 : i32 to vector<16xi32>
    %ne3A_514 = arith.cmpi ne, %rem3A_511, %ne3A_513 : vector<16xi32>
    %lt3A_515 = arith.constant 0 : i32
    %lt3A_516 = vector.broadcast %lt3A_515 : i32 to vector<16xi32>
    %lt3A_517 = arith.cmpi slt, %rem3A_511, %lt3A_516 : vector<16xi32>
    %lt3A_518 = arith.constant 0 : i32
    %lt3A_519 = arith.cmpi slt, %select_n3A_509, %lt3A_518 : i32
    %ne3A_520 = vector.broadcast %lt3A_519 : i1 to vector<16xi1>
    %ne3A_521 = vector.broadcast %ne3A_520 : vector<16xi1> to vector<16xi1>
    %ne3A_522 = arith.xori %lt3A_517, %ne3A_521 : vector<16xi1>
    %and3A_523 = arith.andi %ne3A_522, %ne3A_514 : vector<16xi1>
    %add3A_524 = vector.broadcast %select_n3A_509 : i32 to vector<16xi32>
    %add3A_525 = arith.addi %rem3A_511, %add3A_524 : vector<16xi32>
    %select_n3A_526 = arith.select %and3A_523, %add3A_525, %rem3A_511 : vector<16xi1>, vector<16xi32>
    tpu.vector_store_idx %arg13[%broadcast_in_dim3A_473, %select_n3A_504, %select_n3A_526], %broadcast_in_dim3A_1 : memref<2x80x8xf32, #tpu.memory_space<vmem>>[vector<16xi32>, vector<16xi32>, vector<16xi32>], vector<16xf32>,
    %iota3A_527 = tpu.iota {dimensions = array<i32: 0>} : vector<16xi32>
    %add3A_528 = arith.constant 144 : i32
    %add3A_529 = vector.broadcast %add3A_528 : i32 to vector<16xi32>
    %add3A_530 = arith.addi %iota3A_527, %add3A_529 : vector<16xi32>
    %broadcast_in_dim3A_531 = arith.constant 0 : i32
    %broadcast_in_dim3A_532 = vector.broadcast %broadcast_in_dim3A_531 : i32 to vector<16xi32>
    %jit3A_533 = arith.constant 8 : i32
    %div3A_534 = vector.broadcast %jit3A_533 : i32 to vector<16xi32>
    %div3A_535 = arith.divsi %add3A_530, %div3A_534 : vector<16xi32>
    %sign3A_536 = arith.constant 0 : i32
    %sign3A_537 = vector.broadcast %sign3A_536 : i32 to vector<16xi32>
    %sign3A_538 = arith.cmpi sgt, %add3A_530, %sign3A_537 : vector<16xi32>
    %sign3A_539 = arith.extui %sign3A_538 : vector<16xi1> to vector<16xi32>
    %sign3A_540 = arith.constant 0 : i32
    %sign3A_541 = vector.broadcast %sign3A_540 : i32 to vector<16xi32>
    %sign3A_542 = arith.cmpi slt, %add3A_530, %sign3A_541 : vector<16xi32>
    %sign3A_543 = arith.extui %sign3A_542 : vector<16xi1> to vector<16xi32>
    %sign3A_544 = arith.subi %sign3A_539, %sign3A_543 : vector<16xi32>
    %sign3A_545 = arith.constant 0 : i32
    %sign3A_546 = arith.cmpi sgt, %jit3A_533, %sign3A_545 : i32
    %sign3A_547 = arith.extui %sign3A_546 : i1 to i32
    %sign3A_548 = arith.constant 0 : i32
    %sign3A_549 = arith.cmpi slt, %jit3A_533, %sign3A_548 : i32
    %sign3A_550 = arith.extui %sign3A_549 : i1 to i32
    %sign3A_551 = arith.subi %sign3A_547, %sign3A_550 : i32
    %ne3A_552 = vector.broadcast %sign3A_551 : i32 to vector<16xi32>
    %ne3A_553 = arith.cmpi ne, %sign3A_544, %ne3A_552 : vector<16xi32>
    %rem3A_554 = vector.broadcast %jit3A_533 : i32 to vector<16xi32>
    %rem3A_555 = arith.remsi %add3A_530, %rem3A_554 : vector<16xi32>
    %ne3A_556 = arith.constant 0 : i32
    %ne3A_557 = vector.broadcast %ne3A_556 : i32 to vector<16xi32>
    %ne3A_558 = arith.cmpi ne, %rem3A_555, %ne3A_557 : vector<16xi32>
    %and3A_559 = arith.andi %ne3A_553, %ne3A_558 : vector<16xi1>
    %sub3A_560 = arith.constant 1 : i32
    %sub3A_561 = vector.broadcast %sub3A_560 : i32 to vector<16xi32>
    %sub3A_562 = arith.subi %div3A_535, %sub3A_561 : vector<16xi32>
    %select_n3A_563 = arith.select %and3A_559, %sub3A_562, %div3A_535 : vector<16xi1>, vector<16xi32>
    %jit3A_564 = arith.constant 8 : i32
    %eq3A_565 = arith.constant 0 : i32
    %eq3A_566 = arith.cmpi eq, %jit3A_564, %eq3A_565 : i32
    %jit3A_567 = arith.constant 1 : i32
    %select_n3A_568 = arith.select %eq3A_566, %jit3A_567, %jit3A_564 : i32
    %rem3A_569 = vector.broadcast %select_n3A_568 : i32 to vector<16xi32>
    %rem3A_570 = arith.remsi %add3A_530, %rem3A_569 : vector<16xi32>
    %ne3A_571 = arith.constant 0 : i32
    %ne3A_572 = vector.broadcast %ne3A_571 : i32 to vector<16xi32>
    %ne3A_573 = arith.cmpi ne, %rem3A_570, %ne3A_572 : vector<16xi32>
    %lt3A_574 = arith.constant 0 : i32
    %lt3A_575 = vector.broadcast %lt3A_574 : i32 to vector<16xi32>
    %lt3A_576 = arith.cmpi slt, %rem3A_570, %lt3A_575 : vector<16xi32>
    %lt3A_577 = arith.constant 0 : i32
    %lt3A_578 = arith.cmpi slt, %select_n3A_568, %lt3A_577 : i32
    %ne3A_579 = vector.broadcast %lt3A_578 : i1 to vector<16xi1>
    %ne3A_580 = vector.broadcast %ne3A_579 : vector<16xi1> to vector<16xi1>
    %ne3A_581 = arith.xori %lt3A_576, %ne3A_580 : vector<16xi1>
    %and3A_582 = arith.andi %ne3A_581, %ne3A_573 : vector<16xi1>
    %add3A_583 = vector.broadcast %select_n3A_568 : i32 to vector<16xi32>
    %add3A_584 = arith.addi %rem3A_570, %add3A_583 : vector<16xi32>
    %select_n3A_585 = arith.select %and3A_582, %add3A_584, %rem3A_570 : vector<16xi1>, vector<16xi32>
    tpu.vector_store_idx %arg13[%broadcast_in_dim3A_532, %select_n3A_563, %select_n3A_585], %broadcast_in_dim3A_1 : memref<2x80x8xf32, #tpu.memory_space<vmem>>[vector<16xi32>, vector<16xi32>, vector<16xi32>], vector<16xf32>,
    %iota3A_586 = tpu.iota {dimensions = array<i32: 0>} : vector<16xi32>
    %add3A_587 = arith.constant 160 : i32
    %add3A_588 = vector.broadcast %add3A_587 : i32 to vector<16xi32>
    %add3A_589 = arith.addi %iota3A_586, %add3A_588 : vector<16xi32>
    %broadcast_in_dim3A_590 = arith.constant 0 : i32
    %broadcast_in_dim3A_591 = vector.broadcast %broadcast_in_dim3A_590 : i32 to vector<16xi32>
    %jit3A_592 = arith.constant 8 : i32
    %div3A_593 = vector.broadcast %jit3A_592 : i32 to vector<16xi32>
    %div3A_594 = arith.divsi %add3A_589, %div3A_593 : vector<16xi32>
    %sign3A_595 = arith.constant 0 : i32
    %sign3A_596 = vector.broadcast %sign3A_595 : i32 to vector<16xi32>
    %sign3A_597 = arith.cmpi sgt, %add3A_589, %sign3A_596 : vector<16xi32>
    %sign3A_598 = arith.extui %sign3A_597 : vector<16xi1> to vector<16xi32>
    %sign3A_599 = arith.constant 0 : i32
    %sign3A_600 = vector.broadcast %sign3A_599 : i32 to vector<16xi32>
    %sign3A_601 = arith.cmpi slt, %add3A_589, %sign3A_600 : vector<16xi32>
    %sign3A_602 = arith.extui %sign3A_601 : vector<16xi1> to vector<16xi32>
    %sign3A_603 = arith.subi %sign3A_598, %sign3A_602 : vector<16xi32>
    %sign3A_604 = arith.constant 0 : i32
    %sign3A_605 = arith.cmpi sgt, %jit3A_592, %sign3A_604 : i32
    %sign3A_606 = arith.extui %sign3A_605 : i1 to i32
    %sign3A_607 = arith.constant 0 : i32
    %sign3A_608 = arith.cmpi slt, %jit3A_592, %sign3A_607 : i32
    %sign3A_609 = arith.extui %sign3A_608 : i1 to i32
    %sign3A_610 = arith.subi %sign3A_606, %sign3A_609 : i32
    %ne3A_611 = vector.broadcast %sign3A_610 : i32 to vector<16xi32>
    %ne3A_612 = arith.cmpi ne, %sign3A_603, %ne3A_611 : vector<16xi32>
    %rem3A_613 = vector.broadcast %jit3A_592 : i32 to vector<16xi32>
    %rem3A_614 = arith.remsi %add3A_589, %rem3A_613 : vector<16xi32>
    %ne3A_615 = arith.constant 0 : i32
    %ne3A_616 = vector.broadcast %ne3A_615 : i32 to vector<16xi32>
    %ne3A_617 = arith.cmpi ne, %rem3A_614, %ne3A_616 : vector<16xi32>
    %and3A_618 = arith.andi %ne3A_612, %ne3A_617 : vector<16xi1>
    %sub3A_619 = arith.constant 1 : i32
    %sub3A_620 = vector.broadcast %sub3A_619 : i32 to vector<16xi32>
    %sub3A_621 = arith.subi %div3A_594, %sub3A_620 : vector<16xi32>
    %select_n3A_622 = arith.select %and3A_618, %sub3A_621, %div3A_594 : vector<16xi1>, vector<16xi32>
    %jit3A_623 = arith.constant 8 : i32
    %eq3A_624 = arith.constant 0 : i32
    %eq3A_625 = arith.cmpi eq, %jit3A_623, %eq3A_624 : i32
    %jit3A_626 = arith.constant 1 : i32
    %select_n3A_627 = arith.select %eq3A_625, %jit3A_626, %jit3A_623 : i32
    %rem3A_628 = vector.broadcast %select_n3A_627 : i32 to vector<16xi32>
    %rem3A_629 = arith.remsi %add3A_589, %rem3A_628 : vector<16xi32>
    %ne3A_630 = arith.constant 0 : i32
    %ne3A_631 = vector.broadcast %ne3A_630 : i32 to vector<16xi32>
    %ne3A_632 = arith.cmpi ne, %rem3A_629, %ne3A_631 : vector<16xi32>
    %lt3A_633 = arith.constant 0 : i32
    %lt3A_634 = vector.broadcast %lt3A_633 : i32 to vector<16xi32>
    %lt3A_635 = arith.cmpi slt, %rem3A_629, %lt3A_634 : vector<16xi32>
    %lt3A_636 = arith.constant 0 : i32
    %lt3A_637 = arith.cmpi slt, %select_n3A_627, %lt3A_636 : i32
    %ne3A_638 = vector.broadcast %lt3A_637 : i1 to vector<16xi1>
    %ne3A_639 = vector.broadcast %ne3A_638 : vector<16xi1> to vector<16xi1>
    %ne3A_640 = arith.xori %lt3A_635, %ne3A_639 : vector<16xi1>
    %and3A_641 = arith.andi %ne3A_640, %ne3A_632 : vector<16xi1>
    %add3A_642 = vector.broadcast %select_n3A_627 : i32 to vector<16xi32>
    %add3A_643 = arith.addi %rem3A_629, %add3A_642 : vector<16xi32>
    %select_n3A_644 = arith.select %and3A_641, %add3A_643, %rem3A_629 : vector<16xi1>, vector<16xi32>
    tpu.vector_store_idx %arg13[%broadcast_in_dim3A_591, %select_n3A_622, %select_n3A_644], %broadcast_in_dim3A_1 : memref<2x80x8xf32, #tpu.memory_space<vmem>>[vector<16xi32>, vector<16xi32>, vector<16xi32>], vector<16xf32>,
    %iota3A_645 = tpu.iota {dimensions = array<i32: 0>} : vector<16xi32>
    %add3A_646 = arith.constant 176 : i32
    %add3A_647 = vector.broadcast %add3A_646 : i32 to vector<16xi32>
    %add3A_648 = arith.addi %iota3A_645, %add3A_647 : vector<16xi32>
    %broadcast_in_dim3A_649 = arith.constant 0 : i32
    %broadcast_in_dim3A_650 = vector.broadcast %broadcast_in_dim3A_649 : i32 to vector<16xi32>
    %jit3A_651 = arith.constant 8 : i32
    %div3A_652 = vector.broadcast %jit3A_651 : i32 to vector<16xi32>
    %div3A_653 = arith.divsi %add3A_648, %div3A_652 : vector<16xi32>
    %sign3A_654 = arith.constant 0 : i32
    %sign3A_655 = vector.broadcast %sign3A_654 : i32 to vector<16xi32>
    %sign3A_656 = arith.cmpi sgt, %add3A_648, %sign3A_655 : vector<16xi32>
    %sign3A_657 = arith.extui %sign3A_656 : vector<16xi1> to vector<16xi32>
    %sign3A_658 = arith.constant 0 : i32
    %sign3A_659 = vector.broadcast %sign3A_658 : i32 to vector<16xi32>
    %sign3A_660 = arith.cmpi slt, %add3A_648, %sign3A_659 : vector<16xi32>
    %sign3A_661 = arith.extui %sign3A_660 : vector<16xi1> to vector<16xi32>
    %sign3A_662 = arith.subi %sign3A_657, %sign3A_661 : vector<16xi32>
    %sign3A_663 = arith.constant 0 : i32
    %sign3A_664 = arith.cmpi sgt, %jit3A_651, %sign3A_663 : i32
    %sign3A_665 = arith.extui %sign3A_664 : i1 to i32
    %sign3A_666 = arith.constant 0 : i32
    %sign3A_667 = arith.cmpi slt, %jit3A_651, %sign3A_666 : i32
    %sign3A_668 = arith.extui %sign3A_667 : i1 to i32
    %sign3A_669 = arith.subi %sign3A_665, %sign3A_668 : i32
    %ne3A_670 = vector.broadcast %sign3A_669 : i32 to vector<16xi32>
    %ne3A_671 = arith.cmpi ne, %sign3A_662, %ne3A_670 : vector<16xi32>
    %rem3A_672 = vector.broadcast %jit3A_651 : i32 to vector<16xi32>
    %rem3A_673 = arith.remsi %add3A_648, %rem3A_672 : vector<16xi32>
    %ne3A_674 = arith.constant 0 : i32
    %ne3A_675 = vector.broadcast %ne3A_674 : i32 to vector<16xi32>
    %ne3A_676 = arith.cmpi ne, %rem3A_673, %ne3A_675 : vector<16xi32>
    %and3A_677 = arith.andi %ne3A_671, %ne3A_676 : vector<16xi1>
    %sub3A_678 = arith.constant 1 : i32
    %sub3A_679 = vector.broadcast %sub3A_678 : i32 to vector<16xi32>
    %sub3A_680 = arith.subi %div3A_653, %sub3A_679 : vector<16xi32>
    %select_n3A_681 = arith.select %and3A_677, %sub3A_680, %div3A_653 : vector<16xi1>, vector<16xi32>
    %jit3A_682 = arith.constant 8 : i32
    %eq3A_683 = arith.constant 0 : i32
    %eq3A_684 = arith.cmpi eq, %jit3A_682, %eq3A_683 : i32
    %jit3A_685 = arith.constant 1 : i32
    %select_n3A_686 = arith.select %eq3A_684, %jit3A_685, %jit3A_682 : i32
    %rem3A_687 = vector.broadcast %select_n3A_686 : i32 to vector<16xi32>
    %rem3A_688 = arith.remsi %add3A_648, %rem3A_687 : vector<16xi32>
    %ne3A_689 = arith.constant 0 : i32
    %ne3A_690 = vector.broadcast %ne3A_689 : i32 to vector<16xi32>
    %ne3A_691 = arith.cmpi ne, %rem3A_688, %ne3A_690 : vector<16xi32>
    %lt3A_692 = arith.constant 0 : i32
    %lt3A_693 = vector.broadcast %lt3A_692 : i32 to vector<16xi32>
    %lt3A_694 = arith.cmpi slt, %rem3A_688, %lt3A_693 : vector<16xi32>
    %lt3A_695 = arith.constant 0 : i32
    %lt3A_696 = arith.cmpi slt, %select_n3A_686, %lt3A_695 : i32
    %ne3A_697 = vector.broadcast %lt3A_696 : i1 to vector<16xi1>
    %ne3A_698 = vector.broadcast %ne3A_697 : vector<16xi1> to vector<16xi1>
    %ne3A_699 = arith.xori %lt3A_694, %ne3A_698 : vector<16xi1>
    %and3A_700 = arith.andi %ne3A_699, %ne3A_691 : vector<16xi1>
    %add3A_701 = vector.broadcast %select_n3A_686 : i32 to vector<16xi32>
    %add3A_702 = arith.addi %rem3A_688, %add3A_701 : vector<16xi32>
    %select_n3A_703 = arith.select %and3A_700, %add3A_702, %rem3A_688 : vector<16xi1>, vector<16xi32>
    tpu.vector_store_idx %arg13[%broadcast_in_dim3A_650, %select_n3A_681, %select_n3A_703], %broadcast_in_dim3A_1 : memref<2x80x8xf32, #tpu.memory_space<vmem>>[vector<16xi32>, vector<16xi32>, vector<16xi32>], vector<16xf32>,
    %iota3A_704 = tpu.iota {dimensions = array<i32: 0>} : vector<16xi32>
    %add3A_705 = arith.constant 192 : i32
    %add3A_706 = vector.broadcast %add3A_705 : i32 to vector<16xi32>
    %add3A_707 = arith.addi %iota3A_704, %add3A_706 : vector<16xi32>
    %broadcast_in_dim3A_708 = arith.constant 0 : i32
    %broadcast_in_dim3A_709 = vector.broadcast %broadcast_in_dim3A_708 : i32 to vector<16xi32>
    %jit3A_710 = arith.constant 8 : i32
    %div3A_711 = vector.broadcast %jit3A_710 : i32 to vector<16xi32>
    %div3A_712 = arith.divsi %add3A_707, %div3A_711 : vector<16xi32>
    %sign3A_713 = arith.constant 0 : i32
    %sign3A_714 = vector.broadcast %sign3A_713 : i32 to vector<16xi32>
    %sign3A_715 = arith.cmpi sgt, %add3A_707, %sign3A_714 : vector<16xi32>
    %sign3A_716 = arith.extui %sign3A_715 : vector<16xi1> to vector<16xi32>
    %sign3A_717 = arith.constant 0 : i32
    %sign3A_718 = vector.broadcast %sign3A_717 : i32 to vector<16xi32>
    %sign3A_719 = arith.cmpi slt, %add3A_707, %sign3A_718 : vector<16xi32>
    %sign3A_720 = arith.extui %sign3A_719 : vector<16xi1> to vector<16xi32>
    %sign3A_721 = arith.subi %sign3A_716, %sign3A_720 : vector<16xi32>
    %sign3A_722 = arith.constant 0 : i32
    %sign3A_723 = arith.cmpi sgt, %jit3A_710, %sign3A_722 : i32
    %sign3A_724 = arith.extui %sign3A_723 : i1 to i32
    %sign3A_725 = arith.constant 0 : i32
    %sign3A_726 = arith.cmpi slt, %jit3A_710, %sign3A_725 : i32
    %sign3A_727 = arith.extui %sign3A_726 : i1 to i32
    %sign3A_728 = arith.subi %sign3A_724, %sign3A_727 : i32
    %ne3A_729 = vector.broadcast %sign3A_728 : i32 to vector<16xi32>
    %ne3A_730 = arith.cmpi ne, %sign3A_721, %ne3A_729 : vector<16xi32>
    %rem3A_731 = vector.broadcast %jit3A_710 : i32 to vector<16xi32>
    %rem3A_732 = arith.remsi %add3A_707, %rem3A_731 : vector<16xi32>
    %ne3A_733 = arith.constant 0 : i32
    %ne3A_734 = vector.broadcast %ne3A_733 : i32 to vector<16xi32>
    %ne3A_735 = arith.cmpi ne, %rem3A_732, %ne3A_734 : vector<16xi32>
    %and3A_736 = arith.andi %ne3A_730, %ne3A_735 : vector<16xi1>
    %sub3A_737 = arith.constant 1 : i32
    %sub3A_738 = vector.broadcast %sub3A_737 : i32 to vector<16xi32>
    %sub3A_739 = arith.subi %div3A_712, %sub3A_738 : vector<16xi32>
    %select_n3A_740 = arith.select %and3A_736, %sub3A_739, %div3A_712 : vector<16xi1>, vector<16xi32>
    %jit3A_741 = arith.constant 8 : i32
    %eq3A_742 = arith.constant 0 : i32
    %eq3A_743 = arith.cmpi eq, %jit3A_741, %eq3A_742 : i32
    %jit3A_744 = arith.constant 1 : i32
    %select_n3A_745 = arith.select %eq3A_743, %jit3A_744, %jit3A_741 : i32
    %rem3A_746 = vector.broadcast %select_n3A_745 : i32 to vector<16xi32>
    %rem3A_747 = arith.remsi %add3A_707, %rem3A_746 : vector<16xi32>
    %ne3A_748 = arith.constant 0 : i32
    %ne3A_749 = vector.broadcast %ne3A_748 : i32 to vector<16xi32>
    %ne3A_750 = arith.cmpi ne, %rem3A_747, %ne3A_749 : vector<16xi32>
    %lt3A_751 = arith.constant 0 : i32
    %lt3A_752 = vector.broadcast %lt3A_751 : i32 to vector<16xi32>
    %lt3A_753 = arith.cmpi slt, %rem3A_747, %lt3A_752 : vector<16xi32>
    %lt3A_754 = arith.constant 0 : i32
    %lt3A_755 = arith.cmpi slt, %select_n3A_745, %lt3A_754 : i32
    %ne3A_756 = vector.broadcast %lt3A_755 : i1 to vector<16xi1>
    %ne3A_757 = vector.broadcast %ne3A_756 : vector<16xi1> to vector<16xi1>
    %ne3A_758 = arith.xori %lt3A_753, %ne3A_757 : vector<16xi1>
    %and3A_759 = arith.andi %ne3A_758, %ne3A_750 : vector<16xi1>
    %add3A_760 = vector.broadcast %select_n3A_745 : i32 to vector<16xi32>
    %add3A_761 = arith.addi %rem3A_747, %add3A_760 : vector<16xi32>
    %select_n3A_762 = arith.select %and3A_759, %add3A_761, %rem3A_747 : vector<16xi1>, vector<16xi32>
    tpu.vector_store_idx %arg13[%broadcast_in_dim3A_709, %select_n3A_740, %select_n3A_762], %broadcast_in_dim3A_1 : memref<2x80x8xf32, #tpu.memory_space<vmem>>[vector<16xi32>, vector<16xi32>, vector<16xi32>], vector<16xf32>,
    %iota3A_763 = tpu.iota {dimensions = array<i32: 0>} : vector<16xi32>
    %add3A_764 = arith.constant 208 : i32
    %add3A_765 = vector.broadcast %add3A_764 : i32 to vector<16xi32>
    %add3A_766 = arith.addi %iota3A_763, %add3A_765 : vector<16xi32>
    %broadcast_in_dim3A_767 = arith.constant 0 : i32
    %broadcast_in_dim3A_768 = vector.broadcast %broadcast_in_dim3A_767 : i32 to vector<16xi32>
    %jit3A_769 = arith.constant 8 : i32
    %div3A_770 = vector.broadcast %jit3A_769 : i32 to vector<16xi32>
    %div3A_771 = arith.divsi %add3A_766, %div3A_770 : vector<16xi32>
    %sign3A_772 = arith.constant 0 : i32
    %sign3A_773 = vector.broadcast %sign3A_772 : i32 to vector<16xi32>
    %sign3A_774 = arith.cmpi sgt, %add3A_766, %sign3A_773 : vector<16xi32>
    %sign3A_775 = arith.extui %sign3A_774 : vector<16xi1> to vector<16xi32>
    %sign3A_776 = arith.constant 0 : i32
    %sign3A_777 = vector.broadcast %sign3A_776 : i32 to vector<16xi32>
    %sign3A_778 = arith.cmpi slt, %add3A_766, %sign3A_777 : vector<16xi32>
    %sign3A_779 = arith.extui %sign3A_778 : vector<16xi1> to vector<16xi32>
    %sign3A_780 = arith.subi %sign3A_775, %sign3A_779 : vector<16xi32>
    %sign3A_781 = arith.constant 0 : i32
    %sign3A_782 = arith.cmpi sgt, %jit3A_769, %sign3A_781 : i32
    %sign3A_783 = arith.extui %sign3A_782 : i1 to i32
    %sign3A_784 = arith.constant 0 : i32
    %sign3A_785 = arith.cmpi slt, %jit3A_769, %sign3A_784 : i32
    %sign3A_786 = arith.extui %sign3A_785 : i1 to i32
    %sign3A_787 = arith.subi %sign3A_783, %sign3A_786 : i32
    %ne3A_788 = vector.broadcast %sign3A_787 : i32 to vector<16xi32>
    %ne3A_789 = arith.cmpi ne, %sign3A_780, %ne3A_788 : vector<16xi32>
    %rem3A_790 = vector.broadcast %jit3A_769 : i32 to vector<16xi32>
    %rem3A_791 = arith.remsi %add3A_766, %rem3A_790 : vector<16xi32>
    %ne3A_792 = arith.constant 0 : i32
    %ne3A_793 = vector.broadcast %ne3A_792 : i32 to vector<16xi32>
    %ne3A_794 = arith.cmpi ne, %rem3A_791, %ne3A_793 : vector<16xi32>
    %and3A_795 = arith.andi %ne3A_789, %ne3A_794 : vector<16xi1>
    %sub3A_796 = arith.constant 1 : i32
    %sub3A_797 = vector.broadcast %sub3A_796 : i32 to vector<16xi32>
    %sub3A_798 = arith.subi %div3A_771, %sub3A_797 : vector<16xi32>
    %select_n3A_799 = arith.select %and3A_795, %sub3A_798, %div3A_771 : vector<16xi1>, vector<16xi32>
    %jit3A_800 = arith.constant 8 : i32
    %eq3A_801 = arith.constant 0 : i32
    %eq3A_802 = arith.cmpi eq, %jit3A_800, %eq3A_801 : i32
    %jit3A_803 = arith.constant 1 : i32
    %select_n3A_804 = arith.select %eq3A_802, %jit3A_803, %jit3A_800 : i32
    %rem3A_805 = vector.broadcast %select_n3A_804 : i32 to vector<16xi32>
    %rem3A_806 = arith.remsi %add3A_766, %rem3A_805 : vector<16xi32>
    %ne3A_807 = arith.constant 0 : i32
    %ne3A_808 = vector.broadcast %ne3A_807 : i32 to vector<16xi32>
    %ne3A_809 = arith.cmpi ne, %rem3A_806, %ne3A_808 : vector<16xi32>
    %lt3A_810 = arith.constant 0 : i32
    %lt3A_811 = vector.broadcast %lt3A_810 : i32 to vector<16xi32>
    %lt3A_812 = arith.cmpi slt, %rem3A_806, %lt3A_811 : vector<16xi32>
    %lt3A_813 = arith.constant 0 : i32
    %lt3A_814 = arith.cmpi slt, %select_n3A_804, %lt3A_813 : i32
    %ne3A_815 = vector.broadcast %lt3A_814 : i1 to vector<16xi1>
    %ne3A_816 = vector.broadcast %ne3A_815 : vector<16xi1> to vector<16xi1>
    %ne3A_817 = arith.xori %lt3A_812, %ne3A_816 : vector<16xi1>
    %and3A_818 = arith.andi %ne3A_817, %ne3A_809 : vector<16xi1>
    %add3A_819 = vector.broadcast %select_n3A_804 : i32 to vector<16xi32>
    %add3A_820 = arith.addi %rem3A_806, %add3A_819 : vector<16xi32>
    %select_n3A_821 = arith.select %and3A_818, %add3A_820, %rem3A_806 : vector<16xi1>, vector<16xi32>
    tpu.vector_store_idx %arg13[%broadcast_in_dim3A_768, %select_n3A_799, %select_n3A_821], %broadcast_in_dim3A_1 : memref<2x80x8xf32, #tpu.memory_space<vmem>>[vector<16xi32>, vector<16xi32>, vector<16xi32>], vector<16xf32>,
    %iota3A_822 = tpu.iota {dimensions = array<i32: 0>} : vector<16xi32>
    %add3A_823 = arith.constant 224 : i32
    %add3A_824 = vector.broadcast %add3A_823 : i32 to vector<16xi32>
    %add3A_825 = arith.addi %iota3A_822, %add3A_824 : vector<16xi32>
    %broadcast_in_dim3A_826 = arith.constant 0 : i32
    %broadcast_in_dim3A_827 = vector.broadcast %broadcast_in_dim3A_826 : i32 to vector<16xi32>
    %jit3A_828 = arith.constant 8 : i32
    %div3A_829 = vector.broadcast %jit3A_828 : i32 to vector<16xi32>
    %div3A_830 = arith.divsi %add3A_825, %div3A_829 : vector<16xi32>
    %sign3A_831 = arith.constant 0 : i32
    %sign3A_832 = vector.broadcast %sign3A_831 : i32 to vector<16xi32>
    %sign3A_833 = arith.cmpi sgt, %add3A_825, %sign3A_832 : vector<16xi32>
    %sign3A_834 = arith.extui %sign3A_833 : vector<16xi1> to vector<16xi32>
    %sign3A_835 = arith.constant 0 : i32
    %sign3A_836 = vector.broadcast %sign3A_835 : i32 to vector<16xi32>
    %sign3A_837 = arith.cmpi slt, %add3A_825, %sign3A_836 : vector<16xi32>
    %sign3A_838 = arith.extui %sign3A_837 : vector<16xi1> to vector<16xi32>
    %sign3A_839 = arith.subi %sign3A_834, %sign3A_838 : vector<16xi32>
    %sign3A_840 = arith.constant 0 : i32
    %sign3A_841 = arith.cmpi sgt, %jit3A_828, %sign3A_840 : i32
    %sign3A_842 = arith.extui %sign3A_841 : i1 to i32
    %sign3A_843 = arith.constant 0 : i32
    %sign3A_844 = arith.cmpi slt, %jit3A_828, %sign3A_843 : i32
    %sign3A_845 = arith.extui %sign3A_844 : i1 to i32
    %sign3A_846 = arith.subi %sign3A_842, %sign3A_845 : i32
    %ne3A_847 = vector.broadcast %sign3A_846 : i32 to vector<16xi32>
    %ne3A_848 = arith.cmpi ne, %sign3A_839, %ne3A_847 : vector<16xi32>
    %rem3A_849 = vector.broadcast %jit3A_828 : i32 to vector<16xi32>
    %rem3A_850 = arith.remsi %add3A_825, %rem3A_849 : vector<16xi32>
    %ne3A_851 = arith.constant 0 : i32
    %ne3A_852 = vector.broadcast %ne3A_851 : i32 to vector<16xi32>
    %ne3A_853 = arith.cmpi ne, %rem3A_850, %ne3A_852 : vector<16xi32>
    %and3A_854 = arith.andi %ne3A_848, %ne3A_853 : vector<16xi1>
    %sub3A_855 = arith.constant 1 : i32
    %sub3A_856 = vector.broadcast %sub3A_855 : i32 to vector<16xi32>
    %sub3A_857 = arith.subi %div3A_830, %sub3A_856 : vector<16xi32>
    %select_n3A_858 = arith.select %and3A_854, %sub3A_857, %div3A_830 : vector<16xi1>, vector<16xi32>
    %jit3A_859 = arith.constant 8 : i32
    %eq3A_860 = arith.constant 0 : i32
    %eq3A_861 = arith.cmpi eq, %jit3A_859, %eq3A_860 : i32
    %jit3A_862 = arith.constant 1 : i32
    %select_n3A_863 = arith.select %eq3A_861, %jit3A_862, %jit3A_859 : i32
    %rem3A_864 = vector.broadcast %select_n3A_863 : i32 to vector<16xi32>
    %rem3A_865 = arith.remsi %add3A_825, %rem3A_864 : vector<16xi32>
    %ne3A_866 = arith.constant 0 : i32
    %ne3A_867 = vector.broadcast %ne3A_866 : i32 to vector<16xi32>
    %ne3A_868 = arith.cmpi ne, %rem3A_865, %ne3A_867 : vector<16xi32>
    %lt3A_869 = arith.constant 0 : i32
    %lt3A_870 = vector.broadcast %lt3A_869 : i32 to vector<16xi32>
    %lt3A_871 = arith.cmpi slt, %rem3A_865, %lt3A_870 : vector<16xi32>
    %lt3A_872 = arith.constant 0 : i32
    %lt3A_873 = arith.cmpi slt, %select_n3A_863, %lt3A_872 : i32
    %ne3A_874 = vector.broadcast %lt3A_873 : i1 to vector<16xi1>
    %ne3A_875 = vector.broadcast %ne3A_874 : vector<16xi1> to vector<16xi1>
    %ne3A_876 = arith.xori %lt3A_871, %ne3A_875 : vector<16xi1>
    %and3A_877 = arith.andi %ne3A_876, %ne3A_868 : vector<16xi1>
    %add3A_878 = vector.broadcast %select_n3A_863 : i32 to vector<16xi32>
    %add3A_879 = arith.addi %rem3A_865, %add3A_878 : vector<16xi32>
    %select_n3A_880 = arith.select %and3A_877, %add3A_879, %rem3A_865 : vector<16xi1>, vector<16xi32>
    tpu.vector_store_idx %arg13[%broadcast_in_dim3A_827, %select_n3A_858, %select_n3A_880], %broadcast_in_dim3A_1 : memref<2x80x8xf32, #tpu.memory_space<vmem>>[vector<16xi32>, vector<16xi32>, vector<16xi32>], vector<16xf32>,
    %iota3A_881 = tpu.iota {dimensions = array<i32: 0>} : vector<16xi32>
    %add3A_882 = arith.constant 240 : i32
    %add3A_883 = vector.broadcast %add3A_882 : i32 to vector<16xi32>
    %add3A_884 = arith.addi %iota3A_881, %add3A_883 : vector<16xi32>
    %broadcast_in_dim3A_885 = arith.constant 0 : i32
    %broadcast_in_dim3A_886 = vector.broadcast %broadcast_in_dim3A_885 : i32 to vector<16xi32>
    %jit3A_887 = arith.constant 8 : i32
    %div3A_888 = vector.broadcast %jit3A_887 : i32 to vector<16xi32>
    %div3A_889 = arith.divsi %add3A_884, %div3A_888 : vector<16xi32>
    %sign3A_890 = arith.constant 0 : i32
    %sign3A_891 = vector.broadcast %sign3A_890 : i32 to vector<16xi32>
    %sign3A_892 = arith.cmpi sgt, %add3A_884, %sign3A_891 : vector<16xi32>
    %sign3A_893 = arith.extui %sign3A_892 : vector<16xi1> to vector<16xi32>
    %sign3A_894 = arith.constant 0 : i32
    %sign3A_895 = vector.broadcast %sign3A_894 : i32 to vector<16xi32>
    %sign3A_896 = arith.cmpi slt, %add3A_884, %sign3A_895 : vector<16xi32>
    %sign3A_897 = arith.extui %sign3A_896 : vector<16xi1> to vector<16xi32>
    %sign3A_898 = arith.subi %sign3A_893, %sign3A_897 : vector<16xi32>
    %sign3A_899 = arith.constant 0 : i32
    %sign3A_900 = arith.cmpi sgt, %jit3A_887, %sign3A_899 : i32
    %sign3A_901 = arith.extui %sign3A_900 : i1 to i32
    %sign3A_902 = arith.constant 0 : i32
    %sign3A_903 = arith.cmpi slt, %jit3A_887, %sign3A_902 : i32
    %sign3A_904 = arith.extui %sign3A_903 : i1 to i32
    %sign3A_905 = arith.subi %sign3A_901, %sign3A_904 : i32
    %ne3A_906 = vector.broadcast %sign3A_905 : i32 to vector<16xi32>
    %ne3A_907 = arith.cmpi ne, %sign3A_898, %ne3A_906 : vector<16xi32>
    %rem3A_908 = vector.broadcast %jit3A_887 : i32 to vector<16xi32>
    %rem3A_909 = arith.remsi %add3A_884, %rem3A_908 : vector<16xi32>
    %ne3A_910 = arith.constant 0 : i32
    %ne3A_911 = vector.broadcast %ne3A_910 : i32 to vector<16xi32>
    %ne3A_912 = arith.cmpi ne, %rem3A_909, %ne3A_911 : vector<16xi32>
    %and3A_913 = arith.andi %ne3A_907, %ne3A_912 : vector<16xi1>
    %sub3A_914 = arith.constant 1 : i32
    %sub3A_915 = vector.broadcast %sub3A_914 : i32 to vector<16xi32>
    %sub3A_916 = arith.subi %div3A_889, %sub3A_915 : vector<16xi32>
    %select_n3A_917 = arith.select %and3A_913, %sub3A_916, %div3A_889 : vector<16xi1>, vector<16xi32>
    %jit3A_918 = arith.constant 8 : i32
    %eq3A_919 = arith.constant 0 : i32
    %eq3A_920 = arith.cmpi eq, %jit3A_918, %eq3A_919 : i32
    %jit3A_921 = arith.constant 1 : i32
    %select_n3A_922 = arith.select %eq3A_920, %jit3A_921, %jit3A_918 : i32
    %rem3A_923 = vector.broadcast %select_n3A_922 : i32 to vector<16xi32>
    %rem3A_924 = arith.remsi %add3A_884, %rem3A_923 : vector<16xi32>
    %ne3A_925 = arith.constant 0 : i32
    %ne3A_926 = vector.broadcast %ne3A_925 : i32 to vector<16xi32>
    %ne3A_927 = arith.cmpi ne, %rem3A_924, %ne3A_926 : vector<16xi32>
    %lt3A_928 = arith.constant 0 : i32
    %lt3A_929 = vector.broadcast %lt3A_928 : i32 to vector<16xi32>
    %lt3A_930 = arith.cmpi slt, %rem3A_924, %lt3A_929 : vector<16xi32>
    %lt3A_931 = arith.constant 0 : i32
    %lt3A_932 = arith.cmpi slt, %select_n3A_922, %lt3A_931 : i32
    %ne3A_933 = vector.broadcast %lt3A_932 : i1 to vector<16xi1>
    %ne3A_934 = vector.broadcast %ne3A_933 : vector<16xi1> to vector<16xi1>
    %ne3A_935 = arith.xori %lt3A_930, %ne3A_934 : vector<16xi1>
    %and3A_936 = arith.andi %ne3A_935, %ne3A_927 : vector<16xi1>
    %add3A_937 = vector.broadcast %select_n3A_922 : i32 to vector<16xi32>
    %add3A_938 = arith.addi %rem3A_924, %add3A_937 : vector<16xi32>
    %select_n3A_939 = arith.select %and3A_936, %add3A_938, %rem3A_924 : vector<16xi1>, vector<16xi32>
    tpu.vector_store_idx %arg13[%broadcast_in_dim3A_886, %select_n3A_917, %select_n3A_939], %broadcast_in_dim3A_1 : memref<2x80x8xf32, #tpu.memory_space<vmem>>[vector<16xi32>, vector<16xi32>, vector<16xi32>], vector<16xf32>,
    %iota3A_940 = tpu.iota {dimensions = array<i32: 0>} : vector<16xi32>
    %add3A_941 = arith.constant 256 : i32
    %add3A_942 = vector.broadcast %add3A_941 : i32 to vector<16xi32>
    %add3A_943 = arith.addi %iota3A_940, %add3A_942 : vector<16xi32>
    %broadcast_in_dim3A_944 = arith.constant 0 : i32
    %broadcast_in_dim3A_945 = vector.broadcast %broadcast_in_dim3A_944 : i32 to vector<16xi32>
    %jit3A_946 = arith.constant 8 : i32
    %div3A_947 = vector.broadcast %jit3A_946 : i32 to vector<16xi32>
    %div3A_948 = arith.divsi %add3A_943, %div3A_947 : vector<16xi32>
    %sign3A_949 = arith.constant 0 : i32
    %sign3A_950 = vector.broadcast %sign3A_949 : i32 to vector<16xi32>
    %sign3A_951 = arith.cmpi sgt, %add3A_943, %sign3A_950 : vector<16xi32>
    %sign3A_952 = arith.extui %sign3A_951 : vector<16xi1> to vector<16xi32>
    %sign3A_953 = arith.constant 0 : i32
    %sign3A_954 = vector.broadcast %sign3A_953 : i32 to vector<16xi32>
    %sign3A_955 = arith.cmpi slt, %add3A_943, %sign3A_954 : vector<16xi32>
    %sign3A_956 = arith.extui %sign3A_955 : vector<16xi1> to vector<16xi32>
    %sign3A_957 = arith.subi %sign3A_952, %sign3A_956 : vector<16xi32>
    %sign3A_958 = arith.constant 0 : i32
    %sign3A_959 = arith.cmpi sgt, %jit3A_946, %sign3A_958 : i32
    %sign3A_960 = arith.extui %sign3A_959 : i1 to i32
    %sign3A_961 = arith.constant 0 : i32
    %sign3A_962 = arith.cmpi slt, %jit3A_946, %sign3A_961 : i32
    %sign3A_963 = arith.extui %sign3A_962 : i1 to i32
    %sign3A_964 = arith.subi %sign3A_960, %sign3A_963 : i32
    %ne3A_965 = vector.broadcast %sign3A_964 : i32 to vector<16xi32>
    %ne3A_966 = arith.cmpi ne, %sign3A_957, %ne3A_965 : vector<16xi32>
    %rem3A_967 = vector.broadcast %jit3A_946 : i32 to vector<16xi32>
    %rem3A_968 = arith.remsi %add3A_943, %rem3A_967 : vector<16xi32>
    %ne3A_969 = arith.constant 0 : i32
    %ne3A_970 = vector.broadcast %ne3A_969 : i32 to vector<16xi32>
    %ne3A_971 = arith.cmpi ne, %rem3A_968, %ne3A_970 : vector<16xi32>
    %and3A_972 = arith.andi %ne3A_966, %ne3A_971 : vector<16xi1>
    %sub3A_973 = arith.constant 1 : i32
    %sub3A_974 = vector.broadcast %sub3A_973 : i32 to vector<16xi32>
    %sub3A_975 = arith.subi %div3A_948, %sub3A_974 : vector<16xi32>
    %select_n3A_976 = arith.select %and3A_972, %sub3A_975, %div3A_948 : vector<16xi1>, vector<16xi32>
    %jit3A_977 = arith.constant 8 : i32
    %eq3A_978 = arith.constant 0 : i32
    %eq3A_979 = arith.cmpi eq, %jit3A_977, %eq3A_978 : i32
    %jit3A_980 = arith.constant 1 : i32
    %select_n3A_981 = arith.select %eq3A_979, %jit3A_980, %jit3A_977 : i32
    %rem3A_982 = vector.broadcast %select_n3A_981 : i32 to vector<16xi32>
    %rem3A_983 = arith.remsi %add3A_943, %rem3A_982 : vector<16xi32>
    %ne3A_984 = arith.constant 0 : i32
    %ne3A_985 = vector.broadcast %ne3A_984 : i32 to vector<16xi32>
    %ne3A_986 = arith.cmpi ne, %rem3A_983, %ne3A_985 : vector<16xi32>
    %lt3A_987 = arith.constant 0 : i32
    %lt3A_988 = vector.broadcast %lt3A_987 : i32 to vector<16xi32>
    %lt3A_989 = arith.cmpi slt, %rem3A_983, %lt3A_988 : vector<16xi32>
    %lt3A_990 = arith.constant 0 : i32
    %lt3A_991 = arith.cmpi slt, %select_n3A_981, %lt3A_990 : i32
    %ne3A_992 = vector.broadcast %lt3A_991 : i1 to vector<16xi1>
    %ne3A_993 = vector.broadcast %ne3A_992 : vector<16xi1> to vector<16xi1>
    %ne3A_994 = arith.xori %lt3A_989, %ne3A_993 : vector<16xi1>
    %and3A_995 = arith.andi %ne3A_994, %ne3A_986 : vector<16xi1>
    %add3A_996 = vector.broadcast %select_n3A_981 : i32 to vector<16xi32>
    %add3A_997 = arith.addi %rem3A_983, %add3A_996 : vector<16xi32>
    %select_n3A_998 = arith.select %and3A_995, %add3A_997, %rem3A_983 : vector<16xi1>, vector<16xi32>
    tpu.vector_store_idx %arg13[%broadcast_in_dim3A_945, %select_n3A_976, %select_n3A_998], %broadcast_in_dim3A_1 : memref<2x80x8xf32, #tpu.memory_space<vmem>>[vector<16xi32>, vector<16xi32>, vector<16xi32>], vector<16xf32>,
    %iota3A_999 = tpu.iota {dimensions = array<i32: 0>} : vector<16xi32>
    %add3A_1000 = arith.constant 272 : i32
    %add3A_1001 = vector.broadcast %add3A_1000 : i32 to vector<16xi32>
    %add3A_1002 = arith.addi %iota3A_999, %add3A_1001 : vector<16xi32>
    %broadcast_in_dim3A_1003 = arith.constant 0 : i32
    %broadcast_in_dim3A_1004 = vector.broadcast %broadcast_in_dim3A_1003 : i32 to vector<16xi32>
    %jit3A_1005 = arith.constant 8 : i32
    %div3A_1006 = vector.broadcast %jit3A_1005 : i32 to vector<16xi32>
    %div3A_1007 = arith.divsi %add3A_1002, %div3A_1006 : vector<16xi32>
    %sign3A_1008 = arith.constant 0 : i32
    %sign3A_1009 = vector.broadcast %sign3A_1008 : i32 to vector<16xi32>
    %sign3A_1010 = arith.cmpi sgt, %add3A_1002, %sign3A_1009 : vector<16xi32>
    %sign3A_1011 = arith.extui %sign3A_1010 : vector<16xi1> to vector<16xi32>
    %sign3A_1012 = arith.constant 0 : i32
    %sign3A_1013 = vector.broadcast %sign3A_1012 : i32 to vector<16xi32>
    %sign3A_1014 = arith.cmpi slt, %add3A_1002, %sign3A_1013 : vector<16xi32>
    %sign3A_1015 = arith.extui %sign3A_1014 : vector<16xi1> to vector<16xi32>
    %sign3A_1016 = arith.subi %sign3A_1011, %sign3A_1015 : vector<16xi32>
    %sign3A_1017 = arith.constant 0 : i32
    %sign3A_1018 = arith.cmpi sgt, %jit3A_1005, %sign3A_1017 : i32
    %sign3A_1019 = arith.extui %sign3A_1018 : i1 to i32
    %sign3A_1020 = arith.constant 0 : i32
    %sign3A_1021 = arith.cmpi slt, %jit3A_1005, %sign3A_1020 : i32
    %sign3A_1022 = arith.extui %sign3A_1021 : i1 to i32
    %sign3A_1023 = arith.subi %sign3A_1019, %sign3A_1022 : i32
    %ne3A_1024 = vector.broadcast %sign3A_1023 : i32 to vector<16xi32>
    %ne3A_1025 = arith.cmpi ne, %sign3A_1016, %ne3A_1024 : vector<16xi32>
    %rem3A_1026 = vector.broadcast %jit3A_1005 : i32 to vector<16xi32>
    %rem3A_1027 = arith.remsi %add3A_1002, %rem3A_1026 : vector<16xi32>
    %ne3A_1028 = arith.constant 0 : i32
    %ne3A_1029 = vector.broadcast %ne3A_1028 : i32 to vector<16xi32>
    %ne3A_1030 = arith.cmpi ne, %rem3A_1027, %ne3A_1029 : vector<16xi32>
    %and3A_1031 = arith.andi %ne3A_1025, %ne3A_1030 : vector<16xi1>
    %sub3A_1032 = arith.constant 1 : i32
    %sub3A_1033 = vector.broadcast %sub3A_1032 : i32 to vector<16xi32>
    %sub3A_1034 = arith.subi %div3A_1007, %sub3A_1033 : vector<16xi32>
    %select_n3A_1035 = arith.select %and3A_1031, %sub3A_1034, %div3A_1007 : vector<16xi1>, vector<16xi32>
    %jit3A_1036 = arith.constant 8 : i32
    %eq3A_1037 = arith.constant 0 : i32
    %eq3A_1038 = arith.cmpi eq, %jit3A_1036, %eq3A_1037 : i32
    %jit3A_1039 = arith.constant 1 : i32
    %select_n3A_1040 = arith.select %eq3A_1038, %jit3A_1039, %jit3A_1036 : i32
    %rem3A_1041 = vector.broadcast %select_n3A_1040 : i32 to vector<16xi32>
    %rem3A_1042 = arith.remsi %add3A_1002, %rem3A_1041 : vector<16xi32>
    %ne3A_1043 = arith.constant 0 : i32
    %ne3A_1044 = vector.broadcast %ne3A_1043 : i32 to vector<16xi32>
    %ne3A_1045 = arith.cmpi ne, %rem3A_1042, %ne3A_1044 : vector<16xi32>
    %lt3A_1046 = arith.constant 0 : i32
    %lt3A_1047 = vector.broadcast %lt3A_1046 : i32 to vector<16xi32>
    %lt3A_1048 = arith.cmpi slt, %rem3A_1042, %lt3A_1047 : vector<16xi32>
    %lt3A_1049 = arith.constant 0 : i32
    %lt3A_1050 = arith.cmpi slt, %select_n3A_1040, %lt3A_1049 : i32
    %ne3A_1051 = vector.broadcast %lt3A_1050 : i1 to vector<16xi1>
    %ne3A_1052 = vector.broadcast %ne3A_1051 : vector<16xi1> to vector<16xi1>
    %ne3A_1053 = arith.xori %lt3A_1048, %ne3A_1052 : vector<16xi1>
    %and3A_1054 = arith.andi %ne3A_1053, %ne3A_1045 : vector<16xi1>
    %add3A_1055 = vector.broadcast %select_n3A_1040 : i32 to vector<16xi32>
    %add3A_1056 = arith.addi %rem3A_1042, %add3A_1055 : vector<16xi32>
    %select_n3A_1057 = arith.select %and3A_1054, %add3A_1056, %rem3A_1042 : vector<16xi1>, vector<16xi32>
    tpu.vector_store_idx %arg13[%broadcast_in_dim3A_1004, %select_n3A_1035, %select_n3A_1057], %broadcast_in_dim3A_1 : memref<2x80x8xf32, #tpu.memory_space<vmem>>[vector<16xi32>, vector<16xi32>, vector<16xi32>], vector<16xf32>,
    %iota3A_1058 = tpu.iota {dimensions = array<i32: 0>} : vector<16xi32>
    %add3A_1059 = arith.constant 288 : i32
    %add3A_1060 = vector.broadcast %add3A_1059 : i32 to vector<16xi32>
    %add3A_1061 = arith.addi %iota3A_1058, %add3A_1060 : vector<16xi32>
    %broadcast_in_dim3A_1062 = arith.constant 0 : i32
    %broadcast_in_dim3A_1063 = vector.broadcast %broadcast_in_dim3A_1062 : i32 to vector<16xi32>
    %jit3A_1064 = arith.constant 8 : i32
    %div3A_1065 = vector.broadcast %jit3A_1064 : i32 to vector<16xi32>
    %div3A_1066 = arith.divsi %add3A_1061, %div3A_1065 : vector<16xi32>
    %sign3A_1067 = arith.constant 0 : i32
    %sign3A_1068 = vector.broadcast %sign3A_1067 : i32 to vector<16xi32>
    %sign3A_1069 = arith.cmpi sgt, %add3A_1061, %sign3A_1068 : vector<16xi32>
    %sign3A_1070 = arith.extui %sign3A_1069 : vector<16xi1> to vector<16xi32>
    %sign3A_1071 = arith.constant 0 : i32
    %sign3A_1072 = vector.broadcast %sign3A_1071 : i32 to vector<16xi32>
    %sign3A_1073 = arith.cmpi slt, %add3A_1061, %sign3A_1072 : vector<16xi32>
    %sign3A_1074 = arith.extui %sign3A_1073 : vector<16xi1> to vector<16xi32>
    %sign3A_1075 = arith.subi %sign3A_1070, %sign3A_1074 : vector<16xi32>
    %sign3A_1076 = arith.constant 0 : i32
    %sign3A_1077 = arith.cmpi sgt, %jit3A_1064, %sign3A_1076 : i32
    %sign3A_1078 = arith.extui %sign3A_1077 : i1 to i32
    %sign3A_1079 = arith.constant 0 : i32
    %sign3A_1080 = arith.cmpi slt, %jit3A_1064, %sign3A_1079 : i32
    %sign3A_1081 = arith.extui %sign3A_1080 : i1 to i32
    %sign3A_1082 = arith.subi %sign3A_1078, %sign3A_1081 : i32
    %ne3A_1083 = vector.broadcast %sign3A_1082 : i32 to vector<16xi32>
    %ne3A_1084 = arith.cmpi ne, %sign3A_1075, %ne3A_1083 : vector<16xi32>
    %rem3A_1085 = vector.broadcast %jit3A_1064 : i32 to vector<16xi32>
    %rem3A_1086 = arith.remsi %add3A_1061, %rem3A_1085 : vector<16xi32>
    %ne3A_1087 = arith.constant 0 : i32
    %ne3A_1088 = vector.broadcast %ne3A_1087 : i32 to vector<16xi32>
    %ne3A_1089 = arith.cmpi ne, %rem3A_1086, %ne3A_1088 : vector<16xi32>
    %and3A_1090 = arith.andi %ne3A_1084, %ne3A_1089 : vector<16xi1>
    %sub3A_1091 = arith.constant 1 : i32
    %sub3A_1092 = vector.broadcast %sub3A_1091 : i32 to vector<16xi32>
    %sub3A_1093 = arith.subi %div3A_1066, %sub3A_1092 : vector<16xi32>
    %select_n3A_1094 = arith.select %and3A_1090, %sub3A_1093, %div3A_1066 : vector<16xi1>, vector<16xi32>
    %jit3A_1095 = arith.constant 8 : i32
    %eq3A_1096 = arith.constant 0 : i32
    %eq3A_1097 = arith.cmpi eq, %jit3A_1095, %eq3A_1096 : i32
    %jit3A_1098 = arith.constant 1 : i32
    %select_n3A_1099 = arith.select %eq3A_1097, %jit3A_1098, %jit3A_1095 : i32
    %rem3A_1100 = vector.broadcast %select_n3A_1099 : i32 to vector<16xi32>
    %rem3A_1101 = arith.remsi %add3A_1061, %rem3A_1100 : vector<16xi32>
    %ne3A_1102 = arith.constant 0 : i32
    %ne3A_1103 = vector.broadcast %ne3A_1102 : i32 to vector<16xi32>
    %ne3A_1104 = arith.cmpi ne, %rem3A_1101, %ne3A_1103 : vector<16xi32>
    %lt3A_1105 = arith.constant 0 : i32
    %lt3A_1106 = vector.broadcast %lt3A_1105 : i32 to vector<16xi32>
    %lt3A_1107 = arith.cmpi slt, %rem3A_1101, %lt3A_1106 : vector<16xi32>
    %lt3A_1108 = arith.constant 0 : i32
    %lt3A_1109 = arith.cmpi slt, %select_n3A_1099, %lt3A_1108 : i32
    %ne3A_1110 = vector.broadcast %lt3A_1109 : i1 to vector<16xi1>
    %ne3A_1111 = vector.broadcast %ne3A_1110 : vector<16xi1> to vector<16xi1>
    %ne3A_1112 = arith.xori %lt3A_1107, %ne3A_1111 : vector<16xi1>
    %and3A_1113 = arith.andi %ne3A_1112, %ne3A_1104 : vector<16xi1>
    %add3A_1114 = vector.broadcast %select_n3A_1099 : i32 to vector<16xi32>
    %add3A_1115 = arith.addi %rem3A_1101, %add3A_1114 : vector<16xi32>
    %select_n3A_1116 = arith.select %and3A_1113, %add3A_1115, %rem3A_1101 : vector<16xi1>, vector<16xi32>
    tpu.vector_store_idx %arg13[%broadcast_in_dim3A_1063, %select_n3A_1094, %select_n3A_1116], %broadcast_in_dim3A_1 : memref<2x80x8xf32, #tpu.memory_space<vmem>>[vector<16xi32>, vector<16xi32>, vector<16xi32>], vector<16xf32>,
    %iota3A_1117 = tpu.iota {dimensions = array<i32: 0>} : vector<16xi32>
    %add3A_1118 = arith.constant 304 : i32
    %add3A_1119 = vector.broadcast %add3A_1118 : i32 to vector<16xi32>
    %add3A_1120 = arith.addi %iota3A_1117, %add3A_1119 : vector<16xi32>
    %broadcast_in_dim3A_1121 = arith.constant 0 : i32
    %broadcast_in_dim3A_1122 = vector.broadcast %broadcast_in_dim3A_1121 : i32 to vector<16xi32>
    %jit3A_1123 = arith.constant 8 : i32
    %div3A_1124 = vector.broadcast %jit3A_1123 : i32 to vector<16xi32>
    %div3A_1125 = arith.divsi %add3A_1120, %div3A_1124 : vector<16xi32>
    %sign3A_1126 = arith.constant 0 : i32
    %sign3A_1127 = vector.broadcast %sign3A_1126 : i32 to vector<16xi32>
    %sign3A_1128 = arith.cmpi sgt, %add3A_1120, %sign3A_1127 : vector<16xi32>
    %sign3A_1129 = arith.extui %sign3A_1128 : vector<16xi1> to vector<16xi32>
    %sign3A_1130 = arith.constant 0 : i32
    %sign3A_1131 = vector.broadcast %sign3A_1130 : i32 to vector<16xi32>
    %sign3A_1132 = arith.cmpi slt, %add3A_1120, %sign3A_1131 : vector<16xi32>
    %sign3A_1133 = arith.extui %sign3A_1132 : vector<16xi1> to vector<16xi32>
    %sign3A_1134 = arith.subi %sign3A_1129, %sign3A_1133 : vector<16xi32>
    %sign3A_1135 = arith.constant 0 : i32
    %sign3A_1136 = arith.cmpi sgt, %jit3A_1123, %sign3A_1135 : i32
    %sign3A_1137 = arith.extui %sign3A_1136 : i1 to i32
    %sign3A_1138 = arith.constant 0 : i32
    %sign3A_1139 = arith.cmpi slt, %jit3A_1123, %sign3A_1138 : i32
    %sign3A_1140 = arith.extui %sign3A_1139 : i1 to i32
    %sign3A_1141 = arith.subi %sign3A_1137, %sign3A_1140 : i32
    %ne3A_1142 = vector.broadcast %sign3A_1141 : i32 to vector<16xi32>
    %ne3A_1143 = arith.cmpi ne, %sign3A_1134, %ne3A_1142 : vector<16xi32>
    %rem3A_1144 = vector.broadcast %jit3A_1123 : i32 to vector<16xi32>
    %rem3A_1145 = arith.remsi %add3A_1120, %rem3A_1144 : vector<16xi32>
    %ne3A_1146 = arith.constant 0 : i32
    %ne3A_1147 = vector.broadcast %ne3A_1146 : i32 to vector<16xi32>
    %ne3A_1148 = arith.cmpi ne, %rem3A_1145, %ne3A_1147 : vector<16xi32>
    %and3A_1149 = arith.andi %ne3A_1143, %ne3A_1148 : vector<16xi1>
    %sub3A_1150 = arith.constant 1 : i32
    %sub3A_1151 = vector.broadcast %sub3A_1150 : i32 to vector<16xi32>
    %sub3A_1152 = arith.subi %div3A_1125, %sub3A_1151 : vector<16xi32>
    %select_n3A_1153 = arith.select %and3A_1149, %sub3A_1152, %div3A_1125 : vector<16xi1>, vector<16xi32>
    %jit3A_1154 = arith.constant 8 : i32
    %eq3A_1155 = arith.constant 0 : i32
    %eq3A_1156 = arith.cmpi eq, %jit3A_1154, %eq3A_1155 : i32
    %jit3A_1157 = arith.constant 1 : i32
    %select_n3A_1158 = arith.select %eq3A_1156, %jit3A_1157, %jit3A_1154 : i32
    %rem3A_1159 = vector.broadcast %select_n3A_1158 : i32 to vector<16xi32>
    %rem3A_1160 = arith.remsi %add3A_1120, %rem3A_1159 : vector<16xi32>
    %ne3A_1161 = arith.constant 0 : i32
    %ne3A_1162 = vector.broadcast %ne3A_1161 : i32 to vector<16xi32>
    %ne3A_1163 = arith.cmpi ne, %rem3A_1160, %ne3A_1162 : vector<16xi32>
    %lt3A_1164 = arith.constant 0 : i32
    %lt3A_1165 = vector.broadcast %lt3A_1164 : i32 to vector<16xi32>
    %lt3A_1166 = arith.cmpi slt, %rem3A_1160, %lt3A_1165 : vector<16xi32>
    %lt3A_1167 = arith.constant 0 : i32
    %lt3A_1168 = arith.cmpi slt, %select_n3A_1158, %lt3A_1167 : i32
    %ne3A_1169 = vector.broadcast %lt3A_1168 : i1 to vector<16xi1>
    %ne3A_1170 = vector.broadcast %ne3A_1169 : vector<16xi1> to vector<16xi1>
    %ne3A_1171 = arith.xori %lt3A_1166, %ne3A_1170 : vector<16xi1>
    %and3A_1172 = arith.andi %ne3A_1171, %ne3A_1163 : vector<16xi1>
    %add3A_1173 = vector.broadcast %select_n3A_1158 : i32 to vector<16xi32>
    %add3A_1174 = arith.addi %rem3A_1160, %add3A_1173 : vector<16xi32>
    %select_n3A_1175 = arith.select %and3A_1172, %add3A_1174, %rem3A_1160 : vector<16xi1>, vector<16xi32>
    tpu.vector_store_idx %arg13[%broadcast_in_dim3A_1122, %select_n3A_1153, %select_n3A_1175], %broadcast_in_dim3A_1 : memref<2x80x8xf32, #tpu.memory_space<vmem>>[vector<16xi32>, vector<16xi32>, vector<16xi32>], vector<16xf32>,
    %iota3A_1176 = tpu.iota {dimensions = array<i32: 0>} : vector<16xi32>
    %add3A_1177 = arith.constant 320 : i32
    %add3A_1178 = vector.broadcast %add3A_1177 : i32 to vector<16xi32>
    %add3A_1179 = arith.addi %iota3A_1176, %add3A_1178 : vector<16xi32>
    %broadcast_in_dim3A_1180 = arith.constant 0 : i32
    %broadcast_in_dim3A_1181 = vector.broadcast %broadcast_in_dim3A_1180 : i32 to vector<16xi32>
    %jit3A_1182 = arith.constant 8 : i32
    %div3A_1183 = vector.broadcast %jit3A_1182 : i32 to vector<16xi32>
    %div3A_1184 = arith.divsi %add3A_1179, %div3A_1183 : vector<16xi32>
    %sign3A_1185 = arith.constant 0 : i32
    %sign3A_1186 = vector.broadcast %sign3A_1185 : i32 to vector<16xi32>
    %sign3A_1187 = arith.cmpi sgt, %add3A_1179, %sign3A_1186 : vector<16xi32>
    %sign3A_1188 = arith.extui %sign3A_1187 : vector<16xi1> to vector<16xi32>
    %sign3A_1189 = arith.constant 0 : i32
    %sign3A_1190 = vector.broadcast %sign3A_1189 : i32 to vector<16xi32>
    %sign3A_1191 = arith.cmpi slt, %add3A_1179, %sign3A_1190 : vector<16xi32>
    %sign3A_1192 = arith.extui %sign3A_1191 : vector<16xi1> to vector<16xi32>
    %sign3A_1193 = arith.subi %sign3A_1188, %sign3A_1192 : vector<16xi32>
    %sign3A_1194 = arith.constant 0 : i32
    %sign3A_1195 = arith.cmpi sgt, %jit3A_1182, %sign3A_1194 : i32
    %sign3A_1196 = arith.extui %sign3A_1195 : i1 to i32
    %sign3A_1197 = arith.constant 0 : i32
    %sign3A_1198 = arith.cmpi slt, %jit3A_1182, %sign3A_1197 : i32
    %sign3A_1199 = arith.extui %sign3A_1198 : i1 to i32
    %sign3A_1200 = arith.subi %sign3A_1196, %sign3A_1199 : i32
    %ne3A_1201 = vector.broadcast %sign3A_1200 : i32 to vector<16xi32>
    %ne3A_1202 = arith.cmpi ne, %sign3A_1193, %ne3A_1201 : vector<16xi32>
    %rem3A_1203 = vector.broadcast %jit3A_1182 : i32 to vector<16xi32>
    %rem3A_1204 = arith.remsi %add3A_1179, %rem3A_1203 : vector<16xi32>
    %ne3A_1205 = arith.constant 0 : i32
    %ne3A_1206 = vector.broadcast %ne3A_1205 : i32 to vector<16xi32>
    %ne3A_1207 = arith.cmpi ne, %rem3A_1204, %ne3A_1206 : vector<16xi32>
    %and3A_1208 = arith.andi %ne3A_1202, %ne3A_1207 : vector<16xi1>
    %sub3A_1209 = arith.constant 1 : i32
    %sub3A_1210 = vector.broadcast %sub3A_1209 : i32 to vector<16xi32>
    %sub3A_1211 = arith.subi %div3A_1184, %sub3A_1210 : vector<16xi32>
    %select_n3A_1212 = arith.select %and3A_1208, %sub3A_1211, %div3A_1184 : vector<16xi1>, vector<16xi32>
    %jit3A_1213 = arith.constant 8 : i32
    %eq3A_1214 = arith.constant 0 : i32
    %eq3A_1215 = arith.cmpi eq, %jit3A_1213, %eq3A_1214 : i32
    %jit3A_1216 = arith.constant 1 : i32
    %select_n3A_1217 = arith.select %eq3A_1215, %jit3A_1216, %jit3A_1213 : i32
    %rem3A_1218 = vector.broadcast %select_n3A_1217 : i32 to vector<16xi32>
    %rem3A_1219 = arith.remsi %add3A_1179, %rem3A_1218 : vector<16xi32>
    %ne3A_1220 = arith.constant 0 : i32
    %ne3A_1221 = vector.broadcast %ne3A_1220 : i32 to vector<16xi32>
    %ne3A_1222 = arith.cmpi ne, %rem3A_1219, %ne3A_1221 : vector<16xi32>
    %lt3A_1223 = arith.constant 0 : i32
    %lt3A_1224 = vector.broadcast %lt3A_1223 : i32 to vector<16xi32>
    %lt3A_1225 = arith.cmpi slt, %rem3A_1219, %lt3A_1224 : vector<16xi32>
    %lt3A_1226 = arith.constant 0 : i32
    %lt3A_1227 = arith.cmpi slt, %select_n3A_1217, %lt3A_1226 : i32
    %ne3A_1228 = vector.broadcast %lt3A_1227 : i1 to vector<16xi1>
    %ne3A_1229 = vector.broadcast %ne3A_1228 : vector<16xi1> to vector<16xi1>
    %ne3A_1230 = arith.xori %lt3A_1225, %ne3A_1229 : vector<16xi1>
    %and3A_1231 = arith.andi %ne3A_1230, %ne3A_1222 : vector<16xi1>
    %add3A_1232 = vector.broadcast %select_n3A_1217 : i32 to vector<16xi32>
    %add3A_1233 = arith.addi %rem3A_1219, %add3A_1232 : vector<16xi32>
    %select_n3A_1234 = arith.select %and3A_1231, %add3A_1233, %rem3A_1219 : vector<16xi1>, vector<16xi32>
    tpu.vector_store_idx %arg13[%broadcast_in_dim3A_1181, %select_n3A_1212, %select_n3A_1234], %broadcast_in_dim3A_1 : memref<2x80x8xf32, #tpu.memory_space<vmem>>[vector<16xi32>, vector<16xi32>, vector<16xi32>], vector<16xf32>,
    %iota3A_1235 = tpu.iota {dimensions = array<i32: 0>} : vector<16xi32>
    %add3A_1236 = arith.constant 336 : i32
    %add3A_1237 = vector.broadcast %add3A_1236 : i32 to vector<16xi32>
    %add3A_1238 = arith.addi %iota3A_1235, %add3A_1237 : vector<16xi32>
    %broadcast_in_dim3A_1239 = arith.constant 0 : i32
    %broadcast_in_dim3A_1240 = vector.broadcast %broadcast_in_dim3A_1239 : i32 to vector<16xi32>
    %jit3A_1241 = arith.constant 8 : i32
    %div3A_1242 = vector.broadcast %jit3A_1241 : i32 to vector<16xi32>
    %div3A_1243 = arith.divsi %add3A_1238, %div3A_1242 : vector<16xi32>
    %sign3A_1244 = arith.constant 0 : i32
    %sign3A_1245 = vector.broadcast %sign3A_1244 : i32 to vector<16xi32>
    %sign3A_1246 = arith.cmpi sgt, %add3A_1238, %sign3A_1245 : vector<16xi32>
    %sign3A_1247 = arith.extui %sign3A_1246 : vector<16xi1> to vector<16xi32>
    %sign3A_1248 = arith.constant 0 : i32
    %sign3A_1249 = vector.broadcast %sign3A_1248 : i32 to vector<16xi32>
    %sign3A_1250 = arith.cmpi slt, %add3A_1238, %sign3A_1249 : vector<16xi32>
    %sign3A_1251 = arith.extui %sign3A_1250 : vector<16xi1> to vector<16xi32>
    %sign3A_1252 = arith.subi %sign3A_1247, %sign3A_1251 : vector<16xi32>
    %sign3A_1253 = arith.constant 0 : i32
    %sign3A_1254 = arith.cmpi sgt, %jit3A_1241, %sign3A_1253 : i32
    %sign3A_1255 = arith.extui %sign3A_1254 : i1 to i32
    %sign3A_1256 = arith.constant 0 : i32
    %sign3A_1257 = arith.cmpi slt, %jit3A_1241, %sign3A_1256 : i32
    %sign3A_1258 = arith.extui %sign3A_1257 : i1 to i32
    %sign3A_1259 = arith.subi %sign3A_1255, %sign3A_1258 : i32
    %ne3A_1260 = vector.broadcast %sign3A_1259 : i32 to vector<16xi32>
    %ne3A_1261 = arith.cmpi ne, %sign3A_1252, %ne3A_1260 : vector<16xi32>
    %rem3A_1262 = vector.broadcast %jit3A_1241 : i32 to vector<16xi32>
    %rem3A_1263 = arith.remsi %add3A_1238, %rem3A_1262 : vector<16xi32>
    %ne3A_1264 = arith.constant 0 : i32
    %ne3A_1265 = vector.broadcast %ne3A_1264 : i32 to vector<16xi32>
    %ne3A_1266 = arith.cmpi ne, %rem3A_1263, %ne3A_1265 : vector<16xi32>
    %and3A_1267 = arith.andi %ne3A_1261, %ne3A_1266 : vector<16xi1>
    %sub3A_1268 = arith.constant 1 : i32
    %sub3A_1269 = vector.broadcast %sub3A_1268 : i32 to vector<16xi32>
    %sub3A_1270 = arith.subi %div3A_1243, %sub3A_1269 : vector<16xi32>
    %select_n3A_1271 = arith.select %and3A_1267, %sub3A_1270, %div3A_1243 : vector<16xi1>, vector<16xi32>
    %jit3A_1272 = arith.constant 8 : i32
    %eq3A_1273 = arith.constant 0 : i32
    %eq3A_1274 = arith.cmpi eq, %jit3A_1272, %eq3A_1273 : i32
    %jit3A_1275 = arith.constant 1 : i32
    %select_n3A_1276 = arith.select %eq3A_1274, %jit3A_1275, %jit3A_1272 : i32
    %rem3A_1277 = vector.broadcast %select_n3A_1276 : i32 to vector<16xi32>
    %rem3A_1278 = arith.remsi %add3A_1238, %rem3A_1277 : vector<16xi32>
    %ne3A_1279 = arith.constant 0 : i32
    %ne3A_1280 = vector.broadcast %ne3A_1279 : i32 to vector<16xi32>
    %ne3A_1281 = arith.cmpi ne, %rem3A_1278, %ne3A_1280 : vector<16xi32>
    %lt3A_1282 = arith.constant 0 : i32
    %lt3A_1283 = vector.broadcast %lt3A_1282 : i32 to vector<16xi32>
    %lt3A_1284 = arith.cmpi slt, %rem3A_1278, %lt3A_1283 : vector<16xi32>
    %lt3A_1285 = arith.constant 0 : i32
    %lt3A_1286 = arith.cmpi slt, %select_n3A_1276, %lt3A_1285 : i32
    %ne3A_1287 = vector.broadcast %lt3A_1286 : i1 to vector<16xi1>
    %ne3A_1288 = vector.broadcast %ne3A_1287 : vector<16xi1> to vector<16xi1>
    %ne3A_1289 = arith.xori %lt3A_1284, %ne3A_1288 : vector<16xi1>
    %and3A_1290 = arith.andi %ne3A_1289, %ne3A_1281 : vector<16xi1>
    %add3A_1291 = vector.broadcast %select_n3A_1276 : i32 to vector<16xi32>
    %add3A_1292 = arith.addi %rem3A_1278, %add3A_1291 : vector<16xi32>
    %select_n3A_1293 = arith.select %and3A_1290, %add3A_1292, %rem3A_1278 : vector<16xi1>, vector<16xi32>
    tpu.vector_store_idx %arg13[%broadcast_in_dim3A_1240, %select_n3A_1271, %select_n3A_1293], %broadcast_in_dim3A_1 : memref<2x80x8xf32, #tpu.memory_space<vmem>>[vector<16xi32>, vector<16xi32>, vector<16xi32>], vector<16xf32>,
    %iota3A_1294 = tpu.iota {dimensions = array<i32: 0>} : vector<16xi32>
    %add3A_1295 = arith.constant 352 : i32
    %add3A_1296 = vector.broadcast %add3A_1295 : i32 to vector<16xi32>
    %add3A_1297 = arith.addi %iota3A_1294, %add3A_1296 : vector<16xi32>
    %broadcast_in_dim3A_1298 = arith.constant 0 : i32
    %broadcast_in_dim3A_1299 = vector.broadcast %broadcast_in_dim3A_1298 : i32 to vector<16xi32>
    %jit3A_1300 = arith.constant 8 : i32
    %div3A_1301 = vector.broadcast %jit3A_1300 : i32 to vector<16xi32>
    %div3A_1302 = arith.divsi %add3A_1297, %div3A_1301 : vector<16xi32>
    %sign3A_1303 = arith.constant 0 : i32
    %sign3A_1304 = vector.broadcast %sign3A_1303 : i32 to vector<16xi32>
    %sign3A_1305 = arith.cmpi sgt, %add3A_1297, %sign3A_1304 : vector<16xi32>
    %sign3A_1306 = arith.extui %sign3A_1305 : vector<16xi1> to vector<16xi32>
    %sign3A_1307 = arith.constant 0 : i32
    %sign3A_1308 = vector.broadcast %sign3A_1307 : i32 to vector<16xi32>
    %sign3A_1309 = arith.cmpi slt, %add3A_1297, %sign3A_1308 : vector<16xi32>
    %sign3A_1310 = arith.extui %sign3A_1309 : vector<16xi1> to vector<16xi32>
    %sign3A_1311 = arith.subi %sign3A_1306, %sign3A_1310 : vector<16xi32>
    %sign3A_1312 = arith.constant 0 : i32
    %sign3A_1313 = arith.cmpi sgt, %jit3A_1300, %sign3A_1312 : i32
    %sign3A_1314 = arith.extui %sign3A_1313 : i1 to i32
    %sign3A_1315 = arith.constant 0 : i32
    %sign3A_1316 = arith.cmpi slt, %jit3A_1300, %sign3A_1315 : i32
    %sign3A_1317 = arith.extui %sign3A_1316 : i1 to i32
    %sign3A_1318 = arith.subi %sign3A_1314, %sign3A_1317 : i32
    %ne3A_1319 = vector.broadcast %sign3A_1318 : i32 to vector<16xi32>
    %ne3A_1320 = arith.cmpi ne, %sign3A_1311, %ne3A_1319 : vector<16xi32>
    %rem3A_1321 = vector.broadcast %jit3A_1300 : i32 to vector<16xi32>
    %rem3A_1322 = arith.remsi %add3A_1297, %rem3A_1321 : vector<16xi32>
    %ne3A_1323 = arith.constant 0 : i32
    %ne3A_1324 = vector.broadcast %ne3A_1323 : i32 to vector<16xi32>
    %ne3A_1325 = arith.cmpi ne, %rem3A_1322, %ne3A_1324 : vector<16xi32>
    %and3A_1326 = arith.andi %ne3A_1320, %ne3A_1325 : vector<16xi1>
    %sub3A_1327 = arith.constant 1 : i32
    %sub3A_1328 = vector.broadcast %sub3A_1327 : i32 to vector<16xi32>
    %sub3A_1329 = arith.subi %div3A_1302, %sub3A_1328 : vector<16xi32>
    %select_n3A_1330 = arith.select %and3A_1326, %sub3A_1329, %div3A_1302 : vector<16xi1>, vector<16xi32>
    %jit3A_1331 = arith.constant 8 : i32
    %eq3A_1332 = arith.constant 0 : i32
    %eq3A_1333 = arith.cmpi eq, %jit3A_1331, %eq3A_1332 : i32
    %jit3A_1334 = arith.constant 1 : i32
    %select_n3A_1335 = arith.select %eq3A_1333, %jit3A_1334, %jit3A_1331 : i32
    %rem3A_1336 = vector.broadcast %select_n3A_1335 : i32 to vector<16xi32>
    %rem3A_1337 = arith.remsi %add3A_1297, %rem3A_1336 : vector<16xi32>
    %ne3A_1338 = arith.constant 0 : i32
    %ne3A_1339 = vector.broadcast %ne3A_1338 : i32 to vector<16xi32>
    %ne3A_1340 = arith.cmpi ne, %rem3A_1337, %ne3A_1339 : vector<16xi32>
    %lt3A_1341 = arith.constant 0 : i32
    %lt3A_1342 = vector.broadcast %lt3A_1341 : i32 to vector<16xi32>
    %lt3A_1343 = arith.cmpi slt, %rem3A_1337, %lt3A_1342 : vector<16xi32>
    %lt3A_1344 = arith.constant 0 : i32
    %lt3A_1345 = arith.cmpi slt, %select_n3A_1335, %lt3A_1344 : i32
    %ne3A_1346 = vector.broadcast %lt3A_1345 : i1 to vector<16xi1>
    %ne3A_1347 = vector.broadcast %ne3A_1346 : vector<16xi1> to vector<16xi1>
    %ne3A_1348 = arith.xori %lt3A_1343, %ne3A_1347 : vector<16xi1>
    %and3A_1349 = arith.andi %ne3A_1348, %ne3A_1340 : vector<16xi1>
    %add3A_1350 = vector.broadcast %select_n3A_1335 : i32 to vector<16xi32>
    %add3A_1351 = arith.addi %rem3A_1337, %add3A_1350 : vector<16xi32>
    %select_n3A_1352 = arith.select %and3A_1349, %add3A_1351, %rem3A_1337 : vector<16xi1>, vector<16xi32>
    tpu.vector_store_idx %arg13[%broadcast_in_dim3A_1299, %select_n3A_1330, %select_n3A_1352], %broadcast_in_dim3A_1 : memref<2x80x8xf32, #tpu.memory_space<vmem>>[vector<16xi32>, vector<16xi32>, vector<16xi32>], vector<16xf32>,
    %iota3A_1353 = tpu.iota {dimensions = array<i32: 0>} : vector<16xi32>
    %add3A_1354 = arith.constant 368 : i32
    %add3A_1355 = vector.broadcast %add3A_1354 : i32 to vector<16xi32>
    %add3A_1356 = arith.addi %iota3A_1353, %add3A_1355 : vector<16xi32>
    %broadcast_in_dim3A_1357 = arith.constant 0 : i32
    %broadcast_in_dim3A_1358 = vector.broadcast %broadcast_in_dim3A_1357 : i32 to vector<16xi32>
    %jit3A_1359 = arith.constant 8 : i32
    %div3A_1360 = vector.broadcast %jit3A_1359 : i32 to vector<16xi32>
    %div3A_1361 = arith.divsi %add3A_1356, %div3A_1360 : vector<16xi32>
    %sign3A_1362 = arith.constant 0 : i32
    %sign3A_1363 = vector.broadcast %sign3A_1362 : i32 to vector<16xi32>
    %sign3A_1364 = arith.cmpi sgt, %add3A_1356, %sign3A_1363 : vector<16xi32>
    %sign3A_1365 = arith.extui %sign3A_1364 : vector<16xi1> to vector<16xi32>
    %sign3A_1366 = arith.constant 0 : i32
    %sign3A_1367 = vector.broadcast %sign3A_1366 : i32 to vector<16xi32>
    %sign3A_1368 = arith.cmpi slt, %add3A_1356, %sign3A_1367 : vector<16xi32>
    %sign3A_1369 = arith.extui %sign3A_1368 : vector<16xi1> to vector<16xi32>
    %sign3A_1370 = arith.subi %sign3A_1365, %sign3A_1369 : vector<16xi32>
    %sign3A_1371 = arith.constant 0 : i32
    %sign3A_1372 = arith.cmpi sgt, %jit3A_1359, %sign3A_1371 : i32
    %sign3A_1373 = arith.extui %sign3A_1372 : i1 to i32
    %sign3A_1374 = arith.constant 0 : i32
    %sign3A_1375 = arith.cmpi slt, %jit3A_1359, %sign3A_1374 : i32
    %sign3A_1376 = arith.extui %sign3A_1375 : i1 to i32
    %sign3A_1377 = arith.subi %sign3A_1373, %sign3A_1376 : i32
    %ne3A_1378 = vector.broadcast %sign3A_1377 : i32 to vector<16xi32>
    %ne3A_1379 = arith.cmpi ne, %sign3A_1370, %ne3A_1378 : vector<16xi32>
    %rem3A_1380 = vector.broadcast %jit3A_1359 : i32 to vector<16xi32>
    %rem3A_1381 = arith.remsi %add3A_1356, %rem3A_1380 : vector<16xi32>
    %ne3A_1382 = arith.constant 0 : i32
    %ne3A_1383 = vector.broadcast %ne3A_1382 : i32 to vector<16xi32>
    %ne3A_1384 = arith.cmpi ne, %rem3A_1381, %ne3A_1383 : vector<16xi32>
    %and3A_1385 = arith.andi %ne3A_1379, %ne3A_1384 : vector<16xi1>
    %sub3A_1386 = arith.constant 1 : i32
    %sub3A_1387 = vector.broadcast %sub3A_1386 : i32 to vector<16xi32>
    %sub3A_1388 = arith.subi %div3A_1361, %sub3A_1387 : vector<16xi32>
    %select_n3A_1389 = arith.select %and3A_1385, %sub3A_1388, %div3A_1361 : vector<16xi1>, vector<16xi32>
    %jit3A_1390 = arith.constant 8 : i32
    %eq3A_1391 = arith.constant 0 : i32
    %eq3A_1392 = arith.cmpi eq, %jit3A_1390, %eq3A_1391 : i32
    %jit3A_1393 = arith.constant 1 : i32
    %select_n3A_1394 = arith.select %eq3A_1392, %jit3A_1393, %jit3A_1390 : i32
    %rem3A_1395 = vector.broadcast %select_n3A_1394 : i32 to vector<16xi32>
    %rem3A_1396 = arith.remsi %add3A_1356, %rem3A_1395 : vector<16xi32>
    %ne3A_1397 = arith.constant 0 : i32
    %ne3A_1398 = vector.broadcast %ne3A_1397 : i32 to vector<16xi32>
    %ne3A_1399 = arith.cmpi ne, %rem3A_1396, %ne3A_1398 : vector<16xi32>
    %lt3A_1400 = arith.constant 0 : i32
    %lt3A_1401 = vector.broadcast %lt3A_1400 : i32 to vector<16xi32>
    %lt3A_1402 = arith.cmpi slt, %rem3A_1396, %lt3A_1401 : vector<16xi32>
    %lt3A_1403 = arith.constant 0 : i32
    %lt3A_1404 = arith.cmpi slt, %select_n3A_1394, %lt3A_1403 : i32
    %ne3A_1405 = vector.broadcast %lt3A_1404 : i1 to vector<16xi1>
    %ne3A_1406 = vector.broadcast %ne3A_1405 : vector<16xi1> to vector<16xi1>
    %ne3A_1407 = arith.xori %lt3A_1402, %ne3A_1406 : vector<16xi1>
    %and3A_1408 = arith.andi %ne3A_1407, %ne3A_1399 : vector<16xi1>
    %add3A_1409 = vector.broadcast %select_n3A_1394 : i32 to vector<16xi32>
    %add3A_1410 = arith.addi %rem3A_1396, %add3A_1409 : vector<16xi32>
    %select_n3A_1411 = arith.select %and3A_1408, %add3A_1410, %rem3A_1396 : vector<16xi1>, vector<16xi32>
    tpu.vector_store_idx %arg13[%broadcast_in_dim3A_1358, %select_n3A_1389, %select_n3A_1411], %broadcast_in_dim3A_1 : memref<2x80x8xf32, #tpu.memory_space<vmem>>[vector<16xi32>, vector<16xi32>, vector<16xi32>], vector<16xf32>,
    %iota3A_1412 = tpu.iota {dimensions = array<i32: 0>} : vector<16xi32>
    %add3A_1413 = arith.constant 384 : i32
    %add3A_1414 = vector.broadcast %add3A_1413 : i32 to vector<16xi32>
    %add3A_1415 = arith.addi %iota3A_1412, %add3A_1414 : vector<16xi32>
    %broadcast_in_dim3A_1416 = arith.constant 0 : i32
    %broadcast_in_dim3A_1417 = vector.broadcast %broadcast_in_dim3A_1416 : i32 to vector<16xi32>
    %jit3A_1418 = arith.constant 8 : i32
    %div3A_1419 = vector.broadcast %jit3A_1418 : i32 to vector<16xi32>
    %div3A_1420 = arith.divsi %add3A_1415, %div3A_1419 : vector<16xi32>
    %sign3A_1421 = arith.constant 0 : i32
    %sign3A_1422 = vector.broadcast %sign3A_1421 : i32 to vector<16xi32>
    %sign3A_1423 = arith.cmpi sgt, %add3A_1415, %sign3A_1422 : vector<16xi32>
    %sign3A_1424 = arith.extui %sign3A_1423 : vector<16xi1> to vector<16xi32>
    %sign3A_1425 = arith.constant 0 : i32
    %sign3A_1426 = vector.broadcast %sign3A_1425 : i32 to vector<16xi32>
    %sign3A_1427 = arith.cmpi slt, %add3A_1415, %sign3A_1426 : vector<16xi32>
    %sign3A_1428 = arith.extui %sign3A_1427 : vector<16xi1> to vector<16xi32>
    %sign3A_1429 = arith.subi %sign3A_1424, %sign3A_1428 : vector<16xi32>
    %sign3A_1430 = arith.constant 0 : i32
    %sign3A_1431 = arith.cmpi sgt, %jit3A_1418, %sign3A_1430 : i32
    %sign3A_1432 = arith.extui %sign3A_1431 : i1 to i32
    %sign3A_1433 = arith.constant 0 : i32
    %sign3A_1434 = arith.cmpi slt, %jit3A_1418, %sign3A_1433 : i32
    %sign3A_1435 = arith.extui %sign3A_1434 : i1 to i32
    %sign3A_1436 = arith.subi %sign3A_1432, %sign3A_1435 : i32
    %ne3A_1437 = vector.broadcast %sign3A_1436 : i32 to vector<16xi32>
    %ne3A_1438 = arith.cmpi ne, %sign3A_1429, %ne3A_1437 : vector<16xi32>
    %rem3A_1439 = vector.broadcast %jit3A_1418 : i32 to vector<16xi32>
    %rem3A_1440 = arith.remsi %add3A_1415, %rem3A_1439 : vector<16xi32>
    %ne3A_1441 = arith.constant 0 : i32
    %ne3A_1442 = vector.broadcast %ne3A_1441 : i32 to vector<16xi32>
    %ne3A_1443 = arith.cmpi ne, %rem3A_1440, %ne3A_1442 : vector<16xi32>
    %and3A_1444 = arith.andi %ne3A_1438, %ne3A_1443 : vector<16xi1>
    %sub3A_1445 = arith.constant 1 : i32
    %sub3A_1446 = vector.broadcast %sub3A_1445 : i32 to vector<16xi32>
    %sub3A_1447 = arith.subi %div3A_1420, %sub3A_1446 : vector<16xi32>
    %select_n3A_1448 = arith.select %and3A_1444, %sub3A_1447, %div3A_1420 : vector<16xi1>, vector<16xi32>
    %jit3A_1449 = arith.constant 8 : i32
    %eq3A_1450 = arith.constant 0 : i32
    %eq3A_1451 = arith.cmpi eq, %jit3A_1449, %eq3A_1450 : i32
    %jit3A_1452 = arith.constant 1 : i32
    %select_n3A_1453 = arith.select %eq3A_1451, %jit3A_1452, %jit3A_1449 : i32
    %rem3A_1454 = vector.broadcast %select_n3A_1453 : i32 to vector<16xi32>
    %rem3A_1455 = arith.remsi %add3A_1415, %rem3A_1454 : vector<16xi32>
    %ne3A_1456 = arith.constant 0 : i32
    %ne3A_1457 = vector.broadcast %ne3A_1456 : i32 to vector<16xi32>
    %ne3A_1458 = arith.cmpi ne, %rem3A_1455, %ne3A_1457 : vector<16xi32>
    %lt3A_1459 = arith.constant 0 : i32
    %lt3A_1460 = vector.broadcast %lt3A_1459 : i32 to vector<16xi32>
    %lt3A_1461 = arith.cmpi slt, %rem3A_1455, %lt3A_1460 : vector<16xi32>
    %lt3A_1462 = arith.constant 0 : i32
    %lt3A_1463 = arith.cmpi slt, %select_n3A_1453, %lt3A_1462 : i32
    %ne3A_1464 = vector.broadcast %lt3A_1463 : i1 to vector<16xi1>
    %ne3A_1465 = vector.broadcast %ne3A_1464 : vector<16xi1> to vector<16xi1>
    %ne3A_1466 = arith.xori %lt3A_1461, %ne3A_1465 : vector<16xi1>
    %and3A_1467 = arith.andi %ne3A_1466, %ne3A_1458 : vector<16xi1>
    %add3A_1468 = vector.broadcast %select_n3A_1453 : i32 to vector<16xi32>
    %add3A_1469 = arith.addi %rem3A_1455, %add3A_1468 : vector<16xi32>
    %select_n3A_1470 = arith.select %and3A_1467, %add3A_1469, %rem3A_1455 : vector<16xi1>, vector<16xi32>
    tpu.vector_store_idx %arg13[%broadcast_in_dim3A_1417, %select_n3A_1448, %select_n3A_1470], %broadcast_in_dim3A_1 : memref<2x80x8xf32, #tpu.memory_space<vmem>>[vector<16xi32>, vector<16xi32>, vector<16xi32>], vector<16xf32>,
    %iota3A_1471 = tpu.iota {dimensions = array<i32: 0>} : vector<16xi32>
    %add3A_1472 = arith.constant 400 : i32
    %add3A_1473 = vector.broadcast %add3A_1472 : i32 to vector<16xi32>
    %add3A_1474 = arith.addi %iota3A_1471, %add3A_1473 : vector<16xi32>
    %broadcast_in_dim3A_1475 = arith.constant 0 : i32
    %broadcast_in_dim3A_1476 = vector.broadcast %broadcast_in_dim3A_1475 : i32 to vector<16xi32>
    %jit3A_1477 = arith.constant 8 : i32
    %div3A_1478 = vector.broadcast %jit3A_1477 : i32 to vector<16xi32>
    %div3A_1479 = arith.divsi %add3A_1474, %div3A_1478 : vector<16xi32>
    %sign3A_1480 = arith.constant 0 : i32
    %sign3A_1481 = vector.broadcast %sign3A_1480 : i32 to vector<16xi32>
    %sign3A_1482 = arith.cmpi sgt, %add3A_1474, %sign3A_1481 : vector<16xi32>
    %sign3A_1483 = arith.extui %sign3A_1482 : vector<16xi1> to vector<16xi32>
    %sign3A_1484 = arith.constant 0 : i32
    %sign3A_1485 = vector.broadcast %sign3A_1484 : i32 to vector<16xi32>
    %sign3A_1486 = arith.cmpi slt, %add3A_1474, %sign3A_1485 : vector<16xi32>
    %sign3A_1487 = arith.extui %sign3A_1486 : vector<16xi1> to vector<16xi32>
    %sign3A_1488 = arith.subi %sign3A_1483, %sign3A_1487 : vector<16xi32>
    %sign3A_1489 = arith.constant 0 : i32
    %sign3A_1490 = arith.cmpi sgt, %jit3A_1477, %sign3A_1489 : i32
    %sign3A_1491 = arith.extui %sign3A_1490 : i1 to i32
    %sign3A_1492 = arith.constant 0 : i32
    %sign3A_1493 = arith.cmpi slt, %jit3A_1477, %sign3A_1492 : i32
    %sign3A_1494 = arith.extui %sign3A_1493 : i1 to i32
    %sign3A_1495 = arith.subi %sign3A_1491, %sign3A_1494 : i32
    %ne3A_1496 = vector.broadcast %sign3A_1495 : i32 to vector<16xi32>
    %ne3A_1497 = arith.cmpi ne, %sign3A_1488, %ne3A_1496 : vector<16xi32>
    %rem3A_1498 = vector.broadcast %jit3A_1477 : i32 to vector<16xi32>
    %rem3A_1499 = arith.remsi %add3A_1474, %rem3A_1498 : vector<16xi32>
    %ne3A_1500 = arith.constant 0 : i32
    %ne3A_1501 = vector.broadcast %ne3A_1500 : i32 to vector<16xi32>
    %ne3A_1502 = arith.cmpi ne, %rem3A_1499, %ne3A_1501 : vector<16xi32>
    %and3A_1503 = arith.andi %ne3A_1497, %ne3A_1502 : vector<16xi1>
    %sub3A_1504 = arith.constant 1 : i32
    %sub3A_1505 = vector.broadcast %sub3A_1504 : i32 to vector<16xi32>
    %sub3A_1506 = arith.subi %div3A_1479, %sub3A_1505 : vector<16xi32>
    %select_n3A_1507 = arith.select %and3A_1503, %sub3A_1506, %div3A_1479 : vector<16xi1>, vector<16xi32>
    %jit3A_1508 = arith.constant 8 : i32
    %eq3A_1509 = arith.constant 0 : i32
    %eq3A_1510 = arith.cmpi eq, %jit3A_1508, %eq3A_1509 : i32
    %jit3A_1511 = arith.constant 1 : i32
    %select_n3A_1512 = arith.select %eq3A_1510, %jit3A_1511, %jit3A_1508 : i32
    %rem3A_1513 = vector.broadcast %select_n3A_1512 : i32 to vector<16xi32>
    %rem3A_1514 = arith.remsi %add3A_1474, %rem3A_1513 : vector<16xi32>
    %ne3A_1515 = arith.constant 0 : i32
    %ne3A_1516 = vector.broadcast %ne3A_1515 : i32 to vector<16xi32>
    %ne3A_1517 = arith.cmpi ne, %rem3A_1514, %ne3A_1516 : vector<16xi32>
    %lt3A_1518 = arith.constant 0 : i32
    %lt3A_1519 = vector.broadcast %lt3A_1518 : i32 to vector<16xi32>
    %lt3A_1520 = arith.cmpi slt, %rem3A_1514, %lt3A_1519 : vector<16xi32>
    %lt3A_1521 = arith.constant 0 : i32
    %lt3A_1522 = arith.cmpi slt, %select_n3A_1512, %lt3A_1521 : i32
    %ne3A_1523 = vector.broadcast %lt3A_1522 : i1 to vector<16xi1>
    %ne3A_1524 = vector.broadcast %ne3A_1523 : vector<16xi1> to vector<16xi1>
    %ne3A_1525 = arith.xori %lt3A_1520, %ne3A_1524 : vector<16xi1>
    %and3A_1526 = arith.andi %ne3A_1525, %ne3A_1517 : vector<16xi1>
    %add3A_1527 = vector.broadcast %select_n3A_1512 : i32 to vector<16xi32>
    %add3A_1528 = arith.addi %rem3A_1514, %add3A_1527 : vector<16xi32>
    %select_n3A_1529 = arith.select %and3A_1526, %add3A_1528, %rem3A_1514 : vector<16xi1>, vector<16xi32>
    tpu.vector_store_idx %arg13[%broadcast_in_dim3A_1476, %select_n3A_1507, %select_n3A_1529], %broadcast_in_dim3A_1 : memref<2x80x8xf32, #tpu.memory_space<vmem>>[vector<16xi32>, vector<16xi32>, vector<16xi32>], vector<16xf32>,
    %iota3A_1530 = tpu.iota {dimensions = array<i32: 0>} : vector<16xi32>
    %add3A_1531 = arith.constant 416 : i32
    %add3A_1532 = vector.broadcast %add3A_1531 : i32 to vector<16xi32>
    %add3A_1533 = arith.addi %iota3A_1530, %add3A_1532 : vector<16xi32>
    %broadcast_in_dim3A_1534 = arith.constant 0 : i32
    %broadcast_in_dim3A_1535 = vector.broadcast %broadcast_in_dim3A_1534 : i32 to vector<16xi32>
    %jit3A_1536 = arith.constant 8 : i32
    %div3A_1537 = vector.broadcast %jit3A_1536 : i32 to vector<16xi32>
    %div3A_1538 = arith.divsi %add3A_1533, %div3A_1537 : vector<16xi32>
    %sign3A_1539 = arith.constant 0 : i32
    %sign3A_1540 = vector.broadcast %sign3A_1539 : i32 to vector<16xi32>
    %sign3A_1541 = arith.cmpi sgt, %add3A_1533, %sign3A_1540 : vector<16xi32>
    %sign3A_1542 = arith.extui %sign3A_1541 : vector<16xi1> to vector<16xi32>
    %sign3A_1543 = arith.constant 0 : i32
    %sign3A_1544 = vector.broadcast %sign3A_1543 : i32 to vector<16xi32>
    %sign3A_1545 = arith.cmpi slt, %add3A_1533, %sign3A_1544 : vector<16xi32>
    %sign3A_1546 = arith.extui %sign3A_1545 : vector<16xi1> to vector<16xi32>
    %sign3A_1547 = arith.subi %sign3A_1542, %sign3A_1546 : vector<16xi32>
    %sign3A_1548 = arith.constant 0 : i32
    %sign3A_1549 = arith.cmpi sgt, %jit3A_1536, %sign3A_1548 : i32
    %sign3A_1550 = arith.extui %sign3A_1549 : i1 to i32
    %sign3A_1551 = arith.constant 0 : i32
    %sign3A_1552 = arith.cmpi slt, %jit3A_1536, %sign3A_1551 : i32
    %sign3A_1553 = arith.extui %sign3A_1552 : i1 to i32
    %sign3A_1554 = arith.subi %sign3A_1550, %sign3A_1553 : i32
    %ne3A_1555 = vector.broadcast %sign3A_1554 : i32 to vector<16xi32>
    %ne3A_1556 = arith.cmpi ne, %sign3A_1547, %ne3A_1555 : vector<16xi32>
    %rem3A_1557 = vector.broadcast %jit3A_1536 : i32 to vector<16xi32>
    %rem3A_1558 = arith.remsi %add3A_1533, %rem3A_1557 : vector<16xi32>
    %ne3A_1559 = arith.constant 0 : i32
    %ne3A_1560 = vector.broadcast %ne3A_1559 : i32 to vector<16xi32>
    %ne3A_1561 = arith.cmpi ne, %rem3A_1558, %ne3A_1560 : vector<16xi32>
    %and3A_1562 = arith.andi %ne3A_1556, %ne3A_1561 : vector<16xi1>
    %sub3A_1563 = arith.constant 1 : i32
    %sub3A_1564 = vector.broadcast %sub3A_1563 : i32 to vector<16xi32>
    %sub3A_1565 = arith.subi %div3A_1538, %sub3A_1564 : vector<16xi32>
    %select_n3A_1566 = arith.select %and3A_1562, %sub3A_1565, %div3A_1538 : vector<16xi1>, vector<16xi32>
    %jit3A_1567 = arith.constant 8 : i32
    %eq3A_1568 = arith.constant 0 : i32
    %eq3A_1569 = arith.cmpi eq, %jit3A_1567, %eq3A_1568 : i32
    %jit3A_1570 = arith.constant 1 : i32
    %select_n3A_1571 = arith.select %eq3A_1569, %jit3A_1570, %jit3A_1567 : i32
    %rem3A_1572 = vector.broadcast %select_n3A_1571 : i32 to vector<16xi32>
    %rem3A_1573 = arith.remsi %add3A_1533, %rem3A_1572 : vector<16xi32>
    %ne3A_1574 = arith.constant 0 : i32
    %ne3A_1575 = vector.broadcast %ne3A_1574 : i32 to vector<16xi32>
    %ne3A_1576 = arith.cmpi ne, %rem3A_1573, %ne3A_1575 : vector<16xi32>
    %lt3A_1577 = arith.constant 0 : i32
    %lt3A_1578 = vector.broadcast %lt3A_1577 : i32 to vector<16xi32>
    %lt3A_1579 = arith.cmpi slt, %rem3A_1573, %lt3A_1578 : vector<16xi32>
    %lt3A_1580 = arith.constant 0 : i32
    %lt3A_1581 = arith.cmpi slt, %select_n3A_1571, %lt3A_1580 : i32
    %ne3A_1582 = vector.broadcast %lt3A_1581 : i1 to vector<16xi1>
    %ne3A_1583 = vector.broadcast %ne3A_1582 : vector<16xi1> to vector<16xi1>
    %ne3A_1584 = arith.xori %lt3A_1579, %ne3A_1583 : vector<16xi1>
    %and3A_1585 = arith.andi %ne3A_1584, %ne3A_1576 : vector<16xi1>
    %add3A_1586 = vector.broadcast %select_n3A_1571 : i32 to vector<16xi32>
    %add3A_1587 = arith.addi %rem3A_1573, %add3A_1586 : vector<16xi32>
    %select_n3A_1588 = arith.select %and3A_1585, %add3A_1587, %rem3A_1573 : vector<16xi1>, vector<16xi32>
    tpu.vector_store_idx %arg13[%broadcast_in_dim3A_1535, %select_n3A_1566, %select_n3A_1588], %broadcast_in_dim3A_1 : memref<2x80x8xf32, #tpu.memory_space<vmem>>[vector<16xi32>, vector<16xi32>, vector<16xi32>], vector<16xf32>,
    %iota3A_1589 = tpu.iota {dimensions = array<i32: 0>} : vector<16xi32>
    %add3A_1590 = arith.constant 432 : i32
    %add3A_1591 = vector.broadcast %add3A_1590 : i32 to vector<16xi32>
    %add3A_1592 = arith.addi %iota3A_1589, %add3A_1591 : vector<16xi32>
    %broadcast_in_dim3A_1593 = arith.constant 0 : i32
    %broadcast_in_dim3A_1594 = vector.broadcast %broadcast_in_dim3A_1593 : i32 to vector<16xi32>
    %jit3A_1595 = arith.constant 8 : i32
    %div3A_1596 = vector.broadcast %jit3A_1595 : i32 to vector<16xi32>
    %div3A_1597 = arith.divsi %add3A_1592, %div3A_1596 : vector<16xi32>
    %sign3A_1598 = arith.constant 0 : i32
    %sign3A_1599 = vector.broadcast %sign3A_1598 : i32 to vector<16xi32>
    %sign3A_1600 = arith.cmpi sgt, %add3A_1592, %sign3A_1599 : vector<16xi32>
    %sign3A_1601 = arith.extui %sign3A_1600 : vector<16xi1> to vector<16xi32>
    %sign3A_1602 = arith.constant 0 : i32
    %sign3A_1603 = vector.broadcast %sign3A_1602 : i32 to vector<16xi32>
    %sign3A_1604 = arith.cmpi slt, %add3A_1592, %sign3A_1603 : vector<16xi32>
    %sign3A_1605 = arith.extui %sign3A_1604 : vector<16xi1> to vector<16xi32>
    %sign3A_1606 = arith.subi %sign3A_1601, %sign3A_1605 : vector<16xi32>
    %sign3A_1607 = arith.constant 0 : i32
    %sign3A_1608 = arith.cmpi sgt, %jit3A_1595, %sign3A_1607 : i32
    %sign3A_1609 = arith.extui %sign3A_1608 : i1 to i32
    %sign3A_1610 = arith.constant 0 : i32
    %sign3A_1611 = arith.cmpi slt, %jit3A_1595, %sign3A_1610 : i32
    %sign3A_1612 = arith.extui %sign3A_1611 : i1 to i32
    %sign3A_1613 = arith.subi %sign3A_1609, %sign3A_1612 : i32
    %ne3A_1614 = vector.broadcast %sign3A_1613 : i32 to vector<16xi32>
    %ne3A_1615 = arith.cmpi ne, %sign3A_1606, %ne3A_1614 : vector<16xi32>
    %rem3A_1616 = vector.broadcast %jit3A_1595 : i32 to vector<16xi32>
    %rem3A_1617 = arith.remsi %add3A_1592, %rem3A_1616 : vector<16xi32>
    %ne3A_1618 = arith.constant 0 : i32
    %ne3A_1619 = vector.broadcast %ne3A_1618 : i32 to vector<16xi32>
    %ne3A_1620 = arith.cmpi ne, %rem3A_1617, %ne3A_1619 : vector<16xi32>
    %and3A_1621 = arith.andi %ne3A_1615, %ne3A_1620 : vector<16xi1>
    %sub3A_1622 = arith.constant 1 : i32
    %sub3A_1623 = vector.broadcast %sub3A_1622 : i32 to vector<16xi32>
    %sub3A_1624 = arith.subi %div3A_1597, %sub3A_1623 : vector<16xi32>
    %select_n3A_1625 = arith.select %and3A_1621, %sub3A_1624, %div3A_1597 : vector<16xi1>, vector<16xi32>
    %jit3A_1626 = arith.constant 8 : i32
    %eq3A_1627 = arith.constant 0 : i32
    %eq3A_1628 = arith.cmpi eq, %jit3A_1626, %eq3A_1627 : i32
    %jit3A_1629 = arith.constant 1 : i32
    %select_n3A_1630 = arith.select %eq3A_1628, %jit3A_1629, %jit3A_1626 : i32
    %rem3A_1631 = vector.broadcast %select_n3A_1630 : i32 to vector<16xi32>
    %rem3A_1632 = arith.remsi %add3A_1592, %rem3A_1631 : vector<16xi32>
    %ne3A_1633 = arith.constant 0 : i32
    %ne3A_1634 = vector.broadcast %ne3A_1633 : i32 to vector<16xi32>
    %ne3A_1635 = arith.cmpi ne, %rem3A_1632, %ne3A_1634 : vector<16xi32>
    %lt3A_1636 = arith.constant 0 : i32
    %lt3A_1637 = vector.broadcast %lt3A_1636 : i32 to vector<16xi32>
    %lt3A_1638 = arith.cmpi slt, %rem3A_1632, %lt3A_1637 : vector<16xi32>
    %lt3A_1639 = arith.constant 0 : i32
    %lt3A_1640 = arith.cmpi slt, %select_n3A_1630, %lt3A_1639 : i32
    %ne3A_1641 = vector.broadcast %lt3A_1640 : i1 to vector<16xi1>
    %ne3A_1642 = vector.broadcast %ne3A_1641 : vector<16xi1> to vector<16xi1>
    %ne3A_1643 = arith.xori %lt3A_1638, %ne3A_1642 : vector<16xi1>
    %and3A_1644 = arith.andi %ne3A_1643, %ne3A_1635 : vector<16xi1>
    %add3A_1645 = vector.broadcast %select_n3A_1630 : i32 to vector<16xi32>
    %add3A_1646 = arith.addi %rem3A_1632, %add3A_1645 : vector<16xi32>
    %select_n3A_1647 = arith.select %and3A_1644, %add3A_1646, %rem3A_1632 : vector<16xi1>, vector<16xi32>
    tpu.vector_store_idx %arg13[%broadcast_in_dim3A_1594, %select_n3A_1625, %select_n3A_1647], %broadcast_in_dim3A_1 : memref<2x80x8xf32, #tpu.memory_space<vmem>>[vector<16xi32>, vector<16xi32>, vector<16xi32>], vector<16xf32>,
    %iota3A_1648 = tpu.iota {dimensions = array<i32: 0>} : vector<16xi32>
    %add3A_1649 = arith.constant 448 : i32
    %add3A_1650 = vector.broadcast %add3A_1649 : i32 to vector<16xi32>
    %add3A_1651 = arith.addi %iota3A_1648, %add3A_1650 : vector<16xi32>
    %broadcast_in_dim3A_1652 = arith.constant 0 : i32
    %broadcast_in_dim3A_1653 = vector.broadcast %broadcast_in_dim3A_1652 : i32 to vector<16xi32>
    %jit3A_1654 = arith.constant 8 : i32
    %div3A_1655 = vector.broadcast %jit3A_1654 : i32 to vector<16xi32>
    %div3A_1656 = arith.divsi %add3A_1651, %div3A_1655 : vector<16xi32>
    %sign3A_1657 = arith.constant 0 : i32
    %sign3A_1658 = vector.broadcast %sign3A_1657 : i32 to vector<16xi32>
    %sign3A_1659 = arith.cmpi sgt, %add3A_1651, %sign3A_1658 : vector<16xi32>
    %sign3A_1660 = arith.extui %sign3A_1659 : vector<16xi1> to vector<16xi32>
    %sign3A_1661 = arith.constant 0 : i32
    %sign3A_1662 = vector.broadcast %sign3A_1661 : i32 to vector<16xi32>
    %sign3A_1663 = arith.cmpi slt, %add3A_1651, %sign3A_1662 : vector<16xi32>
    %sign3A_1664 = arith.extui %sign3A_1663 : vector<16xi1> to vector<16xi32>
    %sign3A_1665 = arith.subi %sign3A_1660, %sign3A_1664 : vector<16xi32>
    %sign3A_1666 = arith.constant 0 : i32
    %sign3A_1667 = arith.cmpi sgt, %jit3A_1654, %sign3A_1666 : i32
    %sign3A_1668 = arith.extui %sign3A_1667 : i1 to i32
    %sign3A_1669 = arith.constant 0 : i32
    %sign3A_1670 = arith.cmpi slt, %jit3A_1654, %sign3A_1669 : i32
    %sign3A_1671 = arith.extui %sign3A_1670 : i1 to i32
    %sign3A_1672 = arith.subi %sign3A_1668, %sign3A_1671 : i32
    %ne3A_1673 = vector.broadcast %sign3A_1672 : i32 to vector<16xi32>
    %ne3A_1674 = arith.cmpi ne, %sign3A_1665, %ne3A_1673 : vector<16xi32>
    %rem3A_1675 = vector.broadcast %jit3A_1654 : i32 to vector<16xi32>
    %rem3A_1676 = arith.remsi %add3A_1651, %rem3A_1675 : vector<16xi32>
    %ne3A_1677 = arith.constant 0 : i32
    %ne3A_1678 = vector.broadcast %ne3A_1677 : i32 to vector<16xi32>
    %ne3A_1679 = arith.cmpi ne, %rem3A_1676, %ne3A_1678 : vector<16xi32>
    %and3A_1680 = arith.andi %ne3A_1674, %ne3A_1679 : vector<16xi1>
    %sub3A_1681 = arith.constant 1 : i32
    %sub3A_1682 = vector.broadcast %sub3A_1681 : i32 to vector<16xi32>
    %sub3A_1683 = arith.subi %div3A_1656, %sub3A_1682 : vector<16xi32>
    %select_n3A_1684 = arith.select %and3A_1680, %sub3A_1683, %div3A_1656 : vector<16xi1>, vector<16xi32>
    %jit3A_1685 = arith.constant 8 : i32
    %eq3A_1686 = arith.constant 0 : i32
    %eq3A_1687 = arith.cmpi eq, %jit3A_1685, %eq3A_1686 : i32
    %jit3A_1688 = arith.constant 1 : i32
    %select_n3A_1689 = arith.select %eq3A_1687, %jit3A_1688, %jit3A_1685 : i32
    %rem3A_1690 = vector.broadcast %select_n3A_1689 : i32 to vector<16xi32>
    %rem3A_1691 = arith.remsi %add3A_1651, %rem3A_1690 : vector<16xi32>
    %ne3A_1692 = arith.constant 0 : i32
    %ne3A_1693 = vector.broadcast %ne3A_1692 : i32 to vector<16xi32>
    %ne3A_1694 = arith.cmpi ne, %rem3A_1691, %ne3A_1693 : vector<16xi32>
    %lt3A_1695 = arith.constant 0 : i32
    %lt3A_1696 = vector.broadcast %lt3A_1695 : i32 to vector<16xi32>
    %lt3A_1697 = arith.cmpi slt, %rem3A_1691, %lt3A_1696 : vector<16xi32>
    %lt3A_1698 = arith.constant 0 : i32
    %lt3A_1699 = arith.cmpi slt, %select_n3A_1689, %lt3A_1698 : i32
    %ne3A_1700 = vector.broadcast %lt3A_1699 : i1 to vector<16xi1>
    %ne3A_1701 = vector.broadcast %ne3A_1700 : vector<16xi1> to vector<16xi1>
    %ne3A_1702 = arith.xori %lt3A_1697, %ne3A_1701 : vector<16xi1>
    %and3A_1703 = arith.andi %ne3A_1702, %ne3A_1694 : vector<16xi1>
    %add3A_1704 = vector.broadcast %select_n3A_1689 : i32 to vector<16xi32>
    %add3A_1705 = arith.addi %rem3A_1691, %add3A_1704 : vector<16xi32>
    %select_n3A_1706 = arith.select %and3A_1703, %add3A_1705, %rem3A_1691 : vector<16xi1>, vector<16xi32>
    tpu.vector_store_idx %arg13[%broadcast_in_dim3A_1653, %select_n3A_1684, %select_n3A_1706], %broadcast_in_dim3A_1 : memref<2x80x8xf32, #tpu.memory_space<vmem>>[vector<16xi32>, vector<16xi32>, vector<16xi32>], vector<16xf32>,
    %iota3A_1707 = tpu.iota {dimensions = array<i32: 0>} : vector<16xi32>
    %add3A_1708 = arith.constant 464 : i32
    %add3A_1709 = vector.broadcast %add3A_1708 : i32 to vector<16xi32>
    %add3A_1710 = arith.addi %iota3A_1707, %add3A_1709 : vector<16xi32>
    %broadcast_in_dim3A_1711 = arith.constant 0 : i32
    %broadcast_in_dim3A_1712 = vector.broadcast %broadcast_in_dim3A_1711 : i32 to vector<16xi32>
    %jit3A_1713 = arith.constant 8 : i32
    %div3A_1714 = vector.broadcast %jit3A_1713 : i32 to vector<16xi32>
    %div3A_1715 = arith.divsi %add3A_1710, %div3A_1714 : vector<16xi32>
    %sign3A_1716 = arith.constant 0 : i32
    %sign3A_1717 = vector.broadcast %sign3A_1716 : i32 to vector<16xi32>
    %sign3A_1718 = arith.cmpi sgt, %add3A_1710, %sign3A_1717 : vector<16xi32>
    %sign3A_1719 = arith.extui %sign3A_1718 : vector<16xi1> to vector<16xi32>
    %sign3A_1720 = arith.constant 0 : i32
    %sign3A_1721 = vector.broadcast %sign3A_1720 : i32 to vector<16xi32>
    %sign3A_1722 = arith.cmpi slt, %add3A_1710, %sign3A_1721 : vector<16xi32>
    %sign3A_1723 = arith.extui %sign3A_1722 : vector<16xi1> to vector<16xi32>
    %sign3A_1724 = arith.subi %sign3A_1719, %sign3A_1723 : vector<16xi32>
    %sign3A_1725 = arith.constant 0 : i32
    %sign3A_1726 = arith.cmpi sgt, %jit3A_1713, %sign3A_1725 : i32
    %sign3A_1727 = arith.extui %sign3A_1726 : i1 to i32
    %sign3A_1728 = arith.constant 0 : i32
    %sign3A_1729 = arith.cmpi slt, %jit3A_1713, %sign3A_1728 : i32
    %sign3A_1730 = arith.extui %sign3A_1729 : i1 to i32
    %sign3A_1731 = arith.subi %sign3A_1727, %sign3A_1730 : i32
    %ne3A_1732 = vector.broadcast %sign3A_1731 : i32 to vector<16xi32>
    %ne3A_1733 = arith.cmpi ne, %sign3A_1724, %ne3A_1732 : vector<16xi32>
    %rem3A_1734 = vector.broadcast %jit3A_1713 : i32 to vector<16xi32>
    %rem3A_1735 = arith.remsi %add3A_1710, %rem3A_1734 : vector<16xi32>
    %ne3A_1736 = arith.constant 0 : i32
    %ne3A_1737 = vector.broadcast %ne3A_1736 : i32 to vector<16xi32>
    %ne3A_1738 = arith.cmpi ne, %rem3A_1735, %ne3A_1737 : vector<16xi32>
    %and3A_1739 = arith.andi %ne3A_1733, %ne3A_1738 : vector<16xi1>
    %sub3A_1740 = arith.constant 1 : i32
    %sub3A_1741 = vector.broadcast %sub3A_1740 : i32 to vector<16xi32>
    %sub3A_1742 = arith.subi %div3A_1715, %sub3A_1741 : vector<16xi32>
    %select_n3A_1743 = arith.select %and3A_1739, %sub3A_1742, %div3A_1715 : vector<16xi1>, vector<16xi32>
    %jit3A_1744 = arith.constant 8 : i32
    %eq3A_1745 = arith.constant 0 : i32
    %eq3A_1746 = arith.cmpi eq, %jit3A_1744, %eq3A_1745 : i32
    %jit3A_1747 = arith.constant 1 : i32
    %select_n3A_1748 = arith.select %eq3A_1746, %jit3A_1747, %jit3A_1744 : i32
    %rem3A_1749 = vector.broadcast %select_n3A_1748 : i32 to vector<16xi32>
    %rem3A_1750 = arith.remsi %add3A_1710, %rem3A_1749 : vector<16xi32>
    %ne3A_1751 = arith.constant 0 : i32
    %ne3A_1752 = vector.broadcast %ne3A_1751 : i32 to vector<16xi32>
    %ne3A_1753 = arith.cmpi ne, %rem3A_1750, %ne3A_1752 : vector<16xi32>
    %lt3A_1754 = arith.constant 0 : i32
    %lt3A_1755 = vector.broadcast %lt3A_1754 : i32 to vector<16xi32>
    %lt3A_1756 = arith.cmpi slt, %rem3A_1750, %lt3A_1755 : vector<16xi32>
    %lt3A_1757 = arith.constant 0 : i32
    %lt3A_1758 = arith.cmpi slt, %select_n3A_1748, %lt3A_1757 : i32
    %ne3A_1759 = vector.broadcast %lt3A_1758 : i1 to vector<16xi1>
    %ne3A_1760 = vector.broadcast %ne3A_1759 : vector<16xi1> to vector<16xi1>
    %ne3A_1761 = arith.xori %lt3A_1756, %ne3A_1760 : vector<16xi1>
    %and3A_1762 = arith.andi %ne3A_1761, %ne3A_1753 : vector<16xi1>
    %add3A_1763 = vector.broadcast %select_n3A_1748 : i32 to vector<16xi32>
    %add3A_1764 = arith.addi %rem3A_1750, %add3A_1763 : vector<16xi32>
    %select_n3A_1765 = arith.select %and3A_1762, %add3A_1764, %rem3A_1750 : vector<16xi1>, vector<16xi32>
    tpu.vector_store_idx %arg13[%broadcast_in_dim3A_1712, %select_n3A_1743, %select_n3A_1765], %broadcast_in_dim3A_1 : memref<2x80x8xf32, #tpu.memory_space<vmem>>[vector<16xi32>, vector<16xi32>, vector<16xi32>], vector<16xf32>,
    %iota3A_1766 = tpu.iota {dimensions = array<i32: 0>} : vector<16xi32>
    %add3A_1767 = arith.constant 480 : i32
    %add3A_1768 = vector.broadcast %add3A_1767 : i32 to vector<16xi32>
    %add3A_1769 = arith.addi %iota3A_1766, %add3A_1768 : vector<16xi32>
    %broadcast_in_dim3A_1770 = arith.constant 0 : i32
    %broadcast_in_dim3A_1771 = vector.broadcast %broadcast_in_dim3A_1770 : i32 to vector<16xi32>
    %jit3A_1772 = arith.constant 8 : i32
    %div3A_1773 = vector.broadcast %jit3A_1772 : i32 to vector<16xi32>
    %div3A_1774 = arith.divsi %add3A_1769, %div3A_1773 : vector<16xi32>
    %sign3A_1775 = arith.constant 0 : i32
    %sign3A_1776 = vector.broadcast %sign3A_1775 : i32 to vector<16xi32>
    %sign3A_1777 = arith.cmpi sgt, %add3A_1769, %sign3A_1776 : vector<16xi32>
    %sign3A_1778 = arith.extui %sign3A_1777 : vector<16xi1> to vector<16xi32>
    %sign3A_1779 = arith.constant 0 : i32
    %sign3A_1780 = vector.broadcast %sign3A_1779 : i32 to vector<16xi32>
    %sign3A_1781 = arith.cmpi slt, %add3A_1769, %sign3A_1780 : vector<16xi32>
    %sign3A_1782 = arith.extui %sign3A_1781 : vector<16xi1> to vector<16xi32>
    %sign3A_1783 = arith.subi %sign3A_1778, %sign3A_1782 : vector<16xi32>
    %sign3A_1784 = arith.constant 0 : i32
    %sign3A_1785 = arith.cmpi sgt, %jit3A_1772, %sign3A_1784 : i32
    %sign3A_1786 = arith.extui %sign3A_1785 : i1 to i32
    %sign3A_1787 = arith.constant 0 : i32
    %sign3A_1788 = arith.cmpi slt, %jit3A_1772, %sign3A_1787 : i32
    %sign3A_1789 = arith.extui %sign3A_1788 : i1 to i32
    %sign3A_1790 = arith.subi %sign3A_1786, %sign3A_1789 : i32
    %ne3A_1791 = vector.broadcast %sign3A_1790 : i32 to vector<16xi32>
    %ne3A_1792 = arith.cmpi ne, %sign3A_1783, %ne3A_1791 : vector<16xi32>
    %rem3A_1793 = vector.broadcast %jit3A_1772 : i32 to vector<16xi32>
    %rem3A_1794 = arith.remsi %add3A_1769, %rem3A_1793 : vector<16xi32>
    %ne3A_1795 = arith.constant 0 : i32
    %ne3A_1796 = vector.broadcast %ne3A_1795 : i32 to vector<16xi32>
    %ne3A_1797 = arith.cmpi ne, %rem3A_1794, %ne3A_1796 : vector<16xi32>
    %and3A_1798 = arith.andi %ne3A_1792, %ne3A_1797 : vector<16xi1>
    %sub3A_1799 = arith.constant 1 : i32
    %sub3A_1800 = vector.broadcast %sub3A_1799 : i32 to vector<16xi32>
    %sub3A_1801 = arith.subi %div3A_1774, %sub3A_1800 : vector<16xi32>
    %select_n3A_1802 = arith.select %and3A_1798, %sub3A_1801, %div3A_1774 : vector<16xi1>, vector<16xi32>
    %jit3A_1803 = arith.constant 8 : i32
    %eq3A_1804 = arith.constant 0 : i32
    %eq3A_1805 = arith.cmpi eq, %jit3A_1803, %eq3A_1804 : i32
    %jit3A_1806 = arith.constant 1 : i32
    %select_n3A_1807 = arith.select %eq3A_1805, %jit3A_1806, %jit3A_1803 : i32
    %rem3A_1808 = vector.broadcast %select_n3A_1807 : i32 to vector<16xi32>
    %rem3A_1809 = arith.remsi %add3A_1769, %rem3A_1808 : vector<16xi32>
    %ne3A_1810 = arith.constant 0 : i32
    %ne3A_1811 = vector.broadcast %ne3A_1810 : i32 to vector<16xi32>
    %ne3A_1812 = arith.cmpi ne, %rem3A_1809, %ne3A_1811 : vector<16xi32>
    %lt3A_1813 = arith.constant 0 : i32
    %lt3A_1814 = vector.broadcast %lt3A_1813 : i32 to vector<16xi32>
    %lt3A_1815 = arith.cmpi slt, %rem3A_1809, %lt3A_1814 : vector<16xi32>
    %lt3A_1816 = arith.constant 0 : i32
    %lt3A_1817 = arith.cmpi slt, %select_n3A_1807, %lt3A_1816 : i32
    %ne3A_1818 = vector.broadcast %lt3A_1817 : i1 to vector<16xi1>
    %ne3A_1819 = vector.broadcast %ne3A_1818 : vector<16xi1> to vector<16xi1>
    %ne3A_1820 = arith.xori %lt3A_1815, %ne3A_1819 : vector<16xi1>
    %and3A_1821 = arith.andi %ne3A_1820, %ne3A_1812 : vector<16xi1>
    %add3A_1822 = vector.broadcast %select_n3A_1807 : i32 to vector<16xi32>
    %add3A_1823 = arith.addi %rem3A_1809, %add3A_1822 : vector<16xi32>
    %select_n3A_1824 = arith.select %and3A_1821, %add3A_1823, %rem3A_1809 : vector<16xi1>, vector<16xi32>
    tpu.vector_store_idx %arg13[%broadcast_in_dim3A_1771, %select_n3A_1802, %select_n3A_1824], %broadcast_in_dim3A_1 : memref<2x80x8xf32, #tpu.memory_space<vmem>>[vector<16xi32>, vector<16xi32>, vector<16xi32>], vector<16xf32>,
    %iota3A_1825 = tpu.iota {dimensions = array<i32: 0>} : vector<16xi32>
    %add3A_1826 = arith.constant 496 : i32
    %add3A_1827 = vector.broadcast %add3A_1826 : i32 to vector<16xi32>
    %add3A_1828 = arith.addi %iota3A_1825, %add3A_1827 : vector<16xi32>
    %broadcast_in_dim3A_1829 = arith.constant 0 : i32
    %broadcast_in_dim3A_1830 = vector.broadcast %broadcast_in_dim3A_1829 : i32 to vector<16xi32>
    %jit3A_1831 = arith.constant 8 : i32
    %div3A_1832 = vector.broadcast %jit3A_1831 : i32 to vector<16xi32>
    %div3A_1833 = arith.divsi %add3A_1828, %div3A_1832 : vector<16xi32>
    %sign3A_1834 = arith.constant 0 : i32
    %sign3A_1835 = vector.broadcast %sign3A_1834 : i32 to vector<16xi32>
    %sign3A_1836 = arith.cmpi sgt, %add3A_1828, %sign3A_1835 : vector<16xi32>
    %sign3A_1837 = arith.extui %sign3A_1836 : vector<16xi1> to vector<16xi32>
    %sign3A_1838 = arith.constant 0 : i32
    %sign3A_1839 = vector.broadcast %sign3A_1838 : i32 to vector<16xi32>
    %sign3A_1840 = arith.cmpi slt, %add3A_1828, %sign3A_1839 : vector<16xi32>
    %sign3A_1841 = arith.extui %sign3A_1840 : vector<16xi1> to vector<16xi32>
    %sign3A_1842 = arith.subi %sign3A_1837, %sign3A_1841 : vector<16xi32>
    %sign3A_1843 = arith.constant 0 : i32
    %sign3A_1844 = arith.cmpi sgt, %jit3A_1831, %sign3A_1843 : i32
    %sign3A_1845 = arith.extui %sign3A_1844 : i1 to i32
    %sign3A_1846 = arith.constant 0 : i32
    %sign3A_1847 = arith.cmpi slt, %jit3A_1831, %sign3A_1846 : i32
    %sign3A_1848 = arith.extui %sign3A_1847 : i1 to i32
    %sign3A_1849 = arith.subi %sign3A_1845, %sign3A_1848 : i32
    %ne3A_1850 = vector.broadcast %sign3A_1849 : i32 to vector<16xi32>
    %ne3A_1851 = arith.cmpi ne, %sign3A_1842, %ne3A_1850 : vector<16xi32>
    %rem3A_1852 = vector.broadcast %jit3A_1831 : i32 to vector<16xi32>
    %rem3A_1853 = arith.remsi %add3A_1828, %rem3A_1852 : vector<16xi32>
    %ne3A_1854 = arith.constant 0 : i32
    %ne3A_1855 = vector.broadcast %ne3A_1854 : i32 to vector<16xi32>
    %ne3A_1856 = arith.cmpi ne, %rem3A_1853, %ne3A_1855 : vector<16xi32>
    %and3A_1857 = arith.andi %ne3A_1851, %ne3A_1856 : vector<16xi1>
    %sub3A_1858 = arith.constant 1 : i32
    %sub3A_1859 = vector.broadcast %sub3A_1858 : i32 to vector<16xi32>
    %sub3A_1860 = arith.subi %div3A_1833, %sub3A_1859 : vector<16xi32>
    %select_n3A_1861 = arith.select %and3A_1857, %sub3A_1860, %div3A_1833 : vector<16xi1>, vector<16xi32>
    %jit3A_1862 = arith.constant 8 : i32
    %eq3A_1863 = arith.constant 0 : i32
    %eq3A_1864 = arith.cmpi eq, %jit3A_1862, %eq3A_1863 : i32
    %jit3A_1865 = arith.constant 1 : i32
    %select_n3A_1866 = arith.select %eq3A_1864, %jit3A_1865, %jit3A_1862 : i32
    %rem3A_1867 = vector.broadcast %select_n3A_1866 : i32 to vector<16xi32>
    %rem3A_1868 = arith.remsi %add3A_1828, %rem3A_1867 : vector<16xi32>
    %ne3A_1869 = arith.constant 0 : i32
    %ne3A_1870 = vector.broadcast %ne3A_1869 : i32 to vector<16xi32>
    %ne3A_1871 = arith.cmpi ne, %rem3A_1868, %ne3A_1870 : vector<16xi32>
    %lt3A_1872 = arith.constant 0 : i32
    %lt3A_1873 = vector.broadcast %lt3A_1872 : i32 to vector<16xi32>
    %lt3A_1874 = arith.cmpi slt, %rem3A_1868, %lt3A_1873 : vector<16xi32>
    %lt3A_1875 = arith.constant 0 : i32
    %lt3A_1876 = arith.cmpi slt, %select_n3A_1866, %lt3A_1875 : i32
    %ne3A_1877 = vector.broadcast %lt3A_1876 : i1 to vector<16xi1>
    %ne3A_1878 = vector.broadcast %ne3A_1877 : vector<16xi1> to vector<16xi1>
    %ne3A_1879 = arith.xori %lt3A_1874, %ne3A_1878 : vector<16xi1>
    %and3A_1880 = arith.andi %ne3A_1879, %ne3A_1871 : vector<16xi1>
    %add3A_1881 = vector.broadcast %select_n3A_1866 : i32 to vector<16xi32>
    %add3A_1882 = arith.addi %rem3A_1868, %add3A_1881 : vector<16xi32>
    %select_n3A_1883 = arith.select %and3A_1880, %add3A_1882, %rem3A_1868 : vector<16xi1>, vector<16xi32>
    tpu.vector_store_idx %arg13[%broadcast_in_dim3A_1830, %select_n3A_1861, %select_n3A_1883], %broadcast_in_dim3A_1 : memref<2x80x8xf32, #tpu.memory_space<vmem>>[vector<16xi32>, vector<16xi32>, vector<16xi32>], vector<16xf32>,
    %iota3A_1884 = tpu.iota {dimensions = array<i32: 0>} : vector<16xi32>
    %add3A_1885 = arith.constant 512 : i32
    %add3A_1886 = vector.broadcast %add3A_1885 : i32 to vector<16xi32>
    %add3A_1887 = arith.addi %iota3A_1884, %add3A_1886 : vector<16xi32>
    %broadcast_in_dim3A_1888 = arith.constant 0 : i32
    %broadcast_in_dim3A_1889 = vector.broadcast %broadcast_in_dim3A_1888 : i32 to vector<16xi32>
    %jit3A_1890 = arith.constant 8 : i32
    %div3A_1891 = vector.broadcast %jit3A_1890 : i32 to vector<16xi32>
    %div3A_1892 = arith.divsi %add3A_1887, %div3A_1891 : vector<16xi32>
    %sign3A_1893 = arith.constant 0 : i32
    %sign3A_1894 = vector.broadcast %sign3A_1893 : i32 to vector<16xi32>
    %sign3A_1895 = arith.cmpi sgt, %add3A_1887, %sign3A_1894 : vector<16xi32>
    %sign3A_1896 = arith.extui %sign3A_1895 : vector<16xi1> to vector<16xi32>
    %sign3A_1897 = arith.constant 0 : i32
    %sign3A_1898 = vector.broadcast %sign3A_1897 : i32 to vector<16xi32>
    %sign3A_1899 = arith.cmpi slt, %add3A_1887, %sign3A_1898 : vector<16xi32>
    %sign3A_1900 = arith.extui %sign3A_1899 : vector<16xi1> to vector<16xi32>
    %sign3A_1901 = arith.subi %sign3A_1896, %sign3A_1900 : vector<16xi32>
    %sign3A_1902 = arith.constant 0 : i32
    %sign3A_1903 = arith.cmpi sgt, %jit3A_1890, %sign3A_1902 : i32
    %sign3A_1904 = arith.extui %sign3A_1903 : i1 to i32
    %sign3A_1905 = arith.constant 0 : i32
    %sign3A_1906 = arith.cmpi slt, %jit3A_1890, %sign3A_1905 : i32
    %sign3A_1907 = arith.extui %sign3A_1906 : i1 to i32
    %sign3A_1908 = arith.subi %sign3A_1904, %sign3A_1907 : i32
    %ne3A_1909 = vector.broadcast %sign3A_1908 : i32 to vector<16xi32>
    %ne3A_1910 = arith.cmpi ne, %sign3A_1901, %ne3A_1909 : vector<16xi32>
    %rem3A_1911 = vector.broadcast %jit3A_1890 : i32 to vector<16xi32>
    %rem3A_1912 = arith.remsi %add3A_1887, %rem3A_1911 : vector<16xi32>
    %ne3A_1913 = arith.constant 0 : i32
    %ne3A_1914 = vector.broadcast %ne3A_1913 : i32 to vector<16xi32>
    %ne3A_1915 = arith.cmpi ne, %rem3A_1912, %ne3A_1914 : vector<16xi32>
    %and3A_1916 = arith.andi %ne3A_1910, %ne3A_1915 : vector<16xi1>
    %sub3A_1917 = arith.constant 1 : i32
    %sub3A_1918 = vector.broadcast %sub3A_1917 : i32 to vector<16xi32>
    %sub3A_1919 = arith.subi %div3A_1892, %sub3A_1918 : vector<16xi32>
    %select_n3A_1920 = arith.select %and3A_1916, %sub3A_1919, %div3A_1892 : vector<16xi1>, vector<16xi32>
    %jit3A_1921 = arith.constant 8 : i32
    %eq3A_1922 = arith.constant 0 : i32
    %eq3A_1923 = arith.cmpi eq, %jit3A_1921, %eq3A_1922 : i32
    %jit3A_1924 = arith.constant 1 : i32
    %select_n3A_1925 = arith.select %eq3A_1923, %jit3A_1924, %jit3A_1921 : i32
    %rem3A_1926 = vector.broadcast %select_n3A_1925 : i32 to vector<16xi32>
    %rem3A_1927 = arith.remsi %add3A_1887, %rem3A_1926 : vector<16xi32>
    %ne3A_1928 = arith.constant 0 : i32
    %ne3A_1929 = vector.broadcast %ne3A_1928 : i32 to vector<16xi32>
    %ne3A_1930 = arith.cmpi ne, %rem3A_1927, %ne3A_1929 : vector<16xi32>
    %lt3A_1931 = arith.constant 0 : i32
    %lt3A_1932 = vector.broadcast %lt3A_1931 : i32 to vector<16xi32>
    %lt3A_1933 = arith.cmpi slt, %rem3A_1927, %lt3A_1932 : vector<16xi32>
    %lt3A_1934 = arith.constant 0 : i32
    %lt3A_1935 = arith.cmpi slt, %select_n3A_1925, %lt3A_1934 : i32
    %ne3A_1936 = vector.broadcast %lt3A_1935 : i1 to vector<16xi1>
    %ne3A_1937 = vector.broadcast %ne3A_1936 : vector<16xi1> to vector<16xi1>
    %ne3A_1938 = arith.xori %lt3A_1933, %ne3A_1937 : vector<16xi1>
    %and3A_1939 = arith.andi %ne3A_1938, %ne3A_1930 : vector<16xi1>
    %add3A_1940 = vector.broadcast %select_n3A_1925 : i32 to vector<16xi32>
    %add3A_1941 = arith.addi %rem3A_1927, %add3A_1940 : vector<16xi32>
    %select_n3A_1942 = arith.select %and3A_1939, %add3A_1941, %rem3A_1927 : vector<16xi1>, vector<16xi32>
    tpu.vector_store_idx %arg13[%broadcast_in_dim3A_1889, %select_n3A_1920, %select_n3A_1942], %broadcast_in_dim3A_1 : memref<2x80x8xf32, #tpu.memory_space<vmem>>[vector<16xi32>, vector<16xi32>, vector<16xi32>], vector<16xf32>,
    %iota3A_1943 = tpu.iota {dimensions = array<i32: 0>} : vector<16xi32>
    %add3A_1944 = arith.constant 528 : i32
    %add3A_1945 = vector.broadcast %add3A_1944 : i32 to vector<16xi32>
    %add3A_1946 = arith.addi %iota3A_1943, %add3A_1945 : vector<16xi32>
    %broadcast_in_dim3A_1947 = arith.constant 0 : i32
    %broadcast_in_dim3A_1948 = vector.broadcast %broadcast_in_dim3A_1947 : i32 to vector<16xi32>
    %jit3A_1949 = arith.constant 8 : i32
    %div3A_1950 = vector.broadcast %jit3A_1949 : i32 to vector<16xi32>
    %div3A_1951 = arith.divsi %add3A_1946, %div3A_1950 : vector<16xi32>
    %sign3A_1952 = arith.constant 0 : i32
    %sign3A_1953 = vector.broadcast %sign3A_1952 : i32 to vector<16xi32>
    %sign3A_1954 = arith.cmpi sgt, %add3A_1946, %sign3A_1953 : vector<16xi32>
    %sign3A_1955 = arith.extui %sign3A_1954 : vector<16xi1> to vector<16xi32>
    %sign3A_1956 = arith.constant 0 : i32
    %sign3A_1957 = vector.broadcast %sign3A_1956 : i32 to vector<16xi32>
    %sign3A_1958 = arith.cmpi slt, %add3A_1946, %sign3A_1957 : vector<16xi32>
    %sign3A_1959 = arith.extui %sign3A_1958 : vector<16xi1> to vector<16xi32>
    %sign3A_1960 = arith.subi %sign3A_1955, %sign3A_1959 : vector<16xi32>
    %sign3A_1961 = arith.constant 0 : i32
    %sign3A_1962 = arith.cmpi sgt, %jit3A_1949, %sign3A_1961 : i32
    %sign3A_1963 = arith.extui %sign3A_1962 : i1 to i32
    %sign3A_1964 = arith.constant 0 : i32
    %sign3A_1965 = arith.cmpi slt, %jit3A_1949, %sign3A_1964 : i32
    %sign3A_1966 = arith.extui %sign3A_1965 : i1 to i32
    %sign3A_1967 = arith.subi %sign3A_1963, %sign3A_1966 : i32
    %ne3A_1968 = vector.broadcast %sign3A_1967 : i32 to vector<16xi32>
    %ne3A_1969 = arith.cmpi ne, %sign3A_1960, %ne3A_1968 : vector<16xi32>
    %rem3A_1970 = vector.broadcast %jit3A_1949 : i32 to vector<16xi32>
    %rem3A_1971 = arith.remsi %add3A_1946, %rem3A_1970 : vector<16xi32>
    %ne3A_1972 = arith.constant 0 : i32
    %ne3A_1973 = vector.broadcast %ne3A_1972 : i32 to vector<16xi32>
    %ne3A_1974 = arith.cmpi ne, %rem3A_1971, %ne3A_1973 : vector<16xi32>
    %and3A_1975 = arith.andi %ne3A_1969, %ne3A_1974 : vector<16xi1>
    %sub3A_1976 = arith.constant 1 : i32
    %sub3A_1977 = vector.broadcast %sub3A_1976 : i32 to vector<16xi32>
    %sub3A_1978 = arith.subi %div3A_1951, %sub3A_1977 : vector<16xi32>
    %select_n3A_1979 = arith.select %and3A_1975, %sub3A_1978, %div3A_1951 : vector<16xi1>, vector<16xi32>
    %jit3A_1980 = arith.constant 8 : i32
    %eq3A_1981 = arith.constant 0 : i32
    %eq3A_1982 = arith.cmpi eq, %jit3A_1980, %eq3A_1981 : i32
    %jit3A_1983 = arith.constant 1 : i32
    %select_n3A_1984 = arith.select %eq3A_1982, %jit3A_1983, %jit3A_1980 : i32
    %rem3A_1985 = vector.broadcast %select_n3A_1984 : i32 to vector<16xi32>
    %rem3A_1986 = arith.remsi %add3A_1946, %rem3A_1985 : vector<16xi32>
    %ne3A_1987 = arith.constant 0 : i32
    %ne3A_1988 = vector.broadcast %ne3A_1987 : i32 to vector<16xi32>
    %ne3A_1989 = arith.cmpi ne, %rem3A_1986, %ne3A_1988 : vector<16xi32>
    %lt3A_1990 = arith.constant 0 : i32
    %lt3A_1991 = vector.broadcast %lt3A_1990 : i32 to vector<16xi32>
    %lt3A_1992 = arith.cmpi slt, %rem3A_1986, %lt3A_1991 : vector<16xi32>
    %lt3A_1993 = arith.constant 0 : i32
    %lt3A_1994 = arith.cmpi slt, %select_n3A_1984, %lt3A_1993 : i32
    %ne3A_1995 = vector.broadcast %lt3A_1994 : i1 to vector<16xi1>
    %ne3A_1996 = vector.broadcast %ne3A_1995 : vector<16xi1> to vector<16xi1>
    %ne3A_1997 = arith.xori %lt3A_1992, %ne3A_1996 : vector<16xi1>
    %and3A_1998 = arith.andi %ne3A_1997, %ne3A_1989 : vector<16xi1>
    %add3A_1999 = vector.broadcast %select_n3A_1984 : i32 to vector<16xi32>
    %add3A_2000 = arith.addi %rem3A_1986, %add3A_1999 : vector<16xi32>
    %select_n3A_2001 = arith.select %and3A_1998, %add3A_2000, %rem3A_1986 : vector<16xi1>, vector<16xi32>
    tpu.vector_store_idx %arg13[%broadcast_in_dim3A_1948, %select_n3A_1979, %select_n3A_2001], %broadcast_in_dim3A_1 : memref<2x80x8xf32, #tpu.memory_space<vmem>>[vector<16xi32>, vector<16xi32>, vector<16xi32>], vector<16xf32>,
    %iota3A_2002 = tpu.iota {dimensions = array<i32: 0>} : vector<16xi32>
    %add3A_2003 = arith.constant 544 : i32
    %add3A_2004 = vector.broadcast %add3A_2003 : i32 to vector<16xi32>
    %add3A_2005 = arith.addi %iota3A_2002, %add3A_2004 : vector<16xi32>
    %broadcast_in_dim3A_2006 = arith.constant 0 : i32
    %broadcast_in_dim3A_2007 = vector.broadcast %broadcast_in_dim3A_2006 : i32 to vector<16xi32>
    %jit3A_2008 = arith.constant 8 : i32
    %div3A_2009 = vector.broadcast %jit3A_2008 : i32 to vector<16xi32>
    %div3A_2010 = arith.divsi %add3A_2005, %div3A_2009 : vector<16xi32>
    %sign3A_2011 = arith.constant 0 : i32
    %sign3A_2012 = vector.broadcast %sign3A_2011 : i32 to vector<16xi32>
    %sign3A_2013 = arith.cmpi sgt, %add3A_2005, %sign3A_2012 : vector<16xi32>
    %sign3A_2014 = arith.extui %sign3A_2013 : vector<16xi1> to vector<16xi32>
    %sign3A_2015 = arith.constant 0 : i32
    %sign3A_2016 = vector.broadcast %sign3A_2015 : i32 to vector<16xi32>
    %sign3A_2017 = arith.cmpi slt, %add3A_2005, %sign3A_2016 : vector<16xi32>
    %sign3A_2018 = arith.extui %sign3A_2017 : vector<16xi1> to vector<16xi32>
    %sign3A_2019 = arith.subi %sign3A_2014, %sign3A_2018 : vector<16xi32>
    %sign3A_2020 = arith.constant 0 : i32
    %sign3A_2021 = arith.cmpi sgt, %jit3A_2008, %sign3A_2020 : i32
    %sign3A_2022 = arith.extui %sign3A_2021 : i1 to i32
    %sign3A_2023 = arith.constant 0 : i32
    %sign3A_2024 = arith.cmpi slt, %jit3A_2008, %sign3A_2023 : i32
    %sign3A_2025 = arith.extui %sign3A_2024 : i1 to i32
    %sign3A_2026 = arith.subi %sign3A_2022, %sign3A_2025 : i32
    %ne3A_2027 = vector.broadcast %sign3A_2026 : i32 to vector<16xi32>
    %ne3A_2028 = arith.cmpi ne, %sign3A_2019, %ne3A_2027 : vector<16xi32>
    %rem3A_2029 = vector.broadcast %jit3A_2008 : i32 to vector<16xi32>
    %rem3A_2030 = arith.remsi %add3A_2005, %rem3A_2029 : vector<16xi32>
    %ne3A_2031 = arith.constant 0 : i32
    %ne3A_2032 = vector.broadcast %ne3A_2031 : i32 to vector<16xi32>
    %ne3A_2033 = arith.cmpi ne, %rem3A_2030, %ne3A_2032 : vector<16xi32>
    %and3A_2034 = arith.andi %ne3A_2028, %ne3A_2033 : vector<16xi1>
    %sub3A_2035 = arith.constant 1 : i32
    %sub3A_2036 = vector.broadcast %sub3A_2035 : i32 to vector<16xi32>
    %sub3A_2037 = arith.subi %div3A_2010, %sub3A_2036 : vector<16xi32>
    %select_n3A_2038 = arith.select %and3A_2034, %sub3A_2037, %div3A_2010 : vector<16xi1>, vector<16xi32>
    %jit3A_2039 = arith.constant 8 : i32
    %eq3A_2040 = arith.constant 0 : i32
    %eq3A_2041 = arith.cmpi eq, %jit3A_2039, %eq3A_2040 : i32
    %jit3A_2042 = arith.constant 1 : i32
    %select_n3A_2043 = arith.select %eq3A_2041, %jit3A_2042, %jit3A_2039 : i32
    %rem3A_2044 = vector.broadcast %select_n3A_2043 : i32 to vector<16xi32>
    %rem3A_2045 = arith.remsi %add3A_2005, %rem3A_2044 : vector<16xi32>
    %ne3A_2046 = arith.constant 0 : i32
    %ne3A_2047 = vector.broadcast %ne3A_2046 : i32 to vector<16xi32>
    %ne3A_2048 = arith.cmpi ne, %rem3A_2045, %ne3A_2047 : vector<16xi32>
    %lt3A_2049 = arith.constant 0 : i32
    %lt3A_2050 = vector.broadcast %lt3A_2049 : i32 to vector<16xi32>
    %lt3A_2051 = arith.cmpi slt, %rem3A_2045, %lt3A_2050 : vector<16xi32>
    %lt3A_2052 = arith.constant 0 : i32
    %lt3A_2053 = arith.cmpi slt, %select_n3A_2043, %lt3A_2052 : i32
    %ne3A_2054 = vector.broadcast %lt3A_2053 : i1 to vector<16xi1>
    %ne3A_2055 = vector.broadcast %ne3A_2054 : vector<16xi1> to vector<16xi1>
    %ne3A_2056 = arith.xori %lt3A_2051, %ne3A_2055 : vector<16xi1>
    %and3A_2057 = arith.andi %ne3A_2056, %ne3A_2048 : vector<16xi1>
    %add3A_2058 = vector.broadcast %select_n3A_2043 : i32 to vector<16xi32>
    %add3A_2059 = arith.addi %rem3A_2045, %add3A_2058 : vector<16xi32>
    %select_n3A_2060 = arith.select %and3A_2057, %add3A_2059, %rem3A_2045 : vector<16xi1>, vector<16xi32>
    tpu.vector_store_idx %arg13[%broadcast_in_dim3A_2007, %select_n3A_2038, %select_n3A_2060], %broadcast_in_dim3A_1 : memref<2x80x8xf32, #tpu.memory_space<vmem>>[vector<16xi32>, vector<16xi32>, vector<16xi32>], vector<16xf32>,
    %iota3A_2061 = tpu.iota {dimensions = array<i32: 0>} : vector<16xi32>
    %add3A_2062 = arith.constant 560 : i32
    %add3A_2063 = vector.broadcast %add3A_2062 : i32 to vector<16xi32>
    %add3A_2064 = arith.addi %iota3A_2061, %add3A_2063 : vector<16xi32>
    %broadcast_in_dim3A_2065 = arith.constant 0 : i32
    %broadcast_in_dim3A_2066 = vector.broadcast %broadcast_in_dim3A_2065 : i32 to vector<16xi32>
    %jit3A_2067 = arith.constant 8 : i32
    %div3A_2068 = vector.broadcast %jit3A_2067 : i32 to vector<16xi32>
    %div3A_2069 = arith.divsi %add3A_2064, %div3A_2068 : vector<16xi32>
    %sign3A_2070 = arith.constant 0 : i32
    %sign3A_2071 = vector.broadcast %sign3A_2070 : i32 to vector<16xi32>
    %sign3A_2072 = arith.cmpi sgt, %add3A_2064, %sign3A_2071 : vector<16xi32>
    %sign3A_2073 = arith.extui %sign3A_2072 : vector<16xi1> to vector<16xi32>
    %sign3A_2074 = arith.constant 0 : i32
    %sign3A_2075 = vector.broadcast %sign3A_2074 : i32 to vector<16xi32>
    %sign3A_2076 = arith.cmpi slt, %add3A_2064, %sign3A_2075 : vector<16xi32>
    %sign3A_2077 = arith.extui %sign3A_2076 : vector<16xi1> to vector<16xi32>
    %sign3A_2078 = arith.subi %sign3A_2073, %sign3A_2077 : vector<16xi32>
    %sign3A_2079 = arith.constant 0 : i32
    %sign3A_2080 = arith.cmpi sgt, %jit3A_2067, %sign3A_2079 : i32
    %sign3A_2081 = arith.extui %sign3A_2080 : i1 to i32
    %sign3A_2082 = arith.constant 0 : i32
    %sign3A_2083 = arith.cmpi slt, %jit3A_2067, %sign3A_2082 : i32
    %sign3A_2084 = arith.extui %sign3A_2083 : i1 to i32
    %sign3A_2085 = arith.subi %sign3A_2081, %sign3A_2084 : i32
    %ne3A_2086 = vector.broadcast %sign3A_2085 : i32 to vector<16xi32>
    %ne3A_2087 = arith.cmpi ne, %sign3A_2078, %ne3A_2086 : vector<16xi32>
    %rem3A_2088 = vector.broadcast %jit3A_2067 : i32 to vector<16xi32>
    %rem3A_2089 = arith.remsi %add3A_2064, %rem3A_2088 : vector<16xi32>
    %ne3A_2090 = arith.constant 0 : i32
    %ne3A_2091 = vector.broadcast %ne3A_2090 : i32 to vector<16xi32>
    %ne3A_2092 = arith.cmpi ne, %rem3A_2089, %ne3A_2091 : vector<16xi32>
    %and3A_2093 = arith.andi %ne3A_2087, %ne3A_2092 : vector<16xi1>
    %sub3A_2094 = arith.constant 1 : i32
    %sub3A_2095 = vector.broadcast %sub3A_2094 : i32 to vector<16xi32>
    %sub3A_2096 = arith.subi %div3A_2069, %sub3A_2095 : vector<16xi32>
    %select_n3A_2097 = arith.select %and3A_2093, %sub3A_2096, %div3A_2069 : vector<16xi1>, vector<16xi32>
    %jit3A_2098 = arith.constant 8 : i32
    %eq3A_2099 = arith.constant 0 : i32
    %eq3A_2100 = arith.cmpi eq, %jit3A_2098, %eq3A_2099 : i32
    %jit3A_2101 = arith.constant 1 : i32
    %select_n3A_2102 = arith.select %eq3A_2100, %jit3A_2101, %jit3A_2098 : i32
    %rem3A_2103 = vector.broadcast %select_n3A_2102 : i32 to vector<16xi32>
    %rem3A_2104 = arith.remsi %add3A_2064, %rem3A_2103 : vector<16xi32>
    %ne3A_2105 = arith.constant 0 : i32
    %ne3A_2106 = vector.broadcast %ne3A_2105 : i32 to vector<16xi32>
    %ne3A_2107 = arith.cmpi ne, %rem3A_2104, %ne3A_2106 : vector<16xi32>
    %lt3A_2108 = arith.constant 0 : i32
    %lt3A_2109 = vector.broadcast %lt3A_2108 : i32 to vector<16xi32>
    %lt3A_2110 = arith.cmpi slt, %rem3A_2104, %lt3A_2109 : vector<16xi32>
    %lt3A_2111 = arith.constant 0 : i32
    %lt3A_2112 = arith.cmpi slt, %select_n3A_2102, %lt3A_2111 : i32
    %ne3A_2113 = vector.broadcast %lt3A_2112 : i1 to vector<16xi1>
    %ne3A_2114 = vector.broadcast %ne3A_2113 : vector<16xi1> to vector<16xi1>
    %ne3A_2115 = arith.xori %lt3A_2110, %ne3A_2114 : vector<16xi1>
    %and3A_2116 = arith.andi %ne3A_2115, %ne3A_2107 : vector<16xi1>
    %add3A_2117 = vector.broadcast %select_n3A_2102 : i32 to vector<16xi32>
    %add3A_2118 = arith.addi %rem3A_2104, %add3A_2117 : vector<16xi32>
    %select_n3A_2119 = arith.select %and3A_2116, %add3A_2118, %rem3A_2104 : vector<16xi1>, vector<16xi32>
    tpu.vector_store_idx %arg13[%broadcast_in_dim3A_2066, %select_n3A_2097, %select_n3A_2119], %broadcast_in_dim3A_1 : memref<2x80x8xf32, #tpu.memory_space<vmem>>[vector<16xi32>, vector<16xi32>, vector<16xi32>], vector<16xf32>,
    %iota3A_2120 = tpu.iota {dimensions = array<i32: 0>} : vector<16xi32>
    %add3A_2121 = arith.constant 576 : i32
    %add3A_2122 = vector.broadcast %add3A_2121 : i32 to vector<16xi32>
    %add3A_2123 = arith.addi %iota3A_2120, %add3A_2122 : vector<16xi32>
    %broadcast_in_dim3A_2124 = arith.constant 0 : i32
    %broadcast_in_dim3A_2125 = vector.broadcast %broadcast_in_dim3A_2124 : i32 to vector<16xi32>
    %jit3A_2126 = arith.constant 8 : i32
    %div3A_2127 = vector.broadcast %jit3A_2126 : i32 to vector<16xi32>
    %div3A_2128 = arith.divsi %add3A_2123, %div3A_2127 : vector<16xi32>
    %sign3A_2129 = arith.constant 0 : i32
    %sign3A_2130 = vector.broadcast %sign3A_2129 : i32 to vector<16xi32>
    %sign3A_2131 = arith.cmpi sgt, %add3A_2123, %sign3A_2130 : vector<16xi32>
    %sign3A_2132 = arith.extui %sign3A_2131 : vector<16xi1> to vector<16xi32>
    %sign3A_2133 = arith.constant 0 : i32
    %sign3A_2134 = vector.broadcast %sign3A_2133 : i32 to vector<16xi32>
    %sign3A_2135 = arith.cmpi slt, %add3A_2123, %sign3A_2134 : vector<16xi32>
    %sign3A_2136 = arith.extui %sign3A_2135 : vector<16xi1> to vector<16xi32>
    %sign3A_2137 = arith.subi %sign3A_2132, %sign3A_2136 : vector<16xi32>
    %sign3A_2138 = arith.constant 0 : i32
    %sign3A_2139 = arith.cmpi sgt, %jit3A_2126, %sign3A_2138 : i32
    %sign3A_2140 = arith.extui %sign3A_2139 : i1 to i32
    %sign3A_2141 = arith.constant 0 : i32
    %sign3A_2142 = arith.cmpi slt, %jit3A_2126, %sign3A_2141 : i32
    %sign3A_2143 = arith.extui %sign3A_2142 : i1 to i32
    %sign3A_2144 = arith.subi %sign3A_2140, %sign3A_2143 : i32
    %ne3A_2145 = vector.broadcast %sign3A_2144 : i32 to vector<16xi32>
    %ne3A_2146 = arith.cmpi ne, %sign3A_2137, %ne3A_2145 : vector<16xi32>
    %rem3A_2147 = vector.broadcast %jit3A_2126 : i32 to vector<16xi32>
    %rem3A_2148 = arith.remsi %add3A_2123, %rem3A_2147 : vector<16xi32>
    %ne3A_2149 = arith.constant 0 : i32
    %ne3A_2150 = vector.broadcast %ne3A_2149 : i32 to vector<16xi32>
    %ne3A_2151 = arith.cmpi ne, %rem3A_2148, %ne3A_2150 : vector<16xi32>
    %and3A_2152 = arith.andi %ne3A_2146, %ne3A_2151 : vector<16xi1>
    %sub3A_2153 = arith.constant 1 : i32
    %sub3A_2154 = vector.broadcast %sub3A_2153 : i32 to vector<16xi32>
    %sub3A_2155 = arith.subi %div3A_2128, %sub3A_2154 : vector<16xi32>
    %select_n3A_2156 = arith.select %and3A_2152, %sub3A_2155, %div3A_2128 : vector<16xi1>, vector<16xi32>
    %jit3A_2157 = arith.constant 8 : i32
    %eq3A_2158 = arith.constant 0 : i32
    %eq3A_2159 = arith.cmpi eq, %jit3A_2157, %eq3A_2158 : i32
    %jit3A_2160 = arith.constant 1 : i32
    %select_n3A_2161 = arith.select %eq3A_2159, %jit3A_2160, %jit3A_2157 : i32
    %rem3A_2162 = vector.broadcast %select_n3A_2161 : i32 to vector<16xi32>
    %rem3A_2163 = arith.remsi %add3A_2123, %rem3A_2162 : vector<16xi32>
    %ne3A_2164 = arith.constant 0 : i32
    %ne3A_2165 = vector.broadcast %ne3A_2164 : i32 to vector<16xi32>
    %ne3A_2166 = arith.cmpi ne, %rem3A_2163, %ne3A_2165 : vector<16xi32>
    %lt3A_2167 = arith.constant 0 : i32
    %lt3A_2168 = vector.broadcast %lt3A_2167 : i32 to vector<16xi32>
    %lt3A_2169 = arith.cmpi slt, %rem3A_2163, %lt3A_2168 : vector<16xi32>
    %lt3A_2170 = arith.constant 0 : i32
    %lt3A_2171 = arith.cmpi slt, %select_n3A_2161, %lt3A_2170 : i32
    %ne3A_2172 = vector.broadcast %lt3A_2171 : i1 to vector<16xi1>
    %ne3A_2173 = vector.broadcast %ne3A_2172 : vector<16xi1> to vector<16xi1>
    %ne3A_2174 = arith.xori %lt3A_2169, %ne3A_2173 : vector<16xi1>
    %and3A_2175 = arith.andi %ne3A_2174, %ne3A_2166 : vector<16xi1>
    %add3A_2176 = vector.broadcast %select_n3A_2161 : i32 to vector<16xi32>
    %add3A_2177 = arith.addi %rem3A_2163, %add3A_2176 : vector<16xi32>
    %select_n3A_2178 = arith.select %and3A_2175, %add3A_2177, %rem3A_2163 : vector<16xi1>, vector<16xi32>
    tpu.vector_store_idx %arg13[%broadcast_in_dim3A_2125, %select_n3A_2156, %select_n3A_2178], %broadcast_in_dim3A_1 : memref<2x80x8xf32, #tpu.memory_space<vmem>>[vector<16xi32>, vector<16xi32>, vector<16xi32>], vector<16xf32>,
    %iota3A_2179 = tpu.iota {dimensions = array<i32: 0>} : vector<16xi32>
    %add3A_2180 = arith.constant 592 : i32
    %add3A_2181 = vector.broadcast %add3A_2180 : i32 to vector<16xi32>
    %add3A_2182 = arith.addi %iota3A_2179, %add3A_2181 : vector<16xi32>
    %broadcast_in_dim3A_2183 = arith.constant 0 : i32
    %broadcast_in_dim3A_2184 = vector.broadcast %broadcast_in_dim3A_2183 : i32 to vector<16xi32>
    %jit3A_2185 = arith.constant 8 : i32
    %div3A_2186 = vector.broadcast %jit3A_2185 : i32 to vector<16xi32>
    %div3A_2187 = arith.divsi %add3A_2182, %div3A_2186 : vector<16xi32>
    %sign3A_2188 = arith.constant 0 : i32
    %sign3A_2189 = vector.broadcast %sign3A_2188 : i32 to vector<16xi32>
    %sign3A_2190 = arith.cmpi sgt, %add3A_2182, %sign3A_2189 : vector<16xi32>
    %sign3A_2191 = arith.extui %sign3A_2190 : vector<16xi1> to vector<16xi32>
    %sign3A_2192 = arith.constant 0 : i32
    %sign3A_2193 = vector.broadcast %sign3A_2192 : i32 to vector<16xi32>
    %sign3A_2194 = arith.cmpi slt, %add3A_2182, %sign3A_2193 : vector<16xi32>
    %sign3A_2195 = arith.extui %sign3A_2194 : vector<16xi1> to vector<16xi32>
    %sign3A_2196 = arith.subi %sign3A_2191, %sign3A_2195 : vector<16xi32>
    %sign3A_2197 = arith.constant 0 : i32
    %sign3A_2198 = arith.cmpi sgt, %jit3A_2185, %sign3A_2197 : i32
    %sign3A_2199 = arith.extui %sign3A_2198 : i1 to i32
    %sign3A_2200 = arith.constant 0 : i32
    %sign3A_2201 = arith.cmpi slt, %jit3A_2185, %sign3A_2200 : i32
    %sign3A_2202 = arith.extui %sign3A_2201 : i1 to i32
    %sign3A_2203 = arith.subi %sign3A_2199, %sign3A_2202 : i32
    %ne3A_2204 = vector.broadcast %sign3A_2203 : i32 to vector<16xi32>
    %ne3A_2205 = arith.cmpi ne, %sign3A_2196, %ne3A_2204 : vector<16xi32>
    %rem3A_2206 = vector.broadcast %jit3A_2185 : i32 to vector<16xi32>
    %rem3A_2207 = arith.remsi %add3A_2182, %rem3A_2206 : vector<16xi32>
    %ne3A_2208 = arith.constant 0 : i32
    %ne3A_2209 = vector.broadcast %ne3A_2208 : i32 to vector<16xi32>
    %ne3A_2210 = arith.cmpi ne, %rem3A_2207, %ne3A_2209 : vector<16xi32>
    %and3A_2211 = arith.andi %ne3A_2205, %ne3A_2210 : vector<16xi1>
    %sub3A_2212 = arith.constant 1 : i32
    %sub3A_2213 = vector.broadcast %sub3A_2212 : i32 to vector<16xi32>
    %sub3A_2214 = arith.subi %div3A_2187, %sub3A_2213 : vector<16xi32>
    %select_n3A_2215 = arith.select %and3A_2211, %sub3A_2214, %div3A_2187 : vector<16xi1>, vector<16xi32>
    %jit3A_2216 = arith.constant 8 : i32
    %eq3A_2217 = arith.constant 0 : i32
    %eq3A_2218 = arith.cmpi eq, %jit3A_2216, %eq3A_2217 : i32
    %jit3A_2219 = arith.constant 1 : i32
    %select_n3A_2220 = arith.select %eq3A_2218, %jit3A_2219, %jit3A_2216 : i32
    %rem3A_2221 = vector.broadcast %select_n3A_2220 : i32 to vector<16xi32>
    %rem3A_2222 = arith.remsi %add3A_2182, %rem3A_2221 : vector<16xi32>
    %ne3A_2223 = arith.constant 0 : i32
    %ne3A_2224 = vector.broadcast %ne3A_2223 : i32 to vector<16xi32>
    %ne3A_2225 = arith.cmpi ne, %rem3A_2222, %ne3A_2224 : vector<16xi32>
    %lt3A_2226 = arith.constant 0 : i32
    %lt3A_2227 = vector.broadcast %lt3A_2226 : i32 to vector<16xi32>
    %lt3A_2228 = arith.cmpi slt, %rem3A_2222, %lt3A_2227 : vector<16xi32>
    %lt3A_2229 = arith.constant 0 : i32
    %lt3A_2230 = arith.cmpi slt, %select_n3A_2220, %lt3A_2229 : i32
    %ne3A_2231 = vector.broadcast %lt3A_2230 : i1 to vector<16xi1>
    %ne3A_2232 = vector.broadcast %ne3A_2231 : vector<16xi1> to vector<16xi1>
    %ne3A_2233 = arith.xori %lt3A_2228, %ne3A_2232 : vector<16xi1>
    %and3A_2234 = arith.andi %ne3A_2233, %ne3A_2225 : vector<16xi1>
    %add3A_2235 = vector.broadcast %select_n3A_2220 : i32 to vector<16xi32>
    %add3A_2236 = arith.addi %rem3A_2222, %add3A_2235 : vector<16xi32>
    %select_n3A_2237 = arith.select %and3A_2234, %add3A_2236, %rem3A_2222 : vector<16xi1>, vector<16xi32>
    tpu.vector_store_idx %arg13[%broadcast_in_dim3A_2184, %select_n3A_2215, %select_n3A_2237], %broadcast_in_dim3A_1 : memref<2x80x8xf32, #tpu.memory_space<vmem>>[vector<16xi32>, vector<16xi32>, vector<16xi32>], vector<16xf32>,
    %iota3A_2238 = tpu.iota {dimensions = array<i32: 0>} : vector<16xi32>
    %add3A_2239 = arith.constant 608 : i32
    %add3A_2240 = vector.broadcast %add3A_2239 : i32 to vector<16xi32>
    %add3A_2241 = arith.addi %iota3A_2238, %add3A_2240 : vector<16xi32>
    %broadcast_in_dim3A_2242 = arith.constant 0 : i32
    %broadcast_in_dim3A_2243 = vector.broadcast %broadcast_in_dim3A_2242 : i32 to vector<16xi32>
    %jit3A_2244 = arith.constant 8 : i32
    %div3A_2245 = vector.broadcast %jit3A_2244 : i32 to vector<16xi32>
    %div3A_2246 = arith.divsi %add3A_2241, %div3A_2245 : vector<16xi32>
    %sign3A_2247 = arith.constant 0 : i32
    %sign3A_2248 = vector.broadcast %sign3A_2247 : i32 to vector<16xi32>
    %sign3A_2249 = arith.cmpi sgt, %add3A_2241, %sign3A_2248 : vector<16xi32>
    %sign3A_2250 = arith.extui %sign3A_2249 : vector<16xi1> to vector<16xi32>
    %sign3A_2251 = arith.constant 0 : i32
    %sign3A_2252 = vector.broadcast %sign3A_2251 : i32 to vector<16xi32>
    %sign3A_2253 = arith.cmpi slt, %add3A_2241, %sign3A_2252 : vector<16xi32>
    %sign3A_2254 = arith.extui %sign3A_2253 : vector<16xi1> to vector<16xi32>
    %sign3A_2255 = arith.subi %sign3A_2250, %sign3A_2254 : vector<16xi32>
    %sign3A_2256 = arith.constant 0 : i32
    %sign3A_2257 = arith.cmpi sgt, %jit3A_2244, %sign3A_2256 : i32
    %sign3A_2258 = arith.extui %sign3A_2257 : i1 to i32
    %sign3A_2259 = arith.constant 0 : i32
    %sign3A_2260 = arith.cmpi slt, %jit3A_2244, %sign3A_2259 : i32
    %sign3A_2261 = arith.extui %sign3A_2260 : i1 to i32
    %sign3A_2262 = arith.subi %sign3A_2258, %sign3A_2261 : i32
    %ne3A_2263 = vector.broadcast %sign3A_2262 : i32 to vector<16xi32>
    %ne3A_2264 = arith.cmpi ne, %sign3A_2255, %ne3A_2263 : vector<16xi32>
    %rem3A_2265 = vector.broadcast %jit3A_2244 : i32 to vector<16xi32>
    %rem3A_2266 = arith.remsi %add3A_2241, %rem3A_2265 : vector<16xi32>
    %ne3A_2267 = arith.constant 0 : i32
    %ne3A_2268 = vector.broadcast %ne3A_2267 : i32 to vector<16xi32>
    %ne3A_2269 = arith.cmpi ne, %rem3A_2266, %ne3A_2268 : vector<16xi32>
    %and3A_2270 = arith.andi %ne3A_2264, %ne3A_2269 : vector<16xi1>
    %sub3A_2271 = arith.constant 1 : i32
    %sub3A_2272 = vector.broadcast %sub3A_2271 : i32 to vector<16xi32>
    %sub3A_2273 = arith.subi %div3A_2246, %sub3A_2272 : vector<16xi32>
    %select_n3A_2274 = arith.select %and3A_2270, %sub3A_2273, %div3A_2246 : vector<16xi1>, vector<16xi32>
    %jit3A_2275 = arith.constant 8 : i32
    %eq3A_2276 = arith.constant 0 : i32
    %eq3A_2277 = arith.cmpi eq, %jit3A_2275, %eq3A_2276 : i32
    %jit3A_2278 = arith.constant 1 : i32
    %select_n3A_2279 = arith.select %eq3A_2277, %jit3A_2278, %jit3A_2275 : i32
    %rem3A_2280 = vector.broadcast %select_n3A_2279 : i32 to vector<16xi32>
    %rem3A_2281 = arith.remsi %add3A_2241, %rem3A_2280 : vector<16xi32>
    %ne3A_2282 = arith.constant 0 : i32
    %ne3A_2283 = vector.broadcast %ne3A_2282 : i32 to vector<16xi32>
    %ne3A_2284 = arith.cmpi ne, %rem3A_2281, %ne3A_2283 : vector<16xi32>
    %lt3A_2285 = arith.constant 0 : i32
    %lt3A_2286 = vector.broadcast %lt3A_2285 : i32 to vector<16xi32>
    %lt3A_2287 = arith.cmpi slt, %rem3A_2281, %lt3A_2286 : vector<16xi32>
    %lt3A_2288 = arith.constant 0 : i32
    %lt3A_2289 = arith.cmpi slt, %select_n3A_2279, %lt3A_2288 : i32
    %ne3A_2290 = vector.broadcast %lt3A_2289 : i1 to vector<16xi1>
    %ne3A_2291 = vector.broadcast %ne3A_2290 : vector<16xi1> to vector<16xi1>
    %ne3A_2292 = arith.xori %lt3A_2287, %ne3A_2291 : vector<16xi1>
    %and3A_2293 = arith.andi %ne3A_2292, %ne3A_2284 : vector<16xi1>
    %add3A_2294 = vector.broadcast %select_n3A_2279 : i32 to vector<16xi32>
    %add3A_2295 = arith.addi %rem3A_2281, %add3A_2294 : vector<16xi32>
    %select_n3A_2296 = arith.select %and3A_2293, %add3A_2295, %rem3A_2281 : vector<16xi1>, vector<16xi32>
    tpu.vector_store_idx %arg13[%broadcast_in_dim3A_2243, %select_n3A_2274, %select_n3A_2296], %broadcast_in_dim3A_1 : memref<2x80x8xf32, #tpu.memory_space<vmem>>[vector<16xi32>, vector<16xi32>, vector<16xi32>], vector<16xf32>,
    %iota3A_2297 = tpu.iota {dimensions = array<i32: 0>} : vector<16xi32>
    %add3A_2298 = arith.constant 624 : i32
    %add3A_2299 = vector.broadcast %add3A_2298 : i32 to vector<16xi32>
    %add3A_2300 = arith.addi %iota3A_2297, %add3A_2299 : vector<16xi32>
    %broadcast_in_dim3A_2301 = arith.constant 0 : i32
    %broadcast_in_dim3A_2302 = vector.broadcast %broadcast_in_dim3A_2301 : i32 to vector<16xi32>
    %jit3A_2303 = arith.constant 8 : i32
    %div3A_2304 = vector.broadcast %jit3A_2303 : i32 to vector<16xi32>
    %div3A_2305 = arith.divsi %add3A_2300, %div3A_2304 : vector<16xi32>
    %sign3A_2306 = arith.constant 0 : i32
    %sign3A_2307 = vector.broadcast %sign3A_2306 : i32 to vector<16xi32>
    %sign3A_2308 = arith.cmpi sgt, %add3A_2300, %sign3A_2307 : vector<16xi32>
    %sign3A_2309 = arith.extui %sign3A_2308 : vector<16xi1> to vector<16xi32>
    %sign3A_2310 = arith.constant 0 : i32
    %sign3A_2311 = vector.broadcast %sign3A_2310 : i32 to vector<16xi32>
    %sign3A_2312 = arith.cmpi slt, %add3A_2300, %sign3A_2311 : vector<16xi32>
    %sign3A_2313 = arith.extui %sign3A_2312 : vector<16xi1> to vector<16xi32>
    %sign3A_2314 = arith.subi %sign3A_2309, %sign3A_2313 : vector<16xi32>
    %sign3A_2315 = arith.constant 0 : i32
    %sign3A_2316 = arith.cmpi sgt, %jit3A_2303, %sign3A_2315 : i32
    %sign3A_2317 = arith.extui %sign3A_2316 : i1 to i32
    %sign3A_2318 = arith.constant 0 : i32
    %sign3A_2319 = arith.cmpi slt, %jit3A_2303, %sign3A_2318 : i32
    %sign3A_2320 = arith.extui %sign3A_2319 : i1 to i32
    %sign3A_2321 = arith.subi %sign3A_2317, %sign3A_2320 : i32
    %ne3A_2322 = vector.broadcast %sign3A_2321 : i32 to vector<16xi32>
    %ne3A_2323 = arith.cmpi ne, %sign3A_2314, %ne3A_2322 : vector<16xi32>
    %rem3A_2324 = vector.broadcast %jit3A_2303 : i32 to vector<16xi32>
    %rem3A_2325 = arith.remsi %add3A_2300, %rem3A_2324 : vector<16xi32>
    %ne3A_2326 = arith.constant 0 : i32
    %ne3A_2327 = vector.broadcast %ne3A_2326 : i32 to vector<16xi32>
    %ne3A_2328 = arith.cmpi ne, %rem3A_2325, %ne3A_2327 : vector<16xi32>
    %and3A_2329 = arith.andi %ne3A_2323, %ne3A_2328 : vector<16xi1>
    %sub3A_2330 = arith.constant 1 : i32
    %sub3A_2331 = vector.broadcast %sub3A_2330 : i32 to vector<16xi32>
    %sub3A_2332 = arith.subi %div3A_2305, %sub3A_2331 : vector<16xi32>
    %select_n3A_2333 = arith.select %and3A_2329, %sub3A_2332, %div3A_2305 : vector<16xi1>, vector<16xi32>
    %jit3A_2334 = arith.constant 8 : i32
    %eq3A_2335 = arith.constant 0 : i32
    %eq3A_2336 = arith.cmpi eq, %jit3A_2334, %eq3A_2335 : i32
    %jit3A_2337 = arith.constant 1 : i32
    %select_n3A_2338 = arith.select %eq3A_2336, %jit3A_2337, %jit3A_2334 : i32
    %rem3A_2339 = vector.broadcast %select_n3A_2338 : i32 to vector<16xi32>
    %rem3A_2340 = arith.remsi %add3A_2300, %rem3A_2339 : vector<16xi32>
    %ne3A_2341 = arith.constant 0 : i32
    %ne3A_2342 = vector.broadcast %ne3A_2341 : i32 to vector<16xi32>
    %ne3A_2343 = arith.cmpi ne, %rem3A_2340, %ne3A_2342 : vector<16xi32>
    %lt3A_2344 = arith.constant 0 : i32
    %lt3A_2345 = vector.broadcast %lt3A_2344 : i32 to vector<16xi32>
    %lt3A_2346 = arith.cmpi slt, %rem3A_2340, %lt3A_2345 : vector<16xi32>
    %lt3A_2347 = arith.constant 0 : i32
    %lt3A_2348 = arith.cmpi slt, %select_n3A_2338, %lt3A_2347 : i32
    %ne3A_2349 = vector.broadcast %lt3A_2348 : i1 to vector<16xi1>
    %ne3A_2350 = vector.broadcast %ne3A_2349 : vector<16xi1> to vector<16xi1>
    %ne3A_2351 = arith.xori %lt3A_2346, %ne3A_2350 : vector<16xi1>
    %and3A_2352 = arith.andi %ne3A_2351, %ne3A_2343 : vector<16xi1>
    %add3A_2353 = vector.broadcast %select_n3A_2338 : i32 to vector<16xi32>
    %add3A_2354 = arith.addi %rem3A_2340, %add3A_2353 : vector<16xi32>
    %select_n3A_2355 = arith.select %and3A_2352, %add3A_2354, %rem3A_2340 : vector<16xi1>, vector<16xi32>
    tpu.vector_store_idx %arg13[%broadcast_in_dim3A_2302, %select_n3A_2333, %select_n3A_2355], %broadcast_in_dim3A_1 : memref<2x80x8xf32, #tpu.memory_space<vmem>>[vector<16xi32>, vector<16xi32>, vector<16xi32>], vector<16xf32>,
    %mul3A_2356 = arith.constant 625 : i32
    %mul3A_2357 = arith.muli %arg1, %mul3A_2356 : i32
    %add3A_2358 = arith.constant 0 : i32
    %add3A_2359 = arith.addi %mul3A_2357, %add3A_2358 : i32
    "tpu.region"() ({
      %run_scoped3A_2488 = tpu.sem_alloc : memref<!tpu.dma_semaphore, #tpu.memory_space<semaphore_mem>>
      %dma_start3A_2489 = arith.constant 0 : i32
      %dma_start3A_2490 = tpu.memref_slice %arg17[%add3A_2359, %dma_start3A_2489] : memref<10000x128xf32, #tpu.memory_space<vmem_shared>> -> memref<80x128xf32, #tpu.memory_space<vmem_shared>>
      %dma_start3A_2491 = arith.constant 0 : i32
      %dma_start3A_2492 = tpu.memref_slice %arg17[%add3A_2359, %dma_start3A_2491] : memref<10000x128xf32, #tpu.memory_space<vmem_shared>> -> memref<80x128xf32, #tpu.memory_space<vmem_shared>>
      tpu.enqueue_dma source(%arg12 : memref<80x128xf32, #tpu.memory_space<vmem>>) target(%dma_start3A_2492 : memref<80x128xf32, #tpu.memory_space<vmem_shared>>) target_semaphore(%run_scoped3A_2488 : memref<!tpu.dma_semaphore, #tpu.memory_space<semaphore_mem>>)
      %dma_wait3A_2493 = arith.constant 0 : i32
      %dma_wait3A_2494 = tpu.memref_slice %arg17[%add3A_2359, %dma_wait3A_2493] : memref<10000x128xf32, #tpu.memory_space<vmem_shared>> -> memref<80x128xf32, #tpu.memory_space<vmem_shared>>
      %dma_wait3A_2495 = arith.constant 0 : i32
      %dma_wait3A_2496 = tpu.memref_slice %arg17[%add3A_2359, %dma_wait3A_2495] : memref<10000x128xf32, #tpu.memory_space<vmem_shared>> -> memref<80x128xf32, #tpu.memory_space<vmem_shared>>
      tpu.wait_dma2 semaphore(%run_scoped3A_2488 : memref<!tpu.dma_semaphore, #tpu.memory_space<semaphore_mem>>) src(%arg12 : memref<80x128xf32, #tpu.memory_space<vmem>>) dst(%dma_wait3A_2496 : memref<80x128xf32, #tpu.memory_space<vmem_shared>>)
      tpu.yield
    }) : () -> ()
    %mul3A_2360 = arith.constant 625 : i32
    %mul3A_2361 = arith.muli %arg1, %mul3A_2360 : i32
    %add3A_2362 = arith.constant 0 : i32
    %add3A_2363 = arith.addi %mul3A_2361, %add3A_2362 : i32
    %run_scoped3A = arith.constant 0 : i32
    "tpu.region"() ({
      %run_scoped3A_2488 = tpu.sem_alloc : memref<!tpu.dma_semaphore, #tpu.memory_space<semaphore_mem>>
      %dma_start3A_2489 = arith.constant 0 : i32
      %dma_start3A_2490 = arith.constant 0 : i32
      %dma_start3A_2491 = tpu.memref_slice %arg13[%run_scoped3A, %dma_start3A_2489, %dma_start3A_2490] : memref<2x80x8xf32, #tpu.memory_space<vmem>> -> memref<1x80x8xf32, #tpu.memory_space<vmem>>
      %dma_start3A_2492 = tpu.memref_squeeze %dma_start3A_2491 : memref<1x80x8xf32, #tpu.memory_space<vmem>> -> memref<80x8xf32, #tpu.memory_space<vmem>>
      %dma_start3A_2493 = arith.constant 0 : i32
      %dma_start3A_2494 = tpu.memref_slice %arg18[%add3A_2363, %dma_start3A_2493] : memref<10000x8xf32, #tpu.memory_space<vmem_shared>> -> memref<80x8xf32, #tpu.memory_space<vmem_shared>>
      %dma_start3A_2495 = arith.constant 0 : i32
      %dma_start3A_2496 = tpu.memref_slice %arg18[%add3A_2363, %dma_start3A_2495] : memref<10000x8xf32, #tpu.memory_space<vmem_shared>> -> memref<80x8xf32, #tpu.memory_space<vmem_shared>>
      %dma_start3A_2497 = arith.constant 0 : i32
      %dma_start3A_2498 = arith.constant 0 : i32
      %dma_start3A_2499 = tpu.memref_slice %arg13[%run_scoped3A, %dma_start3A_2497, %dma_start3A_2498] : memref<2x80x8xf32, #tpu.memory_space<vmem>> -> memref<1x80x8xf32, #tpu.memory_space<vmem>>
      %dma_start3A_2500 = tpu.memref_squeeze %dma_start3A_2499 : memref<1x80x8xf32, #tpu.memory_space<vmem>> -> memref<80x8xf32, #tpu.memory_space<vmem>>
      tpu.enqueue_dma source(%dma_start3A_2500 : memref<80x8xf32, #tpu.memory_space<vmem>>) target(%dma_start3A_2496 : memref<80x8xf32, #tpu.memory_space<vmem_shared>>) target_semaphore(%run_scoped3A_2488 : memref<!tpu.dma_semaphore, #tpu.memory_space<semaphore_mem>>)
      %dma_wait3A_2501 = arith.constant 0 : i32
      %dma_wait3A_2502 = arith.constant 0 : i32
      %dma_wait3A_2503 = tpu.memref_slice %arg13[%run_scoped3A, %dma_wait3A_2501, %dma_wait3A_2502] : memref<2x80x8xf32, #tpu.memory_space<vmem>> -> memref<1x80x8xf32, #tpu.memory_space<vmem>>
      %dma_wait3A_2504 = tpu.memref_squeeze %dma_wait3A_2503 : memref<1x80x8xf32, #tpu.memory_space<vmem>> -> memref<80x8xf32, #tpu.memory_space<vmem>>
      %dma_wait3A_2505 = arith.constant 0 : i32
      %dma_wait3A_2506 = tpu.memref_slice %arg18[%add3A_2363, %dma_wait3A_2505] : memref<10000x8xf32, #tpu.memory_space<vmem_shared>> -> memref<80x8xf32, #tpu.memory_space<vmem_shared>>
      %dma_wait3A_2507 = arith.constant 0 : i32
      %dma_wait3A_2508 = tpu.memref_slice %arg18[%add3A_2363, %dma_wait3A_2507] : memref<10000x8xf32, #tpu.memory_space<vmem_shared>> -> memref<80x8xf32, #tpu.memory_space<vmem_shared>>
      %dma_wait3A_2509 = arith.constant 0 : i32
      %dma_wait3A_2510 = arith.constant 0 : i32
      %dma_wait3A_2511 = tpu.memref_slice %arg13[%run_scoped3A, %dma_wait3A_2509, %dma_wait3A_2510] : memref<2x80x8xf32, #tpu.memory_space<vmem>> -> memref<1x80x8xf32, #tpu.memory_space<vmem>>
      %dma_wait3A_2512 = tpu.memref_squeeze %dma_wait3A_2511 : memref<1x80x8xf32, #tpu.memory_space<vmem>> -> memref<80x8xf32, #tpu.memory_space<vmem>>
      tpu.wait_dma2 semaphore(%run_scoped3A_2488 : memref<!tpu.dma_semaphore, #tpu.memory_space<semaphore_mem>>) src(%dma_wait3A_2512 : memref<80x8xf32, #tpu.memory_space<vmem>>) dst(%dma_wait3A_2508 : memref<80x8xf32, #tpu.memory_space<vmem_shared>>)
      tpu.yield
    }) : () -> ()
    %mul3A_2364 = arith.constant 625 : i32
    %mul3A_2365 = arith.muli %arg1, %mul3A_2364 : i32
    %add3A_2366 = arith.constant 80 : i32
    %add3A_2367 = arith.addi %mul3A_2365, %add3A_2366 : i32
    "tpu.region"() ({
      %run_scoped3A_2488 = tpu.sem_alloc : memref<!tpu.dma_semaphore, #tpu.memory_space<semaphore_mem>>
      %dma_start3A_2489 = arith.constant 0 : i32
      %dma_start3A_2490 = tpu.memref_slice %arg17[%add3A_2367, %dma_start3A_2489] : memref<10000x128xf32, #tpu.memory_space<vmem_shared>> -> memref<80x128xf32, #tpu.memory_space<vmem_shared>>
      %dma_start3A_2491 = arith.constant 0 : i32
      %dma_start3A_2492 = tpu.memref_slice %arg17[%add3A_2367, %dma_start3A_2491] : memref<10000x128xf32, #tpu.memory_space<vmem_shared>> -> memref<80x128xf32, #tpu.memory_space<vmem_shared>>
      tpu.enqueue_dma source(%arg12 : memref<80x128xf32, #tpu.memory_space<vmem>>) target(%dma_start3A_2492 : memref<80x128xf32, #tpu.memory_space<vmem_shared>>) target_semaphore(%run_scoped3A_2488 : memref<!tpu.dma_semaphore, #tpu.memory_space<semaphore_mem>>)
      %dma_wait3A_2493 = arith.constant 0 : i32
      %dma_wait3A_2494 = tpu.memref_slice %arg17[%add3A_2367, %dma_wait3A_2493] : memref<10000x128xf32, #tpu.memory_space<vmem_shared>> -> memref<80x128xf32, #tpu.memory_space<vmem_shared>>
      %dma_wait3A_2495 = arith.constant 0 : i32
      %dma_wait3A_2496 = tpu.memref_slice %arg17[%add3A_2367, %dma_wait3A_2495] : memref<10000x128xf32, #tpu.memory_space<vmem_shared>> -> memref<80x128xf32, #tpu.memory_space<vmem_shared>>
      tpu.wait_dma2 semaphore(%run_scoped3A_2488 : memref<!tpu.dma_semaphore, #tpu.memory_space<semaphore_mem>>) src(%arg12 : memref<80x128xf32, #tpu.memory_space<vmem>>) dst(%dma_wait3A_2496 : memref<80x128xf32, #tpu.memory_space<vmem_shared>>)
      tpu.yield
    }) : () -> ()
    %mul3A_2368 = arith.constant 625 : i32
    %mul3A_2369 = arith.muli %arg1, %mul3A_2368 : i32
    %add3A_2370 = arith.constant 80 : i32
    %add3A_2371 = arith.addi %mul3A_2369, %add3A_2370 : i32
    %run_scoped3A_2372 = arith.constant 0 : i32
    "tpu.region"() ({
      %run_scoped3A_2488 = tpu.sem_alloc : memref<!tpu.dma_semaphore, #tpu.memory_space<semaphore_mem>>
      %dma_start3A_2489 = arith.constant 0 : i32
      %dma_start3A_2490 = arith.constant 0 : i32
      %dma_start3A_2491 = tpu.memref_slice %arg13[%run_scoped3A_2372, %dma_start3A_2489, %dma_start3A_2490] : memref<2x80x8xf32, #tpu.memory_space<vmem>> -> memref<1x80x8xf32, #tpu.memory_space<vmem>>
      %dma_start3A_2492 = tpu.memref_squeeze %dma_start3A_2491 : memref<1x80x8xf32, #tpu.memory_space<vmem>> -> memref<80x8xf32, #tpu.memory_space<vmem>>
      %dma_start3A_2493 = arith.constant 0 : i32
      %dma_start3A_2494 = tpu.memref_slice %arg18[%add3A_2371, %dma_start3A_2493] : memref<10000x8xf32, #tpu.memory_space<vmem_shared>> -> memref<80x8xf32, #tpu.memory_space<vmem_shared>>
      %dma_start3A_2495 = arith.constant 0 : i32
      %dma_start3A_2496 = tpu.memref_slice %arg18[%add3A_2371, %dma_start3A_2495] : memref<10000x8xf32, #tpu.memory_space<vmem_shared>> -> memref<80x8xf32, #tpu.memory_space<vmem_shared>>
      %dma_start3A_2497 = arith.constant 0 : i32
      %dma_start3A_2498 = arith.constant 0 : i32
      %dma_start3A_2499 = tpu.memref_slice %arg13[%run_scoped3A_2372, %dma_start3A_2497, %dma_start3A_2498] : memref<2x80x8xf32, #tpu.memory_space<vmem>> -> memref<1x80x8xf32, #tpu.memory_space<vmem>>
      %dma_start3A_2500 = tpu.memref_squeeze %dma_start3A_2499 : memref<1x80x8xf32, #tpu.memory_space<vmem>> -> memref<80x8xf32, #tpu.memory_space<vmem>>
      tpu.enqueue_dma source(%dma_start3A_2500 : memref<80x8xf32, #tpu.memory_space<vmem>>) target(%dma_start3A_2496 : memref<80x8xf32, #tpu.memory_space<vmem_shared>>) target_semaphore(%run_scoped3A_2488 : memref<!tpu.dma_semaphore, #tpu.memory_space<semaphore_mem>>)
      %dma_wait3A_2501 = arith.constant 0 : i32
      %dma_wait3A_2502 = arith.constant 0 : i32
      %dma_wait3A_2503 = tpu.memref_slice %arg13[%run_scoped3A_2372, %dma_wait3A_2501, %dma_wait3A_2502] : memref<2x80x8xf32, #tpu.memory_space<vmem>> -> memref<1x80x8xf32, #tpu.memory_space<vmem>>
      %dma_wait3A_2504 = tpu.memref_squeeze %dma_wait3A_2503 : memref<1x80x8xf32, #tpu.memory_space<vmem>> -> memref<80x8xf32, #tpu.memory_space<vmem>>
      %dma_wait3A_2505 = arith.constant 0 : i32
      %dma_wait3A_2506 = tpu.memref_slice %arg18[%add3A_2371, %dma_wait3A_2505] : memref<10000x8xf32, #tpu.memory_space<vmem_shared>> -> memref<80x8xf32, #tpu.memory_space<vmem_shared>>
      %dma_wait3A_2507 = arith.constant 0 : i32
      %dma_wait3A_2508 = tpu.memref_slice %arg18[%add3A_2371, %dma_wait3A_2507] : memref<10000x8xf32, #tpu.memory_space<vmem_shared>> -> memref<80x8xf32, #tpu.memory_space<vmem_shared>>
      %dma_wait3A_2509 = arith.constant 0 : i32
      %dma_wait3A_2510 = arith.constant 0 : i32
      %dma_wait3A_2511 = tpu.memref_slice %arg13[%run_scoped3A_2372, %dma_wait3A_2509, %dma_wait3A_2510] : memref<2x80x8xf32, #tpu.memory_space<vmem>> -> memref<1x80x8xf32, #tpu.memory_space<vmem>>
      %dma_wait3A_2512 = tpu.memref_squeeze %dma_wait3A_2511 : memref<1x80x8xf32, #tpu.memory_space<vmem>> -> memref<80x8xf32, #tpu.memory_space<vmem>>
      tpu.wait_dma2 semaphore(%run_scoped3A_2488 : memref<!tpu.dma_semaphore, #tpu.memory_space<semaphore_mem>>) src(%dma_wait3A_2512 : memref<80x8xf32, #tpu.memory_space<vmem>>) dst(%dma_wait3A_2508 : memref<80x8xf32, #tpu.memory_space<vmem_shared>>)
      tpu.yield
    }) : () -> ()
    %mul3A_2373 = arith.constant 625 : i32
    %mul3A_2374 = arith.muli %arg1, %mul3A_2373 : i32
    %add3A_2375 = arith.constant 160 : i32
    %add3A_2376 = arith.addi %mul3A_2374, %add3A_2375 : i32
    "tpu.region"() ({
      %run_scoped3A_2488 = tpu.sem_alloc : memref<!tpu.dma_semaphore, #tpu.memory_space<semaphore_mem>>
      %dma_start3A_2489 = arith.constant 0 : i32
      %dma_start3A_2490 = tpu.memref_slice %arg17[%add3A_2376, %dma_start3A_2489] : memref<10000x128xf32, #tpu.memory_space<vmem_shared>> -> memref<80x128xf32, #tpu.memory_space<vmem_shared>>
      %dma_start3A_2491 = arith.constant 0 : i32
      %dma_start3A_2492 = tpu.memref_slice %arg17[%add3A_2376, %dma_start3A_2491] : memref<10000x128xf32, #tpu.memory_space<vmem_shared>> -> memref<80x128xf32, #tpu.memory_space<vmem_shared>>
      tpu.enqueue_dma source(%arg12 : memref<80x128xf32, #tpu.memory_space<vmem>>) target(%dma_start3A_2492 : memref<80x128xf32, #tpu.memory_space<vmem_shared>>) target_semaphore(%run_scoped3A_2488 : memref<!tpu.dma_semaphore, #tpu.memory_space<semaphore_mem>>)
      %dma_wait3A_2493 = arith.constant 0 : i32
      %dma_wait3A_2494 = tpu.memref_slice %arg17[%add3A_2376, %dma_wait3A_2493] : memref<10000x128xf32, #tpu.memory_space<vmem_shared>> -> memref<80x128xf32, #tpu.memory_space<vmem_shared>>
      %dma_wait3A_2495 = arith.constant 0 : i32
      %dma_wait3A_2496 = tpu.memref_slice %arg17[%add3A_2376, %dma_wait3A_2495] : memref<10000x128xf32, #tpu.memory_space<vmem_shared>> -> memref<80x128xf32, #tpu.memory_space<vmem_shared>>
      tpu.wait_dma2 semaphore(%run_scoped3A_2488 : memref<!tpu.dma_semaphore, #tpu.memory_space<semaphore_mem>>) src(%arg12 : memref<80x128xf32, #tpu.memory_space<vmem>>) dst(%dma_wait3A_2496 : memref<80x128xf32, #tpu.memory_space<vmem_shared>>)
      tpu.yield
    }) : () -> ()
    %mul3A_2377 = arith.constant 625 : i32
    %mul3A_2378 = arith.muli %arg1, %mul3A_2377 : i32
    %add3A_2379 = arith.constant 160 : i32
    %add3A_2380 = arith.addi %mul3A_2378, %add3A_2379 : i32
    %run_scoped3A_2381 = arith.constant 0 : i32
    "tpu.region"() ({
      %run_scoped3A_2488 = tpu.sem_alloc : memref<!tpu.dma_semaphore, #tpu.memory_space<semaphore_mem>>
      %dma_start3A_2489 = arith.constant 0 : i32
      %dma_start3A_2490 = arith.constant 0 : i32
      %dma_start3A_2491 = tpu.memref_slice %arg13[%run_scoped3A_2381, %dma_start3A_2489, %dma_start3A_2490] : memref<2x80x8xf32, #tpu.memory_space<vmem>> -> memref<1x80x8xf32, #tpu.memory_space<vmem>>
      %dma_start3A_2492 = tpu.memref_squeeze %dma_start3A_2491 : memref<1x80x8xf32, #tpu.memory_space<vmem>> -> memref<80x8xf32, #tpu.memory_space<vmem>>
      %dma_start3A_2493 = arith.constant 0 : i32
      %dma_start3A_2494 = tpu.memref_slice %arg18[%add3A_2380, %dma_start3A_2493] : memref<10000x8xf32, #tpu.memory_space<vmem_shared>> -> memref<80x8xf32, #tpu.memory_space<vmem_shared>>
      %dma_start3A_2495 = arith.constant 0 : i32
      %dma_start3A_2496 = tpu.memref_slice %arg18[%add3A_2380, %dma_start3A_2495] : memref<10000x8xf32, #tpu.memory_space<vmem_shared>> -> memref<80x8xf32, #tpu.memory_space<vmem_shared>>
      %dma_start3A_2497 = arith.constant 0 : i32
      %dma_start3A_2498 = arith.constant 0 : i32
      %dma_start3A_2499 = tpu.memref_slice %arg13[%run_scoped3A_2381, %dma_start3A_2497, %dma_start3A_2498] : memref<2x80x8xf32, #tpu.memory_space<vmem>> -> memref<1x80x8xf32, #tpu.memory_space<vmem>>
      %dma_start3A_2500 = tpu.memref_squeeze %dma_start3A_2499 : memref<1x80x8xf32, #tpu.memory_space<vmem>> -> memref<80x8xf32, #tpu.memory_space<vmem>>
      tpu.enqueue_dma source(%dma_start3A_2500 : memref<80x8xf32, #tpu.memory_space<vmem>>) target(%dma_start3A_2496 : memref<80x8xf32, #tpu.memory_space<vmem_shared>>) target_semaphore(%run_scoped3A_2488 : memref<!tpu.dma_semaphore, #tpu.memory_space<semaphore_mem>>)
      %dma_wait3A_2501 = arith.constant 0 : i32
      %dma_wait3A_2502 = arith.constant 0 : i32
      %dma_wait3A_2503 = tpu.memref_slice %arg13[%run_scoped3A_2381, %dma_wait3A_2501, %dma_wait3A_2502] : memref<2x80x8xf32, #tpu.memory_space<vmem>> -> memref<1x80x8xf32, #tpu.memory_space<vmem>>
      %dma_wait3A_2504 = tpu.memref_squeeze %dma_wait3A_2503 : memref<1x80x8xf32, #tpu.memory_space<vmem>> -> memref<80x8xf32, #tpu.memory_space<vmem>>
      %dma_wait3A_2505 = arith.constant 0 : i32
      %dma_wait3A_2506 = tpu.memref_slice %arg18[%add3A_2380, %dma_wait3A_2505] : memref<10000x8xf32, #tpu.memory_space<vmem_shared>> -> memref<80x8xf32, #tpu.memory_space<vmem_shared>>
      %dma_wait3A_2507 = arith.constant 0 : i32
      %dma_wait3A_2508 = tpu.memref_slice %arg18[%add3A_2380, %dma_wait3A_2507] : memref<10000x8xf32, #tpu.memory_space<vmem_shared>> -> memref<80x8xf32, #tpu.memory_space<vmem_shared>>
      %dma_wait3A_2509 = arith.constant 0 : i32
      %dma_wait3A_2510 = arith.constant 0 : i32
      %dma_wait3A_2511 = tpu.memref_slice %arg13[%run_scoped3A_2381, %dma_wait3A_2509, %dma_wait3A_2510] : memref<2x80x8xf32, #tpu.memory_space<vmem>> -> memref<1x80x8xf32, #tpu.memory_space<vmem>>
      %dma_wait3A_2512 = tpu.memref_squeeze %dma_wait3A_2511 : memref<1x80x8xf32, #tpu.memory_space<vmem>> -> memref<80x8xf32, #tpu.memory_space<vmem>>
      tpu.wait_dma2 semaphore(%run_scoped3A_2488 : memref<!tpu.dma_semaphore, #tpu.memory_space<semaphore_mem>>) src(%dma_wait3A_2512 : memref<80x8xf32, #tpu.memory_space<vmem>>) dst(%dma_wait3A_2508 : memref<80x8xf32, #tpu.memory_space<vmem_shared>>)
      tpu.yield
    }) : () -> ()
    %mul3A_2382 = arith.constant 625 : i32
    %mul3A_2383 = arith.muli %arg1, %mul3A_2382 : i32
    %add3A_2384 = arith.constant 240 : i32
    %add3A_2385 = arith.addi %mul3A_2383, %add3A_2384 : i32
    "tpu.region"() ({
      %run_scoped3A_2488 = tpu.sem_alloc : memref<!tpu.dma_semaphore, #tpu.memory_space<semaphore_mem>>
      %dma_start3A_2489 = arith.constant 0 : i32
      %dma_start3A_2490 = tpu.memref_slice %arg17[%add3A_2385, %dma_start3A_2489] : memref<10000x128xf32, #tpu.memory_space<vmem_shared>> -> memref<80x128xf32, #tpu.memory_space<vmem_shared>>
      %dma_start3A_2491 = arith.constant 0 : i32
      %dma_start3A_2492 = tpu.memref_slice %arg17[%add3A_2385, %dma_start3A_2491] : memref<10000x128xf32, #tpu.memory_space<vmem_shared>> -> memref<80x128xf32, #tpu.memory_space<vmem_shared>>
      tpu.enqueue_dma source(%arg12 : memref<80x128xf32, #tpu.memory_space<vmem>>) target(%dma_start3A_2492 : memref<80x128xf32, #tpu.memory_space<vmem_shared>>) target_semaphore(%run_scoped3A_2488 : memref<!tpu.dma_semaphore, #tpu.memory_space<semaphore_mem>>)
      %dma_wait3A_2493 = arith.constant 0 : i32
      %dma_wait3A_2494 = tpu.memref_slice %arg17[%add3A_2385, %dma_wait3A_2493] : memref<10000x128xf32, #tpu.memory_space<vmem_shared>> -> memref<80x128xf32, #tpu.memory_space<vmem_shared>>
      %dma_wait3A_2495 = arith.constant 0 : i32
      %dma_wait3A_2496 = tpu.memref_slice %arg17[%add3A_2385, %dma_wait3A_2495] : memref<10000x128xf32, #tpu.memory_space<vmem_shared>> -> memref<80x128xf32, #tpu.memory_space<vmem_shared>>
      tpu.wait_dma2 semaphore(%run_scoped3A_2488 : memref<!tpu.dma_semaphore, #tpu.memory_space<semaphore_mem>>) src(%arg12 : memref<80x128xf32, #tpu.memory_space<vmem>>) dst(%dma_wait3A_2496 : memref<80x128xf32, #tpu.memory_space<vmem_shared>>)
      tpu.yield
    }) : () -> ()
    %mul3A_2386 = arith.constant 625 : i32
    %mul3A_2387 = arith.muli %arg1, %mul3A_2386 : i32
    %add3A_2388 = arith.constant 240 : i32
    %add3A_2389 = arith.addi %mul3A_2387, %add3A_2388 : i32
    %run_scoped3A_2390 = arith.constant 0 : i32
    "tpu.region"() ({
      %run_scoped3A_2488 = tpu.sem_alloc : memref<!tpu.dma_semaphore, #tpu.memory_space<semaphore_mem>>
      %dma_start3A_2489 = arith.constant 0 : i32
      %dma_start3A_2490 = arith.constant 0 : i32
      %dma_start3A_2491 = tpu.memref_slice %arg13[%run_scoped3A_2390, %dma_start3A_2489, %dma_start3A_2490] : memref<2x80x8xf32, #tpu.memory_space<vmem>> -> memref<1x80x8xf32, #tpu.memory_space<vmem>>
      %dma_start3A_2492 = tpu.memref_squeeze %dma_start3A_2491 : memref<1x80x8xf32, #tpu.memory_space<vmem>> -> memref<80x8xf32, #tpu.memory_space<vmem>>
      %dma_start3A_2493 = arith.constant 0 : i32
      %dma_start3A_2494 = tpu.memref_slice %arg18[%add3A_2389, %dma_start3A_2493] : memref<10000x8xf32, #tpu.memory_space<vmem_shared>> -> memref<80x8xf32, #tpu.memory_space<vmem_shared>>
      %dma_start3A_2495 = arith.constant 0 : i32
      %dma_start3A_2496 = tpu.memref_slice %arg18[%add3A_2389, %dma_start3A_2495] : memref<10000x8xf32, #tpu.memory_space<vmem_shared>> -> memref<80x8xf32, #tpu.memory_space<vmem_shared>>
      %dma_start3A_2497 = arith.constant 0 : i32
      %dma_start3A_2498 = arith.constant 0 : i32
      %dma_start3A_2499 = tpu.memref_slice %arg13[%run_scoped3A_2390, %dma_start3A_2497, %dma_start3A_2498] : memref<2x80x8xf32, #tpu.memory_space<vmem>> -> memref<1x80x8xf32, #tpu.memory_space<vmem>>
      %dma_start3A_2500 = tpu.memref_squeeze %dma_start3A_2499 : memref<1x80x8xf32, #tpu.memory_space<vmem>> -> memref<80x8xf32, #tpu.memory_space<vmem>>
      tpu.enqueue_dma source(%dma_start3A_2500 : memref<80x8xf32, #tpu.memory_space<vmem>>) target(%dma_start3A_2496 : memref<80x8xf32, #tpu.memory_space<vmem_shared>>) target_semaphore(%run_scoped3A_2488 : memref<!tpu.dma_semaphore, #tpu.memory_space<semaphore_mem>>)
      %dma_wait3A_2501 = arith.constant 0 : i32
      %dma_wait3A_2502 = arith.constant 0 : i32
      %dma_wait3A_2503 = tpu.memref_slice %arg13[%run_scoped3A_2390, %dma_wait3A_2501, %dma_wait3A_2502] : memref<2x80x8xf32, #tpu.memory_space<vmem>> -> memref<1x80x8xf32, #tpu.memory_space<vmem>>
      %dma_wait3A_2504 = tpu.memref_squeeze %dma_wait3A_2503 : memref<1x80x8xf32, #tpu.memory_space<vmem>> -> memref<80x8xf32, #tpu.memory_space<vmem>>
      %dma_wait3A_2505 = arith.constant 0 : i32
      %dma_wait3A_2506 = tpu.memref_slice %arg18[%add3A_2389, %dma_wait3A_2505] : memref<10000x8xf32, #tpu.memory_space<vmem_shared>> -> memref<80x8xf32, #tpu.memory_space<vmem_shared>>
      %dma_wait3A_2507 = arith.constant 0 : i32
      %dma_wait3A_2508 = tpu.memref_slice %arg18[%add3A_2389, %dma_wait3A_2507] : memref<10000x8xf32, #tpu.memory_space<vmem_shared>> -> memref<80x8xf32, #tpu.memory_space<vmem_shared>>
      %dma_wait3A_2509 = arith.constant 0 : i32
      %dma_wait3A_2510 = arith.constant 0 : i32
      %dma_wait3A_2511 = tpu.memref_slice %arg13[%run_scoped3A_2390, %dma_wait3A_2509, %dma_wait3A_2510] : memref<2x80x8xf32, #tpu.memory_space<vmem>> -> memref<1x80x8xf32, #tpu.memory_space<vmem>>
      %dma_wait3A_2512 = tpu.memref_squeeze %dma_wait3A_2511 : memref<1x80x8xf32, #tpu.memory_space<vmem>> -> memref<80x8xf32, #tpu.memory_space<vmem>>
      tpu.wait_dma2 semaphore(%run_scoped3A_2488 : memref<!tpu.dma_semaphore, #tpu.memory_space<semaphore_mem>>) src(%dma_wait3A_2512 : memref<80x8xf32, #tpu.memory_space<vmem>>) dst(%dma_wait3A_2508 : memref<80x8xf32, #tpu.memory_space<vmem_shared>>)
      tpu.yield
    }) : () -> ()
    %mul3A_2391 = arith.constant 625 : i32
    %mul3A_2392 = arith.muli %arg1, %mul3A_2391 : i32
    %add3A_2393 = arith.constant 320 : i32
    %add3A_2394 = arith.addi %mul3A_2392, %add3A_2393 : i32
    "tpu.region"() ({
      %run_scoped3A_2488 = tpu.sem_alloc : memref<!tpu.dma_semaphore, #tpu.memory_space<semaphore_mem>>
      %dma_start3A_2489 = arith.constant 0 : i32
      %dma_start3A_2490 = tpu.memref_slice %arg17[%add3A_2394, %dma_start3A_2489] : memref<10000x128xf32, #tpu.memory_space<vmem_shared>> -> memref<80x128xf32, #tpu.memory_space<vmem_shared>>
      %dma_start3A_2491 = arith.constant 0 : i32
      %dma_start3A_2492 = tpu.memref_slice %arg17[%add3A_2394, %dma_start3A_2491] : memref<10000x128xf32, #tpu.memory_space<vmem_shared>> -> memref<80x128xf32, #tpu.memory_space<vmem_shared>>
      tpu.enqueue_dma source(%arg12 : memref<80x128xf32, #tpu.memory_space<vmem>>) target(%dma_start3A_2492 : memref<80x128xf32, #tpu.memory_space<vmem_shared>>) target_semaphore(%run_scoped3A_2488 : memref<!tpu.dma_semaphore, #tpu.memory_space<semaphore_mem>>)
      %dma_wait3A_2493 = arith.constant 0 : i32
      %dma_wait3A_2494 = tpu.memref_slice %arg17[%add3A_2394, %dma_wait3A_2493] : memref<10000x128xf32, #tpu.memory_space<vmem_shared>> -> memref<80x128xf32, #tpu.memory_space<vmem_shared>>
      %dma_wait3A_2495 = arith.constant 0 : i32
      %dma_wait3A_2496 = tpu.memref_slice %arg17[%add3A_2394, %dma_wait3A_2495] : memref<10000x128xf32, #tpu.memory_space<vmem_shared>> -> memref<80x128xf32, #tpu.memory_space<vmem_shared>>
      tpu.wait_dma2 semaphore(%run_scoped3A_2488 : memref<!tpu.dma_semaphore, #tpu.memory_space<semaphore_mem>>) src(%arg12 : memref<80x128xf32, #tpu.memory_space<vmem>>) dst(%dma_wait3A_2496 : memref<80x128xf32, #tpu.memory_space<vmem_shared>>)
      tpu.yield
    }) : () -> ()
    %mul3A_2395 = arith.constant 625 : i32
    %mul3A_2396 = arith.muli %arg1, %mul3A_2395 : i32
    %add3A_2397 = arith.constant 320 : i32
    %add3A_2398 = arith.addi %mul3A_2396, %add3A_2397 : i32
    %run_scoped3A_2399 = arith.constant 0 : i32
    "tpu.region"() ({
      %run_scoped3A_2488 = tpu.sem_alloc : memref<!tpu.dma_semaphore, #tpu.memory_space<semaphore_mem>>
      %dma_start3A_2489 = arith.constant 0 : i32
      %dma_start3A_2490 = arith.constant 0 : i32
      %dma_start3A_2491 = tpu.memref_slice %arg13[%run_scoped3A_2399, %dma_start3A_2489, %dma_start3A_2490] : memref<2x80x8xf32, #tpu.memory_space<vmem>> -> memref<1x80x8xf32, #tpu.memory_space<vmem>>
      %dma_start3A_2492 = tpu.memref_squeeze %dma_start3A_2491 : memref<1x80x8xf32, #tpu.memory_space<vmem>> -> memref<80x8xf32, #tpu.memory_space<vmem>>
      %dma_start3A_2493 = arith.constant 0 : i32
      %dma_start3A_2494 = tpu.memref_slice %arg18[%add3A_2398, %dma_start3A_2493] : memref<10000x8xf32, #tpu.memory_space<vmem_shared>> -> memref<80x8xf32, #tpu.memory_space<vmem_shared>>
      %dma_start3A_2495 = arith.constant 0 : i32
      %dma_start3A_2496 = tpu.memref_slice %arg18[%add3A_2398, %dma_start3A_2495] : memref<10000x8xf32, #tpu.memory_space<vmem_shared>> -> memref<80x8xf32, #tpu.memory_space<vmem_shared>>
      %dma_start3A_2497 = arith.constant 0 : i32
      %dma_start3A_2498 = arith.constant 0 : i32
      %dma_start3A_2499 = tpu.memref_slice %arg13[%run_scoped3A_2399, %dma_start3A_2497, %dma_start3A_2498] : memref<2x80x8xf32, #tpu.memory_space<vmem>> -> memref<1x80x8xf32, #tpu.memory_space<vmem>>
      %dma_start3A_2500 = tpu.memref_squeeze %dma_start3A_2499 : memref<1x80x8xf32, #tpu.memory_space<vmem>> -> memref<80x8xf32, #tpu.memory_space<vmem>>
      tpu.enqueue_dma source(%dma_start3A_2500 : memref<80x8xf32, #tpu.memory_space<vmem>>) target(%dma_start3A_2496 : memref<80x8xf32, #tpu.memory_space<vmem_shared>>) target_semaphore(%run_scoped3A_2488 : memref<!tpu.dma_semaphore, #tpu.memory_space<semaphore_mem>>)
      %dma_wait3A_2501 = arith.constant 0 : i32
      %dma_wait3A_2502 = arith.constant 0 : i32
      %dma_wait3A_2503 = tpu.memref_slice %arg13[%run_scoped3A_2399, %dma_wait3A_2501, %dma_wait3A_2502] : memref<2x80x8xf32, #tpu.memory_space<vmem>> -> memref<1x80x8xf32, #tpu.memory_space<vmem>>
      %dma_wait3A_2504 = tpu.memref_squeeze %dma_wait3A_2503 : memref<1x80x8xf32, #tpu.memory_space<vmem>> -> memref<80x8xf32, #tpu.memory_space<vmem>>
      %dma_wait3A_2505 = arith.constant 0 : i32
      %dma_wait3A_2506 = tpu.memref_slice %arg18[%add3A_2398, %dma_wait3A_2505] : memref<10000x8xf32, #tpu.memory_space<vmem_shared>> -> memref<80x8xf32, #tpu.memory_space<vmem_shared>>
      %dma_wait3A_2507 = arith.constant 0 : i32
      %dma_wait3A_2508 = tpu.memref_slice %arg18[%add3A_2398, %dma_wait3A_2507] : memref<10000x8xf32, #tpu.memory_space<vmem_shared>> -> memref<80x8xf32, #tpu.memory_space<vmem_shared>>
      %dma_wait3A_2509 = arith.constant 0 : i32
      %dma_wait3A_2510 = arith.constant 0 : i32
      %dma_wait3A_2511 = tpu.memref_slice %arg13[%run_scoped3A_2399, %dma_wait3A_2509, %dma_wait3A_2510] : memref<2x80x8xf32, #tpu.memory_space<vmem>> -> memref<1x80x8xf32, #tpu.memory_space<vmem>>
      %dma_wait3A_2512 = tpu.memref_squeeze %dma_wait3A_2511 : memref<1x80x8xf32, #tpu.memory_space<vmem>> -> memref<80x8xf32, #tpu.memory_space<vmem>>
      tpu.wait_dma2 semaphore(%run_scoped3A_2488 : memref<!tpu.dma_semaphore, #tpu.memory_space<semaphore_mem>>) src(%dma_wait3A_2512 : memref<80x8xf32, #tpu.memory_space<vmem>>) dst(%dma_wait3A_2508 : memref<80x8xf32, #tpu.memory_space<vmem_shared>>)
      tpu.yield
    }) : () -> ()
    %mul3A_2400 = arith.constant 625 : i32
    %mul3A_2401 = arith.muli %arg1, %mul3A_2400 : i32
    %add3A_2402 = arith.constant 400 : i32
    %add3A_2403 = arith.addi %mul3A_2401, %add3A_2402 : i32
    "tpu.region"() ({
      %run_scoped3A_2488 = tpu.sem_alloc : memref<!tpu.dma_semaphore, #tpu.memory_space<semaphore_mem>>
      %dma_start3A_2489 = arith.constant 0 : i32
      %dma_start3A_2490 = tpu.memref_slice %arg17[%add3A_2403, %dma_start3A_2489] : memref<10000x128xf32, #tpu.memory_space<vmem_shared>> -> memref<80x128xf32, #tpu.memory_space<vmem_shared>>
      %dma_start3A_2491 = arith.constant 0 : i32
      %dma_start3A_2492 = tpu.memref_slice %arg17[%add3A_2403, %dma_start3A_2491] : memref<10000x128xf32, #tpu.memory_space<vmem_shared>> -> memref<80x128xf32, #tpu.memory_space<vmem_shared>>
      tpu.enqueue_dma source(%arg12 : memref<80x128xf32, #tpu.memory_space<vmem>>) target(%dma_start3A_2492 : memref<80x128xf32, #tpu.memory_space<vmem_shared>>) target_semaphore(%run_scoped3A_2488 : memref<!tpu.dma_semaphore, #tpu.memory_space<semaphore_mem>>)
      %dma_wait3A_2493 = arith.constant 0 : i32
      %dma_wait3A_2494 = tpu.memref_slice %arg17[%add3A_2403, %dma_wait3A_2493] : memref<10000x128xf32, #tpu.memory_space<vmem_shared>> -> memref<80x128xf32, #tpu.memory_space<vmem_shared>>
      %dma_wait3A_2495 = arith.constant 0 : i32
      %dma_wait3A_2496 = tpu.memref_slice %arg17[%add3A_2403, %dma_wait3A_2495] : memref<10000x128xf32, #tpu.memory_space<vmem_shared>> -> memref<80x128xf32, #tpu.memory_space<vmem_shared>>
      tpu.wait_dma2 semaphore(%run_scoped3A_2488 : memref<!tpu.dma_semaphore, #tpu.memory_space<semaphore_mem>>) src(%arg12 : memref<80x128xf32, #tpu.memory_space<vmem>>) dst(%dma_wait3A_2496 : memref<80x128xf32, #tpu.memory_space<vmem_shared>>)
      tpu.yield
    }) : () -> ()
    %mul3A_2404 = arith.constant 625 : i32
    %mul3A_2405 = arith.muli %arg1, %mul3A_2404 : i32
    %add3A_2406 = arith.constant 400 : i32
    %add3A_2407 = arith.addi %mul3A_2405, %add3A_2406 : i32
    %run_scoped3A_2408 = arith.constant 0 : i32
    "tpu.region"() ({
      %run_scoped3A_2488 = tpu.sem_alloc : memref<!tpu.dma_semaphore, #tpu.memory_space<semaphore_mem>>
      %dma_start3A_2489 = arith.constant 0 : i32
      %dma_start3A_2490 = arith.constant 0 : i32
      %dma_start3A_2491 = tpu.memref_slice %arg13[%run_scoped3A_2408, %dma_start3A_2489, %dma_start3A_2490] : memref<2x80x8xf32, #tpu.memory_space<vmem>> -> memref<1x80x8xf32, #tpu.memory_space<vmem>>
      %dma_start3A_2492 = tpu.memref_squeeze %dma_start3A_2491 : memref<1x80x8xf32, #tpu.memory_space<vmem>> -> memref<80x8xf32, #tpu.memory_space<vmem>>
      %dma_start3A_2493 = arith.constant 0 : i32
      %dma_start3A_2494 = tpu.memref_slice %arg18[%add3A_2407, %dma_start3A_2493] : memref<10000x8xf32, #tpu.memory_space<vmem_shared>> -> memref<80x8xf32, #tpu.memory_space<vmem_shared>>
      %dma_start3A_2495 = arith.constant 0 : i32
      %dma_start3A_2496 = tpu.memref_slice %arg18[%add3A_2407, %dma_start3A_2495] : memref<10000x8xf32, #tpu.memory_space<vmem_shared>> -> memref<80x8xf32, #tpu.memory_space<vmem_shared>>
      %dma_start3A_2497 = arith.constant 0 : i32
      %dma_start3A_2498 = arith.constant 0 : i32
      %dma_start3A_2499 = tpu.memref_slice %arg13[%run_scoped3A_2408, %dma_start3A_2497, %dma_start3A_2498] : memref<2x80x8xf32, #tpu.memory_space<vmem>> -> memref<1x80x8xf32, #tpu.memory_space<vmem>>
      %dma_start3A_2500 = tpu.memref_squeeze %dma_start3A_2499 : memref<1x80x8xf32, #tpu.memory_space<vmem>> -> memref<80x8xf32, #tpu.memory_space<vmem>>
      tpu.enqueue_dma source(%dma_start3A_2500 : memref<80x8xf32, #tpu.memory_space<vmem>>) target(%dma_start3A_2496 : memref<80x8xf32, #tpu.memory_space<vmem_shared>>) target_semaphore(%run_scoped3A_2488 : memref<!tpu.dma_semaphore, #tpu.memory_space<semaphore_mem>>)
      %dma_wait3A_2501 = arith.constant 0 : i32
      %dma_wait3A_2502 = arith.constant 0 : i32
      %dma_wait3A_2503 = tpu.memref_slice %arg13[%run_scoped3A_2408, %dma_wait3A_2501, %dma_wait3A_2502] : memref<2x80x8xf32, #tpu.memory_space<vmem>> -> memref<1x80x8xf32, #tpu.memory_space<vmem>>
      %dma_wait3A_2504 = tpu.memref_squeeze %dma_wait3A_2503 : memref<1x80x8xf32, #tpu.memory_space<vmem>> -> memref<80x8xf32, #tpu.memory_space<vmem>>
      %dma_wait3A_2505 = arith.constant 0 : i32
      %dma_wait3A_2506 = tpu.memref_slice %arg18[%add3A_2407, %dma_wait3A_2505] : memref<10000x8xf32, #tpu.memory_space<vmem_shared>> -> memref<80x8xf32, #tpu.memory_space<vmem_shared>>
      %dma_wait3A_2507 = arith.constant 0 : i32
      %dma_wait3A_2508 = tpu.memref_slice %arg18[%add3A_2407, %dma_wait3A_2507] : memref<10000x8xf32, #tpu.memory_space<vmem_shared>> -> memref<80x8xf32, #tpu.memory_space<vmem_shared>>
      %dma_wait3A_2509 = arith.constant 0 : i32
      %dma_wait3A_2510 = arith.constant 0 : i32
      %dma_wait3A_2511 = tpu.memref_slice %arg13[%run_scoped3A_2408, %dma_wait3A_2509, %dma_wait3A_2510] : memref<2x80x8xf32, #tpu.memory_space<vmem>> -> memref<1x80x8xf32, #tpu.memory_space<vmem>>
      %dma_wait3A_2512 = tpu.memref_squeeze %dma_wait3A_2511 : memref<1x80x8xf32, #tpu.memory_space<vmem>> -> memref<80x8xf32, #tpu.memory_space<vmem>>
      tpu.wait_dma2 semaphore(%run_scoped3A_2488 : memref<!tpu.dma_semaphore, #tpu.memory_space<semaphore_mem>>) src(%dma_wait3A_2512 : memref<80x8xf32, #tpu.memory_space<vmem>>) dst(%dma_wait3A_2508 : memref<80x8xf32, #tpu.memory_space<vmem_shared>>)
      tpu.yield
    }) : () -> ()
    %mul3A_2409 = arith.constant 625 : i32
    %mul3A_2410 = arith.muli %arg1, %mul3A_2409 : i32
    %add3A_2411 = arith.constant 480 : i32
    %add3A_2412 = arith.addi %mul3A_2410, %add3A_2411 : i32
    "tpu.region"() ({
      %run_scoped3A_2488 = tpu.sem_alloc : memref<!tpu.dma_semaphore, #tpu.memory_space<semaphore_mem>>
      %dma_start3A_2489 = arith.constant 0 : i32
      %dma_start3A_2490 = tpu.memref_slice %arg17[%add3A_2412, %dma_start3A_2489] : memref<10000x128xf32, #tpu.memory_space<vmem_shared>> -> memref<80x128xf32, #tpu.memory_space<vmem_shared>>
      %dma_start3A_2491 = arith.constant 0 : i32
      %dma_start3A_2492 = tpu.memref_slice %arg17[%add3A_2412, %dma_start3A_2491] : memref<10000x128xf32, #tpu.memory_space<vmem_shared>> -> memref<80x128xf32, #tpu.memory_space<vmem_shared>>
      tpu.enqueue_dma source(%arg12 : memref<80x128xf32, #tpu.memory_space<vmem>>) target(%dma_start3A_2492 : memref<80x128xf32, #tpu.memory_space<vmem_shared>>) target_semaphore(%run_scoped3A_2488 : memref<!tpu.dma_semaphore, #tpu.memory_space<semaphore_mem>>)
      %dma_wait3A_2493 = arith.constant 0 : i32
      %dma_wait3A_2494 = tpu.memref_slice %arg17[%add3A_2412, %dma_wait3A_2493] : memref<10000x128xf32, #tpu.memory_space<vmem_shared>> -> memref<80x128xf32, #tpu.memory_space<vmem_shared>>
      %dma_wait3A_2495 = arith.constant 0 : i32
      %dma_wait3A_2496 = tpu.memref_slice %arg17[%add3A_2412, %dma_wait3A_2495] : memref<10000x128xf32, #tpu.memory_space<vmem_shared>> -> memref<80x128xf32, #tpu.memory_space<vmem_shared>>
      tpu.wait_dma2 semaphore(%run_scoped3A_2488 : memref<!tpu.dma_semaphore, #tpu.memory_space<semaphore_mem>>) src(%arg12 : memref<80x128xf32, #tpu.memory_space<vmem>>) dst(%dma_wait3A_2496 : memref<80x128xf32, #tpu.memory_space<vmem_shared>>)
      tpu.yield
    }) : () -> ()
    %mul3A_2413 = arith.constant 625 : i32
    %mul3A_2414 = arith.muli %arg1, %mul3A_2413 : i32
    %add3A_2415 = arith.constant 480 : i32
    %add3A_2416 = arith.addi %mul3A_2414, %add3A_2415 : i32
    %run_scoped3A_2417 = arith.constant 0 : i32
    "tpu.region"() ({
      %run_scoped3A_2488 = tpu.sem_alloc : memref<!tpu.dma_semaphore, #tpu.memory_space<semaphore_mem>>
      %dma_start3A_2489 = arith.constant 0 : i32
      %dma_start3A_2490 = arith.constant 0 : i32
      %dma_start3A_2491 = tpu.memref_slice %arg13[%run_scoped3A_2417, %dma_start3A_2489, %dma_start3A_2490] : memref<2x80x8xf32, #tpu.memory_space<vmem>> -> memref<1x80x8xf32, #tpu.memory_space<vmem>>
      %dma_start3A_2492 = tpu.memref_squeeze %dma_start3A_2491 : memref<1x80x8xf32, #tpu.memory_space<vmem>> -> memref<80x8xf32, #tpu.memory_space<vmem>>
      %dma_start3A_2493 = arith.constant 0 : i32
      %dma_start3A_2494 = tpu.memref_slice %arg18[%add3A_2416, %dma_start3A_2493] : memref<10000x8xf32, #tpu.memory_space<vmem_shared>> -> memref<80x8xf32, #tpu.memory_space<vmem_shared>>
      %dma_start3A_2495 = arith.constant 0 : i32
      %dma_start3A_2496 = tpu.memref_slice %arg18[%add3A_2416, %dma_start3A_2495] : memref<10000x8xf32, #tpu.memory_space<vmem_shared>> -> memref<80x8xf32, #tpu.memory_space<vmem_shared>>
      %dma_start3A_2497 = arith.constant 0 : i32
      %dma_start3A_2498 = arith.constant 0 : i32
      %dma_start3A_2499 = tpu.memref_slice %arg13[%run_scoped3A_2417, %dma_start3A_2497, %dma_start3A_2498] : memref<2x80x8xf32, #tpu.memory_space<vmem>> -> memref<1x80x8xf32, #tpu.memory_space<vmem>>
      %dma_start3A_2500 = tpu.memref_squeeze %dma_start3A_2499 : memref<1x80x8xf32, #tpu.memory_space<vmem>> -> memref<80x8xf32, #tpu.memory_space<vmem>>
      tpu.enqueue_dma source(%dma_start3A_2500 : memref<80x8xf32, #tpu.memory_space<vmem>>) target(%dma_start3A_2496 : memref<80x8xf32, #tpu.memory_space<vmem_shared>>) target_semaphore(%run_scoped3A_2488 : memref<!tpu.dma_semaphore, #tpu.memory_space<semaphore_mem>>)
      %dma_wait3A_2501 = arith.constant 0 : i32
      %dma_wait3A_2502 = arith.constant 0 : i32
      %dma_wait3A_2503 = tpu.memref_slice %arg13[%run_scoped3A_2417, %dma_wait3A_2501, %dma_wait3A_2502] : memref<2x80x8xf32, #tpu.memory_space<vmem>> -> memref<1x80x8xf32, #tpu.memory_space<vmem>>
      %dma_wait3A_2504 = tpu.memref_squeeze %dma_wait3A_2503 : memref<1x80x8xf32, #tpu.memory_space<vmem>> -> memref<80x8xf32, #tpu.memory_space<vmem>>
      %dma_wait3A_2505 = arith.constant 0 : i32
      %dma_wait3A_2506 = tpu.memref_slice %arg18[%add3A_2416, %dma_wait3A_2505] : memref<10000x8xf32, #tpu.memory_space<vmem_shared>> -> memref<80x8xf32, #tpu.memory_space<vmem_shared>>
      %dma_wait3A_2507 = arith.constant 0 : i32
      %dma_wait3A_2508 = tpu.memref_slice %arg18[%add3A_2416, %dma_wait3A_2507] : memref<10000x8xf32, #tpu.memory_space<vmem_shared>> -> memref<80x8xf32, #tpu.memory_space<vmem_shared>>
      %dma_wait3A_2509 = arith.constant 0 : i32
      %dma_wait3A_2510 = arith.constant 0 : i32
      %dma_wait3A_2511 = tpu.memref_slice %arg13[%run_scoped3A_2417, %dma_wait3A_2509, %dma_wait3A_2510] : memref<2x80x8xf32, #tpu.memory_space<vmem>> -> memref<1x80x8xf32, #tpu.memory_space<vmem>>
      %dma_wait3A_2512 = tpu.memref_squeeze %dma_wait3A_2511 : memref<1x80x8xf32, #tpu.memory_space<vmem>> -> memref<80x8xf32, #tpu.memory_space<vmem>>
      tpu.wait_dma2 semaphore(%run_scoped3A_2488 : memref<!tpu.dma_semaphore, #tpu.memory_space<semaphore_mem>>) src(%dma_wait3A_2512 : memref<80x8xf32, #tpu.memory_space<vmem>>) dst(%dma_wait3A_2508 : memref<80x8xf32, #tpu.memory_space<vmem_shared>>)
      tpu.yield
    }) : () -> ()
    %mul3A_2418 = arith.constant 625 : i32
    %mul3A_2419 = arith.muli %arg1, %mul3A_2418 : i32
    %add3A_2420 = arith.constant 560 : i32
    %add3A_2421 = arith.addi %mul3A_2419, %add3A_2420 : i32
    "tpu.region"() ({
      %run_scoped3A_2488 = tpu.sem_alloc : memref<!tpu.dma_semaphore, #tpu.memory_space<semaphore_mem>>
      %dma_start3A_2489 = arith.constant 0 : i32
      %dma_start3A_2490 = arith.constant 0 : i32
      %dma_start3A_2491 = tpu.memref_slice %arg12[%dma_start3A_2489, %dma_start3A_2490] : memref<80x128xf32, #tpu.memory_space<vmem>> -> memref<65x128xf32, #tpu.memory_space<vmem>>
      %dma_start3A_2492 = arith.constant 0 : i32
      %dma_start3A_2493 = tpu.memref_slice %arg17[%add3A_2421, %dma_start3A_2492] : memref<10000x128xf32, #tpu.memory_space<vmem_shared>> -> memref<65x128xf32, #tpu.memory_space<vmem_shared>>
      %dma_start3A_2494 = arith.constant 0 : i32
      %dma_start3A_2495 = tpu.memref_slice %arg17[%add3A_2421, %dma_start3A_2494] : memref<10000x128xf32, #tpu.memory_space<vmem_shared>> -> memref<65x128xf32, #tpu.memory_space<vmem_shared>>
      %dma_start3A_2496 = arith.constant 0 : i32
      %dma_start3A_2497 = arith.constant 0 : i32
      %dma_start3A_2498 = tpu.memref_slice %arg12[%dma_start3A_2496, %dma_start3A_2497] : memref<80x128xf32, #tpu.memory_space<vmem>> -> memref<65x128xf32, #tpu.memory_space<vmem>>
      tpu.enqueue_dma source(%dma_start3A_2498 : memref<65x128xf32, #tpu.memory_space<vmem>>) target(%dma_start3A_2495 : memref<65x128xf32, #tpu.memory_space<vmem_shared>>) target_semaphore(%run_scoped3A_2488 : memref<!tpu.dma_semaphore, #tpu.memory_space<semaphore_mem>>)
      %dma_wait3A_2499 = arith.constant 0 : i32
      %dma_wait3A_2500 = arith.constant 0 : i32
      %dma_wait3A_2501 = tpu.memref_slice %arg12[%dma_wait3A_2499, %dma_wait3A_2500] : memref<80x128xf32, #tpu.memory_space<vmem>> -> memref<65x128xf32, #tpu.memory_space<vmem>>
      %dma_wait3A_2502 = arith.constant 0 : i32
      %dma_wait3A_2503 = tpu.memref_slice %arg17[%add3A_2421, %dma_wait3A_2502] : memref<10000x128xf32, #tpu.memory_space<vmem_shared>> -> memref<65x128xf32, #tpu.memory_space<vmem_shared>>
      %dma_wait3A_2504 = arith.constant 0 : i32
      %dma_wait3A_2505 = tpu.memref_slice %arg17[%add3A_2421, %dma_wait3A_2504] : memref<10000x128xf32, #tpu.memory_space<vmem_shared>> -> memref<65x128xf32, #tpu.memory_space<vmem_shared>>
      %dma_wait3A_2506 = arith.constant 0 : i32
      %dma_wait3A_2507 = arith.constant 0 : i32
      %dma_wait3A_2508 = tpu.memref_slice %arg12[%dma_wait3A_2506, %dma_wait3A_2507] : memref<80x128xf32, #tpu.memory_space<vmem>> -> memref<65x128xf32, #tpu.memory_space<vmem>>
      tpu.wait_dma2 semaphore(%run_scoped3A_2488 : memref<!tpu.dma_semaphore, #tpu.memory_space<semaphore_mem>>) src(%dma_wait3A_2508 : memref<65x128xf32, #tpu.memory_space<vmem>>) dst(%dma_wait3A_2505 : memref<65x128xf32, #tpu.memory_space<vmem_shared>>)
      tpu.yield
    }) : () -> ()
    %run_scoped3A_2422 = arith.constant 0 : i32
    "tpu.region"() ({
      %run_scoped3A_2488 = tpu.sem_alloc : memref<!tpu.dma_semaphore, #tpu.memory_space<semaphore_mem>>
      %dma_start3A_2489 = arith.constant 0 : i32
      %dma_start3A_2490 = arith.constant 0 : i32
      %dma_start3A_2491 = tpu.memref_slice %arg13[%run_scoped3A_2422, %dma_start3A_2489, %dma_start3A_2490] : memref<2x80x8xf32, #tpu.memory_space<vmem>> -> memref<1x65x8xf32, #tpu.memory_space<vmem>>
      %dma_start3A_2492 = tpu.memref_squeeze %dma_start3A_2491 : memref<1x65x8xf32, #tpu.memory_space<vmem>> -> memref<65x8xf32, #tpu.memory_space<vmem>>
      %dma_start3A_2493 = arith.constant 0 : i32
      %dma_start3A_2494 = tpu.memref_slice %arg18[%add3A_2421, %dma_start3A_2493] : memref<10000x8xf32, #tpu.memory_space<vmem_shared>> -> memref<65x8xf32, #tpu.memory_space<vmem_shared>>
      %dma_start3A_2495 = arith.constant 0 : i32
      %dma_start3A_2496 = tpu.memref_slice %arg18[%add3A_2421, %dma_start3A_2495] : memref<10000x8xf32, #tpu.memory_space<vmem_shared>> -> memref<65x8xf32, #tpu.memory_space<vmem_shared>>
      %dma_start3A_2497 = arith.constant 0 : i32
      %dma_start3A_2498 = arith.constant 0 : i32
      %dma_start3A_2499 = tpu.memref_slice %arg13[%run_scoped3A_2422, %dma_start3A_2497, %dma_start3A_2498] : memref<2x80x8xf32, #tpu.memory_space<vmem>> -> memref<1x65x8xf32, #tpu.memory_space<vmem>>
      %dma_start3A_2500 = tpu.memref_squeeze %dma_start3A_2499 : memref<1x65x8xf32, #tpu.memory_space<vmem>> -> memref<65x8xf32, #tpu.memory_space<vmem>>
      tpu.enqueue_dma source(%dma_start3A_2500 : memref<65x8xf32, #tpu.memory_space<vmem>>) target(%dma_start3A_2496 : memref<65x8xf32, #tpu.memory_space<vmem_shared>>) target_semaphore(%run_scoped3A_2488 : memref<!tpu.dma_semaphore, #tpu.memory_space<semaphore_mem>>)
      %dma_wait3A_2501 = arith.constant 0 : i32
      %dma_wait3A_2502 = arith.constant 0 : i32
      %dma_wait3A_2503 = tpu.memref_slice %arg13[%run_scoped3A_2422, %dma_wait3A_2501, %dma_wait3A_2502] : memref<2x80x8xf32, #tpu.memory_space<vmem>> -> memref<1x65x8xf32, #tpu.memory_space<vmem>>
      %dma_wait3A_2504 = tpu.memref_squeeze %dma_wait3A_2503 : memref<1x65x8xf32, #tpu.memory_space<vmem>> -> memref<65x8xf32, #tpu.memory_space<vmem>>
      %dma_wait3A_2505 = arith.constant 0 : i32
      %dma_wait3A_2506 = tpu.memref_slice %arg18[%add3A_2421, %dma_wait3A_2505] : memref<10000x8xf32, #tpu.memory_space<vmem_shared>> -> memref<65x8xf32, #tpu.memory_space<vmem_shared>>
      %dma_wait3A_2507 = arith.constant 0 : i32
      %dma_wait3A_2508 = tpu.memref_slice %arg18[%add3A_2421, %dma_wait3A_2507] : memref<10000x8xf32, #tpu.memory_space<vmem_shared>> -> memref<65x8xf32, #tpu.memory_space<vmem_shared>>
      %dma_wait3A_2509 = arith.constant 0 : i32
      %dma_wait3A_2510 = arith.constant 0 : i32
      %dma_wait3A_2511 = tpu.memref_slice %arg13[%run_scoped3A_2422, %dma_wait3A_2509, %dma_wait3A_2510] : memref<2x80x8xf32, #tpu.memory_space<vmem>> -> memref<1x65x8xf32, #tpu.memory_space<vmem>>
      %dma_wait3A_2512 = tpu.memref_squeeze %dma_wait3A_2511 : memref<1x65x8xf32, #tpu.memory_space<vmem>> -> memref<65x8xf32, #tpu.memory_space<vmem>>
      tpu.wait_dma2 semaphore(%run_scoped3A_2488 : memref<!tpu.dma_semaphore, #tpu.memory_space<semaphore_mem>>) src(%dma_wait3A_2512 : memref<65x8xf32, #tpu.memory_space<vmem>>) dst(%dma_wait3A_2508 : memref<65x8xf32, #tpu.memory_space<vmem_shared>>)
      tpu.yield
    }) : () -> ()
    %mul3A_2423 = arith.constant 10000 : i32
    %mul3A_2424 = arith.muli %add3A, %mul3A_2423 : i32
    %run_scoped3A_2425 = arith.constant 0 : i32
    "tpu.region"() ({
      %run_scoped3A_2488 = tpu.sem_alloc : memref<!tpu.dma_semaphore, #tpu.memory_space<semaphore_mem>>
      %dma_start3A_2489 = arith.constant 0 : i32
      %dma_start3A_2490 = tpu.memref_slice %arg15[%run_scoped3A_2425, %dma_start3A_2489] : memref<2x80xi32, #tpu.memory_space<vmem>> -> memref<1x80xi32, #tpu.memory_space<vmem>>
      %dma_start3A_2491 = tpu.memref_squeeze %dma_start3A_2490 : memref<1x80xi32, #tpu.memory_space<vmem>> -> memref<80xi32, #tpu.memory_space<vmem>>
      %dma_start3A_2492 = tpu.memref_slice %arg5[%mul3A_2424] : memref<320000xi32, #tpu.memory_space<hbm>> -> memref<80xi32, #tpu.memory_space<hbm>>
      %dma_start3A_2493 = arith.constant 0 : i32
      %dma_start3A_2494 = tpu.memref_slice %arg15[%run_scoped3A_2425, %dma_start3A_2493] : memref<2x80xi32, #tpu.memory_space<vmem>> -> memref<1x80xi32, #tpu.memory_space<vmem>>
      %dma_start3A_2495 = tpu.memref_squeeze %dma_start3A_2494 : memref<1x80xi32, #tpu.memory_space<vmem>> -> memref<80xi32, #tpu.memory_space<vmem>>
      %dma_start3A_2496 = tpu.memref_slice %arg5[%mul3A_2424] : memref<320000xi32, #tpu.memory_space<hbm>> -> memref<80xi32, #tpu.memory_space<hbm>>
      tpu.enqueue_dma source(%dma_start3A_2496 : memref<80xi32, #tpu.memory_space<hbm>>) target(%dma_start3A_2495 : memref<80xi32, #tpu.memory_space<vmem>>) target_semaphore(%run_scoped3A_2488 : memref<!tpu.dma_semaphore, #tpu.memory_space<semaphore_mem>>)
      %dma_wait3A_2497 = arith.constant 0 : i32
      %dma_wait3A_2498 = tpu.memref_slice %arg15[%run_scoped3A_2425, %dma_wait3A_2497] : memref<2x80xi32, #tpu.memory_space<vmem>> -> memref<1x80xi32, #tpu.memory_space<vmem>>
      %dma_wait3A_2499 = tpu.memref_squeeze %dma_wait3A_2498 : memref<1x80xi32, #tpu.memory_space<vmem>> -> memref<80xi32, #tpu.memory_space<vmem>>
      %dma_wait3A_2500 = tpu.memref_slice %arg5[%mul3A_2424] : memref<320000xi32, #tpu.memory_space<hbm>> -> memref<80xi32, #tpu.memory_space<hbm>>
      %dma_wait3A_2501 = arith.constant 0 : i32
      %dma_wait3A_2502 = tpu.memref_slice %arg15[%run_scoped3A_2425, %dma_wait3A_2501] : memref<2x80xi32, #tpu.memory_space<vmem>> -> memref<1x80xi32, #tpu.memory_space<vmem>>
      %dma_wait3A_2503 = tpu.memref_squeeze %dma_wait3A_2502 : memref<1x80xi32, #tpu.memory_space<vmem>> -> memref<80xi32, #tpu.memory_space<vmem>>
      %dma_wait3A_2504 = tpu.memref_slice %arg5[%mul3A_2424] : memref<320000xi32, #tpu.memory_space<hbm>> -> memref<80xi32, #tpu.memory_space<hbm>>
      tpu.wait_dma2 semaphore(%run_scoped3A_2488 : memref<!tpu.dma_semaphore, #tpu.memory_space<semaphore_mem>>) src(%dma_wait3A_2504 : memref<80xi32, #tpu.memory_space<hbm>>) dst(%dma_wait3A_2503 : memref<80xi32, #tpu.memory_space<vmem>>)
      tpu.yield
    }) : () -> ()
    %run_scoped3A_2426 = arith.constant 0 : i32
    "tpu.region"() ({
      %run_scoped3A_2488 = tpu.sem_alloc : memref<!tpu.dma_semaphore, #tpu.memory_space<semaphore_mem>>
      %dma_start3A_2489 = arith.constant 0 : i32
      %dma_start3A_2490 = tpu.memref_slice %arg16[%run_scoped3A_2426, %dma_start3A_2489] : memref<2x80xi32, #tpu.memory_space<vmem>> -> memref<1x80xi32, #tpu.memory_space<vmem>>
      %dma_start3A_2491 = tpu.memref_squeeze %dma_start3A_2490 : memref<1x80xi32, #tpu.memory_space<vmem>> -> memref<80xi32, #tpu.memory_space<vmem>>
      %dma_start3A_2492 = tpu.memref_slice %arg6[%mul3A_2424] : memref<320000xi32, #tpu.memory_space<hbm>> -> memref<80xi32, #tpu.memory_space<hbm>>
      %dma_start3A_2493 = arith.constant 0 : i32
      %dma_start3A_2494 = tpu.memref_slice %arg16[%run_scoped3A_2426, %dma_start3A_2493] : memref<2x80xi32, #tpu.memory_space<vmem>> -> memref<1x80xi32, #tpu.memory_space<vmem>>
      %dma_start3A_2495 = tpu.memref_squeeze %dma_start3A_2494 : memref<1x80xi32, #tpu.memory_space<vmem>> -> memref<80xi32, #tpu.memory_space<vmem>>
      %dma_start3A_2496 = tpu.memref_slice %arg6[%mul3A_2424] : memref<320000xi32, #tpu.memory_space<hbm>> -> memref<80xi32, #tpu.memory_space<hbm>>
      tpu.enqueue_dma source(%dma_start3A_2496 : memref<80xi32, #tpu.memory_space<hbm>>) target(%dma_start3A_2495 : memref<80xi32, #tpu.memory_space<vmem>>) target_semaphore(%run_scoped3A_2488 : memref<!tpu.dma_semaphore, #tpu.memory_space<semaphore_mem>>)
      %dma_wait3A_2497 = arith.constant 0 : i32
      %dma_wait3A_2498 = tpu.memref_slice %arg16[%run_scoped3A_2426, %dma_wait3A_2497] : memref<2x80xi32, #tpu.memory_space<vmem>> -> memref<1x80xi32, #tpu.memory_space<vmem>>
      %dma_wait3A_2499 = tpu.memref_squeeze %dma_wait3A_2498 : memref<1x80xi32, #tpu.memory_space<vmem>> -> memref<80xi32, #tpu.memory_space<vmem>>
      %dma_wait3A_2500 = tpu.memref_slice %arg6[%mul3A_2424] : memref<320000xi32, #tpu.memory_space<hbm>> -> memref<80xi32, #tpu.memory_space<hbm>>
      %dma_wait3A_2501 = arith.constant 0 : i32
      %dma_wait3A_2502 = tpu.memref_slice %arg16[%run_scoped3A_2426, %dma_wait3A_2501] : memref<2x80xi32, #tpu.memory_space<vmem>> -> memref<1x80xi32, #tpu.memory_space<vmem>>
      %dma_wait3A_2503 = tpu.memref_squeeze %dma_wait3A_2502 : memref<1x80xi32, #tpu.memory_space<vmem>> -> memref<80xi32, #tpu.memory_space<vmem>>
      %dma_wait3A_2504 = tpu.memref_slice %arg6[%mul3A_2424] : memref<320000xi32, #tpu.memory_space<hbm>> -> memref<80xi32, #tpu.memory_space<hbm>>
      tpu.wait_dma2 semaphore(%run_scoped3A_2488 : memref<!tpu.dma_semaphore, #tpu.memory_space<semaphore_mem>>) src(%dma_wait3A_2504 : memref<80xi32, #tpu.memory_space<hbm>>) dst(%dma_wait3A_2503 : memref<80xi32, #tpu.memory_space<vmem>>)
      tpu.yield
    }) : () -> ()
    %run_scoped3A_2427 = arith.constant 0 : i32
    "tpu.region"() ({
      %run_scoped3A_2488 = tpu.sem_alloc : memref<!tpu.dma_semaphore, #tpu.memory_space<semaphore_mem>>
      %dma_start3A_2489 = arith.constant 0 : i32
      %dma_start3A_2490 = arith.constant 0 : i32
      %dma_start3A_2491 = tpu.memref_slice %arg14[%run_scoped3A_2427, %dma_start3A_2489, %dma_start3A_2490] : memref<2x80x8xf32, #tpu.memory_space<vmem>> -> memref<1x80x8xf32, #tpu.memory_space<vmem>>
      %dma_start3A_2492 = tpu.memref_squeeze %dma_start3A_2491 : memref<1x80x8xf32, #tpu.memory_space<vmem>> -> memref<80x8xf32, #tpu.memory_space<vmem>>
      %dma_start3A_2493 = arith.constant 0 : i32
      %dma_start3A_2494 = tpu.memref_slice %arg7[%mul3A_2424, %dma_start3A_2493] : memref<320000x8xf32, #tpu.memory_space<hbm>> -> memref<80x8xf32, #tpu.memory_space<hbm>>
      %dma_start3A_2495 = arith.constant 0 : i32
      %dma_start3A_2496 = arith.constant 0 : i32
      %dma_start3A_2497 = tpu.memref_slice %arg14[%run_scoped3A_2427, %dma_start3A_2495, %dma_start3A_2496] : memref<2x80x8xf32, #tpu.memory_space<vmem>> -> memref<1x80x8xf32, #tpu.memory_space<vmem>>
      %dma_start3A_2498 = tpu.memref_squeeze %dma_start3A_2497 : memref<1x80x8xf32, #tpu.memory_space<vmem>> -> memref<80x8xf32, #tpu.memory_space<vmem>>
      %dma_start3A_2499 = arith.constant 0 : i32
      %dma_start3A_2500 = tpu.memref_slice %arg7[%mul3A_2424, %dma_start3A_2499] : memref<320000x8xf32, #tpu.memory_space<hbm>> -> memref<80x8xf32, #tpu.memory_space<hbm>>
      tpu.enqueue_dma source(%dma_start3A_2500 : memref<80x8xf32, #tpu.memory_space<hbm>>) target(%dma_start3A_2498 : memref<80x8xf32, #tpu.memory_space<vmem>>) target_semaphore(%run_scoped3A_2488 : memref<!tpu.dma_semaphore, #tpu.memory_space<semaphore_mem>>)
      %dma_wait3A_2501 = arith.constant 0 : i32
      %dma_wait3A_2502 = arith.constant 0 : i32
      %dma_wait3A_2503 = tpu.memref_slice %arg14[%run_scoped3A_2427, %dma_wait3A_2501, %dma_wait3A_2502] : memref<2x80x8xf32, #tpu.memory_space<vmem>> -> memref<1x80x8xf32, #tpu.memory_space<vmem>>
      %dma_wait3A_2504 = tpu.memref_squeeze %dma_wait3A_2503 : memref<1x80x8xf32, #tpu.memory_space<vmem>> -> memref<80x8xf32, #tpu.memory_space<vmem>>
      %dma_wait3A_2505 = arith.constant 0 : i32
      %dma_wait3A_2506 = tpu.memref_slice %arg7[%mul3A_2424, %dma_wait3A_2505] : memref<320000x8xf32, #tpu.memory_space<hbm>> -> memref<80x8xf32, #tpu.memory_space<hbm>>
      %dma_wait3A_2507 = arith.constant 0 : i32
      %dma_wait3A_2508 = arith.constant 0 : i32
      %dma_wait3A_2509 = tpu.memref_slice %arg14[%run_scoped3A_2427, %dma_wait3A_2507, %dma_wait3A_2508] : memref<2x80x8xf32, #tpu.memory_space<vmem>> -> memref<1x80x8xf32, #tpu.memory_space<vmem>>
      %dma_wait3A_2510 = tpu.memref_squeeze %dma_wait3A_2509 : memref<1x80x8xf32, #tpu.memory_space<vmem>> -> memref<80x8xf32, #tpu.memory_space<vmem>>
      %dma_wait3A_2511 = arith.constant 0 : i32
      %dma_wait3A_2512 = tpu.memref_slice %arg7[%mul3A_2424, %dma_wait3A_2511] : memref<320000x8xf32, #tpu.memory_space<hbm>> -> memref<80x8xf32, #tpu.memory_space<hbm>>
      tpu.wait_dma2 semaphore(%run_scoped3A_2488 : memref<!tpu.dma_semaphore, #tpu.memory_space<semaphore_mem>>) src(%dma_wait3A_2512 : memref<80x8xf32, #tpu.memory_space<hbm>>) dst(%dma_wait3A_2510 : memref<80x8xf32, #tpu.memory_space<vmem>>)
      tpu.yield
    }) : () -> ()
    %dma_start3A = arith.constant 0 : i32
    %dma_start3A_2428 = arith.constant 0 : i32
    %dma_start3A_2429 = tpu.memref_slice %arg16[%dma_start3A, %dma_start3A_2428] : memref<2x80xi32, #tpu.memory_space<vmem>> -> memref<1x80xi32, #tpu.memory_space<vmem>>
    %dma_start3A_2430 = tpu.memref_squeeze %dma_start3A_2429 : memref<1x80xi32, #tpu.memory_space<vmem>> -> memref<80xi32, #tpu.memory_space<vmem>>
    %dma_start3A_2431 = arith.constant 0 : i32
    %dma_start3A_2432 = arith.constant 0 : i32
    %dma_start3A_2433 = tpu.memref_slice %arg2[%dma_start3A_2431, %dma_start3A_2432] : memref<10000x128xf32, #tpu.memory_space<hbm>> -> memref<10000x128xf32, #tpu.memory_space<hbm>>
    tpu.enqueue_indirect_dma source(%dma_start3A_2433 : memref<10000x128xf32, #tpu.memory_space<hbm>>) target(%arg10 : memref<80x128xf32, #tpu.memory_space<vmem>>) offsets(%dma_start3A_2430 : memref<80xi32, #tpu.memory_space<vmem>>) semaphore(%arg19 : memref<!tpu.dma_semaphore, #tpu.memory_space<semaphore_mem>>)
    %dma_start3A_2434 = arith.constant 0 : i32
    %dma_start3A_2435 = arith.constant 0 : i32
    %dma_start3A_2436 = tpu.memref_slice %arg15[%dma_start3A_2434, %dma_start3A_2435] : memref<2x80xi32, #tpu.memory_space<vmem>> -> memref<1x80xi32, #tpu.memory_space<vmem>>
    %dma_start3A_2437 = tpu.memref_squeeze %dma_start3A_2436 : memref<1x80xi32, #tpu.memory_space<vmem>> -> memref<80xi32, #tpu.memory_space<vmem>>
    %dma_start3A_2438 = arith.constant 0 : i32
    %dma_start3A_2439 = arith.constant 0 : i32
    %dma_start3A_2440 = tpu.memref_slice %arg3[%dma_start3A_2438, %dma_start3A_2439] : memref<10000x128xf32, #tpu.memory_space<hbm>> -> memref<10000x128xf32, #tpu.memory_space<hbm>>
    tpu.enqueue_indirect_dma source(%dma_start3A_2440 : memref<10000x128xf32, #tpu.memory_space<hbm>>) target(%arg11 : memref<80x128xf32, #tpu.memory_space<vmem>>) offsets(%dma_start3A_2437 : memref<80xi32, #tpu.memory_space<vmem>>) semaphore(%arg19 : memref<!tpu.dma_semaphore, #tpu.memory_space<semaphore_mem>>)
    %barrier3A = arith.constant 0 : index
    tpu.barrier barrier_id(%barrier3A)
    %scan3A_2441 = arith.constant 0 : i32
    %scan3A_2442 = arith.constant 0 : i32
    %scan3A_2443 = arith.constant 125 : i32
    %scan3A_2444 = arith.addi %scan3A_2442, %scan3A_2443 : i32
    %scan3A_2445 = arith.constant 1 : i32
    scf.for %scan3A_2488 = %scan3A_2442 to %scan3A_2444 step %scan3A_2445  : i32 {
      %and3A_2489 = arith.constant 1 : i32
      %and3A_2490 = arith.andi %scan3A_2488, %and3A_2489 : i32
      %xor3A = arith.constant 1 : i32
      %xor3A_2491 = arith.xori %and3A_2490, %xor3A : i32
      %broadcast_in_dim3A_2492 = vector.broadcast %and3A_2490 : i32 to vector<16xi32>
      %dma_wait3A_2493 = arith.constant 0 : i32
      %dma_wait3A_2494 = tpu.memref_slice %arg16[%and3A_2490, %dma_wait3A_2493] : memref<2x80xi32, #tpu.memory_space<vmem>> -> memref<1x80xi32, #tpu.memory_space<vmem>>
      %dma_wait3A_2495 = tpu.memref_squeeze %dma_wait3A_2494 : memref<1x80xi32, #tpu.memory_space<vmem>> -> memref<80xi32, #tpu.memory_space<vmem>>
      %dma_wait3A_2496 = arith.constant 0 : i32
      %dma_wait3A_2497 = arith.constant 0 : i32
      %dma_wait3A_2498 = tpu.memref_slice %arg2[%dma_wait3A_2496, %dma_wait3A_2497] : memref<10000x128xf32, #tpu.memory_space<hbm>> -> memref<10000x128xf32, #tpu.memory_space<hbm>>
      tpu.wait_indirect_dma semaphore(%arg19 : memref<!tpu.dma_semaphore, #tpu.memory_space<semaphore_mem>>) src(%dma_wait3A_2498 : memref<10000x128xf32, #tpu.memory_space<hbm>>) dst(%arg10 : memref<80x128xf32, #tpu.memory_space<vmem>>)
      %dma_wait3A_2499 = arith.constant 0 : i32
      %dma_wait3A_2500 = tpu.memref_slice %arg15[%and3A_2490, %dma_wait3A_2499] : memref<2x80xi32, #tpu.memory_space<vmem>> -> memref<1x80xi32, #tpu.memory_space<vmem>>
      %dma_wait3A_2501 = tpu.memref_squeeze %dma_wait3A_2500 : memref<1x80xi32, #tpu.memory_space<vmem>> -> memref<80xi32, #tpu.memory_space<vmem>>
      %dma_wait3A_2502 = arith.constant 0 : i32
      %dma_wait3A_2503 = arith.constant 0 : i32
      %dma_wait3A_2504 = tpu.memref_slice %arg3[%dma_wait3A_2502, %dma_wait3A_2503] : memref<10000x128xf32, #tpu.memory_space<hbm>> -> memref<10000x128xf32, #tpu.memory_space<hbm>>
      tpu.wait_indirect_dma semaphore(%arg19 : memref<!tpu.dma_semaphore, #tpu.memory_space<semaphore_mem>>) src(%dma_wait3A_2504 : memref<10000x128xf32, #tpu.memory_space<hbm>>) dst(%arg11 : memref<80x128xf32, #tpu.memory_space<vmem>>)
      %gt3A = arith.constant 0 : i32
      %gt3A_2505 = arith.cmpi sgt, %scan3A_2488, %gt3A : i32
      %convert_element_type3A = arith.extui %gt3A_2505 : i1 to i32
      %cond3A = arith.constant 0 : i32
      %cond3A_2506 = arith.cmpi ne, %convert_element_type3A, %cond3A : i32
      scf.if %cond3A_2506 {
        %dma_wait3A_2616 = arith.constant 0 : i32
        %dma_wait3A_2617 = tpu.memref_slice %arg16[%xor3A_2491, %dma_wait3A_2616] : memref<2x80xi32, #tpu.memory_space<vmem>> -> memref<1x80xi32, #tpu.memory_space<vmem>>
        %dma_wait3A_2618 = tpu.memref_squeeze %dma_wait3A_2617 : memref<1x80xi32, #tpu.memory_space<vmem>> -> memref<80xi32, #tpu.memory_space<vmem>>
        %dma_wait3A_2619 = arith.constant 0 : i32
        %dma_wait3A_2620 = arith.constant 0 : i32
        %dma_wait3A_2621 = tpu.memref_slice %arg17[%dma_wait3A_2619, %dma_wait3A_2620] : memref<10000x128xf32, #tpu.memory_space<vmem_shared>> -> memref<10000x128xf32, #tpu.memory_space<vmem_shared>>
        tpu.wait_indirect_dma semaphore(%arg22 : memref<!tpu.dma_semaphore, #tpu.memory_space<semaphore_mem>>) src(%arg12 : memref<80x128xf32, #tpu.memory_space<vmem>>) dst(%dma_wait3A_2621 : memref<10000x128xf32, #tpu.memory_space<vmem_shared>>)
        %dma_wait3A_2622 = arith.constant 0 : i32
        %dma_wait3A_2623 = arith.constant 0 : i32
        %dma_wait3A_2624 = tpu.memref_slice %arg13[%xor3A_2491, %dma_wait3A_2622, %dma_wait3A_2623] : memref<2x80x8xf32, #tpu.memory_space<vmem>> -> memref<1x80x8xf32, #tpu.memory_space<vmem>>
        %dma_wait3A_2625 = tpu.memref_squeeze %dma_wait3A_2624 : memref<1x80x8xf32, #tpu.memory_space<vmem>> -> memref<80x8xf32, #tpu.memory_space<vmem>>
        %dma_wait3A_2626 = arith.constant 0 : i32
        %dma_wait3A_2627 = tpu.memref_slice %arg16[%xor3A_2491, %dma_wait3A_2626] : memref<2x80xi32, #tpu.memory_space<vmem>> -> memref<1x80xi32, #tpu.memory_space<vmem>>
        %dma_wait3A_2628 = tpu.memref_squeeze %dma_wait3A_2627 : memref<1x80xi32, #tpu.memory_space<vmem>> -> memref<80xi32, #tpu.memory_space<vmem>>
        %dma_wait3A_2629 = arith.constant 0 : i32
        %dma_wait3A_2630 = arith.constant 0 : i32
        %dma_wait3A_2631 = tpu.memref_slice %arg18[%dma_wait3A_2629, %dma_wait3A_2630] : memref<10000x8xf32, #tpu.memory_space<vmem_shared>> -> memref<10000x8xf32, #tpu.memory_space<vmem_shared>>
        tpu.wait_indirect_dma semaphore(%arg22 : memref<!tpu.dma_semaphore, #tpu.memory_space<semaphore_mem>>) src(%dma_wait3A_2625 : memref<80x8xf32, #tpu.memory_space<vmem>>) dst(%dma_wait3A_2631 : memref<10000x8xf32, #tpu.memory_space<vmem_shared>>)
      } else {
      }
      %dma_start3A_2507 = arith.constant 0 : i32
      %dma_start3A_2508 = tpu.memref_slice %arg15[%and3A_2490, %dma_start3A_2507] : memref<2x80xi32, #tpu.memory_space<vmem>> -> memref<1x80xi32, #tpu.memory_space<vmem>>
      %dma_start3A_2509 = tpu.memref_squeeze %dma_start3A_2508 : memref<1x80xi32, #tpu.memory_space<vmem>> -> memref<80xi32, #tpu.memory_space<vmem>>
      %dma_start3A_2510 = arith.constant 0 : i32
      %dma_start3A_2511 = arith.constant 0 : i32
      %dma_start3A_2512 = tpu.memref_slice %arg4[%dma_start3A_2510, %dma_start3A_2511] : memref<10000x128xf32, #tpu.memory_space<hbm>> -> memref<10000x128xf32, #tpu.memory_space<hbm>>
      tpu.enqueue_indirect_dma source(%dma_start3A_2512 : memref<10000x128xf32, #tpu.memory_space<hbm>>) target(%arg12 : memref<80x128xf32, #tpu.memory_space<vmem>>) offsets(%dma_start3A_2509 : memref<80xi32, #tpu.memory_space<vmem>>) semaphore(%arg20 : memref<!tpu.dma_semaphore, #tpu.memory_space<semaphore_mem>>)
      %parallel_loop3A = arith.constant 0 : i32
      %parallel_loop3A_2513 = arith.constant 40 : i32
      %parallel_loop3A_2514 = arith.constant 1 : i32
      scf.for %parallel_loop3A_2616 = %parallel_loop3A to %parallel_loop3A_2513 step %parallel_loop3A_2514  : i32 {
        %parallel_loop3A_2617 = arith.constant 2 : i32
        %parallel_loop3A_2618 = arith.muli %parallel_loop3A_2616, %parallel_loop3A_2617 : i32
        %parallel_loop3A_2619 = tpu.iota {dimensions = array<i32: 0>} : vector<16xi32>
        %parallel_loop3A_2620 = arith.constant 16 : i32
        %parallel_loop3A_2621 = arith.muli %parallel_loop3A_2616, %parallel_loop3A_2620 : i32
        %parallel_loop3A_2622 = vector.broadcast %parallel_loop3A_2621 : i32 to vector<16xi32>
        %parallel_loop3A_2623 = arith.addi %parallel_loop3A_2619, %parallel_loop3A_2622 : vector<16xi32>
        %parallel_loop3A_2624 = arith.constant 8 : i32
        %parallel_loop3A_2625 = vector.broadcast %parallel_loop3A_2624 : i32 to vector<16xi32>
        %parallel_loop3A_2626 = arith.divsi %parallel_loop3A_2623, %parallel_loop3A_2625 : vector<16xi32>
        %parallel_loop3A_2627 = arith.constant 0 : i32
        %parallel_loop3A_2628 = vector.broadcast %parallel_loop3A_2627 : i32 to vector<16xi32>
        %parallel_loop3A_2629 = arith.cmpi sgt, %parallel_loop3A_2623, %parallel_loop3A_2628 : vector<16xi32>
        %parallel_loop3A_2630 = arith.extui %parallel_loop3A_2629 : vector<16xi1> to vector<16xi32>
        %parallel_loop3A_2631 = arith.constant 0 : i32
        %parallel_loop3A_2632 = vector.broadcast %parallel_loop3A_2631 : i32 to vector<16xi32>
        %parallel_loop3A_2633 = arith.cmpi slt, %parallel_loop3A_2623, %parallel_loop3A_2632 : vector<16xi32>
        %parallel_loop3A_2634 = arith.extui %parallel_loop3A_2633 : vector<16xi1> to vector<16xi32>
        %parallel_loop3A_2635 = arith.subi %parallel_loop3A_2630, %parallel_loop3A_2634 : vector<16xi32>
        %parallel_loop3A_2636 = arith.constant 0 : i32
        %parallel_loop3A_2637 = arith.cmpi sgt, %parallel_loop3A_2624, %parallel_loop3A_2636 : i32
        %parallel_loop3A_2638 = arith.extui %parallel_loop3A_2637 : i1 to i32
        %parallel_loop3A_2639 = arith.constant 0 : i32
        %parallel_loop3A_2640 = arith.cmpi slt, %parallel_loop3A_2624, %parallel_loop3A_2639 : i32
        %parallel_loop3A_2641 = arith.extui %parallel_loop3A_2640 : i1 to i32
        %parallel_loop3A_2642 = arith.subi %parallel_loop3A_2638, %parallel_loop3A_2641 : i32
        %parallel_loop3A_2643 = vector.broadcast %parallel_loop3A_2642 : i32 to vector<16xi32>
        %parallel_loop3A_2644 = arith.cmpi ne, %parallel_loop3A_2635, %parallel_loop3A_2643 : vector<16xi32>
        %parallel_loop3A_2645 = vector.broadcast %parallel_loop3A_2624 : i32 to vector<16xi32>
        %parallel_loop3A_2646 = arith.remsi %parallel_loop3A_2623, %parallel_loop3A_2645 : vector<16xi32>
        %parallel_loop3A_2647 = arith.constant 0 : i32
        %parallel_loop3A_2648 = vector.broadcast %parallel_loop3A_2647 : i32 to vector<16xi32>
        %parallel_loop3A_2649 = arith.cmpi ne, %parallel_loop3A_2646, %parallel_loop3A_2648 : vector<16xi32>
        %parallel_loop3A_2650 = arith.andi %parallel_loop3A_2644, %parallel_loop3A_2649 : vector<16xi1>
        %parallel_loop3A_2651 = arith.constant 1 : i32
        %parallel_loop3A_2652 = vector.broadcast %parallel_loop3A_2651 : i32 to vector<16xi32>
        %parallel_loop3A_2653 = arith.subi %parallel_loop3A_2626, %parallel_loop3A_2652 : vector<16xi32>
        %parallel_loop3A_2654 = arith.select %parallel_loop3A_2650, %parallel_loop3A_2653, %parallel_loop3A_2626 : vector<16xi1>, vector<16xi32>
        %parallel_loop3A_2655 = arith.constant 8 : i32
        %parallel_loop3A_2656 = arith.constant 0 : i32
        %parallel_loop3A_2657 = arith.cmpi eq, %parallel_loop3A_2655, %parallel_loop3A_2656 : i32
        %parallel_loop3A_2658 = arith.constant 1 : i32
        %parallel_loop3A_2659 = arith.select %parallel_loop3A_2657, %parallel_loop3A_2658, %parallel_loop3A_2655 : i32
        %parallel_loop3A_2660 = vector.broadcast %parallel_loop3A_2659 : i32 to vector<16xi32>
        %parallel_loop3A_2661 = arith.remsi %parallel_loop3A_2623, %parallel_loop3A_2660 : vector<16xi32>
        %parallel_loop3A_2662 = arith.constant 0 : i32
        %parallel_loop3A_2663 = vector.broadcast %parallel_loop3A_2662 : i32 to vector<16xi32>
        %parallel_loop3A_2664 = arith.cmpi ne, %parallel_loop3A_2661, %parallel_loop3A_2663 : vector<16xi32>
        %parallel_loop3A_2665 = arith.constant 0 : i32
        %parallel_loop3A_2666 = vector.broadcast %parallel_loop3A_2665 : i32 to vector<16xi32>
        %parallel_loop3A_2667 = arith.cmpi slt, %parallel_loop3A_2661, %parallel_loop3A_2666 : vector<16xi32>
        %parallel_loop3A_2668 = arith.constant 0 : i32
        %parallel_loop3A_2669 = arith.cmpi slt, %parallel_loop3A_2659, %parallel_loop3A_2668 : i32
        %parallel_loop3A_2670 = vector.broadcast %parallel_loop3A_2669 : i1 to vector<16xi1>
        %parallel_loop3A_2671 = vector.broadcast %parallel_loop3A_2670 : vector<16xi1> to vector<16xi1>
        %parallel_loop3A_2672 = arith.xori %parallel_loop3A_2667, %parallel_loop3A_2671 : vector<16xi1>
        %parallel_loop3A_2673 = arith.andi %parallel_loop3A_2672, %parallel_loop3A_2664 : vector<16xi1>
        %parallel_loop3A_2674 = vector.broadcast %parallel_loop3A_2659 : i32 to vector<16xi32>
        %parallel_loop3A_2675 = arith.addi %parallel_loop3A_2661, %parallel_loop3A_2674 : vector<16xi32>
        %parallel_loop3A_2676 = arith.select %parallel_loop3A_2673, %parallel_loop3A_2675, %parallel_loop3A_2661 : vector<16xi1>, vector<16xi32>
        %parallel_loop3A_2677 = arith.constant 0 : i32
        %parallel_loop3A_2678 = arith.addi %parallel_loop3A_2618, %parallel_loop3A_2677 : i32
        %parallel_loop3A_2679 = arith.index_cast %parallel_loop3A_2678 : i32 to index
        %parallel_loop3A_2680 = arith.constant 0 : index
        %parallel_loop3A_2681 = tpu.vector_load %arg10[%parallel_loop3A_2679, %parallel_loop3A_2680] {strides = array<i32>} : memref<80x128xf32, #tpu.memory_space<vmem>>, vector<16xf32>,
        %parallel_loop3A_2682 = arith.constant 0 : i32
        %parallel_loop3A_2683 = arith.addi %parallel_loop3A_2618, %parallel_loop3A_2682 : i32
        %parallel_loop3A_2684 = arith.index_cast %parallel_loop3A_2683 : i32 to index
        %parallel_loop3A_2685 = arith.constant 0 : index
        %parallel_loop3A_2686 = tpu.vector_load %arg11[%parallel_loop3A_2684, %parallel_loop3A_2685] {strides = array<i32>} : memref<80x128xf32, #tpu.memory_space<vmem>>, vector<16xf32>,
        %parallel_loop3A_2687 = arith.mulf %parallel_loop3A_2681, %parallel_loop3A_2686 : vector<16xf32>
        %parallel_loop3A_2688 = arith.constant true
        %parallel_loop3A_2689 = vector.broadcast %parallel_loop3A_2688 : i1 to vector<16xi1>
        %parallel_loop3A_2690 = tpu.scan <sum>, %parallel_loop3A_2687 masked %parallel_loop3A_2689 : vector<16xf32>, vector<16xi1> -> vector<16xf32>
        %parallel_loop3A_2691 = vector.extract %parallel_loop3A_2690[15] : f32 from vector<16xf32>
        %parallel_loop3A_2692 = arith.constant 0 : i32
        %parallel_loop3A_2693 = arith.addi %parallel_loop3A_2618, %parallel_loop3A_2692 : i32
        %parallel_loop3A_2694 = arith.index_cast %parallel_loop3A_2693 : i32 to index
        %parallel_loop3A_2695 = arith.constant 16 : index
        %parallel_loop3A_2696 = tpu.vector_load %arg10[%parallel_loop3A_2694, %parallel_loop3A_2695] {strides = array<i32>} : memref<80x128xf32, #tpu.memory_space<vmem>>, vector<16xf32>,
        %parallel_loop3A_2697 = arith.constant 0 : i32
        %parallel_loop3A_2698 = arith.addi %parallel_loop3A_2618, %parallel_loop3A_2697 : i32
        %parallel_loop3A_2699 = arith.index_cast %parallel_loop3A_2698 : i32 to index
        %parallel_loop3A_2700 = arith.constant 16 : index
        %parallel_loop3A_2701 = tpu.vector_load %arg11[%parallel_loop3A_2699, %parallel_loop3A_2700] {strides = array<i32>} : memref<80x128xf32, #tpu.memory_space<vmem>>, vector<16xf32>,
        %parallel_loop3A_2702 = arith.mulf %parallel_loop3A_2696, %parallel_loop3A_2701 : vector<16xf32>
        %parallel_loop3A_2703 = arith.constant true
        %parallel_loop3A_2704 = vector.broadcast %parallel_loop3A_2703 : i1 to vector<16xi1>
        %parallel_loop3A_2705 = tpu.scan <sum>, %parallel_loop3A_2702 masked %parallel_loop3A_2704 : vector<16xf32>, vector<16xi1> -> vector<16xf32>
        %parallel_loop3A_2706 = vector.extract %parallel_loop3A_2705[15] : f32 from vector<16xf32>
        %parallel_loop3A_2707 = arith.constant 0 : i32
        %parallel_loop3A_2708 = arith.addi %parallel_loop3A_2618, %parallel_loop3A_2707 : i32
        %parallel_loop3A_2709 = arith.index_cast %parallel_loop3A_2708 : i32 to index
        %parallel_loop3A_2710 = arith.constant 32 : index
        %parallel_loop3A_2711 = tpu.vector_load %arg10[%parallel_loop3A_2709, %parallel_loop3A_2710] {strides = array<i32>} : memref<80x128xf32, #tpu.memory_space<vmem>>, vector<16xf32>,
        %parallel_loop3A_2712 = arith.constant 0 : i32
        %parallel_loop3A_2713 = arith.addi %parallel_loop3A_2618, %parallel_loop3A_2712 : i32
        %parallel_loop3A_2714 = arith.index_cast %parallel_loop3A_2713 : i32 to index
        %parallel_loop3A_2715 = arith.constant 32 : index
        %parallel_loop3A_2716 = tpu.vector_load %arg11[%parallel_loop3A_2714, %parallel_loop3A_2715] {strides = array<i32>} : memref<80x128xf32, #tpu.memory_space<vmem>>, vector<16xf32>,
        %parallel_loop3A_2717 = arith.mulf %parallel_loop3A_2711, %parallel_loop3A_2716 : vector<16xf32>
        %parallel_loop3A_2718 = arith.constant true
        %parallel_loop3A_2719 = vector.broadcast %parallel_loop3A_2718 : i1 to vector<16xi1>
        %parallel_loop3A_2720 = tpu.scan <sum>, %parallel_loop3A_2717 masked %parallel_loop3A_2719 : vector<16xf32>, vector<16xi1> -> vector<16xf32>
        %parallel_loop3A_2721 = vector.extract %parallel_loop3A_2720[15] : f32 from vector<16xf32>
        %parallel_loop3A_2722 = arith.constant 0 : i32
        %parallel_loop3A_2723 = arith.addi %parallel_loop3A_2618, %parallel_loop3A_2722 : i32
        %parallel_loop3A_2724 = arith.index_cast %parallel_loop3A_2723 : i32 to index
        %parallel_loop3A_2725 = arith.constant 48 : index
        %parallel_loop3A_2726 = tpu.vector_load %arg10[%parallel_loop3A_2724, %parallel_loop3A_2725] {strides = array<i32>} : memref<80x128xf32, #tpu.memory_space<vmem>>, vector<16xf32>,
        %parallel_loop3A_2727 = arith.constant 0 : i32
        %parallel_loop3A_2728 = arith.addi %parallel_loop3A_2618, %parallel_loop3A_2727 : i32
        %parallel_loop3A_2729 = arith.index_cast %parallel_loop3A_2728 : i32 to index
        %parallel_loop3A_2730 = arith.constant 48 : index
        %parallel_loop3A_2731 = tpu.vector_load %arg11[%parallel_loop3A_2729, %parallel_loop3A_2730] {strides = array<i32>} : memref<80x128xf32, #tpu.memory_space<vmem>>, vector<16xf32>,
        %parallel_loop3A_2732 = arith.mulf %parallel_loop3A_2726, %parallel_loop3A_2731 : vector<16xf32>
        %parallel_loop3A_2733 = arith.constant true
        %parallel_loop3A_2734 = vector.broadcast %parallel_loop3A_2733 : i1 to vector<16xi1>
        %parallel_loop3A_2735 = tpu.scan <sum>, %parallel_loop3A_2732 masked %parallel_loop3A_2734 : vector<16xf32>, vector<16xi1> -> vector<16xf32>
        %parallel_loop3A_2736 = vector.extract %parallel_loop3A_2735[15] : f32 from vector<16xf32>
        %parallel_loop3A_2737 = arith.constant 0 : i32
        %parallel_loop3A_2738 = arith.addi %parallel_loop3A_2618, %parallel_loop3A_2737 : i32
        %parallel_loop3A_2739 = arith.index_cast %parallel_loop3A_2738 : i32 to index
        %parallel_loop3A_2740 = arith.constant 64 : index
        %parallel_loop3A_2741 = tpu.vector_load %arg10[%parallel_loop3A_2739, %parallel_loop3A_2740] {strides = array<i32>} : memref<80x128xf32, #tpu.memory_space<vmem>>, vector<16xf32>,
        %parallel_loop3A_2742 = arith.constant 0 : i32
        %parallel_loop3A_2743 = arith.addi %parallel_loop3A_2618, %parallel_loop3A_2742 : i32
        %parallel_loop3A_2744 = arith.index_cast %parallel_loop3A_2743 : i32 to index
        %parallel_loop3A_2745 = arith.constant 64 : index
        %parallel_loop3A_2746 = tpu.vector_load %arg11[%parallel_loop3A_2744, %parallel_loop3A_2745] {strides = array<i32>} : memref<80x128xf32, #tpu.memory_space<vmem>>, vector<16xf32>,
        %parallel_loop3A_2747 = arith.mulf %parallel_loop3A_2741, %parallel_loop3A_2746 : vector<16xf32>
        %parallel_loop3A_2748 = arith.constant true
        %parallel_loop3A_2749 = vector.broadcast %parallel_loop3A_2748 : i1 to vector<16xi1>
        %parallel_loop3A_2750 = tpu.scan <sum>, %parallel_loop3A_2747 masked %parallel_loop3A_2749 : vector<16xf32>, vector<16xi1> -> vector<16xf32>
        %parallel_loop3A_2751 = vector.extract %parallel_loop3A_2750[15] : f32 from vector<16xf32>
        %parallel_loop3A_2752 = arith.constant 0 : i32
        %parallel_loop3A_2753 = arith.addi %parallel_loop3A_2618, %parallel_loop3A_2752 : i32
        %parallel_loop3A_2754 = arith.index_cast %parallel_loop3A_2753 : i32 to index
        %parallel_loop3A_2755 = arith.constant 80 : index
        %parallel_loop3A_2756 = tpu.vector_load %arg10[%parallel_loop3A_2754, %parallel_loop3A_2755] {strides = array<i32>} : memref<80x128xf32, #tpu.memory_space<vmem>>, vector<16xf32>,
        %parallel_loop3A_2757 = arith.constant 0 : i32
        %parallel_loop3A_2758 = arith.addi %parallel_loop3A_2618, %parallel_loop3A_2757 : i32
        %parallel_loop3A_2759 = arith.index_cast %parallel_loop3A_2758 : i32 to index
        %parallel_loop3A_2760 = arith.constant 80 : index
        %parallel_loop3A_2761 = tpu.vector_load %arg11[%parallel_loop3A_2759, %parallel_loop3A_2760] {strides = array<i32>} : memref<80x128xf32, #tpu.memory_space<vmem>>, vector<16xf32>,
        %parallel_loop3A_2762 = arith.mulf %parallel_loop3A_2756, %parallel_loop3A_2761 : vector<16xf32>
        %parallel_loop3A_2763 = arith.constant true
        %parallel_loop3A_2764 = vector.broadcast %parallel_loop3A_2763 : i1 to vector<16xi1>
        %parallel_loop3A_2765 = tpu.scan <sum>, %parallel_loop3A_2762 masked %parallel_loop3A_2764 : vector<16xf32>, vector<16xi1> -> vector<16xf32>
        %parallel_loop3A_2766 = vector.extract %parallel_loop3A_2765[15] : f32 from vector<16xf32>
        %parallel_loop3A_2767 = arith.constant 0 : i32
        %parallel_loop3A_2768 = arith.addi %parallel_loop3A_2618, %parallel_loop3A_2767 : i32
        %parallel_loop3A_2769 = arith.index_cast %parallel_loop3A_2768 : i32 to index
        %parallel_loop3A_2770 = arith.constant 96 : index
        %parallel_loop3A_2771 = tpu.vector_load %arg10[%parallel_loop3A_2769, %parallel_loop3A_2770] {strides = array<i32>} : memref<80x128xf32, #tpu.memory_space<vmem>>, vector<16xf32>,
        %parallel_loop3A_2772 = arith.constant 0 : i32
        %parallel_loop3A_2773 = arith.addi %parallel_loop3A_2618, %parallel_loop3A_2772 : i32
        %parallel_loop3A_2774 = arith.index_cast %parallel_loop3A_2773 : i32 to index
        %parallel_loop3A_2775 = arith.constant 96 : index
        %parallel_loop3A_2776 = tpu.vector_load %arg11[%parallel_loop3A_2774, %parallel_loop3A_2775] {strides = array<i32>} : memref<80x128xf32, #tpu.memory_space<vmem>>, vector<16xf32>,
        %parallel_loop3A_2777 = arith.mulf %parallel_loop3A_2771, %parallel_loop3A_2776 : vector<16xf32>
        %parallel_loop3A_2778 = arith.constant true
        %parallel_loop3A_2779 = vector.broadcast %parallel_loop3A_2778 : i1 to vector<16xi1>
        %parallel_loop3A_2780 = tpu.scan <sum>, %parallel_loop3A_2777 masked %parallel_loop3A_2779 : vector<16xf32>, vector<16xi1> -> vector<16xf32>
        %parallel_loop3A_2781 = vector.extract %parallel_loop3A_2780[15] : f32 from vector<16xf32>
        %parallel_loop3A_2782 = arith.constant 0 : i32
        %parallel_loop3A_2783 = arith.addi %parallel_loop3A_2618, %parallel_loop3A_2782 : i32
        %parallel_loop3A_2784 = arith.index_cast %parallel_loop3A_2783 : i32 to index
        %parallel_loop3A_2785 = arith.constant 112 : index
        %parallel_loop3A_2786 = tpu.vector_load %arg10[%parallel_loop3A_2784, %parallel_loop3A_2785] {strides = array<i32>} : memref<80x128xf32, #tpu.memory_space<vmem>>, vector<16xf32>,
        %parallel_loop3A_2787 = arith.constant 0 : i32
        %parallel_loop3A_2788 = arith.addi %parallel_loop3A_2618, %parallel_loop3A_2787 : i32
        %parallel_loop3A_2789 = arith.index_cast %parallel_loop3A_2788 : i32 to index
        %parallel_loop3A_2790 = arith.constant 112 : index
        %parallel_loop3A_2791 = tpu.vector_load %arg11[%parallel_loop3A_2789, %parallel_loop3A_2790] {strides = array<i32>} : memref<80x128xf32, #tpu.memory_space<vmem>>, vector<16xf32>,
        %parallel_loop3A_2792 = arith.mulf %parallel_loop3A_2786, %parallel_loop3A_2791 : vector<16xf32>
        %parallel_loop3A_2793 = arith.constant true
        %parallel_loop3A_2794 = vector.broadcast %parallel_loop3A_2793 : i1 to vector<16xi1>
        %parallel_loop3A_2795 = tpu.scan <sum>, %parallel_loop3A_2792 masked %parallel_loop3A_2794 : vector<16xf32>, vector<16xi1> -> vector<16xf32>
        %parallel_loop3A_2796 = vector.extract %parallel_loop3A_2795[15] : f32 from vector<16xf32>
        %parallel_loop3A_2797 = arith.constant 1 : i32
        %parallel_loop3A_2798 = arith.addi %parallel_loop3A_2618, %parallel_loop3A_2797 : i32
        %parallel_loop3A_2799 = arith.index_cast %parallel_loop3A_2798 : i32 to index
        %parallel_loop3A_2800 = arith.constant 0 : index
        %parallel_loop3A_2801 = tpu.vector_load %arg10[%parallel_loop3A_2799, %parallel_loop3A_2800] {strides = array<i32>} : memref<80x128xf32, #tpu.memory_space<vmem>>, vector<16xf32>,
        %parallel_loop3A_2802 = arith.constant 1 : i32
        %parallel_loop3A_2803 = arith.addi %parallel_loop3A_2618, %parallel_loop3A_2802 : i32
        %parallel_loop3A_2804 = arith.index_cast %parallel_loop3A_2803 : i32 to index
        %parallel_loop3A_2805 = arith.constant 0 : index
        %parallel_loop3A_2806 = tpu.vector_load %arg11[%parallel_loop3A_2804, %parallel_loop3A_2805] {strides = array<i32>} : memref<80x128xf32, #tpu.memory_space<vmem>>, vector<16xf32>,
        %parallel_loop3A_2807 = arith.mulf %parallel_loop3A_2801, %parallel_loop3A_2806 : vector<16xf32>
        %parallel_loop3A_2808 = arith.constant true
        %parallel_loop3A_2809 = vector.broadcast %parallel_loop3A_2808 : i1 to vector<16xi1>
        %parallel_loop3A_2810 = tpu.scan <sum>, %parallel_loop3A_2807 masked %parallel_loop3A_2809 : vector<16xf32>, vector<16xi1> -> vector<16xf32>
        %parallel_loop3A_2811 = vector.extract %parallel_loop3A_2810[15] : f32 from vector<16xf32>
        %parallel_loop3A_2812 = arith.constant 1 : i32
        %parallel_loop3A_2813 = arith.addi %parallel_loop3A_2618, %parallel_loop3A_2812 : i32
        %parallel_loop3A_2814 = arith.index_cast %parallel_loop3A_2813 : i32 to index
        %parallel_loop3A_2815 = arith.constant 16 : index
        %parallel_loop3A_2816 = tpu.vector_load %arg10[%parallel_loop3A_2814, %parallel_loop3A_2815] {strides = array<i32>} : memref<80x128xf32, #tpu.memory_space<vmem>>, vector<16xf32>,
        %parallel_loop3A_2817 = arith.constant 1 : i32
        %parallel_loop3A_2818 = arith.addi %parallel_loop3A_2618, %parallel_loop3A_2817 : i32
        %parallel_loop3A_2819 = arith.index_cast %parallel_loop3A_2818 : i32 to index
        %parallel_loop3A_2820 = arith.constant 16 : index
        %parallel_loop3A_2821 = tpu.vector_load %arg11[%parallel_loop3A_2819, %parallel_loop3A_2820] {strides = array<i32>} : memref<80x128xf32, #tpu.memory_space<vmem>>, vector<16xf32>,
        %parallel_loop3A_2822 = arith.mulf %parallel_loop3A_2816, %parallel_loop3A_2821 : vector<16xf32>
        %parallel_loop3A_2823 = arith.constant true
        %parallel_loop3A_2824 = vector.broadcast %parallel_loop3A_2823 : i1 to vector<16xi1>
        %parallel_loop3A_2825 = tpu.scan <sum>, %parallel_loop3A_2822 masked %parallel_loop3A_2824 : vector<16xf32>, vector<16xi1> -> vector<16xf32>
        %parallel_loop3A_2826 = vector.extract %parallel_loop3A_2825[15] : f32 from vector<16xf32>
        %parallel_loop3A_2827 = arith.constant 1 : i32
        %parallel_loop3A_2828 = arith.addi %parallel_loop3A_2618, %parallel_loop3A_2827 : i32
        %parallel_loop3A_2829 = arith.index_cast %parallel_loop3A_2828 : i32 to index
        %parallel_loop3A_2830 = arith.constant 32 : index
        %parallel_loop3A_2831 = tpu.vector_load %arg10[%parallel_loop3A_2829, %parallel_loop3A_2830] {strides = array<i32>} : memref<80x128xf32, #tpu.memory_space<vmem>>, vector<16xf32>,
        %parallel_loop3A_2832 = arith.constant 1 : i32
        %parallel_loop3A_2833 = arith.addi %parallel_loop3A_2618, %parallel_loop3A_2832 : i32
        %parallel_loop3A_2834 = arith.index_cast %parallel_loop3A_2833 : i32 to index
        %parallel_loop3A_2835 = arith.constant 32 : index
        %parallel_loop3A_2836 = tpu.vector_load %arg11[%parallel_loop3A_2834, %parallel_loop3A_2835] {strides = array<i32>} : memref<80x128xf32, #tpu.memory_space<vmem>>, vector<16xf32>,
        %parallel_loop3A_2837 = arith.mulf %parallel_loop3A_2831, %parallel_loop3A_2836 : vector<16xf32>
        %parallel_loop3A_2838 = arith.constant true
        %parallel_loop3A_2839 = vector.broadcast %parallel_loop3A_2838 : i1 to vector<16xi1>
        %parallel_loop3A_2840 = tpu.scan <sum>, %parallel_loop3A_2837 masked %parallel_loop3A_2839 : vector<16xf32>, vector<16xi1> -> vector<16xf32>
        %parallel_loop3A_2841 = vector.extract %parallel_loop3A_2840[15] : f32 from vector<16xf32>
        %parallel_loop3A_2842 = arith.constant 1 : i32
        %parallel_loop3A_2843 = arith.addi %parallel_loop3A_2618, %parallel_loop3A_2842 : i32
        %parallel_loop3A_2844 = arith.index_cast %parallel_loop3A_2843 : i32 to index
        %parallel_loop3A_2845 = arith.constant 48 : index
        %parallel_loop3A_2846 = tpu.vector_load %arg10[%parallel_loop3A_2844, %parallel_loop3A_2845] {strides = array<i32>} : memref<80x128xf32, #tpu.memory_space<vmem>>, vector<16xf32>,
        %parallel_loop3A_2847 = arith.constant 1 : i32
        %parallel_loop3A_2848 = arith.addi %parallel_loop3A_2618, %parallel_loop3A_2847 : i32
        %parallel_loop3A_2849 = arith.index_cast %parallel_loop3A_2848 : i32 to index
        %parallel_loop3A_2850 = arith.constant 48 : index
        %parallel_loop3A_2851 = tpu.vector_load %arg11[%parallel_loop3A_2849, %parallel_loop3A_2850] {strides = array<i32>} : memref<80x128xf32, #tpu.memory_space<vmem>>, vector<16xf32>,
        %parallel_loop3A_2852 = arith.mulf %parallel_loop3A_2846, %parallel_loop3A_2851 : vector<16xf32>
        %parallel_loop3A_2853 = arith.constant true
        %parallel_loop3A_2854 = vector.broadcast %parallel_loop3A_2853 : i1 to vector<16xi1>
        %parallel_loop3A_2855 = tpu.scan <sum>, %parallel_loop3A_2852 masked %parallel_loop3A_2854 : vector<16xf32>, vector<16xi1> -> vector<16xf32>
        %parallel_loop3A_2856 = vector.extract %parallel_loop3A_2855[15] : f32 from vector<16xf32>
        %parallel_loop3A_2857 = arith.constant 1 : i32
        %parallel_loop3A_2858 = arith.addi %parallel_loop3A_2618, %parallel_loop3A_2857 : i32
        %parallel_loop3A_2859 = arith.index_cast %parallel_loop3A_2858 : i32 to index
        %parallel_loop3A_2860 = arith.constant 64 : index
        %parallel_loop3A_2861 = tpu.vector_load %arg10[%parallel_loop3A_2859, %parallel_loop3A_2860] {strides = array<i32>} : memref<80x128xf32, #tpu.memory_space<vmem>>, vector<16xf32>,
        %parallel_loop3A_2862 = arith.constant 1 : i32
        %parallel_loop3A_2863 = arith.addi %parallel_loop3A_2618, %parallel_loop3A_2862 : i32
        %parallel_loop3A_2864 = arith.index_cast %parallel_loop3A_2863 : i32 to index
        %parallel_loop3A_2865 = arith.constant 64 : index
        %parallel_loop3A_2866 = tpu.vector_load %arg11[%parallel_loop3A_2864, %parallel_loop3A_2865] {strides = array<i32>} : memref<80x128xf32, #tpu.memory_space<vmem>>, vector<16xf32>,
        %parallel_loop3A_2867 = arith.mulf %parallel_loop3A_2861, %parallel_loop3A_2866 : vector<16xf32>
        %parallel_loop3A_2868 = arith.constant true
        %parallel_loop3A_2869 = vector.broadcast %parallel_loop3A_2868 : i1 to vector<16xi1>
        %parallel_loop3A_2870 = tpu.scan <sum>, %parallel_loop3A_2867 masked %parallel_loop3A_2869 : vector<16xf32>, vector<16xi1> -> vector<16xf32>
        %parallel_loop3A_2871 = vector.extract %parallel_loop3A_2870[15] : f32 from vector<16xf32>
        %parallel_loop3A_2872 = arith.constant 1 : i32
        %parallel_loop3A_2873 = arith.addi %parallel_loop3A_2618, %parallel_loop3A_2872 : i32
        %parallel_loop3A_2874 = arith.index_cast %parallel_loop3A_2873 : i32 to index
        %parallel_loop3A_2875 = arith.constant 80 : index
        %parallel_loop3A_2876 = tpu.vector_load %arg10[%parallel_loop3A_2874, %parallel_loop3A_2875] {strides = array<i32>} : memref<80x128xf32, #tpu.memory_space<vmem>>, vector<16xf32>,
        %parallel_loop3A_2877 = arith.constant 1 : i32
        %parallel_loop3A_2878 = arith.addi %parallel_loop3A_2618, %parallel_loop3A_2877 : i32
        %parallel_loop3A_2879 = arith.index_cast %parallel_loop3A_2878 : i32 to index
        %parallel_loop3A_2880 = arith.constant 80 : index
        %parallel_loop3A_2881 = tpu.vector_load %arg11[%parallel_loop3A_2879, %parallel_loop3A_2880] {strides = array<i32>} : memref<80x128xf32, #tpu.memory_space<vmem>>, vector<16xf32>,
        %parallel_loop3A_2882 = arith.mulf %parallel_loop3A_2876, %parallel_loop3A_2881 : vector<16xf32>
        %parallel_loop3A_2883 = arith.constant true
        %parallel_loop3A_2884 = vector.broadcast %parallel_loop3A_2883 : i1 to vector<16xi1>
        %parallel_loop3A_2885 = tpu.scan <sum>, %parallel_loop3A_2882 masked %parallel_loop3A_2884 : vector<16xf32>, vector<16xi1> -> vector<16xf32>
        %parallel_loop3A_2886 = vector.extract %parallel_loop3A_2885[15] : f32 from vector<16xf32>
        %parallel_loop3A_2887 = arith.constant 1 : i32
        %parallel_loop3A_2888 = arith.addi %parallel_loop3A_2618, %parallel_loop3A_2887 : i32
        %parallel_loop3A_2889 = arith.index_cast %parallel_loop3A_2888 : i32 to index
        %parallel_loop3A_2890 = arith.constant 96 : index
        %parallel_loop3A_2891 = tpu.vector_load %arg10[%parallel_loop3A_2889, %parallel_loop3A_2890] {strides = array<i32>} : memref<80x128xf32, #tpu.memory_space<vmem>>, vector<16xf32>,
        %parallel_loop3A_2892 = arith.constant 1 : i32
        %parallel_loop3A_2893 = arith.addi %parallel_loop3A_2618, %parallel_loop3A_2892 : i32
        %parallel_loop3A_2894 = arith.index_cast %parallel_loop3A_2893 : i32 to index
        %parallel_loop3A_2895 = arith.constant 96 : index
        %parallel_loop3A_2896 = tpu.vector_load %arg11[%parallel_loop3A_2894, %parallel_loop3A_2895] {strides = array<i32>} : memref<80x128xf32, #tpu.memory_space<vmem>>, vector<16xf32>,
        %parallel_loop3A_2897 = arith.mulf %parallel_loop3A_2891, %parallel_loop3A_2896 : vector<16xf32>
        %parallel_loop3A_2898 = arith.constant true
        %parallel_loop3A_2899 = vector.broadcast %parallel_loop3A_2898 : i1 to vector<16xi1>
        %parallel_loop3A_2900 = tpu.scan <sum>, %parallel_loop3A_2897 masked %parallel_loop3A_2899 : vector<16xf32>, vector<16xi1> -> vector<16xf32>
        %parallel_loop3A_2901 = vector.extract %parallel_loop3A_2900[15] : f32 from vector<16xf32>
        %parallel_loop3A_2902 = arith.constant 1 : i32
        %parallel_loop3A_2903 = arith.addi %parallel_loop3A_2618, %parallel_loop3A_2902 : i32
        %parallel_loop3A_2904 = arith.index_cast %parallel_loop3A_2903 : i32 to index
        %parallel_loop3A_2905 = arith.constant 112 : index
        %parallel_loop3A_2906 = tpu.vector_load %arg10[%parallel_loop3A_2904, %parallel_loop3A_2905] {strides = array<i32>} : memref<80x128xf32, #tpu.memory_space<vmem>>, vector<16xf32>,
        %parallel_loop3A_2907 = arith.constant 1 : i32
        %parallel_loop3A_2908 = arith.addi %parallel_loop3A_2618, %parallel_loop3A_2907 : i32
        %parallel_loop3A_2909 = arith.index_cast %parallel_loop3A_2908 : i32 to index
        %parallel_loop3A_2910 = arith.constant 112 : index
        %parallel_loop3A_2911 = tpu.vector_load %arg11[%parallel_loop3A_2909, %parallel_loop3A_2910] {strides = array<i32>} : memref<80x128xf32, #tpu.memory_space<vmem>>, vector<16xf32>,
        %parallel_loop3A_2912 = arith.mulf %parallel_loop3A_2906, %parallel_loop3A_2911 : vector<16xf32>
        %parallel_loop3A_2913 = arith.constant true
        %parallel_loop3A_2914 = vector.broadcast %parallel_loop3A_2913 : i1 to vector<16xi1>
        %parallel_loop3A_2915 = tpu.scan <sum>, %parallel_loop3A_2912 masked %parallel_loop3A_2914 : vector<16xf32>, vector<16xi1> -> vector<16xf32>
        %parallel_loop3A_2916 = vector.extract %parallel_loop3A_2915[15] : f32 from vector<16xf32>
        %parallel_loop3A_2917 = tpu.iota {dimensions = array<i32: 0>} : vector<16xi32>
        %parallel_loop3A_2918 = arith.constant 0.000000e+00 : f32
        %parallel_loop3A_2919 = vector.broadcast %parallel_loop3A_2918 : f32 to vector<16xf32>
        %parallel_loop3A_2920 = arith.constant 0 : i32
        %parallel_loop3A_2921 = vector.broadcast %parallel_loop3A_2920 : i32 to vector<16xi32>
        %parallel_loop3A_2922 = arith.cmpi eq, %parallel_loop3A_2917, %parallel_loop3A_2921 : vector<16xi32>
        %parallel_loop3A_2923 = vector.broadcast %parallel_loop3A_2691 : f32 to vector<16xf32>
        %parallel_loop3A_2924 = arith.select %parallel_loop3A_2922, %parallel_loop3A_2923, %parallel_loop3A_2919 : vector<16xi1>, vector<16xf32>
        %parallel_loop3A_2925 = arith.constant 1 : i32
        %parallel_loop3A_2926 = vector.broadcast %parallel_loop3A_2925 : i32 to vector<16xi32>
        %parallel_loop3A_2927 = arith.cmpi eq, %parallel_loop3A_2917, %parallel_loop3A_2926 : vector<16xi32>
        %parallel_loop3A_2928 = vector.broadcast %parallel_loop3A_2706 : f32 to vector<16xf32>
        %parallel_loop3A_2929 = arith.select %parallel_loop3A_2927, %parallel_loop3A_2928, %parallel_loop3A_2924 : vector<16xi1>, vector<16xf32>
        %parallel_loop3A_2930 = arith.constant 2 : i32
        %parallel_loop3A_2931 = vector.broadcast %parallel_loop3A_2930 : i32 to vector<16xi32>
        %parallel_loop3A_2932 = arith.cmpi eq, %parallel_loop3A_2917, %parallel_loop3A_2931 : vector<16xi32>
        %parallel_loop3A_2933 = vector.broadcast %parallel_loop3A_2721 : f32 to vector<16xf32>
        %parallel_loop3A_2934 = arith.select %parallel_loop3A_2932, %parallel_loop3A_2933, %parallel_loop3A_2929 : vector<16xi1>, vector<16xf32>
        %parallel_loop3A_2935 = arith.constant 3 : i32
        %parallel_loop3A_2936 = vector.broadcast %parallel_loop3A_2935 : i32 to vector<16xi32>
        %parallel_loop3A_2937 = arith.cmpi eq, %parallel_loop3A_2917, %parallel_loop3A_2936 : vector<16xi32>
        %parallel_loop3A_2938 = vector.broadcast %parallel_loop3A_2736 : f32 to vector<16xf32>
        %parallel_loop3A_2939 = arith.select %parallel_loop3A_2937, %parallel_loop3A_2938, %parallel_loop3A_2934 : vector<16xi1>, vector<16xf32>
        %parallel_loop3A_2940 = arith.constant 4 : i32
        %parallel_loop3A_2941 = vector.broadcast %parallel_loop3A_2940 : i32 to vector<16xi32>
        %parallel_loop3A_2942 = arith.cmpi eq, %parallel_loop3A_2917, %parallel_loop3A_2941 : vector<16xi32>
        %parallel_loop3A_2943 = vector.broadcast %parallel_loop3A_2751 : f32 to vector<16xf32>
        %parallel_loop3A_2944 = arith.select %parallel_loop3A_2942, %parallel_loop3A_2943, %parallel_loop3A_2939 : vector<16xi1>, vector<16xf32>
        %parallel_loop3A_2945 = arith.constant 5 : i32
        %parallel_loop3A_2946 = vector.broadcast %parallel_loop3A_2945 : i32 to vector<16xi32>
        %parallel_loop3A_2947 = arith.cmpi eq, %parallel_loop3A_2917, %parallel_loop3A_2946 : vector<16xi32>
        %parallel_loop3A_2948 = vector.broadcast %parallel_loop3A_2766 : f32 to vector<16xf32>
        %parallel_loop3A_2949 = arith.select %parallel_loop3A_2947, %parallel_loop3A_2948, %parallel_loop3A_2944 : vector<16xi1>, vector<16xf32>
        %parallel_loop3A_2950 = arith.constant 6 : i32
        %parallel_loop3A_2951 = vector.broadcast %parallel_loop3A_2950 : i32 to vector<16xi32>
        %parallel_loop3A_2952 = arith.cmpi eq, %parallel_loop3A_2917, %parallel_loop3A_2951 : vector<16xi32>
        %parallel_loop3A_2953 = vector.broadcast %parallel_loop3A_2781 : f32 to vector<16xf32>
        %parallel_loop3A_2954 = arith.select %parallel_loop3A_2952, %parallel_loop3A_2953, %parallel_loop3A_2949 : vector<16xi1>, vector<16xf32>
        %parallel_loop3A_2955 = arith.constant 7 : i32
        %parallel_loop3A_2956 = vector.broadcast %parallel_loop3A_2955 : i32 to vector<16xi32>
        %parallel_loop3A_2957 = arith.cmpi eq, %parallel_loop3A_2917, %parallel_loop3A_2956 : vector<16xi32>
        %parallel_loop3A_2958 = vector.broadcast %parallel_loop3A_2796 : f32 to vector<16xf32>
        %parallel_loop3A_2959 = arith.select %parallel_loop3A_2957, %parallel_loop3A_2958, %parallel_loop3A_2954 : vector<16xi1>, vector<16xf32>
        %parallel_loop3A_2960 = arith.constant 8 : i32
        %parallel_loop3A_2961 = vector.broadcast %parallel_loop3A_2960 : i32 to vector<16xi32>
        %parallel_loop3A_2962 = arith.cmpi eq, %parallel_loop3A_2917, %parallel_loop3A_2961 : vector<16xi32>
        %parallel_loop3A_2963 = vector.broadcast %parallel_loop3A_2811 : f32 to vector<16xf32>
        %parallel_loop3A_2964 = arith.select %parallel_loop3A_2962, %parallel_loop3A_2963, %parallel_loop3A_2959 : vector<16xi1>, vector<16xf32>
        %parallel_loop3A_2965 = arith.constant 9 : i32
        %parallel_loop3A_2966 = vector.broadcast %parallel_loop3A_2965 : i32 to vector<16xi32>
        %parallel_loop3A_2967 = arith.cmpi eq, %parallel_loop3A_2917, %parallel_loop3A_2966 : vector<16xi32>
        %parallel_loop3A_2968 = vector.broadcast %parallel_loop3A_2826 : f32 to vector<16xf32>
        %parallel_loop3A_2969 = arith.select %parallel_loop3A_2967, %parallel_loop3A_2968, %parallel_loop3A_2964 : vector<16xi1>, vector<16xf32>
        %parallel_loop3A_2970 = arith.constant 10 : i32
        %parallel_loop3A_2971 = vector.broadcast %parallel_loop3A_2970 : i32 to vector<16xi32>
        %parallel_loop3A_2972 = arith.cmpi eq, %parallel_loop3A_2917, %parallel_loop3A_2971 : vector<16xi32>
        %parallel_loop3A_2973 = vector.broadcast %parallel_loop3A_2841 : f32 to vector<16xf32>
        %parallel_loop3A_2974 = arith.select %parallel_loop3A_2972, %parallel_loop3A_2973, %parallel_loop3A_2969 : vector<16xi1>, vector<16xf32>
        %parallel_loop3A_2975 = arith.constant 11 : i32
        %parallel_loop3A_2976 = vector.broadcast %parallel_loop3A_2975 : i32 to vector<16xi32>
        %parallel_loop3A_2977 = arith.cmpi eq, %parallel_loop3A_2917, %parallel_loop3A_2976 : vector<16xi32>
        %parallel_loop3A_2978 = vector.broadcast %parallel_loop3A_2856 : f32 to vector<16xf32>
        %parallel_loop3A_2979 = arith.select %parallel_loop3A_2977, %parallel_loop3A_2978, %parallel_loop3A_2974 : vector<16xi1>, vector<16xf32>
        %parallel_loop3A_2980 = arith.constant 12 : i32
        %parallel_loop3A_2981 = vector.broadcast %parallel_loop3A_2980 : i32 to vector<16xi32>
        %parallel_loop3A_2982 = arith.cmpi eq, %parallel_loop3A_2917, %parallel_loop3A_2981 : vector<16xi32>
        %parallel_loop3A_2983 = vector.broadcast %parallel_loop3A_2871 : f32 to vector<16xf32>
        %parallel_loop3A_2984 = arith.select %parallel_loop3A_2982, %parallel_loop3A_2983, %parallel_loop3A_2979 : vector<16xi1>, vector<16xf32>
        %parallel_loop3A_2985 = arith.constant 13 : i32
        %parallel_loop3A_2986 = vector.broadcast %parallel_loop3A_2985 : i32 to vector<16xi32>
        %parallel_loop3A_2987 = arith.cmpi eq, %parallel_loop3A_2917, %parallel_loop3A_2986 : vector<16xi32>
        %parallel_loop3A_2988 = vector.broadcast %parallel_loop3A_2886 : f32 to vector<16xf32>
        %parallel_loop3A_2989 = arith.select %parallel_loop3A_2987, %parallel_loop3A_2988, %parallel_loop3A_2984 : vector<16xi1>, vector<16xf32>
        %parallel_loop3A_2990 = arith.constant 14 : i32
        %parallel_loop3A_2991 = vector.broadcast %parallel_loop3A_2990 : i32 to vector<16xi32>
        %parallel_loop3A_2992 = arith.cmpi eq, %parallel_loop3A_2917, %parallel_loop3A_2991 : vector<16xi32>
        %parallel_loop3A_2993 = vector.broadcast %parallel_loop3A_2901 : f32 to vector<16xf32>
        %parallel_loop3A_2994 = arith.select %parallel_loop3A_2992, %parallel_loop3A_2993, %parallel_loop3A_2989 : vector<16xi1>, vector<16xf32>
        %parallel_loop3A_2995 = arith.constant 15 : i32
        %parallel_loop3A_2996 = vector.broadcast %parallel_loop3A_2995 : i32 to vector<16xi32>
        %parallel_loop3A_2997 = arith.cmpi eq, %parallel_loop3A_2917, %parallel_loop3A_2996 : vector<16xi32>
        %parallel_loop3A_2998 = vector.broadcast %parallel_loop3A_2916 : f32 to vector<16xf32>
        %parallel_loop3A_2999 = arith.select %parallel_loop3A_2997, %parallel_loop3A_2998, %parallel_loop3A_2994 : vector<16xi1>, vector<16xf32>
        %parallel_loop3A_3000 = tpu.vector_load_idx %arg14[%broadcast_in_dim3A_2492, %parallel_loop3A_2654, %parallel_loop3A_2676] : memref<2x80x8xf32, #tpu.memory_space<vmem>>[vector<16xi32>, vector<16xi32>, vector<16xi32>], vector<16xf32>,
        %parallel_loop3A_3001 = arith.addf %parallel_loop3A_2999, %parallel_loop3A_3000 : vector<16xf32>
        %parallel_loop3A_3002 = math.exp %parallel_loop3A_3001 : vector<16xf32>
        tpu.vector_store_idx %arg13[%broadcast_in_dim3A_2492, %parallel_loop3A_2654, %parallel_loop3A_2676], %parallel_loop3A_3002 : memref<2x80x8xf32, #tpu.memory_space<vmem>>[vector<16xi32>, vector<16xi32>, vector<16xi32>], vector<16xf32>,
      } {sc.loop_unroll_factor = 2 : i64, sc.parallel_access}
      %mul3A_2515 = arith.constant 10000 : i32
      %mul3A_2516 = arith.muli %add3A, %mul3A_2515 : i32
      %add3A_2517 = arith.constant 1 : i32
      %add3A_2518 = arith.addi %scan3A_2488, %add3A_2517 : i32
      %mul3A_2519 = arith.constant 80 : i32
      %mul3A_2520 = arith.muli %add3A_2518, %mul3A_2519 : i32
      %min3A = arith.constant 9920 : i32
      %min3A_2521 = arith.minsi %mul3A_2520, %min3A : i32
      %add3A_2522 = arith.addi %mul3A_2516, %min3A_2521 : i32
      %dma_start3A_2523 = arith.constant 0 : i32
      %dma_start3A_2524 = tpu.memref_slice %arg15[%xor3A_2491, %dma_start3A_2523] : memref<2x80xi32, #tpu.memory_space<vmem>> -> memref<1x80xi32, #tpu.memory_space<vmem>>
      %dma_start3A_2525 = tpu.memref_squeeze %dma_start3A_2524 : memref<1x80xi32, #tpu.memory_space<vmem>> -> memref<80xi32, #tpu.memory_space<vmem>>
      %dma_start3A_2526 = tpu.memref_slice %arg5[%add3A_2522] : memref<320000xi32, #tpu.memory_space<hbm>> -> memref<80xi32, #tpu.memory_space<hbm>>
      %dma_start3A_2527 = arith.constant 0 : i32
      %dma_start3A_2528 = tpu.memref_slice %arg15[%xor3A_2491, %dma_start3A_2527] : memref<2x80xi32, #tpu.memory_space<vmem>> -> memref<1x80xi32, #tpu.memory_space<vmem>>
      %dma_start3A_2529 = tpu.memref_squeeze %dma_start3A_2528 : memref<1x80xi32, #tpu.memory_space<vmem>> -> memref<80xi32, #tpu.memory_space<vmem>>
      %dma_start3A_2530 = tpu.memref_slice %arg5[%add3A_2522] : memref<320000xi32, #tpu.memory_space<hbm>> -> memref<80xi32, #tpu.memory_space<hbm>>
      tpu.enqueue_dma source(%dma_start3A_2530 : memref<80xi32, #tpu.memory_space<hbm>>) target(%dma_start3A_2529 : memref<80xi32, #tpu.memory_space<vmem>>) target_semaphore(%arg21 : memref<!tpu.dma_semaphore, #tpu.memory_space<semaphore_mem>>)
      %dma_start3A_2531 = arith.constant 0 : i32
      %dma_start3A_2532 = tpu.memref_slice %arg16[%xor3A_2491, %dma_start3A_2531] : memref<2x80xi32, #tpu.memory_space<vmem>> -> memref<1x80xi32, #tpu.memory_space<vmem>>
      %dma_start3A_2533 = tpu.memref_squeeze %dma_start3A_2532 : memref<1x80xi32, #tpu.memory_space<vmem>> -> memref<80xi32, #tpu.memory_space<vmem>>
      %dma_start3A_2534 = tpu.memref_slice %arg6[%add3A_2522] : memref<320000xi32, #tpu.memory_space<hbm>> -> memref<80xi32, #tpu.memory_space<hbm>>
      %dma_start3A_2535 = arith.constant 0 : i32
      %dma_start3A_2536 = tpu.memref_slice %arg16[%xor3A_2491, %dma_start3A_2535] : memref<2x80xi32, #tpu.memory_space<vmem>> -> memref<1x80xi32, #tpu.memory_space<vmem>>
      %dma_start3A_2537 = tpu.memref_squeeze %dma_start3A_2536 : memref<1x80xi32, #tpu.memory_space<vmem>> -> memref<80xi32, #tpu.memory_space<vmem>>
      %dma_start3A_2538 = tpu.memref_slice %arg6[%add3A_2522] : memref<320000xi32, #tpu.memory_space<hbm>> -> memref<80xi32, #tpu.memory_space<hbm>>
      tpu.enqueue_dma source(%dma_start3A_2538 : memref<80xi32, #tpu.memory_space<hbm>>) target(%dma_start3A_2537 : memref<80xi32, #tpu.memory_space<vmem>>) target_semaphore(%arg21 : memref<!tpu.dma_semaphore, #tpu.memory_space<semaphore_mem>>)
      %dma_start3A_2539 = arith.constant 0 : i32
      %dma_start3A_2540 = arith.constant 0 : i32
      %dma_start3A_2541 = tpu.memref_slice %arg14[%xor3A_2491, %dma_start3A_2539, %dma_start3A_2540] : memref<2x80x8xf32, #tpu.memory_space<vmem>> -> memref<1x80x8xf32, #tpu.memory_space<vmem>>
      %dma_start3A_2542 = tpu.memref_squeeze %dma_start3A_2541 : memref<1x80x8xf32, #tpu.memory_space<vmem>> -> memref<80x8xf32, #tpu.memory_space<vmem>>
      %dma_start3A_2543 = arith.constant 0 : i32
      %dma_start3A_2544 = tpu.memref_slice %arg7[%add3A_2522, %dma_start3A_2543] : memref<320000x8xf32, #tpu.memory_space<hbm>> -> memref<80x8xf32, #tpu.memory_space<hbm>>
      %dma_start3A_2545 = arith.constant 0 : i32
      %dma_start3A_2546 = arith.constant 0 : i32
      %dma_start3A_2547 = tpu.memref_slice %arg14[%xor3A_2491, %dma_start3A_2545, %dma_start3A_2546] : memref<2x80x8xf32, #tpu.memory_space<vmem>> -> memref<1x80x8xf32, #tpu.memory_space<vmem>>
      %dma_start3A_2548 = tpu.memref_squeeze %dma_start3A_2547 : memref<1x80x8xf32, #tpu.memory_space<vmem>> -> memref<80x8xf32, #tpu.memory_space<vmem>>
      %dma_start3A_2549 = arith.constant 0 : i32
      %dma_start3A_2550 = tpu.memref_slice %arg7[%add3A_2522, %dma_start3A_2549] : memref<320000x8xf32, #tpu.memory_space<hbm>> -> memref<80x8xf32, #tpu.memory_space<hbm>>
      tpu.enqueue_dma source(%dma_start3A_2550 : memref<80x8xf32, #tpu.memory_space<hbm>>) target(%dma_start3A_2548 : memref<80x8xf32, #tpu.memory_space<vmem>>) target_semaphore(%arg21 : memref<!tpu.dma_semaphore, #tpu.memory_space<semaphore_mem>>)
      %dma_wait3A_2551 = arith.constant 0 : i32
      %dma_wait3A_2552 = tpu.memref_slice %arg15[%and3A_2490, %dma_wait3A_2551] : memref<2x80xi32, #tpu.memory_space<vmem>> -> memref<1x80xi32, #tpu.memory_space<vmem>>
      %dma_wait3A_2553 = tpu.memref_squeeze %dma_wait3A_2552 : memref<1x80xi32, #tpu.memory_space<vmem>> -> memref<80xi32, #tpu.memory_space<vmem>>
      %dma_wait3A_2554 = arith.constant 0 : i32
      %dma_wait3A_2555 = arith.constant 0 : i32
      %dma_wait3A_2556 = tpu.memref_slice %arg4[%dma_wait3A_2554, %dma_wait3A_2555] : memref<10000x128xf32, #tpu.memory_space<hbm>> -> memref<10000x128xf32, #tpu.memory_space<hbm>>
      tpu.wait_indirect_dma semaphore(%arg20 : memref<!tpu.dma_semaphore, #tpu.memory_space<semaphore_mem>>) src(%dma_wait3A_2556 : memref<10000x128xf32, #tpu.memory_space<hbm>>) dst(%arg12 : memref<80x128xf32, #tpu.memory_space<vmem>>)
      %dma_wait3A_2557 = arith.constant 0 : i32
      %dma_wait3A_2558 = tpu.memref_slice %arg15[%xor3A_2491, %dma_wait3A_2557] : memref<2x80xi32, #tpu.memory_space<vmem>> -> memref<1x80xi32, #tpu.memory_space<vmem>>
      %dma_wait3A_2559 = tpu.memref_squeeze %dma_wait3A_2558 : memref<1x80xi32, #tpu.memory_space<vmem>> -> memref<80xi32, #tpu.memory_space<vmem>>
      %dma_wait3A_2560 = tpu.memref_slice %arg5[%add3A_2522] : memref<320000xi32, #tpu.memory_space<hbm>> -> memref<80xi32, #tpu.memory_space<hbm>>
      %dma_wait3A_2561 = arith.constant 0 : i32
      %dma_wait3A_2562 = tpu.memref_slice %arg15[%xor3A_2491, %dma_wait3A_2561] : memref<2x80xi32, #tpu.memory_space<vmem>> -> memref<1x80xi32, #tpu.memory_space<vmem>>
      %dma_wait3A_2563 = tpu.memref_squeeze %dma_wait3A_2562 : memref<1x80xi32, #tpu.memory_space<vmem>> -> memref<80xi32, #tpu.memory_space<vmem>>
      %dma_wait3A_2564 = tpu.memref_slice %arg5[%add3A_2522] : memref<320000xi32, #tpu.memory_space<hbm>> -> memref<80xi32, #tpu.memory_space<hbm>>
      tpu.wait_dma2 semaphore(%arg21 : memref<!tpu.dma_semaphore, #tpu.memory_space<semaphore_mem>>) src(%dma_wait3A_2564 : memref<80xi32, #tpu.memory_space<hbm>>) dst(%dma_wait3A_2563 : memref<80xi32, #tpu.memory_space<vmem>>)
      %dma_wait3A_2565 = arith.constant 0 : i32
      %dma_wait3A_2566 = tpu.memref_slice %arg16[%xor3A_2491, %dma_wait3A_2565] : memref<2x80xi32, #tpu.memory_space<vmem>> -> memref<1x80xi32, #tpu.memory_space<vmem>>
      %dma_wait3A_2567 = tpu.memref_squeeze %dma_wait3A_2566 : memref<1x80xi32, #tpu.memory_space<vmem>> -> memref<80xi32, #tpu.memory_space<vmem>>
      %dma_wait3A_2568 = tpu.memref_slice %arg6[%add3A_2522] : memref<320000xi32, #tpu.memory_space<hbm>> -> memref<80xi32, #tpu.memory_space<hbm>>
      %dma_wait3A_2569 = arith.constant 0 : i32
      %dma_wait3A_2570 = tpu.memref_slice %arg16[%xor3A_2491, %dma_wait3A_2569] : memref<2x80xi32, #tpu.memory_space<vmem>> -> memref<1x80xi32, #tpu.memory_space<vmem>>
      %dma_wait3A_2571 = tpu.memref_squeeze %dma_wait3A_2570 : memref<1x80xi32, #tpu.memory_space<vmem>> -> memref<80xi32, #tpu.memory_space<vmem>>
      %dma_wait3A_2572 = tpu.memref_slice %arg6[%add3A_2522] : memref<320000xi32, #tpu.memory_space<hbm>> -> memref<80xi32, #tpu.memory_space<hbm>>
      tpu.wait_dma2 semaphore(%arg21 : memref<!tpu.dma_semaphore, #tpu.memory_space<semaphore_mem>>) src(%dma_wait3A_2572 : memref<80xi32, #tpu.memory_space<hbm>>) dst(%dma_wait3A_2571 : memref<80xi32, #tpu.memory_space<vmem>>)
      %dma_wait3A_2573 = arith.constant 0 : i32
      %dma_wait3A_2574 = arith.constant 0 : i32
      %dma_wait3A_2575 = tpu.memref_slice %arg14[%xor3A_2491, %dma_wait3A_2573, %dma_wait3A_2574] : memref<2x80x8xf32, #tpu.memory_space<vmem>> -> memref<1x80x8xf32, #tpu.memory_space<vmem>>
      %dma_wait3A_2576 = tpu.memref_squeeze %dma_wait3A_2575 : memref<1x80x8xf32, #tpu.memory_space<vmem>> -> memref<80x8xf32, #tpu.memory_space<vmem>>
      %dma_wait3A_2577 = arith.constant 0 : i32
      %dma_wait3A_2578 = tpu.memref_slice %arg7[%add3A_2522, %dma_wait3A_2577] : memref<320000x8xf32, #tpu.memory_space<hbm>> -> memref<80x8xf32, #tpu.memory_space<hbm>>
      %dma_wait3A_2579 = arith.constant 0 : i32
      %dma_wait3A_2580 = arith.constant 0 : i32
      %dma_wait3A_2581 = tpu.memref_slice %arg14[%xor3A_2491, %dma_wait3A_2579, %dma_wait3A_2580] : memref<2x80x8xf32, #tpu.memory_space<vmem>> -> memref<1x80x8xf32, #tpu.memory_space<vmem>>
      %dma_wait3A_2582 = tpu.memref_squeeze %dma_wait3A_2581 : memref<1x80x8xf32, #tpu.memory_space<vmem>> -> memref<80x8xf32, #tpu.memory_space<vmem>>
      %dma_wait3A_2583 = arith.constant 0 : i32
      %dma_wait3A_2584 = tpu.memref_slice %arg7[%add3A_2522, %dma_wait3A_2583] : memref<320000x8xf32, #tpu.memory_space<hbm>> -> memref<80x8xf32, #tpu.memory_space<hbm>>
      tpu.wait_dma2 semaphore(%arg21 : memref<!tpu.dma_semaphore, #tpu.memory_space<semaphore_mem>>) src(%dma_wait3A_2584 : memref<80x8xf32, #tpu.memory_space<hbm>>) dst(%dma_wait3A_2582 : memref<80x8xf32, #tpu.memory_space<vmem>>)
      %dma_start3A_2585 = arith.constant 0 : i32
      %dma_start3A_2586 = tpu.memref_slice %arg16[%xor3A_2491, %dma_start3A_2585] : memref<2x80xi32, #tpu.memory_space<vmem>> -> memref<1x80xi32, #tpu.memory_space<vmem>>
      %dma_start3A_2587 = tpu.memref_squeeze %dma_start3A_2586 : memref<1x80xi32, #tpu.memory_space<vmem>> -> memref<80xi32, #tpu.memory_space<vmem>>
      %dma_start3A_2588 = arith.constant 0 : i32
      %dma_start3A_2589 = arith.constant 0 : i32
      %dma_start3A_2590 = tpu.memref_slice %arg2[%dma_start3A_2588, %dma_start3A_2589] : memref<10000x128xf32, #tpu.memory_space<hbm>> -> memref<10000x128xf32, #tpu.memory_space<hbm>>
      tpu.enqueue_indirect_dma source(%dma_start3A_2590 : memref<10000x128xf32, #tpu.memory_space<hbm>>) target(%arg10 : memref<80x128xf32, #tpu.memory_space<vmem>>) offsets(%dma_start3A_2587 : memref<80xi32, #tpu.memory_space<vmem>>) semaphore(%arg19 : memref<!tpu.dma_semaphore, #tpu.memory_space<semaphore_mem>>)
      %dma_start3A_2591 = arith.constant 0 : i32
      %dma_start3A_2592 = tpu.memref_slice %arg15[%xor3A_2491, %dma_start3A_2591] : memref<2x80xi32, #tpu.memory_space<vmem>> -> memref<1x80xi32, #tpu.memory_space<vmem>>
      %dma_start3A_2593 = tpu.memref_squeeze %dma_start3A_2592 : memref<1x80xi32, #tpu.memory_space<vmem>> -> memref<80xi32, #tpu.memory_space<vmem>>
      %dma_start3A_2594 = arith.constant 0 : i32
      %dma_start3A_2595 = arith.constant 0 : i32
      %dma_start3A_2596 = tpu.memref_slice %arg3[%dma_start3A_2594, %dma_start3A_2595] : memref<10000x128xf32, #tpu.memory_space<hbm>> -> memref<10000x128xf32, #tpu.memory_space<hbm>>
      tpu.enqueue_indirect_dma source(%dma_start3A_2596 : memref<10000x128xf32, #tpu.memory_space<hbm>>) target(%arg11 : memref<80x128xf32, #tpu.memory_space<vmem>>) offsets(%dma_start3A_2593 : memref<80xi32, #tpu.memory_space<vmem>>) semaphore(%arg19 : memref<!tpu.dma_semaphore, #tpu.memory_space<semaphore_mem>>)
      %parallel_loop3A_2597 = arith.constant 0 : i32
      %parallel_loop3A_2598 = arith.constant 40 : i32
      %parallel_loop3A_2599 = arith.constant 1 : i32
      scf.for %parallel_loop3A_2616 = %parallel_loop3A_2597 to %parallel_loop3A_2598 step %parallel_loop3A_2599  : i32 {
        %parallel_loop3A_2617 = arith.constant 2 : i32
        %parallel_loop3A_2618 = arith.muli %parallel_loop3A_2616, %parallel_loop3A_2617 : i32
        %parallel_loop3A_2619 = tpu.iota {dimensions = array<i32: 0>} : vector<16xi32>
        %parallel_loop3A_2620 = arith.constant 16 : i32
        %parallel_loop3A_2621 = arith.muli %parallel_loop3A_2616, %parallel_loop3A_2620 : i32
        %parallel_loop3A_2622 = vector.broadcast %parallel_loop3A_2621 : i32 to vector<16xi32>
        %parallel_loop3A_2623 = arith.addi %parallel_loop3A_2619, %parallel_loop3A_2622 : vector<16xi32>
        %parallel_loop3A_2624 = arith.constant 8 : i32
        %parallel_loop3A_2625 = vector.broadcast %parallel_loop3A_2624 : i32 to vector<16xi32>
        %parallel_loop3A_2626 = arith.divsi %parallel_loop3A_2623, %parallel_loop3A_2625 : vector<16xi32>
        %parallel_loop3A_2627 = arith.constant 0 : i32
        %parallel_loop3A_2628 = vector.broadcast %parallel_loop3A_2627 : i32 to vector<16xi32>
        %parallel_loop3A_2629 = arith.cmpi sgt, %parallel_loop3A_2623, %parallel_loop3A_2628 : vector<16xi32>
        %parallel_loop3A_2630 = arith.extui %parallel_loop3A_2629 : vector<16xi1> to vector<16xi32>
        %parallel_loop3A_2631 = arith.constant 0 : i32
        %parallel_loop3A_2632 = vector.broadcast %parallel_loop3A_2631 : i32 to vector<16xi32>
        %parallel_loop3A_2633 = arith.cmpi slt, %parallel_loop3A_2623, %parallel_loop3A_2632 : vector<16xi32>
        %parallel_loop3A_2634 = arith.extui %parallel_loop3A_2633 : vector<16xi1> to vector<16xi32>
        %parallel_loop3A_2635 = arith.subi %parallel_loop3A_2630, %parallel_loop3A_2634 : vector<16xi32>
        %parallel_loop3A_2636 = arith.constant 0 : i32
        %parallel_loop3A_2637 = arith.cmpi sgt, %parallel_loop3A_2624, %parallel_loop3A_2636 : i32
        %parallel_loop3A_2638 = arith.extui %parallel_loop3A_2637 : i1 to i32
        %parallel_loop3A_2639 = arith.constant 0 : i32
        %parallel_loop3A_2640 = arith.cmpi slt, %parallel_loop3A_2624, %parallel_loop3A_2639 : i32
        %parallel_loop3A_2641 = arith.extui %parallel_loop3A_2640 : i1 to i32
        %parallel_loop3A_2642 = arith.subi %parallel_loop3A_2638, %parallel_loop3A_2641 : i32
        %parallel_loop3A_2643 = vector.broadcast %parallel_loop3A_2642 : i32 to vector<16xi32>
        %parallel_loop3A_2644 = arith.cmpi ne, %parallel_loop3A_2635, %parallel_loop3A_2643 : vector<16xi32>
        %parallel_loop3A_2645 = vector.broadcast %parallel_loop3A_2624 : i32 to vector<16xi32>
        %parallel_loop3A_2646 = arith.remsi %parallel_loop3A_2623, %parallel_loop3A_2645 : vector<16xi32>
        %parallel_loop3A_2647 = arith.constant 0 : i32
        %parallel_loop3A_2648 = vector.broadcast %parallel_loop3A_2647 : i32 to vector<16xi32>
        %parallel_loop3A_2649 = arith.cmpi ne, %parallel_loop3A_2646, %parallel_loop3A_2648 : vector<16xi32>
        %parallel_loop3A_2650 = arith.andi %parallel_loop3A_2644, %parallel_loop3A_2649 : vector<16xi1>
        %parallel_loop3A_2651 = arith.constant 1 : i32
        %parallel_loop3A_2652 = vector.broadcast %parallel_loop3A_2651 : i32 to vector<16xi32>
        %parallel_loop3A_2653 = arith.subi %parallel_loop3A_2626, %parallel_loop3A_2652 : vector<16xi32>
        %parallel_loop3A_2654 = arith.select %parallel_loop3A_2650, %parallel_loop3A_2653, %parallel_loop3A_2626 : vector<16xi1>, vector<16xi32>
        %parallel_loop3A_2655 = arith.constant 8 : i32
        %parallel_loop3A_2656 = arith.constant 0 : i32
        %parallel_loop3A_2657 = arith.cmpi eq, %parallel_loop3A_2655, %parallel_loop3A_2656 : i32
        %parallel_loop3A_2658 = arith.constant 1 : i32
        %parallel_loop3A_2659 = arith.select %parallel_loop3A_2657, %parallel_loop3A_2658, %parallel_loop3A_2655 : i32
        %parallel_loop3A_2660 = vector.broadcast %parallel_loop3A_2659 : i32 to vector<16xi32>
        %parallel_loop3A_2661 = arith.remsi %parallel_loop3A_2623, %parallel_loop3A_2660 : vector<16xi32>
        %parallel_loop3A_2662 = arith.constant 0 : i32
        %parallel_loop3A_2663 = vector.broadcast %parallel_loop3A_2662 : i32 to vector<16xi32>
        %parallel_loop3A_2664 = arith.cmpi ne, %parallel_loop3A_2661, %parallel_loop3A_2663 : vector<16xi32>
        %parallel_loop3A_2665 = arith.constant 0 : i32
        %parallel_loop3A_2666 = vector.broadcast %parallel_loop3A_2665 : i32 to vector<16xi32>
        %parallel_loop3A_2667 = arith.cmpi slt, %parallel_loop3A_2661, %parallel_loop3A_2666 : vector<16xi32>
        %parallel_loop3A_2668 = arith.constant 0 : i32
        %parallel_loop3A_2669 = arith.cmpi slt, %parallel_loop3A_2659, %parallel_loop3A_2668 : i32
        %parallel_loop3A_2670 = vector.broadcast %parallel_loop3A_2669 : i1 to vector<16xi1>
        %parallel_loop3A_2671 = vector.broadcast %parallel_loop3A_2670 : vector<16xi1> to vector<16xi1>
        %parallel_loop3A_2672 = arith.xori %parallel_loop3A_2667, %parallel_loop3A_2671 : vector<16xi1>
        %parallel_loop3A_2673 = arith.andi %parallel_loop3A_2672, %parallel_loop3A_2664 : vector<16xi1>
        %parallel_loop3A_2674 = vector.broadcast %parallel_loop3A_2659 : i32 to vector<16xi32>
        %parallel_loop3A_2675 = arith.addi %parallel_loop3A_2661, %parallel_loop3A_2674 : vector<16xi32>
        %parallel_loop3A_2676 = arith.select %parallel_loop3A_2673, %parallel_loop3A_2675, %parallel_loop3A_2661 : vector<16xi1>, vector<16xi32>
        %parallel_loop3A_2677 = tpu.vector_load_idx %arg13[%broadcast_in_dim3A_2492, %parallel_loop3A_2654, %parallel_loop3A_2676] : memref<2x80x8xf32, #tpu.memory_space<vmem>>[vector<16xi32>, vector<16xi32>, vector<16xi32>], vector<16xf32>,
        %parallel_loop3A_2678 = arith.constant 0 : i32
        %parallel_loop3A_2679 = arith.addi %parallel_loop3A_2618, %parallel_loop3A_2678 : i32
        %parallel_loop3A_2680 = arith.index_cast %parallel_loop3A_2679 : i32 to index
        %parallel_loop3A_2681 = arith.constant 0 : index
        %parallel_loop3A_2682 = tpu.vector_load %arg12[%parallel_loop3A_2680, %parallel_loop3A_2681] {strides = array<i32>} : memref<80x128xf32, #tpu.memory_space<vmem>>, vector<16xf32>,
        %parallel_loop3A_2683 = vector.extract_strided_slice %parallel_loop3A_2677 {offsets = [0], sizes = [1], strides = [1]} : vector<16xf32> to vector<1xf32>
        %parallel_loop3A_2684 = vector.extract %parallel_loop3A_2683[0] : f32 from vector<1xf32>
        %parallel_loop3A_2685 = vector.broadcast %parallel_loop3A_2684 : f32 to vector<16xf32>
        %parallel_loop3A_2686 = arith.mulf %parallel_loop3A_2682, %parallel_loop3A_2685 : vector<16xf32>
        %parallel_loop3A_2687 = arith.constant 0 : i32
        %parallel_loop3A_2688 = arith.addi %parallel_loop3A_2618, %parallel_loop3A_2687 : i32
        %parallel_loop3A_2689 = arith.index_cast %parallel_loop3A_2688 : i32 to index
        %parallel_loop3A_2690 = arith.constant 16 : index
        %parallel_loop3A_2691 = tpu.vector_load %arg12[%parallel_loop3A_2689, %parallel_loop3A_2690] {strides = array<i32>} : memref<80x128xf32, #tpu.memory_space<vmem>>, vector<16xf32>,
        %parallel_loop3A_2692 = vector.extract_strided_slice %parallel_loop3A_2677 {offsets = [1], sizes = [1], strides = [1]} : vector<16xf32> to vector<1xf32>
        %parallel_loop3A_2693 = vector.extract %parallel_loop3A_2692[0] : f32 from vector<1xf32>
        %parallel_loop3A_2694 = vector.broadcast %parallel_loop3A_2693 : f32 to vector<16xf32>
        %parallel_loop3A_2695 = arith.mulf %parallel_loop3A_2691, %parallel_loop3A_2694 : vector<16xf32>
        %parallel_loop3A_2696 = arith.constant 0 : i32
        %parallel_loop3A_2697 = arith.addi %parallel_loop3A_2618, %parallel_loop3A_2696 : i32
        %parallel_loop3A_2698 = arith.index_cast %parallel_loop3A_2697 : i32 to index
        %parallel_loop3A_2699 = arith.constant 32 : index
        %parallel_loop3A_2700 = tpu.vector_load %arg12[%parallel_loop3A_2698, %parallel_loop3A_2699] {strides = array<i32>} : memref<80x128xf32, #tpu.memory_space<vmem>>, vector<16xf32>,
        %parallel_loop3A_2701 = vector.extract_strided_slice %parallel_loop3A_2677 {offsets = [2], sizes = [1], strides = [1]} : vector<16xf32> to vector<1xf32>
        %parallel_loop3A_2702 = vector.extract %parallel_loop3A_2701[0] : f32 from vector<1xf32>
        %parallel_loop3A_2703 = vector.broadcast %parallel_loop3A_2702 : f32 to vector<16xf32>
        %parallel_loop3A_2704 = arith.mulf %parallel_loop3A_2700, %parallel_loop3A_2703 : vector<16xf32>
        %parallel_loop3A_2705 = arith.constant 0 : i32
        %parallel_loop3A_2706 = arith.addi %parallel_loop3A_2618, %parallel_loop3A_2705 : i32
        %parallel_loop3A_2707 = arith.index_cast %parallel_loop3A_2706 : i32 to index
        %parallel_loop3A_2708 = arith.constant 48 : index
        %parallel_loop3A_2709 = tpu.vector_load %arg12[%parallel_loop3A_2707, %parallel_loop3A_2708] {strides = array<i32>} : memref<80x128xf32, #tpu.memory_space<vmem>>, vector<16xf32>,
        %parallel_loop3A_2710 = vector.extract_strided_slice %parallel_loop3A_2677 {offsets = [3], sizes = [1], strides = [1]} : vector<16xf32> to vector<1xf32>
        %parallel_loop3A_2711 = vector.extract %parallel_loop3A_2710[0] : f32 from vector<1xf32>
        %parallel_loop3A_2712 = vector.broadcast %parallel_loop3A_2711 : f32 to vector<16xf32>
        %parallel_loop3A_2713 = arith.mulf %parallel_loop3A_2709, %parallel_loop3A_2712 : vector<16xf32>
        %parallel_loop3A_2714 = arith.constant 0 : i32
        %parallel_loop3A_2715 = arith.addi %parallel_loop3A_2618, %parallel_loop3A_2714 : i32
        %parallel_loop3A_2716 = arith.index_cast %parallel_loop3A_2715 : i32 to index
        %parallel_loop3A_2717 = arith.constant 64 : index
        %parallel_loop3A_2718 = tpu.vector_load %arg12[%parallel_loop3A_2716, %parallel_loop3A_2717] {strides = array<i32>} : memref<80x128xf32, #tpu.memory_space<vmem>>, vector<16xf32>,
        %parallel_loop3A_2719 = vector.extract_strided_slice %parallel_loop3A_2677 {offsets = [4], sizes = [1], strides = [1]} : vector<16xf32> to vector<1xf32>
        %parallel_loop3A_2720 = vector.extract %parallel_loop3A_2719[0] : f32 from vector<1xf32>
        %parallel_loop3A_2721 = vector.broadcast %parallel_loop3A_2720 : f32 to vector<16xf32>
        %parallel_loop3A_2722 = arith.mulf %parallel_loop3A_2718, %parallel_loop3A_2721 : vector<16xf32>
        %parallel_loop3A_2723 = arith.constant 0 : i32
        %parallel_loop3A_2724 = arith.addi %parallel_loop3A_2618, %parallel_loop3A_2723 : i32
        %parallel_loop3A_2725 = arith.index_cast %parallel_loop3A_2724 : i32 to index
        %parallel_loop3A_2726 = arith.constant 80 : index
        %parallel_loop3A_2727 = tpu.vector_load %arg12[%parallel_loop3A_2725, %parallel_loop3A_2726] {strides = array<i32>} : memref<80x128xf32, #tpu.memory_space<vmem>>, vector<16xf32>,
        %parallel_loop3A_2728 = vector.extract_strided_slice %parallel_loop3A_2677 {offsets = [5], sizes = [1], strides = [1]} : vector<16xf32> to vector<1xf32>
        %parallel_loop3A_2729 = vector.extract %parallel_loop3A_2728[0] : f32 from vector<1xf32>
        %parallel_loop3A_2730 = vector.broadcast %parallel_loop3A_2729 : f32 to vector<16xf32>
        %parallel_loop3A_2731 = arith.mulf %parallel_loop3A_2727, %parallel_loop3A_2730 : vector<16xf32>
        %parallel_loop3A_2732 = arith.constant 0 : i32
        %parallel_loop3A_2733 = arith.addi %parallel_loop3A_2618, %parallel_loop3A_2732 : i32
        %parallel_loop3A_2734 = arith.index_cast %parallel_loop3A_2733 : i32 to index
        %parallel_loop3A_2735 = arith.constant 96 : index
        %parallel_loop3A_2736 = tpu.vector_load %arg12[%parallel_loop3A_2734, %parallel_loop3A_2735] {strides = array<i32>} : memref<80x128xf32, #tpu.memory_space<vmem>>, vector<16xf32>,
        %parallel_loop3A_2737 = vector.extract_strided_slice %parallel_loop3A_2677 {offsets = [6], sizes = [1], strides = [1]} : vector<16xf32> to vector<1xf32>
        %parallel_loop3A_2738 = vector.extract %parallel_loop3A_2737[0] : f32 from vector<1xf32>
        %parallel_loop3A_2739 = vector.broadcast %parallel_loop3A_2738 : f32 to vector<16xf32>
        %parallel_loop3A_2740 = arith.mulf %parallel_loop3A_2736, %parallel_loop3A_2739 : vector<16xf32>
        %parallel_loop3A_2741 = arith.constant 0 : i32
        %parallel_loop3A_2742 = arith.addi %parallel_loop3A_2618, %parallel_loop3A_2741 : i32
        %parallel_loop3A_2743 = arith.index_cast %parallel_loop3A_2742 : i32 to index
        %parallel_loop3A_2744 = arith.constant 112 : index
        %parallel_loop3A_2745 = tpu.vector_load %arg12[%parallel_loop3A_2743, %parallel_loop3A_2744] {strides = array<i32>} : memref<80x128xf32, #tpu.memory_space<vmem>>, vector<16xf32>,
        %parallel_loop3A_2746 = vector.extract_strided_slice %parallel_loop3A_2677 {offsets = [7], sizes = [1], strides = [1]} : vector<16xf32> to vector<1xf32>
        %parallel_loop3A_2747 = vector.extract %parallel_loop3A_2746[0] : f32 from vector<1xf32>
        %parallel_loop3A_2748 = vector.broadcast %parallel_loop3A_2747 : f32 to vector<16xf32>
        %parallel_loop3A_2749 = arith.mulf %parallel_loop3A_2745, %parallel_loop3A_2748 : vector<16xf32>
        %parallel_loop3A_2750 = arith.constant 1 : i32
        %parallel_loop3A_2751 = arith.addi %parallel_loop3A_2618, %parallel_loop3A_2750 : i32
        %parallel_loop3A_2752 = arith.index_cast %parallel_loop3A_2751 : i32 to index
        %parallel_loop3A_2753 = arith.constant 0 : index
        %parallel_loop3A_2754 = tpu.vector_load %arg12[%parallel_loop3A_2752, %parallel_loop3A_2753] {strides = array<i32>} : memref<80x128xf32, #tpu.memory_space<vmem>>, vector<16xf32>,
        %parallel_loop3A_2755 = vector.extract_strided_slice %parallel_loop3A_2677 {offsets = [8], sizes = [1], strides = [1]} : vector<16xf32> to vector<1xf32>
        %parallel_loop3A_2756 = vector.extract %parallel_loop3A_2755[0] : f32 from vector<1xf32>
        %parallel_loop3A_2757 = vector.broadcast %parallel_loop3A_2756 : f32 to vector<16xf32>
        %parallel_loop3A_2758 = arith.mulf %parallel_loop3A_2754, %parallel_loop3A_2757 : vector<16xf32>
        %parallel_loop3A_2759 = arith.constant 1 : i32
        %parallel_loop3A_2760 = arith.addi %parallel_loop3A_2618, %parallel_loop3A_2759 : i32
        %parallel_loop3A_2761 = arith.index_cast %parallel_loop3A_2760 : i32 to index
        %parallel_loop3A_2762 = arith.constant 16 : index
        %parallel_loop3A_2763 = tpu.vector_load %arg12[%parallel_loop3A_2761, %parallel_loop3A_2762] {strides = array<i32>} : memref<80x128xf32, #tpu.memory_space<vmem>>, vector<16xf32>,
        %parallel_loop3A_2764 = vector.extract_strided_slice %parallel_loop3A_2677 {offsets = [9], sizes = [1], strides = [1]} : vector<16xf32> to vector<1xf32>
        %parallel_loop3A_2765 = vector.extract %parallel_loop3A_2764[0] : f32 from vector<1xf32>
        %parallel_loop3A_2766 = vector.broadcast %parallel_loop3A_2765 : f32 to vector<16xf32>
        %parallel_loop3A_2767 = arith.mulf %parallel_loop3A_2763, %parallel_loop3A_2766 : vector<16xf32>
        %parallel_loop3A_2768 = arith.constant 1 : i32
        %parallel_loop3A_2769 = arith.addi %parallel_loop3A_2618, %parallel_loop3A_2768 : i32
        %parallel_loop3A_2770 = arith.index_cast %parallel_loop3A_2769 : i32 to index
        %parallel_loop3A_2771 = arith.constant 32 : index
        %parallel_loop3A_2772 = tpu.vector_load %arg12[%parallel_loop3A_2770, %parallel_loop3A_2771] {strides = array<i32>} : memref<80x128xf32, #tpu.memory_space<vmem>>, vector<16xf32>,
        %parallel_loop3A_2773 = vector.extract_strided_slice %parallel_loop3A_2677 {offsets = [10], sizes = [1], strides = [1]} : vector<16xf32> to vector<1xf32>
        %parallel_loop3A_2774 = vector.extract %parallel_loop3A_2773[0] : f32 from vector<1xf32>
        %parallel_loop3A_2775 = vector.broadcast %parallel_loop3A_2774 : f32 to vector<16xf32>
        %parallel_loop3A_2776 = arith.mulf %parallel_loop3A_2772, %parallel_loop3A_2775 : vector<16xf32>
        %parallel_loop3A_2777 = arith.constant 1 : i32
        %parallel_loop3A_2778 = arith.addi %parallel_loop3A_2618, %parallel_loop3A_2777 : i32
        %parallel_loop3A_2779 = arith.index_cast %parallel_loop3A_2778 : i32 to index
        %parallel_loop3A_2780 = arith.constant 48 : index
        %parallel_loop3A_2781 = tpu.vector_load %arg12[%parallel_loop3A_2779, %parallel_loop3A_2780] {strides = array<i32>} : memref<80x128xf32, #tpu.memory_space<vmem>>, vector<16xf32>,
        %parallel_loop3A_2782 = vector.extract_strided_slice %parallel_loop3A_2677 {offsets = [11], sizes = [1], strides = [1]} : vector<16xf32> to vector<1xf32>
        %parallel_loop3A_2783 = vector.extract %parallel_loop3A_2782[0] : f32 from vector<1xf32>
        %parallel_loop3A_2784 = vector.broadcast %parallel_loop3A_2783 : f32 to vector<16xf32>
        %parallel_loop3A_2785 = arith.mulf %parallel_loop3A_2781, %parallel_loop3A_2784 : vector<16xf32>
        %parallel_loop3A_2786 = arith.constant 1 : i32
        %parallel_loop3A_2787 = arith.addi %parallel_loop3A_2618, %parallel_loop3A_2786 : i32
        %parallel_loop3A_2788 = arith.index_cast %parallel_loop3A_2787 : i32 to index
        %parallel_loop3A_2789 = arith.constant 64 : index
        %parallel_loop3A_2790 = tpu.vector_load %arg12[%parallel_loop3A_2788, %parallel_loop3A_2789] {strides = array<i32>} : memref<80x128xf32, #tpu.memory_space<vmem>>, vector<16xf32>,
        %parallel_loop3A_2791 = vector.extract_strided_slice %parallel_loop3A_2677 {offsets = [12], sizes = [1], strides = [1]} : vector<16xf32> to vector<1xf32>
        %parallel_loop3A_2792 = vector.extract %parallel_loop3A_2791[0] : f32 from vector<1xf32>
        %parallel_loop3A_2793 = vector.broadcast %parallel_loop3A_2792 : f32 to vector<16xf32>
        %parallel_loop3A_2794 = arith.mulf %parallel_loop3A_2790, %parallel_loop3A_2793 : vector<16xf32>
        %parallel_loop3A_2795 = arith.constant 1 : i32
        %parallel_loop3A_2796 = arith.addi %parallel_loop3A_2618, %parallel_loop3A_2795 : i32
        %parallel_loop3A_2797 = arith.index_cast %parallel_loop3A_2796 : i32 to index
        %parallel_loop3A_2798 = arith.constant 80 : index
        %parallel_loop3A_2799 = tpu.vector_load %arg12[%parallel_loop3A_2797, %parallel_loop3A_2798] {strides = array<i32>} : memref<80x128xf32, #tpu.memory_space<vmem>>, vector<16xf32>,
        %parallel_loop3A_2800 = vector.extract_strided_slice %parallel_loop3A_2677 {offsets = [13], sizes = [1], strides = [1]} : vector<16xf32> to vector<1xf32>
        %parallel_loop3A_2801 = vector.extract %parallel_loop3A_2800[0] : f32 from vector<1xf32>
        %parallel_loop3A_2802 = vector.broadcast %parallel_loop3A_2801 : f32 to vector<16xf32>
        %parallel_loop3A_2803 = arith.mulf %parallel_loop3A_2799, %parallel_loop3A_2802 : vector<16xf32>
        %parallel_loop3A_2804 = arith.constant 1 : i32
        %parallel_loop3A_2805 = arith.addi %parallel_loop3A_2618, %parallel_loop3A_2804 : i32
        %parallel_loop3A_2806 = arith.index_cast %parallel_loop3A_2805 : i32 to index
        %parallel_loop3A_2807 = arith.constant 96 : index
        %parallel_loop3A_2808 = tpu.vector_load %arg12[%parallel_loop3A_2806, %parallel_loop3A_2807] {strides = array<i32>} : memref<80x128xf32, #tpu.memory_space<vmem>>, vector<16xf32>,
        %parallel_loop3A_2809 = vector.extract_strided_slice %parallel_loop3A_2677 {offsets = [14], sizes = [1], strides = [1]} : vector<16xf32> to vector<1xf32>
        %parallel_loop3A_2810 = vector.extract %parallel_loop3A_2809[0] : f32 from vector<1xf32>
        %parallel_loop3A_2811 = vector.broadcast %parallel_loop3A_2810 : f32 to vector<16xf32>
        %parallel_loop3A_2812 = arith.mulf %parallel_loop3A_2808, %parallel_loop3A_2811 : vector<16xf32>
        %parallel_loop3A_2813 = arith.constant 1 : i32
        %parallel_loop3A_2814 = arith.addi %parallel_loop3A_2618, %parallel_loop3A_2813 : i32
        %parallel_loop3A_2815 = arith.index_cast %parallel_loop3A_2814 : i32 to index
        %parallel_loop3A_2816 = arith.constant 112 : index
        %parallel_loop3A_2817 = tpu.vector_load %arg12[%parallel_loop3A_2815, %parallel_loop3A_2816] {strides = array<i32>} : memref<80x128xf32, #tpu.memory_space<vmem>>, vector<16xf32>,
        %parallel_loop3A_2818 = vector.extract_strided_slice %parallel_loop3A_2677 {offsets = [15], sizes = [1], strides = [1]} : vector<16xf32> to vector<1xf32>
        %parallel_loop3A_2819 = vector.extract %parallel_loop3A_2818[0] : f32 from vector<1xf32>
        %parallel_loop3A_2820 = vector.broadcast %parallel_loop3A_2819 : f32 to vector<16xf32>
        %parallel_loop3A_2821 = arith.mulf %parallel_loop3A_2817, %parallel_loop3A_2820 : vector<16xf32>
        %parallel_loop3A_2822 = arith.constant 0 : i32
        %parallel_loop3A_2823 = arith.addi %parallel_loop3A_2618, %parallel_loop3A_2822 : i32
        %parallel_loop3A_2824 = arith.index_cast %parallel_loop3A_2823 : i32 to index
        %parallel_loop3A_2825 = arith.constant 0 : index
        %parallel_loop3A_2826 = tpu.vector_load %arg12[%parallel_loop3A_2824, %parallel_loop3A_2825] {strides = array<i32>} : memref<80x128xf32, #tpu.memory_space<vmem>>, vector<16xf32>,
        tpu.vector_store %arg12[%parallel_loop3A_2824, %parallel_loop3A_2825], %parallel_loop3A_2686 {strides = array<i32>} : memref<80x128xf32, #tpu.memory_space<vmem>>, vector<16xf32>,
        %parallel_loop3A_2827 = arith.constant 0 : i32
        %parallel_loop3A_2828 = arith.addi %parallel_loop3A_2618, %parallel_loop3A_2827 : i32
        %parallel_loop3A_2829 = arith.index_cast %parallel_loop3A_2828 : i32 to index
        %parallel_loop3A_2830 = arith.constant 16 : index
        %parallel_loop3A_2831 = tpu.vector_load %arg12[%parallel_loop3A_2829, %parallel_loop3A_2830] {strides = array<i32>} : memref<80x128xf32, #tpu.memory_space<vmem>>, vector<16xf32>,
        tpu.vector_store %arg12[%parallel_loop3A_2829, %parallel_loop3A_2830], %parallel_loop3A_2695 {strides = array<i32>} : memref<80x128xf32, #tpu.memory_space<vmem>>, vector<16xf32>,
        %parallel_loop3A_2832 = arith.constant 0 : i32
        %parallel_loop3A_2833 = arith.addi %parallel_loop3A_2618, %parallel_loop3A_2832 : i32
        %parallel_loop3A_2834 = arith.index_cast %parallel_loop3A_2833 : i32 to index
        %parallel_loop3A_2835 = arith.constant 32 : index
        %parallel_loop3A_2836 = tpu.vector_load %arg12[%parallel_loop3A_2834, %parallel_loop3A_2835] {strides = array<i32>} : memref<80x128xf32, #tpu.memory_space<vmem>>, vector<16xf32>,
        tpu.vector_store %arg12[%parallel_loop3A_2834, %parallel_loop3A_2835], %parallel_loop3A_2704 {strides = array<i32>} : memref<80x128xf32, #tpu.memory_space<vmem>>, vector<16xf32>,
        %parallel_loop3A_2837 = arith.constant 0 : i32
        %parallel_loop3A_2838 = arith.addi %parallel_loop3A_2618, %parallel_loop3A_2837 : i32
        %parallel_loop3A_2839 = arith.index_cast %parallel_loop3A_2838 : i32 to index
        %parallel_loop3A_2840 = arith.constant 48 : index
        %parallel_loop3A_2841 = tpu.vector_load %arg12[%parallel_loop3A_2839, %parallel_loop3A_2840] {strides = array<i32>} : memref<80x128xf32, #tpu.memory_space<vmem>>, vector<16xf32>,
        tpu.vector_store %arg12[%parallel_loop3A_2839, %parallel_loop3A_2840], %parallel_loop3A_2713 {strides = array<i32>} : memref<80x128xf32, #tpu.memory_space<vmem>>, vector<16xf32>,
        %parallel_loop3A_2842 = arith.constant 0 : i32
        %parallel_loop3A_2843 = arith.addi %parallel_loop3A_2618, %parallel_loop3A_2842 : i32
        %parallel_loop3A_2844 = arith.index_cast %parallel_loop3A_2843 : i32 to index
        %parallel_loop3A_2845 = arith.constant 64 : index
        %parallel_loop3A_2846 = tpu.vector_load %arg12[%parallel_loop3A_2844, %parallel_loop3A_2845] {strides = array<i32>} : memref<80x128xf32, #tpu.memory_space<vmem>>, vector<16xf32>,
        tpu.vector_store %arg12[%parallel_loop3A_2844, %parallel_loop3A_2845], %parallel_loop3A_2722 {strides = array<i32>} : memref<80x128xf32, #tpu.memory_space<vmem>>, vector<16xf32>,
        %parallel_loop3A_2847 = arith.constant 0 : i32
        %parallel_loop3A_2848 = arith.addi %parallel_loop3A_2618, %parallel_loop3A_2847 : i32
        %parallel_loop3A_2849 = arith.index_cast %parallel_loop3A_2848 : i32 to index
        %parallel_loop3A_2850 = arith.constant 80 : index
        %parallel_loop3A_2851 = tpu.vector_load %arg12[%parallel_loop3A_2849, %parallel_loop3A_2850] {strides = array<i32>} : memref<80x128xf32, #tpu.memory_space<vmem>>, vector<16xf32>,
        tpu.vector_store %arg12[%parallel_loop3A_2849, %parallel_loop3A_2850], %parallel_loop3A_2731 {strides = array<i32>} : memref<80x128xf32, #tpu.memory_space<vmem>>, vector<16xf32>,
        %parallel_loop3A_2852 = arith.constant 0 : i32
        %parallel_loop3A_2853 = arith.addi %parallel_loop3A_2618, %parallel_loop3A_2852 : i32
        %parallel_loop3A_2854 = arith.index_cast %parallel_loop3A_2853 : i32 to index
        %parallel_loop3A_2855 = arith.constant 96 : index
        %parallel_loop3A_2856 = tpu.vector_load %arg12[%parallel_loop3A_2854, %parallel_loop3A_2855] {strides = array<i32>} : memref<80x128xf32, #tpu.memory_space<vmem>>, vector<16xf32>,
        tpu.vector_store %arg12[%parallel_loop3A_2854, %parallel_loop3A_2855], %parallel_loop3A_2740 {strides = array<i32>} : memref<80x128xf32, #tpu.memory_space<vmem>>, vector<16xf32>,
        %parallel_loop3A_2857 = arith.constant 0 : i32
        %parallel_loop3A_2858 = arith.addi %parallel_loop3A_2618, %parallel_loop3A_2857 : i32
        %parallel_loop3A_2859 = arith.index_cast %parallel_loop3A_2858 : i32 to index
        %parallel_loop3A_2860 = arith.constant 112 : index
        %parallel_loop3A_2861 = tpu.vector_load %arg12[%parallel_loop3A_2859, %parallel_loop3A_2860] {strides = array<i32>} : memref<80x128xf32, #tpu.memory_space<vmem>>, vector<16xf32>,
        tpu.vector_store %arg12[%parallel_loop3A_2859, %parallel_loop3A_2860], %parallel_loop3A_2749 {strides = array<i32>} : memref<80x128xf32, #tpu.memory_space<vmem>>, vector<16xf32>,
        %parallel_loop3A_2862 = arith.constant 1 : i32
        %parallel_loop3A_2863 = arith.addi %parallel_loop3A_2618, %parallel_loop3A_2862 : i32
        %parallel_loop3A_2864 = arith.index_cast %parallel_loop3A_2863 : i32 to index
        %parallel_loop3A_2865 = arith.constant 0 : index
        %parallel_loop3A_2866 = tpu.vector_load %arg12[%parallel_loop3A_2864, %parallel_loop3A_2865] {strides = array<i32>} : memref<80x128xf32, #tpu.memory_space<vmem>>, vector<16xf32>,
        tpu.vector_store %arg12[%parallel_loop3A_2864, %parallel_loop3A_2865], %parallel_loop3A_2758 {strides = array<i32>} : memref<80x128xf32, #tpu.memory_space<vmem>>, vector<16xf32>,
        %parallel_loop3A_2867 = arith.constant 1 : i32
        %parallel_loop3A_2868 = arith.addi %parallel_loop3A_2618, %parallel_loop3A_2867 : i32
        %parallel_loop3A_2869 = arith.index_cast %parallel_loop3A_2868 : i32 to index
        %parallel_loop3A_2870 = arith.constant 16 : index
        %parallel_loop3A_2871 = tpu.vector_load %arg12[%parallel_loop3A_2869, %parallel_loop3A_2870] {strides = array<i32>} : memref<80x128xf32, #tpu.memory_space<vmem>>, vector<16xf32>,
        tpu.vector_store %arg12[%parallel_loop3A_2869, %parallel_loop3A_2870], %parallel_loop3A_2767 {strides = array<i32>} : memref<80x128xf32, #tpu.memory_space<vmem>>, vector<16xf32>,
        %parallel_loop3A_2872 = arith.constant 1 : i32
        %parallel_loop3A_2873 = arith.addi %parallel_loop3A_2618, %parallel_loop3A_2872 : i32
        %parallel_loop3A_2874 = arith.index_cast %parallel_loop3A_2873 : i32 to index
        %parallel_loop3A_2875 = arith.constant 32 : index
        %parallel_loop3A_2876 = tpu.vector_load %arg12[%parallel_loop3A_2874, %parallel_loop3A_2875] {strides = array<i32>} : memref<80x128xf32, #tpu.memory_space<vmem>>, vector<16xf32>,
        tpu.vector_store %arg12[%parallel_loop3A_2874, %parallel_loop3A_2875], %parallel_loop3A_2776 {strides = array<i32>} : memref<80x128xf32, #tpu.memory_space<vmem>>, vector<16xf32>,
        %parallel_loop3A_2877 = arith.constant 1 : i32
        %parallel_loop3A_2878 = arith.addi %parallel_loop3A_2618, %parallel_loop3A_2877 : i32
        %parallel_loop3A_2879 = arith.index_cast %parallel_loop3A_2878 : i32 to index
        %parallel_loop3A_2880 = arith.constant 48 : index
        %parallel_loop3A_2881 = tpu.vector_load %arg12[%parallel_loop3A_2879, %parallel_loop3A_2880] {strides = array<i32>} : memref<80x128xf32, #tpu.memory_space<vmem>>, vector<16xf32>,
        tpu.vector_store %arg12[%parallel_loop3A_2879, %parallel_loop3A_2880], %parallel_loop3A_2785 {strides = array<i32>} : memref<80x128xf32, #tpu.memory_space<vmem>>, vector<16xf32>,
        %parallel_loop3A_2882 = arith.constant 1 : i32
        %parallel_loop3A_2883 = arith.addi %parallel_loop3A_2618, %parallel_loop3A_2882 : i32
        %parallel_loop3A_2884 = arith.index_cast %parallel_loop3A_2883 : i32 to index
        %parallel_loop3A_2885 = arith.constant 64 : index
        %parallel_loop3A_2886 = tpu.vector_load %arg12[%parallel_loop3A_2884, %parallel_loop3A_2885] {strides = array<i32>} : memref<80x128xf32, #tpu.memory_space<vmem>>, vector<16xf32>,
        tpu.vector_store %arg12[%parallel_loop3A_2884, %parallel_loop3A_2885], %parallel_loop3A_2794 {strides = array<i32>} : memref<80x128xf32, #tpu.memory_space<vmem>>, vector<16xf32>,
        %parallel_loop3A_2887 = arith.constant 1 : i32
        %parallel_loop3A_2888 = arith.addi %parallel_loop3A_2618, %parallel_loop3A_2887 : i32
        %parallel_loop3A_2889 = arith.index_cast %parallel_loop3A_2888 : i32 to index
        %parallel_loop3A_2890 = arith.constant 80 : index
        %parallel_loop3A_2891 = tpu.vector_load %arg12[%parallel_loop3A_2889, %parallel_loop3A_2890] {strides = array<i32>} : memref<80x128xf32, #tpu.memory_space<vmem>>, vector<16xf32>,
        tpu.vector_store %arg12[%parallel_loop3A_2889, %parallel_loop3A_2890], %parallel_loop3A_2803 {strides = array<i32>} : memref<80x128xf32, #tpu.memory_space<vmem>>, vector<16xf32>,
        %parallel_loop3A_2892 = arith.constant 1 : i32
        %parallel_loop3A_2893 = arith.addi %parallel_loop3A_2618, %parallel_loop3A_2892 : i32
        %parallel_loop3A_2894 = arith.index_cast %parallel_loop3A_2893 : i32 to index
        %parallel_loop3A_2895 = arith.constant 96 : index
        %parallel_loop3A_2896 = tpu.vector_load %arg12[%parallel_loop3A_2894, %parallel_loop3A_2895] {strides = array<i32>} : memref<80x128xf32, #tpu.memory_space<vmem>>, vector<16xf32>,
        tpu.vector_store %arg12[%parallel_loop3A_2894, %parallel_loop3A_2895], %parallel_loop3A_2812 {strides = array<i32>} : memref<80x128xf32, #tpu.memory_space<vmem>>, vector<16xf32>,
        %parallel_loop3A_2897 = arith.constant 1 : i32
        %parallel_loop3A_2898 = arith.addi %parallel_loop3A_2618, %parallel_loop3A_2897 : i32
        %parallel_loop3A_2899 = arith.index_cast %parallel_loop3A_2898 : i32 to index
        %parallel_loop3A_2900 = arith.constant 112 : index
        %parallel_loop3A_2901 = tpu.vector_load %arg12[%parallel_loop3A_2899, %parallel_loop3A_2900] {strides = array<i32>} : memref<80x128xf32, #tpu.memory_space<vmem>>, vector<16xf32>,
        tpu.vector_store %arg12[%parallel_loop3A_2899, %parallel_loop3A_2900], %parallel_loop3A_2821 {strides = array<i32>} : memref<80x128xf32, #tpu.memory_space<vmem>>, vector<16xf32>,
      } {sc.loop_unroll_factor = 2 : i64, sc.parallel_access}
      %dma_start3A_2600 = arith.constant 0 : i32
      %dma_start3A_2601 = tpu.memref_slice %arg16[%and3A_2490, %dma_start3A_2600] : memref<2x80xi32, #tpu.memory_space<vmem>> -> memref<1x80xi32, #tpu.memory_space<vmem>>
      %dma_start3A_2602 = tpu.memref_squeeze %dma_start3A_2601 : memref<1x80xi32, #tpu.memory_space<vmem>> -> memref<80xi32, #tpu.memory_space<vmem>>
      %dma_start3A_2603 = arith.constant 0 : i32
      %dma_start3A_2604 = arith.constant 0 : i32
      %dma_start3A_2605 = tpu.memref_slice %arg17[%dma_start3A_2603, %dma_start3A_2604] : memref<10000x128xf32, #tpu.memory_space<vmem_shared>> -> memref<10000x128xf32, #tpu.memory_space<vmem_shared>>
      tpu.enqueue_indirect_dma source(%arg12 : memref<80x128xf32, #tpu.memory_space<vmem>>) target(%dma_start3A_2605 : memref<10000x128xf32, #tpu.memory_space<vmem_shared>>) offsets(%dma_start3A_2602 : memref<80xi32, #tpu.memory_space<vmem>>) semaphore(%arg22 : memref<!tpu.dma_semaphore, #tpu.memory_space<semaphore_mem>>) {add = true}
      %dma_start3A_2606 = arith.constant 0 : i32
      %dma_start3A_2607 = arith.constant 0 : i32
      %dma_start3A_2608 = tpu.memref_slice %arg13[%and3A_2490, %dma_start3A_2606, %dma_start3A_2607] : memref<2x80x8xf32, #tpu.memory_space<vmem>> -> memref<1x80x8xf32, #tpu.memory_space<vmem>>
      %dma_start3A_2609 = tpu.memref_squeeze %dma_start3A_2608 : memref<1x80x8xf32, #tpu.memory_space<vmem>> -> memref<80x8xf32, #tpu.memory_space<vmem>>
      %dma_start3A_2610 = arith.constant 0 : i32
      %dma_start3A_2611 = tpu.memref_slice %arg16[%and3A_2490, %dma_start3A_2610] : memref<2x80xi32, #tpu.memory_space<vmem>> -> memref<1x80xi32, #tpu.memory_space<vmem>>
      %dma_start3A_2612 = tpu.memref_squeeze %dma_start3A_2611 : memref<1x80xi32, #tpu.memory_space<vmem>> -> memref<80xi32, #tpu.memory_space<vmem>>
      %dma_start3A_2613 = arith.constant 0 : i32
      %dma_start3A_2614 = arith.constant 0 : i32
      %dma_start3A_2615 = tpu.memref_slice %arg18[%dma_start3A_2613, %dma_start3A_2614] : memref<10000x8xf32, #tpu.memory_space<vmem_shared>> -> memref<10000x8xf32, #tpu.memory_space<vmem_shared>>
      tpu.enqueue_indirect_dma source(%dma_start3A_2609 : memref<80x8xf32, #tpu.memory_space<vmem>>) target(%dma_start3A_2615 : memref<10000x8xf32, #tpu.memory_space<vmem_shared>>) offsets(%dma_start3A_2612 : memref<80xi32, #tpu.memory_space<vmem>>) semaphore(%arg22 : memref<!tpu.dma_semaphore, #tpu.memory_space<semaphore_mem>>) {add = true}
    }
    %scan3A_2446 = arith.constant 125 : i32
    %dma_wait3A = arith.constant 0 : i32
    %dma_wait3A_2447 = arith.constant 0 : i32
    %dma_wait3A_2448 = tpu.memref_slice %arg16[%dma_wait3A, %dma_wait3A_2447] : memref<2x80xi32, #tpu.memory_space<vmem>> -> memref<1x80xi32, #tpu.memory_space<vmem>>
    %dma_wait3A_2449 = tpu.memref_squeeze %dma_wait3A_2448 : memref<1x80xi32, #tpu.memory_space<vmem>> -> memref<80xi32, #tpu.memory_space<vmem>>
    %dma_wait3A_2450 = arith.constant 0 : i32
    %dma_wait3A_2451 = arith.constant 0 : i32
    %dma_wait3A_2452 = tpu.memref_slice %arg2[%dma_wait3A_2450, %dma_wait3A_2451] : memref<10000x128xf32, #tpu.memory_space<hbm>> -> memref<10000x128xf32, #tpu.memory_space<hbm>>
    tpu.wait_indirect_dma semaphore(%arg19 : memref<!tpu.dma_semaphore, #tpu.memory_space<semaphore_mem>>) src(%dma_wait3A_2452 : memref<10000x128xf32, #tpu.memory_space<hbm>>) dst(%arg10 : memref<80x128xf32, #tpu.memory_space<vmem>>)
    %dma_wait3A_2453 = arith.constant 0 : i32
    %dma_wait3A_2454 = arith.constant 0 : i32
    %dma_wait3A_2455 = tpu.memref_slice %arg15[%dma_wait3A_2453, %dma_wait3A_2454] : memref<2x80xi32, #tpu.memory_space<vmem>> -> memref<1x80xi32, #tpu.memory_space<vmem>>
    %dma_wait3A_2456 = tpu.memref_squeeze %dma_wait3A_2455 : memref<1x80xi32, #tpu.memory_space<vmem>> -> memref<80xi32, #tpu.memory_space<vmem>>
    %dma_wait3A_2457 = arith.constant 0 : i32
    %dma_wait3A_2458 = arith.constant 0 : i32
    %dma_wait3A_2459 = tpu.memref_slice %arg3[%dma_wait3A_2457, %dma_wait3A_2458] : memref<10000x128xf32, #tpu.memory_space<hbm>> -> memref<10000x128xf32, #tpu.memory_space<hbm>>
    tpu.wait_indirect_dma semaphore(%arg19 : memref<!tpu.dma_semaphore, #tpu.memory_space<semaphore_mem>>) src(%dma_wait3A_2459 : memref<10000x128xf32, #tpu.memory_space<hbm>>) dst(%arg11 : memref<80x128xf32, #tpu.memory_space<vmem>>)
    %dma_wait3A_2460 = arith.constant 0 : i32
    %dma_wait3A_2461 = arith.constant 0 : i32
    %dma_wait3A_2462 = tpu.memref_slice %arg16[%dma_wait3A_2460, %dma_wait3A_2461] : memref<2x80xi32, #tpu.memory_space<vmem>> -> memref<1x80xi32, #tpu.memory_space<vmem>>
    %dma_wait3A_2463 = tpu.memref_squeeze %dma_wait3A_2462 : memref<1x80xi32, #tpu.memory_space<vmem>> -> memref<80xi32, #tpu.memory_space<vmem>>
    %dma_wait3A_2464 = arith.constant 0 : i32
    %dma_wait3A_2465 = arith.constant 0 : i32
    %dma_wait3A_2466 = tpu.memref_slice %arg17[%dma_wait3A_2464, %dma_wait3A_2465] : memref<10000x128xf32, #tpu.memory_space<vmem_shared>> -> memref<10000x128xf32, #tpu.memory_space<vmem_shared>>
    tpu.wait_indirect_dma semaphore(%arg22 : memref<!tpu.dma_semaphore, #tpu.memory_space<semaphore_mem>>) src(%arg12 : memref<80x128xf32, #tpu.memory_space<vmem>>) dst(%dma_wait3A_2466 : memref<10000x128xf32, #tpu.memory_space<vmem_shared>>)
    %dma_wait3A_2467 = arith.constant 0 : i32
    %dma_wait3A_2468 = arith.constant 0 : i32
    %dma_wait3A_2469 = arith.constant 0 : i32
    %dma_wait3A_2470 = arith.constant 0 : i32
    %dma_wait3A_2471 = tpu.memref_slice %arg13[%dma_wait3A_2467, %dma_wait3A_2469, %dma_wait3A_2470] : memref<2x80x8xf32, #tpu.memory_space<vmem>> -> memref<1x80x8xf32, #tpu.memory_space<vmem>>
    %dma_wait3A_2472 = tpu.memref_squeeze %dma_wait3A_2471 : memref<1x80x8xf32, #tpu.memory_space<vmem>> -> memref<80x8xf32, #tpu.memory_space<vmem>>
    %dma_wait3A_2473 = arith.constant 0 : i32
    %dma_wait3A_2474 = tpu.memref_slice %arg16[%dma_wait3A_2468, %dma_wait3A_2473] : memref<2x80xi32, #tpu.memory_space<vmem>> -> memref<1x80xi32, #tpu.memory_space<vmem>>
    %dma_wait3A_2475 = tpu.memref_squeeze %dma_wait3A_2474 : memref<1x80xi32, #tpu.memory_space<vmem>> -> memref<80xi32, #tpu.memory_space<vmem>>
    %dma_wait3A_2476 = arith.constant 0 : i32
    %dma_wait3A_2477 = arith.constant 0 : i32
    %dma_wait3A_2478 = tpu.memref_slice %arg18[%dma_wait3A_2476, %dma_wait3A_2477] : memref<10000x8xf32, #tpu.memory_space<vmem_shared>> -> memref<10000x8xf32, #tpu.memory_space<vmem_shared>>
    tpu.wait_indirect_dma semaphore(%arg22 : memref<!tpu.dma_semaphore, #tpu.memory_space<semaphore_mem>>) src(%dma_wait3A_2472 : memref<80x8xf32, #tpu.memory_space<vmem>>) dst(%dma_wait3A_2478 : memref<10000x8xf32, #tpu.memory_space<vmem_shared>>)
    %barrier3A_2479 = arith.constant 0 : index
    tpu.barrier barrier_id(%barrier3A_2479)
    %mul3A_2480 = arith.constant 625 : i32
    %mul3A_2481 = arith.muli %arg1, %mul3A_2480 : i32
    %mul3A_2482 = arith.constant 625 : i32
    %mul3A_2483 = arith.muli %arg1, %mul3A_2482 : i32
    "tpu.region"() ({
      %run_scoped3A_2488 = tpu.sem_alloc : memref<!tpu.dma_semaphore, #tpu.memory_space<semaphore_mem>>
      %dma_start3A_2489 = arith.constant 0 : i32
      %dma_start3A_2490 = tpu.memref_slice %arg8[%arg0, %mul3A_2483, %dma_start3A_2489] : memref<2x10000x128xf32, #tpu.memory_space<hbm>> -> memref<1x625x128xf32, #tpu.memory_space<hbm>>
      %dma_start3A_2491 = tpu.memref_squeeze %dma_start3A_2490 : memref<1x625x128xf32, #tpu.memory_space<hbm>> -> memref<625x128xf32, #tpu.memory_space<hbm>>
      %dma_start3A_2492 = arith.constant 0 : i32
      %dma_start3A_2493 = tpu.memref_slice %arg17[%mul3A_2481, %dma_start3A_2492] : memref<10000x128xf32, #tpu.memory_space<vmem_shared>> -> memref<625x128xf32, #tpu.memory_space<vmem_shared>>
      tpu.enqueue_dma source(%dma_start3A_2493 : memref<625x128xf32, #tpu.memory_space<vmem_shared>>) target(%dma_start3A_2491 : memref<625x128xf32, #tpu.memory_space<hbm>>) target_semaphore(%run_scoped3A_2488 : memref<!tpu.dma_semaphore, #tpu.memory_space<semaphore_mem>>)
      %dma_wait3A_2494 = arith.constant 0 : i32
      %dma_wait3A_2495 = tpu.memref_slice %arg8[%arg0, %mul3A_2483, %dma_wait3A_2494] : memref<2x10000x128xf32, #tpu.memory_space<hbm>> -> memref<1x625x128xf32, #tpu.memory_space<hbm>>
      %dma_wait3A_2496 = tpu.memref_squeeze %dma_wait3A_2495 : memref<1x625x128xf32, #tpu.memory_space<hbm>> -> memref<625x128xf32, #tpu.memory_space<hbm>>
      %dma_wait3A_2497 = arith.constant 0 : i32
      %dma_wait3A_2498 = tpu.memref_slice %arg17[%mul3A_2481, %dma_wait3A_2497] : memref<10000x128xf32, #tpu.memory_space<vmem_shared>> -> memref<625x128xf32, #tpu.memory_space<vmem_shared>>
      tpu.wait_dma2 semaphore(%run_scoped3A_2488 : memref<!tpu.dma_semaphore, #tpu.memory_space<semaphore_mem>>) src(%dma_wait3A_2498 : memref<625x128xf32, #tpu.memory_space<vmem_shared>>) dst(%dma_wait3A_2496 : memref<625x128xf32, #tpu.memory_space<hbm>>)
      tpu.yield
    }) : () -> ()
    %mul3A_2484 = arith.constant 625 : i32
    %mul3A_2485 = arith.muli %arg1, %mul3A_2484 : i32
    %mul3A_2486 = arith.constant 625 : i32
    %mul3A_2487 = arith.muli %arg1, %mul3A_2486 : i32
    "tpu.region"() ({
      %run_scoped3A_2488 = tpu.sem_alloc : memref<!tpu.dma_semaphore, #tpu.memory_space<semaphore_mem>>
      %dma_start3A_2489 = arith.constant 0 : i32
      %dma_start3A_2490 = tpu.memref_slice %arg9[%arg0, %mul3A_2487, %dma_start3A_2489] : memref<2x10000x8xf32, #tpu.memory_space<hbm>> -> memref<1x625x8xf32, #tpu.memory_space<hbm>>
      %dma_start3A_2491 = tpu.memref_squeeze %dma_start3A_2490 : memref<1x625x8xf32, #tpu.memory_space<hbm>> -> memref<625x8xf32, #tpu.memory_space<hbm>>
      %dma_start3A_2492 = arith.constant 0 : i32
      %dma_start3A_2493 = tpu.memref_slice %arg18[%mul3A_2485, %dma_start3A_2492] : memref<10000x8xf32, #tpu.memory_space<vmem_shared>> -> memref<625x8xf32, #tpu.memory_space<vmem_shared>>
      tpu.enqueue_dma source(%dma_start3A_2493 : memref<625x8xf32, #tpu.memory_space<vmem_shared>>) target(%dma_start3A_2491 : memref<625x8xf32, #tpu.memory_space<hbm>>) target_semaphore(%run_scoped3A_2488 : memref<!tpu.dma_semaphore, #tpu.memory_space<semaphore_mem>>)
      %dma_wait3A_2494 = arith.constant 0 : i32
      %dma_wait3A_2495 = tpu.memref_slice %arg9[%arg0, %mul3A_2487, %dma_wait3A_2494] : memref<2x10000x8xf32, #tpu.memory_space<hbm>> -> memref<1x625x8xf32, #tpu.memory_space<hbm>>
      %dma_wait3A_2496 = tpu.memref_squeeze %dma_wait3A_2495 : memref<1x625x8xf32, #tpu.memory_space<hbm>> -> memref<625x8xf32, #tpu.memory_space<hbm>>
      %dma_wait3A_2497 = arith.constant 0 : i32
      %dma_wait3A_2498 = tpu.memref_slice %arg18[%mul3A_2485, %dma_wait3A_2497] : memref<10000x8xf32, #tpu.memory_space<vmem_shared>> -> memref<625x8xf32, #tpu.memory_space<vmem_shared>>
      tpu.wait_dma2 semaphore(%run_scoped3A_2488 : memref<!tpu.dma_semaphore, #tpu.memory_space<semaphore_mem>>) src(%dma_wait3A_2498 : memref<625x8xf32, #tpu.memory_space<vmem_shared>>) dst(%dma_wait3A_2496 : memref<625x8xf32, #tpu.memory_space<hbm>>)
      tpu.yield
    }) : () -> ()
    return
  }
}

module attributes {stable_mosaic.version = 14 : i64} {
  func.func @_emlp_body(%arg0: i32, %arg1: memref<4000x128xf32, #tpu.memory_space<vmem>>, %arg2: memref<128x1024xf32, #tpu.memory_space<vmem>>, %arg3: memref<1x1024xf32, #tpu.memory_space<vmem>>, %arg4: memref<1024x64xf32, #tpu.memory_space<vmem>>, %arg5: memref<1x64xf32, #tpu.memory_space<vmem>>, %arg6: memref<4000x64xf32, #tpu.memory_space<vmem>>) attributes {dimension_semantics = [#tpu.dimension_semantics<arbitrary>], iteration_bounds = array<i64: 10>, scalar_prefetch = 0 : i64, scratch_operands = 0 : i64, tpu.core_type = #tpu.core_type<tc>, window_params = [{transform_indices = @transform_0, window_bounds = array<i64: 4000, 128>}, {pipeline_mode = #tpu.pipeline_mode<synchronous>, transform_indices = @transform_1, window_bounds = array<i64: 128, 1024>}, {pipeline_mode = #tpu.pipeline_mode<synchronous>, transform_indices = @transform_2, window_bounds = array<i64: 1, 1024>}, {pipeline_mode = #tpu.pipeline_mode<synchronous>, transform_indices = @transform_3, window_bounds = array<i64: 1024, 64>}, {pipeline_mode = #tpu.pipeline_mode<synchronous>, transform_indices = @transform_4, window_bounds = array<i64: 1, 64>}, {transform_indices = @transform_5, window_bounds = array<i64: 4000, 64>}]} {
    %get3A = arith.constant 0 : index
    %get3A_0 = arith.constant 0 : index
    %get3A_1 = vector.load %arg1[%get3A, %get3A_0] : memref<4000x128xf32, #tpu.memory_space<vmem>>, vector<4000x128xf32>
    %convert_element_type3A = arith.truncf %get3A_1 : vector<4000x128xf32> to vector<4000x128xbf16>
    %get3A_2 = arith.constant 0 : index
    %get3A_3 = arith.constant 0 : index
    %get3A_4 = vector.load %arg2[%get3A_2, %get3A_3] : memref<128x1024xf32, #tpu.memory_space<vmem>>, vector<128x1024xf32>
    %convert_element_type3A_5 = arith.truncf %get3A_4 : vector<128x1024xf32> to vector<128x1024xbf16>
    %dot_general3A = arith.constant dense<0.000000e+00> : vector<4000x1024xf32>
    %dot_general3A_6 = tpu.matmul %convert_element_type3A, %convert_element_type3A_5, %dot_general3A {dimension_numbers = #tpu.dot_dimension_numbers<[1], [0], [0], [1], [0, 0, 1, 1], [], []>, transpose_lhs_hint = false} : vector<4000x128xbf16>, vector<128x1024xbf16>, vector<4000x1024xf32> -> vector<4000x1024xf32>
    %get3A_7 = arith.constant 0 : index
    %get3A_8 = arith.constant 0 : index
    %get3A_9 = vector.load %arg3[%get3A_7, %get3A_8] : memref<1x1024xf32, #tpu.memory_space<vmem>>, vector<1x1024xf32>
    %add3A = vector.broadcast %get3A_9 : vector<1x1024xf32> to vector<4000x1024xf32>
    %add3A_10 = arith.addf %dot_general3A_6, %add3A : vector<4000x1024xf32>
    %max3A = arith.constant 0.000000e+00 : f32
    %max3A_11 = vector.broadcast %max3A : f32 to vector<4000x1024xf32>
    %max3A_12 = arith.maximumf %add3A_10, %max3A_11 : vector<4000x1024xf32>
    %convert_element_type3A_13 = arith.truncf %max3A_12 : vector<4000x1024xf32> to vector<4000x1024xbf16>
    %get3A_14 = arith.constant 0 : index
    %get3A_15 = arith.constant 0 : index
    %get3A_16 = vector.load %arg4[%get3A_14, %get3A_15] : memref<1024x64xf32, #tpu.memory_space<vmem>>, vector<1024x64xf32>
    %convert_element_type3A_17 = arith.truncf %get3A_16 : vector<1024x64xf32> to vector<1024x64xbf16>
    %dot_general3A_18 = arith.constant dense<0.000000e+00> : vector<4000x64xf32>
    %dot_general3A_19 = tpu.matmul %convert_element_type3A_13, %convert_element_type3A_17, %dot_general3A_18 {dimension_numbers = #tpu.dot_dimension_numbers<[1], [0], [0], [1], [0, 0, 1, 1], [], []>, transpose_lhs_hint = false} : vector<4000x1024xbf16>, vector<1024x64xbf16>, vector<4000x64xf32> -> vector<4000x64xf32>
    %get3A_20 = arith.constant 0 : index
    %get3A_21 = arith.constant 0 : index
    %get3A_22 = vector.load %arg5[%get3A_20, %get3A_21] : memref<1x64xf32, #tpu.memory_space<vmem>>, vector<1x64xf32>
    %add3A_23 = vector.broadcast %get3A_22 : vector<1x64xf32> to vector<4000x64xf32>
    %add3A_24 = arith.addf %dot_general3A_19, %add3A_23 : vector<4000x64xf32>
    %swap3A = arith.constant 0 : index
    %swap3A_25 = arith.constant 0 : index
    %swap3A_26 = vector.load %arg6[%swap3A, %swap3A_25] : memref<4000x64xf32, #tpu.memory_space<vmem>>, vector<4000x64xf32>
    tpu.vector_store %arg6[%swap3A, %swap3A_25], %add3A_24 {strides = array<i32>} : memref<4000x64xf32, #tpu.memory_space<vmem>>, vector<4000x64xf32>,
    return
  }
  func.func @transform_0(%arg0: i32) -> (i32, i32) {
    %c0_i32 = arith.constant 0 : i32
    %c0_i32_0 = arith.constant 0 : i32
    return %arg0, %c0_i32 : i32, i32
  }
  func.func @transform_1(%arg0: i32) -> (i32, i32) {
    %c0_i32 = arith.constant 0 : i32
    %c0_i32_0 = arith.constant 0 : i32
    %c0_i32_1 = arith.constant 0 : i32
    return %c0_i32, %c0_i32_0 : i32, i32
  }
  func.func @transform_2(%arg0: i32) -> (i32, i32) {
    %c0_i32 = arith.constant 0 : i32
    %c0_i32_0 = arith.constant 0 : i32
    %c0_i32_1 = arith.constant 0 : i32
    return %c0_i32, %c0_i32_0 : i32, i32
  }
  func.func @transform_3(%arg0: i32) -> (i32, i32) {
    %c0_i32 = arith.constant 0 : i32
    %c0_i32_0 = arith.constant 0 : i32
    %c0_i32_1 = arith.constant 0 : i32
    return %c0_i32, %c0_i32_0 : i32, i32
  }
  func.func @transform_4(%arg0: i32) -> (i32, i32) {
    %c0_i32 = arith.constant 0 : i32
    %c0_i32_0 = arith.constant 0 : i32
    %c0_i32_1 = arith.constant 0 : i32
    return %c0_i32, %c0_i32_0 : i32, i32
  }
  func.func @transform_5(%arg0: i32) -> (i32, i32) {
    %c0_i32 = arith.constant 0 : i32
    %c0_i32_0 = arith.constant 0 : i32
    return %arg0, %c0_i32 : i32, i32
  }
}

module attributes {stable_mosaic.version = 14 : i64} {
  func.func @_qkv_body(%arg0: i32, %arg1: memref<2000x128xf32, #tpu.memory_space<vmem>>, %arg2: memref<128x384xf32, #tpu.memory_space<vmem>>, %arg3: memref<2000x128xf32, #tpu.memory_space<vmem>>, %arg4: memref<2000x128xf32, #tpu.memory_space<vmem>>, %arg5: memref<2000x128xf32, #tpu.memory_space<vmem>>) attributes {dimension_semantics = [#tpu.dimension_semantics<arbitrary>], iteration_bounds = array<i64: 5>, scalar_prefetch = 0 : i64, scratch_operands = 0 : i64, tpu.core_type = #tpu.core_type<tc>, window_params = [{transform_indices = @transform_0, window_bounds = array<i64: 2000, 128>}, {pipeline_mode = #tpu.pipeline_mode<synchronous>, transform_indices = @transform_1, window_bounds = array<i64: 128, 384>}, {transform_indices = @transform_2, window_bounds = array<i64: 2000, 128>}, {transform_indices = @transform_3, window_bounds = array<i64: 2000, 128>}, {transform_indices = @transform_4, window_bounds = array<i64: 2000, 128>}]} {
    %get3A = arith.constant 0 : index
    %get3A_0 = arith.constant 0 : index
    %get3A_1 = vector.load %arg1[%get3A, %get3A_0] : memref<2000x128xf32, #tpu.memory_space<vmem>>, vector<2000x128xf32>
    %get3A_2 = arith.constant 0 : index
    %get3A_3 = arith.constant 0 : index
    %get3A_4 = vector.load %arg2[%get3A_2, %get3A_3] : memref<128x384xf32, #tpu.memory_space<vmem>>, vector<128x384xf32>
    %dot_general3A = arith.constant dense<0.000000e+00> : vector<2000x384xf32>
    %dot_general3A_5 = tpu.matmul %get3A_1, %get3A_4, %dot_general3A {dimension_numbers = #tpu.dot_dimension_numbers<[1], [0], [0], [1], [0, 0, 1, 1], [], []>, transpose_lhs_hint = false} : vector<2000x128xf32>, vector<128x384xf32>, vector<2000x384xf32> -> vector<2000x384xf32>
    %slice3A = vector.extract_strided_slice %dot_general3A_5 {offsets = [0, 0], sizes = [2000, 128], strides = [1, 1]} : vector<2000x384xf32> to vector<2000x128xf32>
    %mul3A = arith.constant 2.500000e-01 : f32
    %mul3A_6 = vector.broadcast %mul3A : f32 to vector<2000x128xf32>
    %mul3A_7 = arith.mulf %slice3A, %mul3A_6 : vector<2000x128xf32>
    %swap3A = arith.constant 0 : index
    %swap3A_8 = arith.constant 0 : index
    %swap3A_9 = vector.load %arg3[%swap3A, %swap3A_8] : memref<2000x128xf32, #tpu.memory_space<vmem>>, vector<2000x128xf32>
    tpu.vector_store %arg3[%swap3A, %swap3A_8], %mul3A_7 {strides = array<i32>} : memref<2000x128xf32, #tpu.memory_space<vmem>>, vector<2000x128xf32>,
    %slice3A_10 = vector.extract_strided_slice %dot_general3A_5 {offsets = [0, 128], sizes = [2000, 128], strides = [1, 1]} : vector<2000x384xf32> to vector<2000x128xf32>
    %swap3A_11 = arith.constant 0 : index
    %swap3A_12 = arith.constant 0 : index
    %swap3A_13 = vector.load %arg4[%swap3A_11, %swap3A_12] : memref<2000x128xf32, #tpu.memory_space<vmem>>, vector<2000x128xf32>
    tpu.vector_store %arg4[%swap3A_11, %swap3A_12], %slice3A_10 {strides = array<i32>} : memref<2000x128xf32, #tpu.memory_space<vmem>>, vector<2000x128xf32>,
    %slice3A_14 = vector.extract_strided_slice %dot_general3A_5 {offsets = [0, 256], sizes = [2000, 128], strides = [1, 1]} : vector<2000x384xf32> to vector<2000x128xf32>
    %swap3A_15 = arith.constant 0 : index
    %swap3A_16 = arith.constant 0 : index
    %swap3A_17 = vector.load %arg5[%swap3A_15, %swap3A_16] : memref<2000x128xf32, #tpu.memory_space<vmem>>, vector<2000x128xf32>
    tpu.vector_store %arg5[%swap3A_15, %swap3A_16], %slice3A_14 {strides = array<i32>} : memref<2000x128xf32, #tpu.memory_space<vmem>>, vector<2000x128xf32>,
    return
  }
  func.func @transform_0(%arg0: i32) -> (i32, i32) {
    %c0_i32 = arith.constant 0 : i32
    %c0_i32_0 = arith.constant 0 : i32
    return %arg0, %c0_i32 : i32, i32
  }
  func.func @transform_1(%arg0: i32) -> (i32, i32) {
    %c0_i32 = arith.constant 0 : i32
    %c0_i32_0 = arith.constant 0 : i32
    %c0_i32_1 = arith.constant 0 : i32
    return %c0_i32, %c0_i32_0 : i32, i32
  }
  func.func @transform_2(%arg0: i32) -> (i32, i32) {
    %c0_i32 = arith.constant 0 : i32
    %c0_i32_0 = arith.constant 0 : i32
    return %arg0, %c0_i32 : i32, i32
  }
  func.func @transform_3(%arg0: i32) -> (i32, i32) {
    %c0_i32 = arith.constant 0 : i32
    %c0_i32_0 = arith.constant 0 : i32
    return %arg0, %c0_i32 : i32, i32
  }
  func.func @transform_4(%arg0: i32) -> (i32, i32) {
    %c0_i32 = arith.constant 0 : i32
    %c0_i32_0 = arith.constant 0 : i32
    return %arg0, %c0_i32 : i32, i32
  }
}

module attributes {stable_mosaic.version = 14 : i64} {
  func.func @_finish_body(%arg0: i32, %arg1: memref<2x1000x128xf32, #tpu.memory_space<vmem>>, %arg2: memref<2x1000x8xf32, #tpu.memory_space<vmem>>, %arg3: memref<8x128xf32, #tpu.memory_space<vmem>>, %arg4: memref<128x128xf32, #tpu.memory_space<vmem>>, %arg5: memref<1x128xf32, #tpu.memory_space<vmem>>, %arg6: memref<1000x128xf32, #tpu.memory_space<vmem>>) attributes {dimension_semantics = [#tpu.dimension_semantics<arbitrary>], iteration_bounds = array<i64: 10>, scalar_prefetch = 0 : i64, scratch_operands = 0 : i64, tpu.core_type = #tpu.core_type<tc>, window_params = [{transform_indices = @transform_0, window_bounds = array<i64: 2, 1000, 128>}, {transform_indices = @transform_1, window_bounds = array<i64: 2, 1000, 8>}, {pipeline_mode = #tpu.pipeline_mode<synchronous>, transform_indices = @transform_2, window_bounds = array<i64: 8, 128>}, {pipeline_mode = #tpu.pipeline_mode<synchronous>, transform_indices = @transform_3, window_bounds = array<i64: 128, 128>}, {pipeline_mode = #tpu.pipeline_mode<synchronous>, transform_indices = @transform_4, window_bounds = array<i64: 1, 128>}, {transform_indices = @transform_5, window_bounds = array<i64: 1000, 128>}]} {
    %get3A = arith.constant 0 : index
    %get3A_0 = arith.constant 0 : index
    %get3A_1 = arith.constant 0 : index
    %get3A_2 = vector.load %arg1[%get3A, %get3A_0, %get3A_1] : memref<2x1000x128xf32, #tpu.memory_space<vmem>>, vector<1x1000x128xf32>
    %get3A_3 = vector.shape_cast %get3A_2 : vector<1x1000x128xf32> to vector<1000x128xf32>
    %get3A_4 = arith.constant 1 : index
    %get3A_5 = arith.constant 0 : index
    %get3A_6 = arith.constant 0 : index
    %get3A_7 = vector.load %arg1[%get3A_4, %get3A_5, %get3A_6] : memref<2x1000x128xf32, #tpu.memory_space<vmem>>, vector<1x1000x128xf32>
    %get3A_8 = vector.shape_cast %get3A_7 : vector<1x1000x128xf32> to vector<1000x128xf32>
    %add3A = arith.addf %get3A_3, %get3A_8 : vector<1000x128xf32>
    %get3A_9 = arith.constant 0 : index
    %get3A_10 = arith.constant 0 : index
    %get3A_11 = arith.constant 0 : index
    %get3A_12 = vector.load %arg2[%get3A_9, %get3A_10, %get3A_11] : memref<2x1000x8xf32, #tpu.memory_space<vmem>>, vector<1x1000x8xf32>
    %get3A_13 = vector.shape_cast %get3A_12 : vector<1x1000x8xf32> to vector<1000x8xf32>
    %get3A_14 = arith.constant 1 : index
    %get3A_15 = arith.constant 0 : index
    %get3A_16 = arith.constant 0 : index
    %get3A_17 = vector.load %arg2[%get3A_14, %get3A_15, %get3A_16] : memref<2x1000x8xf32, #tpu.memory_space<vmem>>, vector<1x1000x8xf32>
    %get3A_18 = vector.shape_cast %get3A_17 : vector<1x1000x8xf32> to vector<1000x8xf32>
    %add3A_19 = arith.addf %get3A_13, %get3A_18 : vector<1000x8xf32>
    %add3A_20 = arith.constant 1.000000e-16 : f32
    %add3A_21 = vector.broadcast %add3A_20 : f32 to vector<1000x8xf32>
    %add3A_22 = arith.addf %add3A_19, %add3A_21 : vector<1000x8xf32>
    %div3A = arith.constant 1.000000e+00 : f32
    %div3A_23 = vector.broadcast %div3A : f32 to vector<1000x8xf32>
    %div3A_24 = arith.divf %div3A_23, %add3A_22 : vector<1000x8xf32>
    %get3A_25 = arith.constant 0 : index
    %get3A_26 = arith.constant 0 : index
    %get3A_27 = vector.load %arg3[%get3A_25, %get3A_26] : memref<8x128xf32, #tpu.memory_space<vmem>>, vector<8x128xf32>
    %dot_general3A = arith.constant dense<0.000000e+00> : vector<1000x128xf32>
    %dot_general3A_28 = tpu.matmul %div3A_24, %get3A_27, %dot_general3A {dimension_numbers = #tpu.dot_dimension_numbers<[1], [0], [0], [1], [0, 0, 1, 1], [], []>, transpose_lhs_hint = false} : vector<1000x8xf32>, vector<8x128xf32>, vector<1000x128xf32> -> vector<1000x128xf32>
    %mul3A = arith.mulf %add3A, %dot_general3A_28 : vector<1000x128xf32>
    %get3A_29 = arith.constant 0 : index
    %get3A_30 = arith.constant 0 : index
    %get3A_31 = vector.load %arg4[%get3A_29, %get3A_30] : memref<128x128xf32, #tpu.memory_space<vmem>>, vector<128x128xf32>
    %dot_general3A_32 = arith.constant dense<0.000000e+00> : vector<1000x128xf32>
    %dot_general3A_33 = tpu.matmul %mul3A, %get3A_31, %dot_general3A_32 {dimension_numbers = #tpu.dot_dimension_numbers<[1], [0], [0], [1], [0, 0, 1, 1], [], []>, transpose_lhs_hint = false} : vector<1000x128xf32>, vector<128x128xf32>, vector<1000x128xf32> -> vector<1000x128xf32>
    %get3A_34 = arith.constant 0 : index
    %get3A_35 = arith.constant 0 : index
    %get3A_36 = vector.load %arg5[%get3A_34, %get3A_35] : memref<1x128xf32, #tpu.memory_space<vmem>>, vector<1x128xf32>
    %add3A_37 = vector.broadcast %get3A_36 : vector<1x128xf32> to vector<1000x128xf32>
    %add3A_38 = arith.addf %dot_general3A_33, %add3A_37 : vector<1000x128xf32>
    %swap3A = arith.constant 0 : index
    %swap3A_39 = arith.constant 0 : index
    %swap3A_40 = vector.load %arg6[%swap3A, %swap3A_39] : memref<1000x128xf32, #tpu.memory_space<vmem>>, vector<1000x128xf32>
    tpu.vector_store %arg6[%swap3A, %swap3A_39], %add3A_38 {strides = array<i32>} : memref<1000x128xf32, #tpu.memory_space<vmem>>, vector<1000x128xf32>,
    return
  }
  func.func @transform_0(%arg0: i32) -> (i32, i32, i32) {
    %c0_i32 = arith.constant 0 : i32
    %c0_i32_0 = arith.constant 0 : i32
    %c0_i32_1 = arith.constant 0 : i32
    return %c0_i32, %arg0, %c0_i32_0 : i32, i32, i32
  }
  func.func @transform_1(%arg0: i32) -> (i32, i32, i32) {
    %c0_i32 = arith.constant 0 : i32
    %c0_i32_0 = arith.constant 0 : i32
    %c0_i32_1 = arith.constant 0 : i32
    return %c0_i32, %arg0, %c0_i32_0 : i32, i32, i32
  }
  func.func @transform_2(%arg0: i32) -> (i32, i32) {
    %c0_i32 = arith.constant 0 : i32
    %c0_i32_0 = arith.constant 0 : i32
    %c0_i32_1 = arith.constant 0 : i32
    return %c0_i32, %c0_i32_0 : i32, i32
  }
  func.func @transform_3(%arg0: i32) -> (i32, i32) {
    %c0_i32 = arith.constant 0 : i32
    %c0_i32_0 = arith.constant 0 : i32
    %c0_i32_1 = arith.constant 0 : i32
    return %c0_i32, %c0_i32_0 : i32, i32
  }
  func.func @transform_4(%arg0: i32) -> (i32, i32) {
    %c0_i32 = arith.constant 0 : i32
    %c0_i32_0 = arith.constant 0 : i32
    %c0_i32_1 = arith.constant 0 : i32
    return %c0_i32, %c0_i32_0 : i32, i32
  }
  func.func @transform_5(%arg0: i32) -> (i32, i32) {
    %c0_i32 = arith.constant 0 : i32
    %c0_i32_0 = arith.constant 0 : i32
    return %arg0, %c0_i32 : i32, i32
  }
}

</mosaic_0001>

<sc_bundles>
// kernel: kernel.6.cloned.1.call-start
scs
__scs_entry_jumppad:
0x0: {  	(pc) =	sbr.rel $0x88, $3  }
0x1: {  	(tag) =	ssettag $0x0;
	lr =	simm.s32 $0x1  }
0x2: {  	[smem:$0x3F95] =	sst lr;
	_ =	strace $0xD0000000  }
0x3: {  	_ = 	snop  }
0x4: {  	_ = 	snop  }
0x5: {  	_ = 	snop  }
0x6: {  	_ = 	snop  }
0x7: {  	_ = 	snop  }
__scs_overlays_trampoline_lowered:
0x8: {  	[smem:$0x3FA4] =	sst s0  }
0x9: {  	[smem:$0x3FA5] =	sst s1  }
0xa: {  	[smem:$0x3FA6] =	sst s2  }
0xb: {  	[smem:$0x3FA7] =	sst s3  }
0xc: {  	[smem:$0x3FA8] =	sst s4  }
0xd: {  	[smem:$0x3FA9] =	sst s5  }
0xe: {  	[smem:$0x3FAA] =	sst s6  }
0xf: {  	[smem:$0x3FAB] =	sst s7  }
0x10: {  	[smem:$0x3FAC] =	sst s8  }
0x11: {  	[smem:$0x3FAD] =	sst s9;
	s0 =	simm.s32 @!p0 $0x0  }
0x12: {  	s1 =	sld [smem:$0x3F93];
	s0 =	simm.s32 @p0 $0x1  }
0x13: {  	[smem:$0x3FAE] =	sst s0;
	s0 =	simm.s32 @!p1 $0x0  }
0x14: {  	s2 =	sld [smem:$0x3F92];
	s0 =	simm.s32 @p1 $0x1  }
0x15: {  	[smem:$0x3FAF] =	sst s0;
	s0 =	simm.s32 @!p2 $0x0  }
0x16: {  	s3 =	sld [smem:$0x3FDB];
	s0 =	simm.s32 @p2 $0x1  }
0x17: {  	s4 =	simm.s32 $0x1BF5;
	[smem:$0x3FB1] =	sst s0  }
0x18: {  	s0 =	sld [smem:$0x3F94];
	_ =	swait.ge [sflag:s4], $0x0  }
0x19: {  	s7 =	sld [smem:$0x3F95]  }
0x1a: {  	s8 =	sadd.s32 $0xFFFFE003, lr  }
0x1b: {  	s9 =	sadd.s32 $0xFFFFFEF7, lr;
	s5 =	simm.s32 $0xFFFFFFFF;
	p2 =	slt.u32 s8, $0xFFFFF086  }
0x1c: {  	p1 =	slt.u32 s9, $0xF7A;
	s5 =	simm.s32 @!p2 $0x0  }
0x1d: {  	s5 =	simm.s32 @p1 $0x1;
	p0 =	seq.s32 s7, s2  }
0x1e: {  	s7 =	smul.u32 @!p0 $0xF7A, s2;
	p2 =	seq.s32 @!p0 s5, $0x0  }
0x1f: {  	s9 =	smul.u32 $0xF7A, s1;
	s8 =	simm.s32 @!p0 $0x1BF5;
	p2 =	por !p2, p0  }
0x20: {  	[sflag:s8] =	ssyncset.s32 @!p0 $0xFFFFF086;
	s6 =	sadd.s32 @!p0 s3, s7;
	s7 =	simm.s32 @!p0 $0x108  }
0x21: {  	s3 =	sadd.s32 s3, s9;
	s6 =	sadd.s32 @!p0 $0x88, s6;
	s7 =	simm.s32 @p2 $0x1082  }
0x22: {  	[simem:s7], [sflag:s8] =	dma.local @!p0 [hbm:s6], $0xF7A  }
0x23: {  	s9 =	sor.u32 $0xD0000000, s2;
	s6 =	simm.s32 $0x108;
	_ =	swait.ge @!p0 [sflag:s8], $0x0  }
0x24: {  	s3 =	sadd.s32 $0x88, s3;
	s6 =	simm.s32 @!p1 $0x1082;
	[sflag:s4] =	ssyncset.s32 $0xFFFFF086  }
0x25: {  	[simem:s6], [sflag:s4] =	dma.local [hbm:s3], $0xF7A  }
0x26: {  	[smem:$0x3F95] =	sst s1;
	(tag) =	ssettag s2;
	_ =	strace s9  }
0x27: {  	s1 =	sld [smem:$0x3FA5]  }
0x28: {  	s2 =	sld [smem:$0x3FA6]  }
0x29: {  	s4 =	sld [smem:$0x3FA8]  }
0x2a: {  	p0 =	seq.s32 s5, $0x0;
	s5 =	sld [smem:$0x3FA9]  }
0x2b: {  	s6 =	sld [smem:$0x3FAA]  }
0x2c: {  	s7 =	sld [smem:$0x3FAB]  }
0x2d: {  	s3 =	simm.s32 $0x108;
	s8 =	sld [smem:$0x3FAC]  }
0x2e: {  	s3 =	simm.s32 @!p0 $0x1082;
	s9 =	sld [smem:$0x3FAD]  }
0x2f: {  	lr =	sadd.s32 s0, s3;
	s0 =	sld [smem:$0x3FA4]  }
0x30: {  	s3 =	sld [smem:$0x3FA7]  }
0x31: {  	[smem:$0x3FB0] =	sst s10  }
0x32: {  	s10 =	sld [smem:$0x3FAE];
	_ =	sdelay $0x3  }
0x33: {  	p0 =	seq.s32 s10, $0x1;
	s10 =	sld [smem:$0x3FB0];
	_ =	sdelay $0x3  }
0x34: {  	[smem:$0x3FB0] =	sst s10  }
0x35: {  	s10 =	sld [smem:$0x3FAF];
	_ =	sdelay $0x3  }
0x36: {  	p1 =	seq.s32 s10, $0x1;
	s10 =	sld [smem:$0x3FB0];
	_ =	sdelay $0x3  }
0x37: {  	[smem:$0x3FB0] =	sst s10  }
0x38: {  	s10 =	sld [smem:$0x3FB1]  }
0x39: {  	_ = 	snop;
	(pc) =	sbr.ind lr, $3  }
0x3a: {  	_ = 	snop  }
0x3b: {  	_ = 	snop  }
0x3c: {  	p2 =	seq.s32 s10, $0x1;
	s10 =	sld [smem:$0x3FB0]  }
0x3d: {  	_ =	shalt  }
0x3e: {  	_ =	shalt  }
0x3f: {  	_ =	shalt  }
0x40: {  	_ =	shalt  }
0x41: {  	_ =	shalt  }
0x42: {  	_ =	shalt  }
0x43: {  	_ =	shalt  }
0x44: {  	_ =	shalt  }
0x45: {  	_ =	shalt  }
0x46: {  	_ =	shalt  }
0x47: {  	_ =	shalt  }
0x48: {  	_ =	shalt  }
0x49: {  	_ =	shalt  }
0x4a: {  	_ =	shalt  }
0x4b: {  	_ =	shalt  }
0x4c: {  	_ =	shalt  }
0x4d: {  	_ =	shalt  }
0x4e: {  	_ =	shalt  }
0x4f: {  	_ =	shalt  }
0x50: {  	_ =	shalt  }
0x51: {  	_ =	shalt  }
0x52: {  	_ =	shalt  }
0x53: {  	_ =	shalt  }
0x54: {  	_ =	shalt  }
0x55: {  	_ =	shalt  }
0x56: {  	_ =	shalt  }
0x57: {  	_ =	shalt  }
0x58: {  	_ =	shalt  }
0x59: {  	_ =	shalt  }
0x5a: {  	_ =	shalt  }
0x5b: {  	_ =	shalt  }
0x5c: {  	_ =	shalt  }
0x5d: {  	_ =	shalt  }
0x5e: {  	_ =	shalt  }
0x5f: {  	_ =	shalt  }
0x60: {  	_ =	shalt  }
0x61: {  	_ =	shalt  }
0x62: {  	_ =	shalt  }
0x63: {  	_ =	shalt  }
0x64: {  	_ =	shalt  }
0x65: {  	_ =	shalt  }
0x66: {  	_ =	shalt  }
0x67: {  	_ =	shalt  }
0x68: {  	_ =	shalt  }
0x69: {  	_ =	shalt  }
0x6a: {  	_ =	shalt  }
0x6b: {  	_ =	shalt  }
0x6c: {  	_ =	shalt  }
0x6d: {  	_ =	shalt  }
0x6e: {  	_ =	shalt  }
0x6f: {  	_ =	shalt  }
0x70: {  	_ =	shalt  }
0x71: {  	_ =	shalt  }
0x72: {  	_ =	shalt  }
0x73: {  	_ =	shalt  }
0x74: {  	_ =	shalt  }
0x75: {  	_ =	shalt  }
0x76: {  	_ =	shalt  }
0x77: {  	_ =	shalt  }
0x78: {  	_ =	shalt  }
0x79: {  	_ =	shalt  }
0x7a: {  	_ =	shalt  }
0x7b: {  	_ =	shalt  }
0x7c: {  	_ =	shalt  }
0x7d: {  	_ =	shalt  }
0x7e: {  	_ =	shalt  }
0x7f: {  	_ =	shalt  }
0x80: {  	_ =	shalt  }
0x81: {  	_ =	shalt  }
0x82: {  	_ =	shalt  }
0x83: {  	_ =	shalt  }
0x84: {  	_ =	shalt  }
0x85: {  	_ =	shalt  }
0x86: {  	_ =	shalt  }
0x87: {  	_ =	shalt  }
.Lfunc_end0:
.L_simem_size_0:
called_computation_lowered:
.L_overlay_start_0:
0x88: {  	s2 =	sld [smem:$0x3FD9]  }
0x89: {  	s3 =	sld [smem:$0x3FFE];
	_ =	sdelay $0x1  }
0x8a: {  	s1 =	srdreg.scid  }
0x8b: {  	s0 =	sand.u32 $0x1, s1  }
0x8c: {  	s17 =	sshll.u32 s0, $0xA;
	s2 =	sadd.s32 s3, s2  }
0x8d: {  	s2 =	sadd.s32 s2, s17  }
0x8e: {  	[smem:$0x3FBC] =	sst s2  }
0x8f: {  	_ = 	snop  }
0x90: {  	s2 =	sld [smem:$0x3FD0];
	(tm) =	ssettm $0x1  }
0x91: {  	s18 =	sld [smem:$0x3FFB];
	_ =	sdelay $0x3  }
0x92: {  	_ =	strace s18  }
0x93: {  	s3 =	sld [smem:$0x3FFC];
	_ =	sdelay $0x3  }
0x94: {  	_ =	strace s3  }
0x95: {  	s3 =	sld [smem:$0x3FFD];
	_ =	sdelay $0x3  }
0x96: {  	_ =	strace s3  }
0x97: {  	_ =	strace $0x8FFFFFFF  }
0x98: {  	s19 =	sld [smem:$0x3FDB];
	_ =	sdelay $0x1  }
0x99: {  	s4 =	simm.s32 $_scs_section_size  }
0x9a: {  	s5 =	simm.s32 $_size__tile_overlayer_lowered;
	s6 =	simm.s32 $_tile_overlayer_lowered  }
0x9b: {  	s22 =	simm.s32 $0x1BFF;
	s21 =	sshll.u32 s6, $0x1;
	s3 =	sadd.s32 s4, s19  }
0x9c: {  	s7 =	simm.s32 $0x0;
	s20 =	sshll.u32 s5, $0x1;
	s5 =	sadd.s32 s21, s3  }
0x9d: {  	[timem:s7], [sflag:s22] =	dma.local [hbm:s5], s20  }
0x9e: {  	_ =	swait.ge [sflag:s22], s20  }
0x9f: {  	s4 =	ssub.s32 $0x0, s20;
	[sflag:s22] =	ssyncset.done $0x0  }
0xa0: {  	[sflag:s22] =	ssyncadd.s32 s4;
	_ =	sdelay $0x1  }
0xa1: {  	s23 =	simm.s32 $0x1B8B  }
0xa2: {  	_ =	swait.ge [sflag:s23], $0x1  }
0xa3: {  	[sflag:s23] =	ssyncset.done $0x0  }
0xa4: {  	s25 =	simm.s32 $0x1B8E;
	s24 =	sld [smem:$0x3FFE];
	[sflag:s23] =	ssyncadd.s32 $0xFFFFFFFF  }
0xa5: {  	s26 =	simm.s32 $execute0_lowered;
	[smem:$0x3FD2] =	sst s25  }
0xa6: {  	s5 =	sshll.u32 s26, $0x1;
	_ =	strace $0x80000046;
	[dreg:$0x1] =	wrdreg $0xFFFFFFFF  }
0xa7: {  	s28 =	simm.s32 $_size_execute0_lowered;
	s3 =	sadd.s32 s3, s5;
	[dreg:$0x0] =	wrdreg $0x0  }
0xa8: {  	s5 =	sshll.u32 s28, $0x1;
	[dreg:$0x2] =	wrdreg s3  }
0xa9: {  	[dreg:$0x3] =	wrdreg s5  }
0xaa: {  	[dreg:$0x4] =	wrdreg $0xC0  }
0xab: {  	_ =	task [dreg:s7], $0x5FFFF  }
0xac: {  	[dreg:$0x1] =	wrdreg $0xFFFFFFFF  }
0xad: {  	[dreg:$0x0] =	wrdreg $0x60  }
0xae: {  	[dreg:$0x2] =	wrdreg s2  }
0xaf: {  	[dreg:$0x3] =	wrdreg s24  }
0xb0: {  	[dreg:$0x4] =	wrdreg $0x83400  }
0xb1: {  	[dreg:$0x5] =	wrdreg $0x1BBC00  }
0xb2: {  	[dreg:$0x6] =	wrdreg $0x9  }
0xb3: {  	_ =	task.clear_ibuf [dreg:s7], $0x7FFFF;
	_ =	strace $0x90000046  }
0xb4: {  	s29 =	simm.s32 $0x9;
	_ =	strace $0x80000048  }
0xb5: {  	_ =	swait.ge [sflag:s29], $0x1  }
0xb6: {  	[sflag:s29] =	ssyncadd.s32 $0xFFFFFFFF  }
0xb7: {  	_ =	strace $0x90000048  }
0xb8: {  	_ =	sfence  }
0xb9: {  	s30 =	sld [smem:$0x0];
	_ =	sdelay $0x2  }
0xba: {  	s31 =	sshll.u32 s1, $0xD;
	s1 =	sshrl.u32 s1, $0x2  }
0xbb: {  	s3 =	sand.u32 $0x4000, s31;
	s1 =	sadd.s32 s1, s30  }
0xbc: {  	s0 =	sor.u32 s3, s0;
	s1 =	sshll.u32 s1, $0x11  }
0xbd: {  	s0 =	sor.u32 s1, s0  }
0xbe: {  	s0 =	sadd.s32 $0x8F2B, s0  }
0xbf: {  	[sflag:s0] =	ssyncadd.remote.s32 $0x1  }
0xc0: {  	_ =	sfence.sel $0xFFFF  }
0xc1: {  	[dreg:$0x0] =	wrdreg $0xFFFFFFFF;
	(pc) =	sbr.abs _section_cstart, $3  }
0xc2: {  	[dreg:$0x1] =	wrdreg $0xFFFFFFFF  }
0xc3: {  	_ =	task.clear_ibuf [dreg:s7], $0x2FFFF;
	_ =	strace $0x9FFFFFFF  }
0xc4: {  	(tm) =	ssettm $0x7FFFFFFF  }
0xc5: {  	_ =	shalt  }
tec
execute0_lowered:
.L_overlay_start_1:
0x0: {  	(tag) =	ssettag $0x1  }
0x1: {  	s1 =	rddreg [dreg:$0x0]  }
0x2: {  	s2 =	rddreg [dreg:$0x1]  }
0x3: {  	s3 =	rddreg [dreg:$0x2];
	s5 =	simm.s32 $0x0;
	v42 =	vlaneseq.u32  }
0x4: {  	[smem:$0x7FF] =	sst s5;
	v1 =	vor.u32 $0x10, v42  }
0x5: {  	s4 =	rddreg [dreg:$0x3];
	_ =	strace $0x80000047;
	[tilespmem:$0x1FD20] =	vst v1;
	v1 =	vor.u32 $0x20, v42  }
0x6: {  	[tilespmem:$0x1FD30] =	vst v1;
	v1 =	vor.u32 $0x30, v42  }
0x7: {  	[tilespmem:$0x1FD40] =	vst v1;
	v1 =	vor.u32 $0x40, v42  }
0x8: {  	[tilespmem:$0x1FD50] =	vst v1;
	v1 =	vor.u32 $0x50, v42  }
0x9: {  	[tilespmem:$0x1FD60] =	vst v1;
	v1 =	vor.u32 $0x60, v42  }
0xa: {  	[tilespmem:$0x1FD70] =	vst v1;
	v1 =	vor.u32 $0x70, v42  }
0xb: {  	[tilespmem:$0x1FD80] =	vst v1;
	v1 =	vor.u32 $0x80, v42  }
0xc: {  	[tilespmem:$0x1FD90] =	vst v1;
	v1 =	vor.u32 $0x90, v42  }
0xd: {  	[tilespmem:$0x1FDA0] =	vst v1;
	v1 =	vor.u32 $0xA0, v42  }
0xe: {  	[tilespmem:$0x1FDB0] =	vst v1;
	v1 =	vor.u32 $0xB0, v42  }
0xf: {  	[tilespmem:$0x1FDC0] =	vst v1;
	v1 =	vor.u32 $0xC0, v42  }
0x10: {  	[tilespmem:$0x1FDD0] =	vst v1;
	v1 =	vor.u32 $0xD0, v42  }
0x11: {  	[tilespmem:$0x1FDE0] =	vst v1;
	v1 =	vor.u32 $0xE0, v42  }
0x12: {  	[tilespmem:$0x1FDF0] =	vst v1;
	v1 =	vor.u32 $0xF0, v42  }
0x13: {  	[tilespmem:$0x1FE00] =	vst v1;
	v1 =	vor.u32 $0x100, v42  }
0x14: {  	[tilespmem:$0x1FE10] =	vst v1;
	v1 =	vor.u32 $0x110, v42  }
0x15: {  	[tilespmem:$0x1FE20] =	vst v1;
	v1 =	vor.u32 $0x120, v42  }
0x16: {  	[tilespmem:$0x1FE30] =	vst v1;
	v1 =	vor.u32 $0x130, v42  }
0x17: {  	s0 =	srdreg.scid;
	s12 =	stileid.u32;
	[tilespmem:$0x1FE40] =	vst v1;
	v1 =	vor.u32 $0x140, v42  }
0x18: {  	s13 =	sand.u32 $0x1, s0;
	s14 =	smul.u32 $0x13880, s12;
	[tilespmem:$0x1FE50] =	vst v1;
	v1 =	vor.u32 $0x150, v42  }
0x19: {  	s15 =	smul.u32 $0x1388, s12;
	s6 =	sadd.s32 $0x64200, s2;
	s7 =	sadd.s32 $0x8B400, s2;
	[tilespmem:$0x1FE60] =	vst v1;
	v1 =	vor.u32 $0x160, v42  }
0x1a: {  	s8 =	sadd.s32 $0x5A400, s2;
	s18 =	sshll.u32 s12, $0x1;
	s12 =	smul.u32 $0x271, s12;
	[tilespmem:$0x1FE70] =	vst v1;
	v1 =	vor.u32 $0x170, v42  }
0x1b: {  	s9 =	sadd.s32 $0x50600, s2;
	s10 =	sadd.s32 $0x2400, s2;
	s0 =	smul.u32 $0x138800, s13;
	[tilespmem:$0x1FE80] =	vst v1;
	v1 =	vor.u32 $0x180, v42  }
0x1c: {  	s11 =	smul.u32 $0x13880, s13;
	s16 =	ssub.s32 $0x2, s13;
	s13 =	sor.u32 s13, s18;
	[tilespmem:$0x1FE90] =	vst v1;
	v1 =	vor.u32 $0x190, v42  }
0x1d: {  	s17 =	sshrl.u32 s16, $0x1;
	s18 =	sadd.s32 s14, s3;
	s26 =	sadd.s32 s15, s4;
	[tilespmem:$0x1FEA0] =	vst v1;
	v1 =	vor.u32 $0x1A0, v42  }
0x1e: {  	s21 =	sadd.s32 $0xF0, s12;
	s23 =	sadd.s32 $0x140, s12;
	s30 =	sadd.s32 $0x190, s12;
	[tilespmem:$0x1FEB0] =	vst v1;
	v1 =	vor.u32 $0x1B0, v42  }
0x1f: {  	s31 =	sadd.s32 $0x1E0, s12;
	s0 =	sadd.s32 s14, s0;
	s11 =	sadd.s32 s15, s11;
	[tilespmem:$0x1FEC0] =	vst v1;
	v1 =	vor.u32 $0x1C0, v42  }
0x20: {  	s15 =	sadd.s32 $0x50, s12;
	s25 =	sshll.u32 s23, $0x7;
	[dreg:$0x5] =	wrdreg s18;
	[tilespmem:$0x1FED0] =	vst v1;
	v1 =	vor.u32 $0x1D0, v42  }
0x21: {  	s29 =	sshll.u32 s23, $0x3;
	[dreg:$0x6] =	wrdreg s26;
	s0 =	sshrl.u32 s0, $0x3;
	[tilespmem:$0x1FEE0] =	vst v1;
	v1 =	vor.u32 $0x1E0, v42  }
0x22: {  	s11 =	sshrl.u32 s11, $0x3;
	s14 =	sshll.u32 s15, $0x3;
	s28 =	sadd.s32 s25, s3;
	[tilespmem:$0x1FEF0] =	vst v1;
	v1 =	vor.u32 $0x1F0, v42  }
0x23: {  	s0 =	sadd.s32 s0, s2;
	s2 =	sadd.s32 s11, s2;
	s11 =	ssub.s32 s16, s17;
	[tilespmem:$0x1FF00] =	vst v1;
	v1 =	vor.u32 $0x200, v42  }
0x24: {  	s16 =	sshll.u32 s15, $0x7;
	s17 =	sadd.s32 $0xA0, s12;
	s14 =	sadd.s32 s14, s4;
	[tilespmem:$0x1FF10] =	vst v1;
	v1 =	vor.u32 $0x210, v42  }
0x25: {  	[dreg:$0xd] =	wrdreg s28;
	s12 =	sadd.s32 $0x230, s12;
	s15 =	sadd.s32 s16, s3;
	[tilespmem:$0x1FF20] =	vst v1;
	v1 =	vor.u32 $0x220, v42  }
0x26: {  	[dreg:$0x8] =	wrdreg s14;
	s19 =	sshll.u32 s17, $0x7;
	s20 =	sshll.u32 s17, $0x3;
	[tilespmem:$0x1FF30] =	vst v1;
	v1 =	vor.u32 $0x230, v42  }
0x27: {  	s17 =	sshll.u32 s30, $0x7;
	s0 =	sadd.s32 $0xB7600, s0;
	[dreg:$0x7] =	wrdreg s15;
	[tilespmem:$0x1FF40] =	vst v1;
	v1 =	vor.u32 $0x240, v42  }
0x28: {  	s23 =	sshll.u32 s12, $0x7;
	s14 =	sadd.s32 s19, s3;
	[dreg:$0x17] =	wrdreg s0;
	[tilespmem:$0x1FF50] =	vst v1;
	v1 =	vor.u32 $0x250, v42  }
0x29: {  	s12 =	sshll.u32 s12, $0x3;
	s16 =	sadd.s32 s17, s3;
	[dreg:$0x9] =	wrdreg s14;
	[tilespmem:$0x1FF60] =	vst v1;
	v1 =	vor.u32 $0x260, v42  }
0x2a: {  	s22 =	sshll.u32 s21, $0x7;
	s12 =	sadd.s32 s12, s4;
	[dreg:$0xf] =	wrdreg s16;
	[tilespmem:$0x1FF70] =	vst v1;
	v1 =	vor.u32 $0x270, v42  }
0x2b: {  	s19 =	sshll.u32 s31, $0x7;
	s14 =	sadd.s32 s20, s4;
	[dreg:$0x14] =	wrdreg s12;
	[tilespmem:$0x1FF80] =	vst v1;
	v1 =	vand.u32 $0x7, v42  }
0x2c: {  	vm2 =	vmmov $0x1f;
	s24 =	sshll.u32 s21, $0x3;
	s20 =	sadd.s32 s19, s3;
	[dreg:$0xa] =	wrdreg s14;
	[tilespmem:$0x1FF90] =	vst v1;
	v1 =	vimm.s32 $0x0  }
0x2d: {  	s21 =	sshll.u32 s31, $0x3;
	s14 =	sadd.s32 s22, s3;
	[dreg:$0x11] =	wrdreg s20;
	v1 =	vsel vm2, $0xFFFFFFFF, v1  }
0x2e: {  	vm3 =	vmmov $0x3;
	s15 =	simm.s32 $0x5000;
	s22 =	sadd.s32 s21, s4;
	[dreg:$0xb] =	wrdreg s14;
	[tilespmem:$0x1FFA0] =	vst v1;
	v1 =	vimm.s32 $0x0  }
0x2f: {  	s16 =	simm.s32 $0x5;
	s14 =	sadd.s32 s24, s4;
	[dreg:$0x12] =	wrdreg s22;
	v1 =	vsel vm3, $0xFFFFFFFF, v1  }
0x30: {  	vm4 =	vmmov $0x7;
	s24 =	smul.u32 $0x2710, s13;
	s13 =	sadd.s32 s23, s3;
	[dreg:$0xc] =	wrdreg s14;
	[tilespmem:$0x1FFB0] =	vst v1;
	v1 =	vimm.s32 $0x0  }
0x31: {  	v0 =	vimm.f32 $0.0e+00;
	vm0 =	vcmask $0x3F24;
	s19 =	simm.s32 $0x7D00;
	s14 =	sadd.s32 s29, s4;
	[dreg:$0x13] =	wrdreg s13;
	v1 =	vsel vm4, $0xFFFFFFFF, v1  }
0x32: {  	vm1 =	vcmask $0x1F04;
	vm5 =	vmmov $0xf;
	s20 =	simm.s32 $0x50;
	s29 =	sadd.s32 $0xB2600, s2;
	[dreg:$0xe] =	wrdreg s14;
	[tilespmem:$0x1FFC0] =	vst v1;
	v1 =	vimm.s32 $0x0  }
0x33: {  	v43 =	vimm.s32 $0x0;
	vm6 =	vmmov $0x3f;
	s14 =	sshll.u32 s30, $0x3;
	[dreg:$0x18] =	wrdreg s29;
	s30 =	smax.u32 s11, $0x1;
	v1 =	vsel vm5, $0xFFFFFFFF, v1  }
0x34: {  	vm8 =	vmmov $0x7f;
	vm1 =	vmor vm1, vm0;
	s21 =	simm.s32 $0x2800;
	s31 =	sadd.s32 s10, s24;
	[dreg:$0x19] =	wrdreg s30;
	[tilespmem:$0x1FFD0] =	vst v1;
	v1 =	vimm.s32 $0x0  }
0x35: {  	vm9 =	vmmov $0xff;
	vm10 =	vmmov $0x1ff;
	s25 =	sshrl.u32 s24, $0x3;
	s14 =	sadd.s32 s14, s4;
	[dreg:$0x1a] =	wrdreg s31;
	v1 =	vsel vm1, $0xFFFFFFFF, v1  }
0x36: {  	vm11 =	vmmov $0x3ff;
	vm12 =	vmmov $0x7ff;
	s22 =	simm.s32 $0x1;
	s28 =	sadd.s32 s8, s25;
	[dreg:$0x10] =	wrdreg s14;
	[tilespmem:$0x1FFE0] =	vst v1;
	v1 =	vimm.s32 $0x0  }
0x37: {  	vm13 =	vmmov $0xfff;
	vm14 =	vmmov $0x1fff;
	s23 =	simm.s32 $0x2;
	s12 =	sadd.s32 s9, s25;
	[dreg:$0x15] =	wrdreg s28;
	v1 =	vsel vm6, $0xFFFFFFFF, v1  }
0x38: {  	vm15 =	vmmov $0x3fff;
	vm7 =	vmmov $0x7fff;
	vm0 =	vmmov $0x1;
	s25 =	simm.s32 $0x3;
	[dreg:$0x16] =	wrdreg s12;
	s14 =	simm.s32 $0x7800;
	[tilespmem:$0x1FFF0] =	vst v1  }
.LBB2_1:
0x39: {  	s0 =	simm.s32 $0x0;
	s2 =	simm.s32 $0x200  }
.LBB2_2:
0x3a: {  	p0 =	sne.s32 s2, $0x9E00;
	[tilespmem:s0+$0x5070] =	vst v0  }
0x3b: {  	[tilespmem:s0+$0x5000] =	vst v0  }
0x3c: {  	[tilespmem:s0+$0x5010] =	vst v0  }
.Ltmp0:
0x3d: {  	[tilespmem:s0+$0x5020] =	vst v0;
	(pc) =	sbr.rel @p0 .LBB2_2-.Ltmp0, $4  }
0x3e: {  	[tilespmem:s0+$0x5030] =	vst v0  }
0x3f: {  	[tilespmem:s0+$0x5040] =	vst v0  }
0x40: {  	[tilespmem:s0+$0x5050] =	vst v0  }
0x41: {  	[tilespmem:s0+$0x5060] =	vst v0;
	s0 =	sshra.s32 s2, $0x2;
	s2 =	sadd.s32 $0x200, s2  }
0x42: {  	[tilespmem:s0+$0x5070] =	vst v0  }
0x43: {  	[tilespmem:s0+$0x5000] =	vst v0;
	v1 =	vld [tilespmem:$0x1FD20]  }
0x44: {  	[tilespmem:s0+$0x5010] =	vst v0;
	v24 =	vld [tilespmem:$0x1FD30]  }
0x45: {  	[tilespmem:s0+$0x5020] =	vst v0;
	v25 =	vld [tilespmem:$0x1FD40]  }
0x46: {  	[tilespmem:s0+$0x5030] =	vst v0;
	v26 =	vld [tilespmem:$0x1FD50]  }
0x47: {  	[tilespmem:s0+$0x5040] =	vst v0;
	v27 =	vld [tilespmem:$0x1FD60]  }
0x48: {  	[tilespmem:s0+$0x5050] =	vst v0;
	v28 =	vld [tilespmem:$0x1FD70]  }
0x49: {  	[tilespmem:s0+$0x5060] =	vst v0;
	v29 =	vld [tilespmem:$0x1FD80]  }
0x4a: {  	v30 =	vld [tilespmem:$0x1FD90];
	[tilespmem:v42+s14+$0x0] =	vst.idx.msk $0xffff, v0  }
0x4b: {  	v31 =	vld [tilespmem:$0x1FDA0];
	[tilespmem:v1+s14+$0x0] =	vst.idx.msk $0xffff, v0  }
0x4c: {  	v32 =	vld [tilespmem:$0x1FDB0];
	[tilespmem:v24+s14+$0x0] =	vst.idx.msk $0xffff, v0  }
0x4d: {  	v33 =	vld [tilespmem:$0x1FDC0];
	[tilespmem:v25+s14+$0x0] =	vst.idx.msk $0xffff, v0  }
0x4e: {  	v34 =	vld [tilespmem:$0x1FDD0];
	[tilespmem:v26+s14+$0x0] =	vst.idx.msk $0xffff, v0  }
0x4f: {  	v35 =	vld [tilespmem:$0x1FDE0];
	[tilespmem:v27+s14+$0x0] =	vst.idx.msk $0xffff, v0  }
0x50: {  	v36 =	vld [tilespmem:$0x1FDF0];
	[tilespmem:v28+s14+$0x0] =	vst.idx.msk $0xffff, v0  }
0x51: {  	v37 =	vld [tilespmem:$0x1FE00];
	[tilespmem:v29+s14+$0x0] =	vst.idx.msk $0xffff, v0  }
0x52: {  	v38 =	vld [tilespmem:$0x1FE10];
	[tilespmem:v30+s14+$0x0] =	vst.idx.msk $0xffff, v0  }
0x53: {  	v39 =	vld [tilespmem:$0x1FE20];
	[tilespmem:v31+s14+$0x0] =	vst.idx.msk $0xffff, v0  }
0x54: {  	v40 =	vld [tilespmem:$0x1FE30];
	[tilespmem:v32+s14+$0x0] =	vst.idx.msk $0xffff, v0  }
0x55: {  	v41 =	vld [tilespmem:$0x1FE40];
	[tilespmem:v33+s14+$0x0] =	vst.idx.msk $0xffff, v0  }
0x56: {  	v44 =	vld [tilespmem:$0x1FE50];
	[tilespmem:v34+s14+$0x0] =	vst.idx.msk $0xffff, v0  }
0x57: {  	v45 =	vld [tilespmem:$0x1FE60];
	[tilespmem:v35+s14+$0x0] =	vst.idx.msk $0xffff, v0  }
0x58: {  	v46 =	vld [tilespmem:$0x1FE70];
	[tilespmem:v36+s14+$0x0] =	vst.idx.msk $0xffff, v0  }
0x59: {  	v47 =	vld [tilespmem:$0x1FE80];
	[tilespmem:v37+s14+$0x0] =	vst.idx.msk $0xffff, v0  }
0x5a: {  	v48 =	vld [tilespmem:$0x1FE90];
	[tilespmem:v38+s14+$0x0] =	vst.idx.msk $0xffff, v0  }
0x5b: {  	v49 =	vld [tilespmem:$0x1FEA0];
	[tilespmem:v39+s14+$0x0] =	vst.idx.msk $0xffff, v0  }
0x5c: {  	v50 =	vld [tilespmem:$0x1FEB0];
	[tilespmem:v40+s14+$0x0] =	vst.idx.msk $0xffff, v0  }
0x5d: {  	v51 =	vld [tilespmem:$0x1FEC0];
	[tilespmem:v41+s14+$0x0] =	vst.idx.msk $0xffff, v0  }
0x5e: {  	v52 =	vld [tilespmem:$0x1FED0];
	[tilespmem:v44+s14+$0x0] =	vst.idx.msk $0xffff, v0  }
0x5f: {  	v53 =	vld [tilespmem:$0x1FEE0];
	[tilespmem:v45+s14+$0x0] =	vst.idx.msk $0xffff, v0  }
0x60: {  	v54 =	vld [tilespmem:$0x1FEF0];
	[tilespmem:v46+s14+$0x0] =	vst.idx.msk $0xffff, v0  }
0x61: {  	v55 =	vld [tilespmem:$0x1FF00];
	[tilespmem:v47+s14+$0x0] =	vst.idx.msk $0xffff, v0  }
0x62: {  	v56 =	vld [tilespmem:$0x1FF10];
	[tilespmem:v48+s14+$0x0] =	vst.idx.msk $0xffff, v0  }
0x63: {  	v57 =	vld [tilespmem:$0x1FF20];
	[tilespmem:v49+s14+$0x0] =	vst.idx.msk $0xffff, v0  }
0x64: {  	v58 =	vld [tilespmem:$0x1FF30];
	[tilespmem:v50+s14+$0x0] =	vst.idx.msk $0xffff, v0  }
0x65: {  	v59 =	vld [tilespmem:$0x1FF40];
	[tilespmem:v51+s14+$0x0] =	vst.idx.msk $0xffff, v0  }
0x66: {  	v60 =	vld [tilespmem:$0x1FF50];
	[tilespmem:v52+s14+$0x0] =	vst.idx.msk $0xffff, v0  }
0x67: {  	v61 =	vld [tilespmem:$0x1FF60];
	[tilespmem:v53+s14+$0x0] =	vst.idx.msk $0xffff, v0  }
0x68: {  	v62 =	vld [tilespmem:$0x1FF70];
	[tilespmem:v54+s14+$0x0] =	vst.idx.msk $0xffff, v0  }
0x69: {  	v63 =	vld [tilespmem:$0x1FF80];
	[tilespmem:v55+s14+$0x0] =	vst.idx.msk $0xffff, v0  }
0x6a: {  	[tilespmem:v56+s14+$0x0] =	vst.idx.msk $0xffff, v0  }
0x6b: {  	[tilespmem:v57+s14+$0x0] =	vst.idx.msk $0xffff, v0  }
0x6c: {  	[tilespmem:v58+s14+$0x0] =	vst.idx.msk $0xffff, v0  }
0x6d: {  	[tilespmem:v59+s14+$0x0] =	vst.idx.msk $0xffff, v0  }
0x6e: {  	[tilespmem:v60+s14+$0x0] =	vst.idx.msk $0xffff, v0  }
0x6f: {  	[tilespmem:v61+s14+$0x0] =	vst.idx.msk $0xffff, v0  }
0x70: {  	[tilespmem:v62+s14+$0x0] =	vst.idx.msk $0xffff, v0  }
0x71: {  	[tilespmem:v63+s14+$0x0] =	vst.idx.msk $0xffff, v0  }
0x72: {  	[spmem:s18] =	stream.linear.scatter [tilespmem:s15], [sflag:$0x5], $0x2800, $0x38;
	[tilespmem:$0x1CF48] =	vst v63  }
0x73: {  	_ =	swait.ge [sflag:s16], $0x2800  }
0x74: {  	[sflag:s16] =	ssyncset.done $0x0  }
0x75: {  	[sflag:s16] =	ssyncadd.s32 $0xFFFFD800  }
0x76: {  	[spmem:s26] =	stream.linear.scatter [tilespmem:s14], [sflag:$0x5], $0x280, $0x38;
	[tilespmem:$0x1CF48] =	vst v63  }
0x77: {  	_ =	swait.ge [sflag:s16], $0x280  }
0x78: {  	[sflag:s16] =	ssyncset.done $0x0  }
0x79: {  	s13 =	rddreg [dreg:$0x7];
	[sflag:s16] =	ssyncadd.s32 $0xFFFFFD80  }
0x7a: {  	[spmem:s13] =	stream.linear.scatter [tilespmem:s15], [sflag:$0x5], $0x2800, $0x38;
	[tilespmem:$0x1CF48] =	vst v63  }
0x7b: {  	_ =	swait.ge [sflag:s16], $0x2800  }
0x7c: {  	[sflag:s16] =	ssyncset.done $0x0  }
0x7d: {  	s17 =	rddreg [dreg:$0x8];
	[sflag:s16] =	ssyncadd.s32 $0xFFFFD800  }
0x7e: {  	[spmem:s17] =	stream.linear.scatter [tilespmem:s14], [sflag:$0x5], $0x280, $0x38;
	[tilespmem:$0x1CF48] =	vst v63  }
0x7f: {  	_ =	swait.ge [sflag:s16], $0x280  }
0x80: {  	[sflag:s16] =	ssyncset.done $0x0  }
0x81: {  	s18 =	rddreg [dreg:$0x9];
	[sflag:s16] =	ssyncadd.s32 $0xFFFFFD80  }
0x82: {  	[spmem:s18] =	stream.linear.scatter [tilespmem:s15], [sflag:$0x5], $0x2800, $0x38;
	[tilespmem:$0x1CF48] =	vst v63  }
0x83: {  	_ =	swait.ge [sflag:s16], $0x2800  }
0x84: {  	[sflag:s16] =	ssyncset.done $0x0  }
0x85: {  	s26 =	rddreg [dreg:$0xa];
	[sflag:s16] =	ssyncadd.s32 $0xFFFFD800  }
0x86: {  	[spmem:s26] =	stream.linear.scatter [tilespmem:s14], [sflag:$0x5], $0x280, $0x38;
	[tilespmem:$0x1CF48] =	vst v63  }
0x87: {  	_ =	swait.ge [sflag:s16], $0x280  }
0x88: {  	[sflag:s16] =	ssyncset.done $0x0  }
0x89: {  	s29 =	rddreg [dreg:$0xb];
	[sflag:s16] =	ssyncadd.s32 $0xFFFFFD80  }
0x8a: {  	[spmem:s29] =	stream.linear.scatter [tilespmem:s15], [sflag:$0x5], $0x2800, $0x38;
	[tilespmem:$0x1CF48] =	vst v63  }
0x8b: {  	_ =	swait.ge [sflag:s16], $0x2800  }
0x8c: {  	[sflag:s16] =	ssyncset.done $0x0  }
0x8d: {  	s30 =	rddreg [dreg:$0xc];
	[sflag:s16] =	ssyncadd.s32 $0xFFFFD800  }
0x8e: {  	[spmem:s30] =	stream.linear.scatter [tilespmem:s14], [sflag:$0x5], $0x280, $0x38;
	[tilespmem:$0x1CF48] =	vst v63  }
0x8f: {  	_ =	swait.ge [sflag:s16], $0x280  }
0x90: {  	[sflag:s16] =	ssyncset.done $0x0  }
0x91: {  	s31 =	rddreg [dreg:$0xd];
	[sflag:s16] =	ssyncadd.s32 $0xFFFFFD80  }
0x92: {  	[spmem:s31] =	stream.linear.scatter [tilespmem:s15], [sflag:$0x5], $0x2800, $0x38;
	[tilespmem:$0x1CF48] =	vst v63  }
0x93: {  	_ =	swait.ge [sflag:s16], $0x2800  }
0x94: {  	[sflag:s16] =	ssyncset.done $0x0  }
0x95: {  	s2 =	rddreg [dreg:$0xe];
	[sflag:s16] =	ssyncadd.s32 $0xFFFFD800  }
0x96: {  	[spmem:s2] =	stream.linear.scatter [tilespmem:s14], [sflag:$0x5], $0x280, $0x38;
	[tilespmem:$0x1CF48] =	vst v63  }
0x97: {  	_ =	swait.ge [sflag:s16], $0x280  }
0x98: {  	[sflag:s16] =	ssyncset.done $0x0  }
0x99: {  	s11 =	rddreg [dreg:$0xf];
	[sflag:s16] =	ssyncadd.s32 $0xFFFFFD80  }
0x9a: {  	[spmem:s11] =	stream.linear.scatter [tilespmem:s15], [sflag:$0x5], $0x2800, $0x38;
	[tilespmem:$0x1CF48] =	vst v63  }
0x9b: {  	_ =	swait.ge [sflag:s16], $0x2800  }
0x9c: {  	[sflag:s16] =	ssyncset.done $0x0  }
0x9d: {  	s12 =	rddreg [dreg:$0x10];
	[sflag:s16] =	ssyncadd.s32 $0xFFFFD800  }
0x9e: {  	[spmem:s12] =	stream.linear.scatter [tilespmem:s14], [sflag:$0x5], $0x280, $0x38;
	[tilespmem:$0x1CF48] =	vst v63  }
0x9f: {  	_ =	swait.ge [sflag:s16], $0x280  }
0xa0: {  	[sflag:s16] =	ssyncset.done $0x0  }
0xa1: {  	s13 =	rddreg [dreg:$0x11];
	[sflag:s16] =	ssyncadd.s32 $0xFFFFFD80  }
0xa2: {  	[spmem:s13] =	stream.linear.scatter [tilespmem:s15], [sflag:$0x5], $0x2800, $0x38;
	[tilespmem:$0x1CF48] =	vst v63  }
0xa3: {  	_ =	swait.ge [sflag:s16], $0x2800  }
0xa4: {  	[sflag:s16] =	ssyncset.done $0x0  }
0xa5: {  	s17 =	rddreg [dreg:$0x12];
	[sflag:s16] =	ssyncadd.s32 $0xFFFFD800  }
0xa6: {  	[spmem:s17] =	stream.linear.scatter [tilespmem:s14], [sflag:$0x5], $0x280, $0x38;
	[tilespmem:$0x1CF48] =	vst v63  }
0xa7: {  	_ =	swait.ge [sflag:s16], $0x280  }
0xa8: {  	[sflag:s16] =	ssyncset.done $0x0  }
0xa9: {  	s18 =	rddreg [dreg:$0x13];
	[sflag:s16] =	ssyncadd.s32 $0xFFFFFD80  }
0xaa: {  	[spmem:s18] =	stream.linear.scatter [tilespmem:s15], [sflag:$0x5], $0x2080, $0x38;
	[tilespmem:$0x1CF48] =	vst v63  }
0xab: {  	_ =	swait.ge [sflag:s16], $0x2080  }
0xac: {  	[sflag:s16] =	ssyncset.done $0x0  }
0xad: {  	s26 =	rddreg [dreg:$0x14];
	[sflag:s16] =	ssyncadd.s32 $0xFFFFDF80  }
0xae: {  	[spmem:s26] =	stream.linear.scatter [tilespmem:s14], [sflag:$0x5], $0x208, $0x38;
	[tilespmem:$0x1CF48] =	vst v63  }
0xaf: {  	_ =	swait.ge [sflag:s16], $0x208  }
0xb0: {  	s28 =	simm.s32 $0x0;
	[sflag:s16] =	ssyncset.done $0x0  }
0xb1: {  	s2 =	simm.s32 $0x8200;
	s29 =	rddreg [dreg:$0x15];
	[sflag:s16] =	ssyncadd.s32 $0xFFFFFDF8  }
0xb2: {  	[tilespmem:s2], [sflag:$0x5] =	stream.linear.gather [hbm4b:s29+s28], $0x50, $0x38;
	[tilespmem:$0x1CF48] =	vst v63  }
0xb3: {  	_ =	swait.ge [sflag:s16], $0x50  }
0xb4: {  	[sflag:s16] =	ssyncset.done $0x0  }
0xb5: {  	s11 =	simm.s32 $0x82A0;
	s30 =	rddreg [dreg:$0x16];
	[sflag:s16] =	ssyncadd.s32 $0xFFFFFFB0  }
0xb6: {  	[tilespmem:s11], [sflag:$0x5] =	stream.linear.gather [hbm4b:s30+s28], $0x50, $0x38;
	[tilespmem:$0x1CF48] =	vst v63  }
0xb7: {  	_ =	swait.ge [sflag:s16], $0x50  }
0xb8: {  	[sflag:s16] =	ssyncset.done $0x0  }
0xb9: {  	s31 =	rddreg [dreg:$0x1a];
	[sflag:s16] =	ssyncadd.s32 $0xFFFFFFB0  }
0xba: {  	[tilespmem:s19], [sflag:$0x5] =	stream.linear.gather [hbm4b:s31+s28], $0x280, $0x38;
	[tilespmem:$0x1CF48] =	vst v63  }
0xbb: {  	_ =	swait.ge [sflag:s16], $0x280  }
0xbc: {  	[sflag:s16] =	ssyncset.done $0x0  }
0xbd: {  	[sflag:s16] =	ssyncadd.s32 $0xFFFFFD80  }
0xbe: {  	[tilespmem:s28], [sflag:$0x1] =	stream.indirect.gather [hbm4b:s1+s20], $0x80, s11, s20, $0xb8;
	[tilespmem:$0x1CF48] =	vst v63  }
0xbf: {  	_ = 	snop  }
0xc0: {  	[tilespmem:s21], [sflag:$0x1] =	stream.indirect.gather [hbm4b:s6+s20], $0x80, s2, s20, $0xb8;
	[tilespmem:$0x1CF48] =	vst v63  }
0xc1: {  	[bflag:$0x0] =	sbarrier.arrive $0xFFFF  }
.LBB2_4:
0xc2: {  	_ =	swait.ge [sflag:s22], $0x2800  }
0xc3: {  	[sflag:s22] =	ssyncset.done $0x0  }
0xc4: {  	[sflag:s22] =	ssyncadd.s32 $0xFFFFD800  }
0xc5: {  	_ =	swait.ge [sflag:s22], $0x2800  }
0xc6: {  	p0 =	seq.s32 s28, $0x0;
	[sflag:s22] =	ssyncset.done $0x0  }
0xc7: {  	s0 =	simm.s32 @!p0 $0x4;
	[sflag:s22] =	ssyncadd.s32 $0xFFFFD800  }
0xc8: {  	_ =	swait.ge @!p0 [sflag:s0], $0x2800  }
0xc9: {  	[sflag:s0] =	ssyncset.done @!p0 $0x0  }
0xca: {  	s17 =	sand.u32 $0x1, s28;
	[sflag:s0] =	ssyncadd.s32 @!p0 $0xFFFFD800  }
0xcb: {  	s29 =	smul.u32 $0x50, s17;
	_ =	swait.ge @!p0 [sflag:s0], $0x280  }
0xcc: {  	[sflag:s0] =	ssyncset.done @!p0 $0x0  }
0xcd: {  	s31 =	simm.s32 $0x100;
	s18 =	sor.u32 $0x8200, s29;
	[sflag:s0] =	ssyncadd.s32 @!p0 $0xFFFFFD80  }
0xce: {  	v0 =	vld [tilespmem:$0x1FF90];
	[tilespmem:s15], [sflag:$0x2] =	stream.indirect.gather [hbm4b:s7+s20], $0x80, s18, s20, $0xb8  }
0xcf: {  	s18 =	simm.s32 $0x2900;
	v2 =	vld [tilespmem:s31+$0x0]  }
0xd0: {  	v3 =	vld [tilespmem:s18+$0x60]  }
0xd1: {  	v4 =	vld [tilespmem:s18+$0x50]  }
0xd2: {  	v5 =	vld [tilespmem:s31+$0x50]  }
0xd3: {  	v6 =	vld [tilespmem:s18+$0x30]  }
0xd4: {  	v7 =	vld [tilespmem:s31+$0x30]  }
0xd5: {  	v8 =	vld [tilespmem:s18+$0x20]  }
0xd6: {  	v9 =	vld [tilespmem:s31+$0x20]  }
0xd7: {  	v10 =	vld [tilespmem:s18+$0x10]  }
0xd8: {  	v11 =	vld [tilespmem:s31+$0x10]  }
0xd9: {  	v12 =	vld [tilespmem:s18+$0x0]  }
0xda: {  	v13 =	vld [tilespmem:s18+$0xFFFFFF10]  }
0xdb: {  	v14 =	vld [tilespmem:s31+$0xFFFFFF10]  }
0xdc: {  	v15 =	vld [tilespmem:s18+$0xFFFFFF00]  }
0xdd: {  	v17 =	vld [tilespmem:s18+$0x40]  }
0xde: {  	v18 =	vld [tilespmem:s31+$0x40]  }
0xdf: {  	v16 =	vld [tilespmem:s31+$0xFFFFFF00]  }
0xe0: {  	v19 =	vld [tilespmem:s18+$0xFFFFFF20];
	v2 =	vmul.f32 v12, v2  }
0xe1: {  	v20 =	vld [tilespmem:s31+$0xFFFFFF20];
	v6 =	vmul.f32 v6, v7  }
0xe2: {  	v21 =	vld [tilespmem:s31+$0x60];
	v8 =	vmul.f32 v8, v9;
	(xrf2) =	vadd.scan.msk.f32 $0xffff, v2  }
0xe3: {  	v7 =	vld [tilespmem:s18+$0xFFFFFF30];
	v9 =	vmul.f32 v17, v18;
	(xrf2) =	vadd.scan.msk.f32 $0xffff, v6  }
0xe4: {  	v10 =	vmul.f32 v10, v11;
	v6 =	vld [tilespmem:s18+$0x70];
	(xrf2) =	vadd.scan.msk.f32 $0xffff, v8  }
0xe5: {  	(xrf2) =	vadd.scan.msk.f32 $0xffff, v9;
	v9 =	vld [tilespmem:s18+$0x80]  }
0xe6: {  	(xrf2) =	vadd.scan.msk.f32 $0xffff, v10;
	v10 =	vld [tilespmem:s31+$0x80]  }
0xe7: {  	v4 =	vmul.f32 v4, v5;
	v8 =	vld [tilespmem:s31+$0x70]  }
0xe8: {  	v11 =	vmul.f32 v13, v14;
	v2 =	vld [tilespmem:s31+$0xFFFFFF30]  }
0xe9: {  	v22 =	vld [tilespmem:s18+$0xA0];
	v3 =	vmul.f32 v3, v21;
	(xrf2) =	vadd.scan.msk.f32 $0xffff, v4  }
0xea: {  	v62 =	vld [tilespmem:s18+$0xFFFFFF60];
	(xrf2) =	vadd.scan.msk.f32 $0xffff, v11;
	v11 =	vmov s17  }
0xeb: {  	v24 =	vld [tilespmem:s31+$0xFFFFFF60];
	(xrf2) =	vadd.scan.msk.f32 $0xffff, v3;
	v3 =	vmul.f32 v9, v10;
	v9 =	vmul.u32 $0x280, v11  }
0xec: {  	v5 =	vld [tilespmem:s18+$0x90];
	v6 =	vmul.f32 v6, v8  }
0xed: {  	v13 =	vld [tilespmem:s31+$0x90];
	v2 =	vmul.f32 v7, v2;
	v7 =	vmul.f32 v19, v20;
	v11, _, _ =	vpop (xrf2)  }
0xee: {  	v12 =	vld [tilespmem:s31+$0xA0];
	(xrf2) =	vadd.scan.msk.f32 $0xffff, v6;
	v14, _, _ =	vpop (xrf2)  }
0xef: {  	v17 =	vld [tilespmem:s31+$0xFFFFFF40];
	(xrf2) =	vadd.scan.msk.f32 $0xffff, v3;
	v3 =	vbroadcast v9, $0x0;
	v9, _, _ =	vpop (xrf2)  }
0xf0: {  	v6 =	vld [tilespmem:s18+$0xFFFFFF40];
	(xrf2) =	vadd.scan.msk.f32 $0xffff, v2;
	v19, _, _ =	vpop (xrf2)  }
0xf1: {  	s26 =	simm.s32 $0x0;
	v46 =	vmul.f32 v15, v16;
	v4 =	vld [tilespmem:s18+$0xB0];
	(xrf2) =	vadd.scan.msk.f32 $0xffff, v7;
	v7, _, _ =	vpop (xrf2)  }
0xf2: {  	v23 =	vmul.f32 v5, v13;
	v8 =	vld [tilespmem:s31+$0xB0];
	v2 =	vmov s26;
	v7 =	vbroadcast v7, $0xF  }
0xf3: {  	v18 =	vld [tilespmem:s18+$0xFFFFFF50];
	v11 =	vbroadcast v11, $0xF;
	v0 =	vor.u32 v0, v3;
	vm2 =	veq.s32 v2, v42  }
0xf4: {  	v15 =	vld [tilespmem:s18+$0xC0];
	v1 =	vor.u32 v42, v3;
	v9 =	vbroadcast v9, $0xF;
	vm1 =	vmand vm2, vm1  }
0xf5: {  	v16 =	vld [tilespmem:s31+$0xC0];
	v19 =	vbroadcast v19, $0xF;
	v13 =	vmul.f32 v6, v17;
	v61 =	vsel vm1, $0xFFFFFFFF, v43;
	v2, _, _ =	vpop (xrf2)  }
0xf6: {  	v20 =	vld [tilespmem:s31+$0xFFFFFF50];
	v21 =	vshll.u32 v61, $0x3;
	v5 =	vsel vm0, v11, v7;
	v11 =	vbroadcast v14, $0xF;
	v7, _, _ =	vpop (xrf2)  }
0xf7: {  	v10 =	vld [tilespmem:s18+$0xE0];
	v14 =	vadd.s32 s26, v21;
	v9 =	vsel vm3, v5, v9;
	v5 =	vmul.f32 v4, v8;
	v4, _, _ =	vpop (xrf2)  }
0xf8: {  	v8 =	vld [tilespmem:s31+$0xE0];
	v6 =	vadd.s32 v42, v14;
	v63 =	vsel vm4, v9, v11;
	v3 =	vbroadcast v4, $0xF;
	v4, _, _ =	vpop (xrf2)  }
0xf9: {  	v45 =	vand.u32 $0xFFFFFFF8, v6;
	v6 =	vbroadcast v4, $0xF;
	v4 =	vsel vm5, v63, v19;
	v19 =	vld [tilespmem:$0x1FFA0]  }
0xfa: {  	v12 =	vmul.f32 v22, v12  }
0xfb: {  	v17 =	vld [tilespmem:s18+$0xFFFFFF70]  }
0xfc: {  	v14 =	vmul.f32 v18, v20;
	v18 =	vld [tilespmem:s31+$0xFFFFFF70];
	(xrf2) =	vadd.scan.msk.f32 $0xffff, v12;
	v20, _, _ =	vpop (xrf2)  }
0xfd: {  	s13 =	simm.s32 $0x10;
	s11 =	simm.s32 $0x0;
	s12 =	simm.s32 $0x2B00;
	v11 =	vld [tilespmem:s18+$0xD0];
	v12 =	vmul.f32 v15, v16;
	v16 =	vmul.f32 v62, v24;
	(xrf2) =	vadd.scan.msk.f32 $0xffff, v23;
	v9, _, _ =	vpop (xrf2)  }
0xfe: {  	s2 =	simm.s32 $0x100;
	s30 =	sxor.u32 $0x1, s17;
	s0 =	simm.s32 $0x10;
	v15 =	vld [tilespmem:s31+$0xD0];
	(xrf2) =	vadd.scan.msk.f32 $0xffff, v14;
	v14 =	vmul.f32 v10, v8;
	v8 =	vbroadcast v20, $0xF;
	v10, _, _ =	vpop (xrf2);
	vm6 =	vnez.u8 v19  }
.LBB2_5:
0xff: {  	_ =	sdelay $0x3  }
0x100: {  	(xrf2) =	vadd.scan.msk.f32 $0xffff, v13;
	_ =	sdelay $0x1  }
0x101: {  	v17 =	vmul.f32 v17, v18  }
0x102: {  	v13, _, _ =	vpop (xrf2);
	(xrf2) =	vadd.scan.msk.f32 $0xffff, v16  }
0x103: {  	v20 =	vld [tilespmem:s2+$0xFFFFFF80];
	v16, _, _ =	vpop (xrf2);
	(xrf2) =	vadd.scan.msk.f32 $0xffff, v17  }
0x104: {  	v18 =	vld [tilespmem:s18+$0xFFFFFF80]  }
0x105: {  	v44 =	vld [tilespmem:s2+$0xFFFFFF90]  }
0x106: {  	v17 =	vld [tilespmem:s18+$0xFFFFFF90];
	_ =	sdelay $0x1  }
0x107: {  	v19, _, _ =	vpop (xrf2);
	(xrf2) =	vadd.scan.msk.f32 $0xffff, v14  }
0x108: {  	v18 =	vmul.f32 v18, v20;
	v22, _, _ =	vpop (xrf2);
	(xrf2) =	vadd.scan.msk.f32 $0xffff, v12;
	_ =	sdelay $0x1  }
0x109: {  	v14 =	vld [tilespmem:s18+$0xFFFFFFA0];
	v12 =	vmul.f32 v17, v44  }
0x10a: {  	v20 =	vld [tilespmem:s2+$0xFFFFFFA0];
	v17, _, _ =	vpop (xrf2);
	(xrf2) =	vadd.scan.msk.f32 $0xffff, v18  }
0x10b: {  	v18, _, _ =	vpop (xrf2);
	(xrf2) =	vadd.scan.msk.f32 $0xffff, v12;
	_ =	sdelay $0x1  }
0x10c: {  	s13 =	sadd.s32 $0x20, s13  }
0x10d: {  	v47 =	vld [tilespmem:s2+$0xFFFFFFB0];
	s26 =	sadd.s32 $0xFFFFFFF0, s13;
	v15 =	vmul.f32 v11, v15  }
0x10e: {  	v23 =	vld [tilespmem:s18+$0xF0];
	v11 =	vmov s26;
	v14 =	vmul.f32 v14, v20  }
0x10f: {  	vm2 =	vmmov vm0;
	vm0 =	veq.s32 v11, v42;
	v11 =	vld [tilespmem:$0x1FFE0];
	v20, _, _ =	vpop (xrf2);
	(xrf2) =	vadd.scan.msk.f32 $0xffff, v15  }
0x110: {  	v51 =	vld [tilespmem:$0x1FFF0];
	v24, _, _ =	vpop (xrf2);
	(xrf2) =	vadd.scan.msk.f32 $0xffff, v14  }
0x111: {  	v48 =	vld [tilespmem:s18+$0xFFFFFFF0]  }
0x112: {  	v2 =	vbroadcast v2, $0xF;
	v15 =	vld [tilespmem:s2+$0xF0]  }
0x113: {  	v27 =	vld [tilespmem:s2+$0xFFFFFFF0];
	v14, _, _ =	vpop (xrf2);
	(xrf2) =	vadd.scan.msk.f32 $0xffff, v5  }
0x114: {  	v25 =	vld [tilespmem:s18+$0xFFFFFFC0];
	v2 =	vsel vm6, v4, v2;
	vm1 =	vnez.u8 v11;
	v4, _, _ =	vpop (xrf2);
	(xrf2) =	vadd.scan.msk.f32 $0xffff, v46  }
0x115: {  	v26 =	vld [tilespmem:s2+$0xFFFFFFC0];
	vm0 =	vmand vm0, vm1;
	vm1 =	vnez.u8 v51  }
0x116: {  	v50 =	vld [tilespmem:s18+$0xFFFFFFD0];
	v11 =	vsel vm0, $0xFFFFFFFF, v43;
	v2 =	vsel vm1, v2, v3  }
0x117: {  	v21 =	vshll.u32 v11, $0x3;
	v11 =	vbroadcast v9, $0xF;
	v12 =	vld [tilespmem:s18+$0xFFFFFFB0];
	v15 =	vmul.f32 v23, v15  }
0x118: {  	v52 =	vld [tilespmem:s2+$0xFFFFFFE0];
	v2 =	vsel vm8, v2, v6;
	v9 =	vadd.s32 s26, v21;
	v21 =	vmul.f32 v48, v27  }
0x119: {  	v3 =	vld [tilespmem:s2+$0xFFFFFFD0];
	v2 =	vsel vm9, v2, v8;
	v8 =	vbroadcast v13, $0xF;
	v13, _, _ =	vpop (xrf2);
	(xrf2) =	vadd.scan.msk.f32 $0xffff, v15  }
0x11a: {  	v53 =	vld [tilespmem:s12+$0x60];
	v28 =	vbroadcast v16, $0xF;
	v16, _, _ =	vpop (xrf2);
	(xrf2) =	vadd.scan.msk.f32 $0xffff, v21  }
0x11b: {  	v6 =	vld [tilespmem:s18+$0xFFFFFFE0]  }
0x11c: {  	v55 =	vld [tilespmem:s12+$0x30];
	v29 =	vadd.s32 s0, v1;
	v12 =	vmul.f32 v12, v47  }
0x11d: {  	s31 =	sadd.s32 $0x200, s31;
	v10 =	vbroadcast v10, $0xF;
	v7 =	vbroadcast v7, $0xF;
	v60 =	vld [tilespmem:s12+$0x0];
	v57, _, _ =	vpop (xrf2)  }
0x11e: {  	v31 =	vld [tilespmem:s31+$0x10];
	v49 =	vmul.f32 v25, v26;
	v3 =	vmul.f32 v50, v3;
	(xrf2) =	vadd.scan.msk.f32 $0xffff, v12;
	v59, _, _ =	vpop (xrf2)  }
0x11f: {  	v2 =	vsel vm10, v2, v28;
	v12 =	vld [tilespmem:s12+$0x10];
	v25 =	vbroadcast v57, $0xF;
	v28 =	vbroadcast v59, $0xF  }
0x120: {  	v2 =	vsel vm11, v2, v8;
	v6 =	vmul.f32 v6, v52;
	v8 =	vbroadcast v24, $0xF;
	v5 =	vld [tilespmem:s31+$0x0]  }
0x121: {  	v13 =	vbroadcast v13, $0xF;
	(xrf2) =	vadd.scan.msk.f32 $0xffff, v3;
	v2 =	vsel vm12, v2, v25;
	v3 =	vsel vm2, v28, v7;
	v7 =	vld.idx.msk [tilespmem:v29+s19+$0x0], $0xffff  }
0x122: {  	v58 =	vld [tilespmem:s12+$0x20];
	v19 =	vbroadcast v19, $0xF;
	v20 =	vbroadcast v20, $0xF;
	v2 =	vsel vm13, v2, v8  }
0x123: {  	v22 =	vbroadcast v22, $0xF;
	v61, _, _ =	vpop (xrf2);
	(xrf2) =	vadd.scan.msk.f32 $0xffff, v6;
	v6 =	vld [tilespmem:s12+$0xFFFFFF00];
	v3 =	vsel vm3, v3, v10;
	v2 =	vsel vm14, v2, v13  }
0x124: {  	v10 =	vmul.f32 v12, v31;
	v12 =	vld [tilespmem:s31+$0xFFFFFF00];
	v3 =	vsel vm4, v3, v11;
	v2 =	vsel vm15, v2, v20;
	v11, _, _ =	vpop (xrf2);
	(xrf2) =	vadd.scan.msk.f32 $0xffff, v49  }
0x125: {  	v62 =	vld [tilespmem:s12+$0xFFFFFF10];
	v9 =	vadd.s32 v42, v9;
	v17 =	vbroadcast v17, $0xF;
	v2 =	vsel vm7, v2, v61  }
0x126: {  	v56 =	vld [tilespmem:s31+$0x30];
	v5 =	vmul.f32 v60, v5;
	v3 =	vsel vm5, v3, v22;
	v2 =	vadd.f32 v2, v7  }
0x127: {  	v30 =	vld [tilespmem:s31+$0x20];
	v9 =	vand.u32 $0xFFFFFFF8, v9;
	v3 =	vsel vm6, v3, v19  }
0x128: {  	v18 =	vbroadcast v18, $0xF;
	v13 =	vld [tilespmem:s12+$0x40];
	v3 =	vsel vm1, v3, v17;
	v7, _, _ =	vpop (xrf2);
	(xrf2) =	vadd.scan.msk.f32 $0xffff, v5;
	v2 =	vmul.f32 $1.442695020e+00, v2  }
0x129: {  	v17 =	vld [tilespmem:s31+$0x40];
	v46 =	vmul.f32 v6, v12;
	v6 =	vadd.s32 v0, v45;
	v45 =	vmovc v9;
	v9 =	vbroadcast v14, $0xF  }
0x12a: {  	v54 =	vld [tilespmem:s31+$0x50];
	v4 =	vbroadcast v4, $0xF;
	v3 =	vsel vm8, v3, v18;
	(erf) = vpow2.f32 v2  }
0x12b: {  	v15 =	vld [tilespmem:s12+$0x50];
	v21 =	vmul.f32 v55, v56;
	v16 =	vbroadcast v16, $0xF;
	v3 =	vsel vm9, v3, v9  }
0x12c: {  	v8 =	vld [tilespmem:s31+$0xFFFFFF10];
	v12, _, _ =	vpop (xrf2);
	v3 =	vsel vm10, v3, v4;
	v4 =	vbroadcast v7, $0xF  }
0x12d: {  	v26 =	vmul.f32 v58, v30;
	v19 =	vld [tilespmem:s31+$0xFFFFFF20];
	(xrf2) =	vadd.scan.msk.f32 $0xffff, v21;
	v9 =	vbroadcast v12, $0xF;
	v12, _, _ =	vpop (xrf2);
	v3 =	vsel vm11, v3, v16  }
0x12e: {  	v18 =	vld [tilespmem:s12+$0xFFFFFF20];
	v2 =	vmul.f32 v13, v17;
	v3 =	vsel vm12, v3, v4;
	v4 =	vbroadcast v12, $0xF;
	v12, _, _ =	vpop (xrf2)  }
0x12f: {  	v5 =	vld [tilespmem:s31+$0x60];
	v12 =	vbroadcast v12, $0xF  }
0x130: {  	(xrf2) =	vadd.scan.msk.f32 $0xffff, v26;
	v7 =	vld.idx.msk [tilespmem:v6+s19+$0x0], $0xffff  }
0x131: {  	v13 =	vld [tilespmem:s12+$0xA0];
	(xrf2) =	vadd.scan.msk.f32 $0xffff, v2;
	v3 =	vsel vm13, v3, v12  }
0x132: {  	v17 =	vld [tilespmem:s31+$0xA0];
	v2, _, _ =	vpop (xrf2);
	v3 =	vsel vm14, v3, v9  }
0x133: {  	v16 =	vld [tilespmem:s12+$0xFFFFFF30];
	(xrf2) =	vadd.scan.msk.f32 $0xffff, v10;
	v3 =	vsel vm15, v3, v4;
	v9 =	vpop (erf)  }
0x134: {  	v14 =	vmul.f32 v18, v19;
	v18 =	vld [tilespmem:s31+$0xFFFFFF30];
	v3 =	vsel vm7, v3, v11;
	[tilespmem:v29+s14+$0x0] =	vst.idx.msk $0xffff, v9  }
0x135: {  	v15 =	vmul.f32 v15, v54;
	v3 =	vadd.f32 v3, v7;
	v9 =	vld [tilespmem:s12+$0x70]  }
0x136: {  	v11 =	vld [tilespmem:s12+$0x80]  }
0x137: {  	v8 =	vmul.f32 v62, v8;
	v4, _, _ =	vpop (xrf2);
	(xrf2) =	vadd.scan.msk.f32 $0xffff, v15;
	v15 =	vld [tilespmem:s31+$0x80];
	v3 =	vmul.f32 $1.442695020e+00, v3  }
0x138: {  	v7 =	vld [tilespmem:s31+$0x70]  }
0x139: {  	v5 =	vmul.f32 v53, v5;
	(erf) = vpow2.f32 v3  }
0x13a: {  	v10 =	vmul.f32 v16, v18;
	v12, _, _ =	vpop (xrf2);
	(xrf2) =	vadd.scan.msk.f32 $0xffff, v8;
	v16 =	vld [tilespmem:s12+$0x90]  }
0x13b: {  	v8, _, _ =	vpop (xrf2);
	(xrf2) =	vadd.scan.msk.f32 $0xffff, v5;
	v3 =	vld [tilespmem:s31+$0x90]  }
0x13c: {  	v2 =	vbroadcast v2, $0xF;
	v5 =	vmul.f32 v11, v15;
	v11 =	vld [tilespmem:s12+$0xB0]  }
0x13d: {  	v7 =	vmul.f32 v9, v7;
	v9 =	vbroadcast v12, $0xF;
	v15 =	vld [tilespmem:s31+$0xB0];
	v12, _, _ =	vpop (xrf2)  }
0x13e: {  	v12 =	vbroadcast v12, $0xF;
	_ =	sdelay $0x1  }
0x13f: {  	v4 =	vbroadcast v4, $0xF;
	v16 =	vmul.f32 v16, v3;
	v3 =	vsel vm2, v2, v12  }
0x140: {  	v63 =	vld [tilespmem:s31+$0xE0];
	(xrf2) =	vadd.scan.msk.f32 $0xffff, v7;
	v12 =	vbroadcast v8, $0xF;
	v2, _, _ =	vpop (xrf2);
	v3 =	vsel vm3, v3, v9  }
0x141: {  	(xrf2) =	vadd.scan.msk.f32 $0xffff, v5;
	v5 =	vmul.f32 v11, v15;
	v15 =	vld [tilespmem:s31+$0xC0];
	v3 =	vsel vm4, v3, v4;
	v8 =	vpop (erf)  }
0x142: {  	v4 =	vsel vm5, v3, v12;
	v12 =	vld [tilespmem:s12+$0xC0];
	[tilespmem:v6+s14+$0x0] =	vst.idx.msk $0xffff, v8  }
0x143: {  	v7, _, _ =	vpop (xrf2);
	(xrf2) =	vadd.scan.msk.f32 $0xffff, v10;
	v6 =	vld [tilespmem:s12+$0xFFFFFF40]  }
0x144: {  	v3, _, _ =	vpop (xrf2);
	v10 =	vld [tilespmem:s12+$0xFFFFFF50];
	(xrf2) =	vadd.scan.msk.f32 $0xffff, v14  }
0x145: {  	v11 =	vld [tilespmem:s31+$0xFFFFFF50]  }
0x146: {  	v9 =	vld [tilespmem:s31+$0xFFFFFF40]  }
0x147: {  	v18 =	vld [tilespmem:s12+$0xFFFFFF60]  }
0x148: {  	s11 =	sadd.s32 $0x2, s11;
	v19 =	vld [tilespmem:s31+$0xFFFFFF60]  }
0x149: {  	p0 =	slt.u32 s11, $0x26;
	v8 =	vld [tilespmem:s12+$0xE0]  }
.Ltmp1:
0x14a: {  	v13 =	vmul.f32 v13, v17;
	v10 =	vmul.f32 v10, v11;
	(pc) =	sbr.rel @p0 .LBB2_5-.Ltmp1, $4  }
0x14b: {  	v17 =	vld [tilespmem:s12+$0xFFFFFF70];
	v3 =	vbroadcast v3, $0xF;
	v14, _, _ =	vpop (xrf2)  }
0x14c: {  	(xrf2) =	vadd.scan.msk.f32 $0xffff, v13;
	v12 =	vmul.f32 v12, v15;
	v15 =	vld [tilespmem:s31+$0xD0];
	v13 =	vmul.f32 v6, v9;
	v20, _, _ =	vpop (xrf2)  }
0x14d: {  	s0 =	smov.u32 s13;
	v11 =	vld [tilespmem:s12+$0xD0];
	(xrf2) =	vadd.scan.msk.f32 $0xffff, v16;
	v6 =	vbroadcast v14, $0xF;
	v16 =	vmul.f32 v18, v19;
	v9, _, _ =	vpop (xrf2)  }
0x14e: {  	vm0 =	vmmov vm2;
	s18 =	smov.u32 s12;
	s2 =	smov.u32 s31;
	v18 =	vld [tilespmem:s31+$0xFFFFFF70];
	v14 =	vmul.f32 v8, v63;
	s12 =	sadd.s32 $0x200, s12;
	v8 =	vbroadcast v20, $0xF;
	(xrf2) =	vadd.scan.msk.f32 $0xffff, v10;
	v10, _, _ =	vpop (xrf2)  }
0x14f: {  	v19 =	vld [tilespmem:s18+$0xFFFFFF80]  }
0x150: {  	v20 =	vld [tilespmem:s2+$0xFFFFFF80]  }
0x151: {  	v21 =	vld [tilespmem:s18+$0xFFFFFF90]  }
0x152: {  	v22 =	vld [tilespmem:s2+$0xFFFFFF90];
	(xrf2) =	vadd.scan.msk.f32 $0xffff, v13  }
0x153: {  	(xrf2) =	vadd.scan.msk.f32 $0xffff, v16;
	v16 =	vld [tilespmem:s2+$0xFFFFFFA0];
	v13 =	vmul.f32 v17, v18  }
0x154: {  	v17 =	vld [tilespmem:s18+$0xFFFFFFA0]  }
0x155: {  	(xrf2) =	vadd.scan.msk.f32 $0xffff, v13  }
0x156: {  	v13 =	vmul.f32 v19, v20;
	(xrf2) =	vadd.scan.msk.f32 $0xffff, v14  }
0x157: {  	v23 =	vld [tilespmem:s2+$0xFFFFFFD0];
	(xrf2) =	vadd.scan.msk.f32 $0xffff, v12;
	v12 =	vmul.f32 v21, v22  }
0x158: {  	v11 =	vmul.f32 v11, v15;
	v18 =	vld [tilespmem:s2+$0xFFFFFFB0];
	(xrf2) =	vadd.scan.msk.f32 $0xffff, v13  }
0x159: {  	v20 =	vld [tilespmem:s2+$0xFFFFFFF0];
	v15 =	vmul.f32 v17, v16;
	(xrf2) =	vadd.scan.msk.f32 $0xffff, v12  }
0x15a: {  	v13 =	vld [tilespmem:s18+$0xF0];
	v16, _, _ =	vpop (xrf2);
	(xrf2) =	vadd.scan.msk.f32 $0xffff, v11  }
0x15b: {  	v12 =	vld [tilespmem:s2+$0xF0];
	v17, _, _ =	vpop (xrf2);
	(xrf2) =	vadd.scan.msk.f32 $0xffff, v15  }
0x15c: {  	v19, _, _ =	vpop (xrf2);
	v15 =	vld [tilespmem:s18+$0xFFFFFFF0];
	(xrf2) =	vadd.scan.msk.f32 $0xffff, v5  }
0x15d: {  	v14 =	vld [tilespmem:s18+$0xFFFFFFB0];
	v5, _, _ =	vpop (xrf2);
	(xrf2) =	vadd.scan.msk.f32 $0xffff, v46  }
0x15e: {  	v21 =	vld [tilespmem:s18+$0xFFFFFFD0];
	v22, _, _ =	vpop (xrf2)  }
0x15f: {  	v25 =	vld [tilespmem:s18+$0xFFFFFFE0];
	v24, _, _ =	vpop (xrf2)  }
0x160: {  	v27 =	vld [tilespmem:s2+$0xFFFFFFE0];
	v12 =	vmul.f32 v13, v12;
	v26, _, _ =	vpop (xrf2)  }
0x161: {  	v15 =	vmul.f32 v15, v20;
	v28, _, _ =	vpop (xrf2)  }
0x162: {  	v14 =	vmul.f32 v14, v18;
	v13, _, _ =	vpop (xrf2)  }
0x163: {  	(xrf2) =	vadd.scan.msk.f32 $0xffff, v12;
	v20 =	vmul.f32 v21, v23;
	v18, _, _ =	vpop (xrf2)  }
0x164: {  	v12, _, _ =	vpop (xrf2);
	(xrf2) =	vadd.scan.msk.f32 $0xffff, v15  }
0x165: {  	v29 =	vld [tilespmem:s2+$0xFFFFFFC0];
	v21 =	vmul.f32 v25, v27;
	v15, _, _ =	vpop (xrf2);
	(xrf2) =	vadd.scan.msk.f32 $0xffff, v14  }
0x166: {  	v11 =	vld [tilespmem:s18+$0xFFFFFFC0];
	v14, _, _ =	vpop (xrf2);
	(xrf2) =	vadd.scan.msk.f32 $0xffff, v20  }
0x167: {  	v20, _, _ =	vpop (xrf2);
	(xrf2) =	vadd.scan.msk.f32 $0xffff, v21;
	v21 =	vld [tilespmem:$0x1FFF0];
	_ =	sdelay $0x2  }
0x168: {  	v7 =	vbroadcast v7, $0xF;
	v2 =	vbroadcast v2, $0xF  }
0x169: {  	v11 =	vmul.f32 v11, v29;
	v20 =	vbroadcast v20, $0xF  }
0x16a: {  	v10 =	vbroadcast v10, $0xF;
	v2 =	vsel vm6, v4, v2;
	vm1 =	vnez.u8 v21  }
0x16b: {  	v9 =	vbroadcast v9, $0xF;
	(xrf2) =	vadd.scan.msk.f32 $0xffff, v11;
	v2 =	vsel vm1, v2, v3;
	v3 =	vsel vm0, v20, v7  }
0x16c: {  	v5 =	vbroadcast v5, $0xF;
	v3 =	vsel vm3, v3, v10  }
0x16d: {  	v19 =	vbroadcast v19, $0xF;
	v4 =	vbroadcast v24, $0xF;
	v3 =	vsel vm4, v3, v9  }
0x16e: {  	v11 =	vbroadcast v22, $0xF;
	v7 =	vbroadcast v16, $0xF;
	v3 =	vsel vm5, v3, v5  }
0x16f: {  	v2 =	vsel vm8, v2, v6;
	v6 =	vbroadcast v17, $0xF;
	v3 =	vsel vm6, v3, v19  }
0x170: {  	v2 =	vsel vm9, v2, v8;
	v8, _, _ =	vpop (xrf2);
	v3 =	vsel vm1, v3, v11;
	v11 =	vbroadcast v13, $0xF  }
0x171: {  	v9 =	vbroadcast v18, $0xF;
	v2 =	vsel vm10, v2, v6;
	v5, _, _ =	vpop (xrf2);
	v6 =	vadd.s32 s0, v1  }
0x172: {  	v10 =	vadd.s32 v0, v45;
	v2 =	vsel vm11, v2, v7;
	v7, _, _ =	vpop (xrf2)  }
0x173: {  	v12 =	vbroadcast v12, $0xF;
	v15 =	vbroadcast v15, $0xF;
	v3 =	vsel vm8, v3, v4;
	v4, _, _ =	vpop (xrf2)  }
0x174: {  	v14 =	vbroadcast v14, $0xF;
	v16 =	vbroadcast v26, $0xF;
	v3 =	vsel vm9, v3, v11;
	v11, _, _ =	vpop (xrf2)  }
0x175: {  	v13 =	vbroadcast v28, $0xF;
	v7 =	vbroadcast v7, $0xF;
	v3 =	vsel vm10, v3, v9;
	v9, _, _ =	vpop (xrf2)  }
0x176: {  	v2 =	vsel vm12, v2, v14;
	v14 =	vld.idx.msk [tilespmem:v6+s19+$0x0], $0xffff;
	v3 =	vsel vm11, v3, v15;
	v9 =	vbroadcast v9, $0xF  }
0x177: {  	v2 =	vsel vm13, v2, v13;
	v4 =	vbroadcast v4, $0xF;
	v13 =	vld.idx.msk [tilespmem:v10+s19+$0x0], $0xffff;
	v3 =	vsel vm12, v3, v7  }
0x178: {  	v2 =	vsel vm14, v2, v12;
	v7 =	vbroadcast v11, $0xF;
	v3 =	vsel vm13, v3, v9  }
0x179: {  	v2 =	vsel vm15, v2, v16;
	v3 =	vsel vm14, v3, v4  }
0x17a: {  	v2 =	vsel vm7, v2, v8;
	v3 =	vsel vm15, v3, v7  }
0x17b: {  	v2 =	vadd.f32 v2, v14;
	v3 =	vsel vm7, v3, v5  }
0x17c: {  	v3 =	vadd.f32 v3, v13  }
0x17d: {  	v2 =	vmul.f32 $1.442695020e+00, v2  }
0x17e: {  	v3 =	vmul.f32 $1.442695020e+00, v3  }
0x17f: {  	(erf) = vpow2.f32 v2  }
0x180: {  	(erf) = vpow2.f32 v3;
	_ =	sdelay $0x3  }
0x181: {  	s28 =	sadd.s32 $0x1, s28  }
0x182: {  	s18 =	smul.u32 $0x50, s28;
	_ =	sdelay $0x1  }
0x183: {  	s0 =	smin.u32 s18, $0x26C0  }
0x184: {  	s26 =	smul.u32 $0x50, s30;
	s0 =	sadd.s32 s24, s0;
	v2 =	vpop (erf)  }
0x185: {  	s31 =	smul.u32 $0xA00, s30;
	s11 =	sshrl.u32 s0, $0x3;
	[tilespmem:v6+s14+$0x0] =	vst.idx.msk $0xffff, v2;
	v2 =	vpop (erf)  }
0x186: {  	s12 =	sor.u32 $0x8200, s26;
	s18 =	simm.s32 $0x0;
	s13 =	sadd.s32 s8, s11;
	[tilespmem:v10+s14+$0x0] =	vst.idx.msk $0xffff, v2  }
0x187: {  	[tilespmem:s12], [sflag:$0x3] =	stream.linear.gather [hbm4b:s13+s18], $0x50, $0x38;
	[tilespmem:$0x1CF48] =	vst v63  }
0x188: {  	s2 =	sadd.s32 $0x82A0, s26;
	s11 =	sadd.s32 s9, s11;
	s13 =	sshrl.u32 s31, $0x2  }
0x189: {  	[tilespmem:s2], [sflag:$0x3] =	stream.linear.gather [hbm4b:s11+s18], $0x50, $0x38;
	[tilespmem:$0x1CF48] =	vst v63  }
0x18a: {  	s0 =	sadd.s32 s10, s0;
	s11 =	sadd.s32 $0x7D00, s13  }
0x18b: {  	[tilespmem:s11], [sflag:$0x3] =	stream.linear.gather [hbm4b:s0+s18], $0x280, $0x38;
	[tilespmem:$0x1CF48] =	vst v63  }
0x18c: {  	_ =	swait.ge [sflag:s23], $0x2800  }
0x18d: {  	[sflag:s23] =	ssyncset.done $0x0  }
0x18e: {  	[sflag:s23] =	ssyncadd.s32 $0xFFFFD800  }
0x18f: {  	v2 =	vmov s18;
	_ =	swait.ge [sflag:s25], $0x50  }
0x190: {  	vm0 =	veq.s32 v2, v42;
	v2 =	vld [tilespmem:$0x1FFE0];
	_ =	sdelay $0x2  }
0x191: {  	[sflag:s25] =	ssyncset.done $0x0  }
0x192: {  	[sflag:s25] =	ssyncadd.s32 $0xFFFFFFB0  }
0x193: {  	_ =	swait.ge [sflag:s25], $0x50;
	vm3 =	vnez.u8 v2  }
0x194: {  	[sflag:s25] =	ssyncset.done $0x0;
	vm0 =	vmand vm0, vm3  }
0x195: {  	[sflag:s25] =	ssyncadd.s32 $0xFFFFFFB0;
	v2 =	vsel vm0, $0xFFFFFFFF, v43  }
0x196: {  	s26 =	simm.s32 $0x10;
	_ =	swait.ge [sflag:s25], $0x280;
	v2 =	vshll.u32 v2, $0x3  }
0x197: {  	v3 =	vadd.s32 s26, v1;
	[sflag:s25] =	ssyncset.done $0x0;
	v2 =	vadd.s32 s18, v2  }
0x198: {  	[sflag:s25] =	ssyncadd.s32 $0xFFFFFD80;
	v2 =	vadd.s32 v42, v2  }
0x199: {  	[tilespmem:s18], [sflag:$0x1] =	stream.indirect.gather [hbm4b:s1+s20], $0x80, s2, s20, $0xb8;
	v2 =	vand.u32 $0xFFFFFFF8, v2;
	[tilespmem:$0x1CF48] =	vst v63  }
0x19a: {  	v2 =	vadd.s32 v0, v2  }
0x19b: {  	[tilespmem:s21], [sflag:$0x1] =	stream.indirect.gather [hbm4b:s6+s20], $0x80, s12, s20, $0xb8;
	[tilespmem:$0x1CF48] =	vst v63  }
0x19c: {  	s18 =	simm.s32 $0x5100;
	v3 =	vld.idx.msk [tilespmem:v3+s14+$0x0], $0xffff  }
0x19d: {  	v4 =	vld [tilespmem:s18+$0xFFFFFFF0]  }
0x19e: {  	v5 =	vld [tilespmem:s18+$0xFFFFFF00]  }
0x19f: {  	v2 =	vld.idx.msk [tilespmem:v2+s14+$0x0], $0xffff  }
0x1a0: {  	v6 =	vld [tilespmem:s18+$0xFFFFFF10]  }
0x1a1: {  	v7 =	vld [tilespmem:s18+$0xFFFFFF20]  }
0x1a2: {  	v9 =	vld [tilespmem:s18+$0xFFFFFF30]  }
0x1a3: {  	v10 =	vld [tilespmem:s18+$0xFFFFFF40]  }
0x1a4: {  	v12 =	vld [tilespmem:s18+$0xFFFFFF60];
	v11 =	vbroadcast v3, $0x0;
	v8 =	vbroadcast v2, $0xF  }
0x1a5: {  	v16 =	vld [tilespmem:s18+$0xFFFFFF70];
	v13 =	vbroadcast v3, $0x1;
	v14 =	vbroadcast v3, $0x2  }
0x1a6: {  	v19 =	vld [tilespmem:s18+$0xFFFFFF80];
	v15 =	vbroadcast v3, $0x4;
	v4 =	vmul.f32 v4, v8  }
0x1a7: {  	v21 =	vld [tilespmem:s18+$0xFFFFFF90];
	v17 =	vbroadcast v3, $0x5;
	v18 =	vbroadcast v3, $0xB  }
0x1a8: {  	v23 =	vld [tilespmem:s18+$0xFFFFFFA0];
	v35 =	vbroadcast v3, $0x6;
	v20 =	vbroadcast v3, $0x7;
	[tilespmem:s18+$0xFFFFFFF0] =	vst v4  }
0x1a9: {  	v44 =	vbroadcast v3, $0x8;
	v22 =	vbroadcast v2, $0x0;
	v8 =	vld [tilespmem:s18+$0xFFFFFF50];
	[tilespmem:$0x1FD00] =	vst v18  }
0x1aa: {  	v45 =	vbroadcast v3, $0x9;
	v48 =	vbroadcast v3, $0xA;
	v24 =	vld [tilespmem:s18+$0xFFFFFFB0]  }
0x1ab: {  	s30 =	simm.s32 $0x20;
	v49 =	vbroadcast v3, $0xC;
	v5 =	vmul.f32 v22, v5;
	v22 =	vld [tilespmem:s18+$0xFFFFFFC0]  }
0x1ac: {  	v51 =	vmov s30;
	v50 =	vbroadcast v3, $0xD;
	v52 =	vbroadcast v3, $0xE;
	v26 =	vld [tilespmem:s18+$0xFFFFFFD0]  }
0x1ad: {  	vm0 =	veq.s32 v51, v42;
	v51 =	vbroadcast v3, $0xF;
	v25 =	vbroadcast v2, $0x1;
	v30 =	vld [tilespmem:s18+$0xFFFFFFE0]  }
0x1ae: {  	v27 =	vbroadcast v2, $0x2;
	v28 =	vbroadcast v2, $0x3;
	v57 =	vld [tilespmem:s18+$0x0]  }
0x1af: {  	v29 =	vbroadcast v2, $0x5;
	v31 =	vbroadcast v2, $0x6;
	v58 =	vld [tilespmem:s18+$0x10]  }
0x1b0: {  	s31 =	simm.s32 $0x30;
	v53 =	vbroadcast v2, $0x7;
	v54 =	vbroadcast v2, $0x8;
	v60 =	vld [tilespmem:s18+$0x20]  }
0x1b1: {  	v62 =	vadd.s32 s31, v1;
	v55 =	vbroadcast v2, $0x9;
	v56 =	vbroadcast v2, $0xA;
	v63 =	vld [tilespmem:s18+$0x30]  }
0x1b2: {  	v59 =	vbroadcast v2, $0xB;
	v61 =	vbroadcast v2, $0xC;
	v33 =	vld [tilespmem:s18+$0x40]  }
0x1b3: {  	v32 =	vbroadcast v2, $0xD;
	v4 =	vbroadcast v3, $0x3;
	v3 =	vld [tilespmem:s18+$0x50]  }
0x1b4: {  	vm0 =	vmand vm0, vm3;
	v6 =	vmul.f32 v6, v25;
	[tilespmem:s18+$0xFFFFFF00] =	vst v5;
	v5 =	vbroadcast v2, $0x4;
	v25 =	vld [tilespmem:s18+$0x60]  }
0x1b5: {  	v34 =	vsel vm0, $0xFFFFFFFF, v43;
	v7 =	vmul.f32 v7, v27;
	v9 =	vmul.f32 v9, v28;
	v27 =	vld [tilespmem:s18+$0x70]  }
0x1b6: {  	v28 =	vmul.f32 v8, v29;
	v29 =	vld.idx.msk [tilespmem:v62+s14+$0x0], $0xffff;
	v5 =	vmul.f32 v10, v5;
	v10 =	vshll.u32 v34, $0x3  }
0x1b7: {  	v2 =	vbroadcast v2, $0xE;
	v8 =	vadd.s32 s30, v10;
	v10 =	vmul.f32 v16, v53;
	v53 =	vld [tilespmem:s18+$0x80]  }
0x1b8: {  	v16 =	vmul.f32 v19, v54;
	v19 =	vmul.f32 v21, v55;
	v54 =	vld [tilespmem:s18+$0x90]  }
0x1b9: {  	[tilespmem:s18+$0xFFFFFF10] =	vst v6;
	v21 =	vmul.f32 v23, v56;
	v55 =	vld [tilespmem:s18+$0xA0];
	v23 =	vmul.f32 v24, v59  }
0x1ba: {  	[tilespmem:s18+$0xFFFFFF20] =	vst v7;
	v56 =	vld [tilespmem:s18+$0xB0];
	v24 =	vmul.f32 v26, v32;
	v3 =	vmul.f32 v3, v17  }
0x1bb: {  	[tilespmem:s18+$0xFFFFFF30] =	vst v9;
	v8 =	vadd.s32 v42, v8;
	v26 =	vmul.f32 v30, v2;
	v2 =	vmul.f32 v11, v57;
	v57 =	vld [tilespmem:s18+$0xC0]  }
0x1bc: {  	v12 =	vmul.f32 v12, v31;
	v8 =	vand.u32 $0xFFFFFFF8, v8;
	v6 =	vmul.f32 v58, v13;
	v58 =	vld [tilespmem:s18+$0xD0];
	[tilespmem:$0x1FD10] =	vst v3  }
0x1bd: {  	v22 =	vmul.f32 v22, v61;
	v13 =	vmul.f32 v60, v14;
	v8 =	vadd.s32 v0, v8;
	[tilespmem:s18+$0x0] =	vst v2  }
0x1be: {  	v18 =	vmul.f32 v63, v4;
	v15 =	vmul.f32 v33, v15;
	[tilespmem:s18+$0x10] =	vst v6  }
0x1bf: {  	v47 =	vmul.f32 v25, v35;
	v46 =	vmul.f32 v27, v20;
	[tilespmem:s18+$0xFFFFFF40] =	vst v5  }
0x1c0: {  	s0 =	simm.s32 $0x5300;
	v11 =	vbroadcast v29, $0x0;
	v4 =	vbroadcast v29, $0x3;
	v59 =	vld [tilespmem:s18+$0xE0];
	[tilespmem:s18+$0xFFFFFF50] =	vst v28  }
0x1c1: {  	v61 =	vbroadcast v29, $0x5;
	v62 =	vbroadcast v29, $0x6;
	v2 =	vld [tilespmem:s0+$0xFFFFFFF0];
	[tilespmem:s18+$0xFFFFFF60] =	vst v12  }
0x1c2: {  	v60 =	vbroadcast v29, $0x7;
	v9 =	vbroadcast v29, $0xA;
	[tilespmem:s18+$0xFFFFFF70] =	vst v10;
	v20 =	vld.idx.msk [tilespmem:v8+s14+$0x0], $0xffff  }
0x1c3: {  	v7 =	vbroadcast v29, $0xB;
	v63 =	vbroadcast v29, $0xD;
	v28 =	vld [tilespmem:s0+$0xFFFFFF00];
	[tilespmem:s18+$0xFFFFFF80] =	vst v16  }
0x1c4: {  	v3 =	vbroadcast v29, $0x4;
	v6 =	vbroadcast v29, $0x2;
	v31 =	vld [tilespmem:s0+$0xFFFFFF10];
	[tilespmem:s18+$0xFFFFFF90] =	vst v19  }
0x1c5: {  	v12 =	vbroadcast v29, $0x8;
	v10 =	vbroadcast v29, $0x9;
	v14 =	vld [tilespmem:s0+$0xFFFFFF20];
	[tilespmem:s18+$0xFFFFFFA0] =	vst v21  }
0x1c6: {  	v30 =	vld [tilespmem:s0+$0xFFFFFF30];
	v5 =	vbroadcast v29, $0xC;
	[tilespmem:s18+$0xFFFFFFB0] =	vst v23;
	v8 =	vbroadcast v29, $0x1  }
0x1c7: {  	v25 =	vld [tilespmem:s0+$0xFFFFFF40];
	[tilespmem:s18+$0x20] =	vst v13;
	v16 =	vbroadcast v20, $0xF;
	v13 =	vbroadcast v20, $0x0  }
0x1c8: {  	v34 =	vld [tilespmem:s0+$0xFFFFFF50];
	[tilespmem:s18+$0xFFFFFFC0] =	vst v22;
	v23 =	vbroadcast v20, $0x1;
	v36 =	vbroadcast v20, $0x2  }
0x1c9: {  	v35 =	vld [tilespmem:s0+$0xFFFFFF60];
	[tilespmem:s18+$0xFFFFFFD0] =	vst v24;
	v37 =	vbroadcast v20, $0x3;
	v22 =	vbroadcast v20, $0x4  }
0x1ca: {  	v39 =	vld [tilespmem:s0+$0xFFFFFF70];
	[tilespmem:s18+$0xFFFFFFE0] =	vst v26;
	v38 =	vbroadcast v20, $0x5;
	v24 =	vbroadcast v20, $0x6  }
0x1cb: {  	v41 =	vld [tilespmem:s0+$0xFFFFFF80];
	[tilespmem:s18+$0x30] =	vst v18;
	v40 =	vbroadcast v20, $0x7;
	v16 =	vmul.f32 v2, v16  }
0x1cc: {  	v32 =	vld [tilespmem:s0+$0xFFFFFF90];
	[tilespmem:s18+$0x40] =	vst v15;
	v26 =	vbroadcast v20, $0x8;
	v33 =	vbroadcast v20, $0x9  }
0x1cd: {  	v21 =	vld [tilespmem:s0+$0xFFFFFFA0];
	v27 =	vbroadcast v20, $0xA;
	v17 =	vbroadcast v20, $0xB;
	[tilespmem:s0+$0xFFFFFFF0] =	vst v16  }
0x1ce: {  	v18 =	vbroadcast v20, $0xC;
	v13 =	vmul.f32 v13, v28;
	v15 =	vld [tilespmem:$0x1FD10]  }
0x1cf: {  	v19 =	vld [tilespmem:s0+$0xFFFFFFB0];
	v28 =	vmul.f32 v31, v23;
	v36 =	vmul.f32 v14, v36;
	[tilespmem:s18+$0x60] =	vst v47  }
0x1d0: {  	v2 =	vld [tilespmem:s18+$0xF0];
	v14 =	vbroadcast v29, $0xE;
	v37 =	vmul.f32 v30, v37;
	[tilespmem:s0+$0xFFFFFF00] =	vst v13  }
0x1d1: {  	v23 =	vld [tilespmem:s0+$0xFFFFFFC0];
	v31 =	vmul.f32 v25, v22;
	v30 =	vmul.f32 v34, v38;
	[tilespmem:s18+$0x70] =	vst v46  }
0x1d2: {  	v22 =	vld [tilespmem:s0+$0xFFFFFFE0];
	v25 =	vmul.f32 v41, v26;
	v21 =	vmul.f32 v21, v27;
	[tilespmem:s0+$0xFFFFFF10] =	vst v28  }
0x1d3: {  	v16 =	vbroadcast v20, $0xD;
	[tilespmem:s18+$0x50] =	vst v15;
	v15 =	vbroadcast v20, $0xE;
	v20 =	vld [tilespmem:s0+$0xFFFFFFD0]  }
0x1d4: {  	v26 =	vld [tilespmem:s0+$0x0];
	v13 =	vbroadcast v29, $0xF;
	v29 =	vmul.f32 v35, v24;
	[tilespmem:s0+$0xFFFFFF20] =	vst v36  }
0x1d5: {  	s11 =	simm.s32 $0x2;
	s2 =	simm.s32 $0x5300;
	s12 =	simm.s32 $0x40;
	v27 =	vld [tilespmem:s0+$0x10];
	v28 =	vmul.f32 v39, v40;
	v24 =	vmul.f32 v32, v33;
	[tilespmem:s0+$0xFFFFFF30] =	vst v37  }
.LBB2_7:
0x1d6: {  	v32 =	vmov s12;
	[tilespmem:s0+$0xFFFFFF40] =	vst v31  }
0x1d7: {  	vm0 =	veq.s32 v32, v42;
	[tilespmem:s0+$0xFFFFFF50] =	vst v30;
	v17 =	vmul.f32 v19, v17;
	v19 =	vld [tilespmem:s0+$0x20]  }
0x1d8: {  	s13 =	sadd.s32 $0x10, s12;
	[tilespmem:s0+$0xFFFFFF60] =	vst v29;
	vm0 =	vmand vm0, vm3;
	v16 =	vmul.f32 v20, v16;
	v20 =	vld [tilespmem:s0+$0x30]  }
0x1d9: {  	[tilespmem:s0+$0xFFFFFF70] =	vst v28;
	v18 =	vmul.f32 v23, v18;
	v23 =	vadd.s32 s13, v1;
	v15 =	vmul.f32 v22, v15;
	v22 =	vld [tilespmem:s0+$0x40]  }
0x1da: {  	v46 =	vmov v12;
	[tilespmem:s0+$0xFFFFFF80] =	vst v25;
	v12 =	vsel vm0, $0xFFFFFFFF, v43;
	v26 =	vmul.f32 v11, v26;
	v11 =	vld [tilespmem:s0+$0x50]  }
0x1db: {  	v29 =	vmul.f32 v53, v44;
	v47 =	vmovc v10;
	[tilespmem:s0+$0xFFFFFF90] =	vst v24;
	v10 =	vshll.u32 v12, $0x3;
	v12 =	vmul.f32 v27, v8;
	v8 =	vld [tilespmem:s0+$0x60]  }
0x1dc: {  	v25 =	vmul.f32 v55, v48;
	v48 =	vmovc v9;
	[tilespmem:s0+$0xFFFFFFA0] =	vst v21;
	v9 =	vadd.s32 s12, v10;
	v10 =	vmul.f32 v19, v6;
	v6 =	vld [tilespmem:s0+$0x70]  }
0x1dd: {  	v28 =	vmul.f32 v54, v45;
	v21 =	vmul.f32 v58, v50;
	[tilespmem:s0+$0xFFFFFFB0] =	vst v17;
	v19 =	vld [tilespmem:$0x1FD00]  }
0x1de: {  	v24 =	vmov v7;
	v7 =	vadd.s32 v42, v9;
	[tilespmem:s0+$0xFFFFFFC0] =	vst v18;
	v23 =	vld.idx.msk [tilespmem:v23+s14+$0x0], $0xffff;
	v9 =	vmul.f32 v20, v4  }
0x1df: {  	v53 =	vld [tilespmem:s0+$0x80];
	[tilespmem:s0+$0xFFFFFFD0] =	vst v16;
	v20 =	vmul.f32 v57, v49;
	v4 =	vand.u32 $0xFFFFFFF8, v7;
	v7 =	vmul.f32 v22, v3  }
0x1e0: {  	v54 =	vld [tilespmem:s0+$0x90];
	v49 =	vmovc v5;
	v5 =	vmul.f32 v11, v61;
	v22 =	vmul.f32 v59, v52;
	v3 =	vadd.s32 v0, v4  }
0x1e1: {  	v55 =	vld [tilespmem:s0+$0xA0];
	[tilespmem:$0x1FD00] =	vst v24;
	v17 =	vmul.f32 v8, v62;
	v24 =	vmul.f32 v2, v51  }
0x1e2: {  	v58 =	vld [tilespmem:s0+$0xD0];
	[tilespmem:s0+$0xFFFFFFE0] =	vst v15;
	v52 =	vmov v14;
	v19 =	vmul.f32 v56, v19;
	v14 =	vmul.f32 v6, v60  }
0x1e3: {  	v57 =	vld [tilespmem:s0+$0xC0];
	[tilespmem:s0+$0x0] =	vst v26;
	v11 =	vbroadcast v23, $0x0;
	v8 =	vbroadcast v23, $0x1  }
0x1e4: {  	[tilespmem:s0+$0x10] =	vst v12;
	v59 =	vld [tilespmem:s0+$0xE0];
	v6 =	vbroadcast v23, $0x2;
	v4 =	vbroadcast v23, $0x3  }
0x1e5: {  	v51 =	vmov v13;
	[tilespmem:s0+$0x20] =	vst v10;
	v61 =	vbroadcast v23, $0x5;
	v62 =	vbroadcast v23, $0x6;
	v13 =	vld.idx.msk [tilespmem:v3+s14+$0x0], $0xffff  }
0x1e6: {  	v2 =	vld [tilespmem:s2+$0xF0];
	[tilespmem:s2+$0x30] =	vst v9;
	v60 =	vbroadcast v23, $0x7;
	v12 =	vbroadcast v23, $0x8  }
0x1e7: {  	[tilespmem:s2+$0x40] =	vst v7;
	v56 =	vld [tilespmem:s0+$0xB0];
	s0 =	sadd.s32 $0x200, s0;
	v10 =	vbroadcast v23, $0x9;
	v9 =	vbroadcast v23, $0xA  }
0x1e8: {  	[tilespmem:s2+$0x50] =	vst v5;
	v7 =	vbroadcast v23, $0xB;
	v5 =	vbroadcast v23, $0xC;
	v15 =	vld [tilespmem:s0+$0xFFFFFFF0]  }
0x1e9: {  	v50 =	vmov v63;
	[tilespmem:s2+$0x60] =	vst v17;
	v63 =	vbroadcast v23, $0xD;
	v3 =	vbroadcast v23, $0x4;
	v26 =	vld [tilespmem:s0+$0xFFFFFF00]  }
0x1ea: {  	v27 =	vld [tilespmem:s0+$0xFFFFFF10];
	[tilespmem:s2+$0x70] =	vst v14;
	v30 =	vbroadcast v13, $0x0;
	v16 =	vbroadcast v13, $0xF  }
0x1eb: {  	v31 =	vld [tilespmem:s0+$0xFFFFFF20];
	[tilespmem:s18+$0x80] =	vst v29;
	v32 =	vbroadcast v13, $0x1;
	v33 =	vbroadcast v13, $0x2  }
0x1ec: {  	v34 =	vld [tilespmem:s0+$0xFFFFFF30];
	[tilespmem:s18+$0x90] =	vst v28;
	v29 =	vbroadcast v13, $0x3;
	v28 =	vbroadcast v13, $0x4  }
0x1ed: {  	v35 =	vld [tilespmem:s0+$0xFFFFFF40];
	v37 =	vbroadcast v13, $0x5;
	v38 =	vbroadcast v13, $0x6  }
0x1ee: {  	v36 =	vld [tilespmem:s0+$0xFFFFFF50];
	v39 =	vbroadcast v13, $0x7;
	v41 =	vbroadcast v13, $0x8  }
0x1ef: {  	v45 =	vmovc v1;
	v44 =	vmov v0;
	[tilespmem:s18+$0xF0] =	vst v24;
	v40 =	vld [tilespmem:s0+$0xFFFFFF70];
	v1 =	vbroadcast v13, $0x9;
	v0 =	vbroadcast v13, $0xA  }
0x1f0: {  	[tilespmem:s18+$0xC0] =	vst v20;
	v42 =	vld [tilespmem:s0+$0xFFFFFF80];
	v17 =	vbroadcast v13, $0xB;
	v18 =	vbroadcast v13, $0xC  }
0x1f1: {  	[tilespmem:s18+$0xA0] =	vst v25;
	v25 =	vld [tilespmem:s0+$0xFFFFFF60];
	v14 =	vmul.f32 v15, v16;
	v16 =	vbroadcast v13, $0xD  }
0x1f2: {  	[tilespmem:s18+$0xE0] =	vst v22;
	v43 =	vld [tilespmem:s0+$0xFFFFFF90];
	v15 =	vbroadcast v13, $0xE;
	v22 =	vmul.f32 v30, v26  }
0x1f3: {  	s11 =	sadd.s32 $0x2, s11;
	[tilespmem:s18+$0xD0] =	vst v21;
	v21 =	vld [tilespmem:s0+$0xFFFFFFA0];
	v13 =	vbroadcast v23, $0xF;
	v24 =	vmul.f32 v27, v32  }
0x1f4: {  	p0 =	slt.u32 s11, $0x26;
	v20 =	vld [tilespmem:s0+$0xFFFFFFD0];
	[tilespmem:s18+$0xB0] =	vst v19;
	v26 =	vmul.f32 v31, v33;
	v27 =	vmul.f32 v34, v29  }
.Ltmp2:
0x1f5: {  	v19 =	vld [tilespmem:s0+$0xFFFFFFB0];
	v31 =	vmul.f32 v35, v28;
	v30 =	vmul.f32 v36, v37;
	[tilespmem:s0+$0xFFFFFFF0] =	vst v14;
	(pc) =	sbr.rel @p0 .LBB2_7-.Ltmp2, $4  }
0x1f6: {  	v29 =	vmul.f32 v25, v38;
	v14 =	vbroadcast v23, $0xE;
	v23 =	vld [tilespmem:s0+$0xFFFFFFC0];
	[tilespmem:s0+$0xFFFFFF00] =	vst v22  }
0x1f7: {  	v28 =	vmul.f32 v40, v39;
	v25 =	vmul.f32 v42, v41;
	v22 =	vld [tilespmem:s0+$0xFFFFFFE0];
	[tilespmem:s0+$0xFFFFFF10] =	vst v24  }
0x1f8: {  	v42 =	vlaneseq.u32;
	v21 =	vmul.f32 v21, v0;
	[tilespmem:s0+$0xFFFFFF20] =	vst v26;
	v26 =	vld [tilespmem:s0+$0x0];
	v24 =	vmul.f32 v43, v1  }
0x1f9: {  	s12 =	sadd.s32 $0x20, s12;
	s18 =	smov.u32 s2;
	s2 =	smov.u32 s0;
	v1 =	vmovc v45;
	v45 =	vmovc v47;
	v43 =	vimm.s32 $0x0;
	v0 =	vmov v44;
	v44 =	vmov v46;
	[tilespmem:s0+$0xFFFFFF30] =	vst v27;
	v27 =	vld [tilespmem:s0+$0x10]  }
0x1fa: {  	[tilespmem:s0+$0xFFFFFF40] =	vst v31  }
0x1fb: {  	[tilespmem:s0+$0xFFFFFF50] =	vst v30  }
0x1fc: {  	[tilespmem:s0+$0xFFFFFF60] =	vst v29  }
0x1fd: {  	v0 =	vld [tilespmem:s0+$0x20];
	[tilespmem:s0+$0xFFFFFF70] =	vst v28  }
0x1fe: {  	v1 =	vld [tilespmem:s0+$0x30];
	[tilespmem:s0+$0xFFFFFF80] =	vst v25  }
0x1ff: {  	v32 =	vld [tilespmem:s0+$0x40];
	v17 =	vmul.f32 v19, v17;
	[tilespmem:s0+$0xFFFFFF90] =	vst v24  }
0x200: {  	v41 =	vld [tilespmem:s0+$0x50];
	[tilespmem:s0+$0xFFFFFFA0] =	vst v21;
	v16 =	vmul.f32 v20, v16  }
0x201: {  	v46 =	vld [tilespmem:s0+$0x60];
	v18 =	vmul.f32 v23, v18;
	[tilespmem:s0+$0xFFFFFFB0] =	vst v17  }
0x202: {  	v47 =	vld [tilespmem:s0+$0x70];
	v35 =	vmul.f32 v22, v15;
	[tilespmem:s0+$0xFFFFFFD0] =	vst v16  }
0x203: {  	v28 =	vld [tilespmem:s0+$0x80];
	v11 =	vmul.f32 v11, v26;
	[tilespmem:s0+$0xFFFFFFC0] =	vst v18  }
0x204: {  	v25 =	vld [tilespmem:s0+$0x90];
	v8 =	vmul.f32 v27, v8;
	[tilespmem:s0+$0xFFFFFFE0] =	vst v35  }
0x205: {  	v19 =	vld [tilespmem:s0+$0xA0];
	[tilespmem:s0+$0x0] =	vst v11;
	v0 =	vmul.f32 v0, v6  }
0x206: {  	v24 =	vld [tilespmem:s0+$0xB0];
	v40 =	vmul.f32 v46, v62;
	v46 =	vmul.f32 v53, v44;
	[tilespmem:s0+$0x10] =	vst v8  }
0x207: {  	v33 =	vld [tilespmem:s0+$0xC0];
	v1 =	vmul.f32 v1, v4;
	[tilespmem:s0+$0x20] =	vst v0  }
0x208: {  	v34 =	vld [tilespmem:s0+$0xD0];
	v37 =	vmul.f32 v32, v3;
	[tilespmem:s18+$0x80] =	vst v46  }
0x209: {  	v36 =	vld [tilespmem:s0+$0xE0];
	v39 =	vmul.f32 v41, v61;
	[tilespmem:s2+$0x30] =	vst v1  }
0x20a: {  	[tilespmem:s2+$0x40] =	vst v37  }
0x20b: {  	v41 =	vmul.f32 v47, v60;
	[tilespmem:s2+$0x50] =	vst v39  }
0x20c: {  	v47 =	vmul.f32 v54, v45;
	[tilespmem:s2+$0x60] =	vst v40  }
0x20d: {  	v48 =	vmul.f32 v55, v48;
	[tilespmem:s2+$0x70] =	vst v41  }
0x20e: {  	v49 =	vmul.f32 v57, v49;
	v4 =	vld [tilespmem:$0x1FD00];
	[tilespmem:s18+$0x90] =	vst v47  }
0x20f: {  	v50 =	vmul.f32 v58, v50;
	[tilespmem:s18+$0xA0] =	vst v48  }
0x210: {  	v52 =	vmul.f32 v59, v52;
	[tilespmem:s18+$0xC0] =	vst v49  }
0x211: {  	v53 =	vmul.f32 v2, v51;
	[tilespmem:s18+$0xD0] =	vst v50  }
0x212: {  	v54 =	vmul.f32 v28, v12;
	[tilespmem:s18+$0xE0] =	vst v52  }
0x213: {  	v55 =	vmul.f32 v25, v10;
	v38 =	vld [tilespmem:s2+$0xF0];
	[tilespmem:s18+$0xF0] =	vst v53  }
0x214: {  	v57 =	vmul.f32 v24, v7;
	[tilespmem:s2+$0x80] =	vst v54  }
0x215: {  	v58 =	vmul.f32 v33, v5;
	[tilespmem:s2+$0x90] =	vst v55  }
0x216: {  	v59 =	vmul.f32 v34, v63;
	[tilespmem:s2+$0xB0] =	vst v57  }
0x217: {  	v60 =	vmul.f32 v36, v14;
	[tilespmem:s2+$0xC0] =	vst v58  }
0x218: {  	[tilespmem:s2+$0xD0] =	vst v59;
	v61 =	vmul.f32 v38, v13  }
0x219: {  	[tilespmem:s2+$0xE0] =	vst v60;
	v4 =	vmul.f32 v56, v4  }
0x21a: {  	v56 =	vmul.f32 v19, v9;
	[tilespmem:s2+$0xF0] =	vst v61  }
0x21b: {  	[tilespmem:s18+$0xB0] =	vst v4  }
0x21c: {  	[tilespmem:s2+$0xA0] =	vst v56  }
0x21d: {  	v0 =	vld [tilespmem:$0x1FFB0]  }
0x21e: {  	v62 =	vld [tilespmem:$0x1FFC0]  }
0x21f: {  	s31 =	smul.u32 $0xA00, s17;
	p0 =	sne.s32 s28, $0x7D;
	v63 =	vld [tilespmem:$0x1FFD0]  }
.Ltmp3:
0x220: {  	_ = 	snop;
	(pc) =	sbr.rel @p0 .LBB2_4-.Ltmp3, $4  }
0x221: {  	s30 =	sadd.s32 $0x82A0, s29;
	s2 =	sshrl.u32 s31, $0x2  }
0x222: {  	[spmem:s3] =	stream.indirect.scatter.add.f32 [tilespmem:s15], [sflag:$0x4], $0x80, s30, s20, $0xb8;
	[tilespmem:$0x1CF48] =	vst v63  }
0x223: {  	vm1 =	vmmov vm3;
	vm0 =	vmmov vm2;
	s2 =	sor.u32 $0x7800, s2  }
0x224: {  	[spmem:s4] =	stream.indirect.scatter.add.f32 [tilespmem:s2], [sflag:$0x4], $0x8, s30, s20, $0xb8;
	vm3 =	vnez.u8 v0;
	vm4 =	vnez.u8 v62;
	vm5 =	vnez.u8 v63;
	[tilespmem:$0x1CF48] =	vst v63  }
0x225: {  	_ =	swait.ge [sflag:s22], $0x2800  }
0x226: {  	[sflag:s22] =	ssyncset.done $0x0  }
0x227: {  	[sflag:s22] =	ssyncadd.s32 $0xFFFFD800  }
0x228: {  	_ =	swait.ge [sflag:s22], $0x2800  }
0x229: {  	[sflag:s22] =	ssyncset.done $0x0  }
0x22a: {  	s0 =	simm.s32 $0x4;
	[sflag:s22] =	ssyncadd.s32 $0xFFFFD800  }
0x22b: {  	_ =	swait.ge [sflag:s0], $0x2800  }
0x22c: {  	[sflag:s0] =	ssyncset.done $0x0  }
0x22d: {  	[sflag:s0] =	ssyncadd.s32 $0xFFFFD800  }
0x22e: {  	_ =	swait.ge [sflag:s0], $0x280  }
0x22f: {  	[sflag:s0] =	ssyncset.done $0x0  }
0x230: {  	[sflag:s0] =	ssyncadd.s32 $0xFFFFFD80  }
0x231: {  	s28 =	stileid.u32;
	[bflag:$0x0] =	sbarrier.arrive $0xFFFF  }
0x232: {  	s0 =	sshll.u32 s28, $0x6;
	s18 =	rddreg [dreg:$0x5]  }
0x233: {  	s0 =	sor.u32 $0x1C05, s0;
	s11 =	rddreg [dreg:$0x17];
	s2 =	sshrl.u32 s18, $0x3  }
0x234: {  	[hbm:s11], [sflag:s0] =	dma.local [spmem:s2], $0x2710  }
0x235: {  	_ =	swait.ge [sflag:s16], $0x2710  }
0x236: {  	[sflag:s16] =	ssyncset.done $0x0;
	s26 =	rddreg [dreg:$0x6]  }
0x237: {  	s30 =	rddreg [dreg:$0x18];
	[sflag:s16] =	ssyncadd.s32 $0xFFFFD8F0;
	s29 =	sshrl.u32 s26, $0x3  }
0x238: {  	[hbm:s30], [sflag:s0] =	dma.local [spmem:s29], $0x271  }
0x239: {  	_ =	swait.ge [sflag:s16], $0x271  }
0x23a: {  	s5 =	sadd.s32 $0x1, s5;
	s31 =	rddreg [dreg:$0x19]  }
0x23b: {  	p0 =	sne.s32 s5, s31  }
.Ltmp4:
0x23c: {  	_ = 	snop;
	(pc) =	sbr.rel @p0 .LBB2_1-.Ltmp4, $3  }
0x23d: {  	_ =	sdelay $0x1  }
0x23e: {  	[sflag:s16] =	ssyncset.done $0x0  }
0x23f: {  	v0 =	vimm.f32 $0.0e+00;
	[sflag:s16] =	ssyncadd.s32 $0xFFFFFD8F  }
0x240: {  	_ =	sfence.sel $0x180000  }
0x241: {  	[bflag:$0x0] =	sbarrier.arrive $0xFFFF  }
0x242: {  	_ =	strace $0x90000047  }
0x243: {  	s0 =	stileid.u32;
	[bflag:$0x2] =	sbarrier.arrive $0xFFFF  }
0x244: {  	p0 =	sne.s32 s0, $0x0;
	s0 =	rddreg [dreg:$0x4]  }
0x245: {  	s0 =	sadd.s32 @!p0 $0x100000, s0  }
0x246: {  	[sflag:s0] =	ssyncadd.tile.s32 @!p0 $0x1;
	_ =	shalt  }
.Lfunc_end2:
_tile_overlayer_lowered:
.L_overlay_start_2:
0x247: {  	(tag) =	ssettag $0x2  }
0x248: {  	s0 =	rddreg [dreg:$0x0];
	s2 =	stileid.u32  }
0x249: {  	s1 =	rddreg [dreg:$0x1];
	p0 =	sne.s32 s2, $0x0  }
0x24a: {  	s3 =	rddreg [dreg:$0x2];
	[bflag:$0x3] =	sbarrier.arrive $0xFFFF;
	s2 =	simm.s32 @!p0 $0x1C05  }
0x24b: {  	[timem:s3], [sflag:s2] =	dma.local @!p0 [hbm:s0], s1  }
0x24c: {  	s0 =	simm.s32 @!p0 $0x5  }
0x24d: {  	_ =	swait.ge @!p0 [sflag:s0], s1  }
0x24e: {  	s1 =	ssub.s32 @!p0 $0x0, s1;
	[sflag:s0] =	ssyncset.done @!p0 $0x0  }
0x24f: {  	[sflag:s0] =	ssyncadd.s32 @!p0 s1  }
0x250: {  	[bflag:$0x3] =	sbarrier.arrive $0xFFFF  }
0x251: {  	_ =	shalt  }

</sc_bundles>
